<compile_context>
chip_gen: v7x
topology: tpu7x:2x2x1
jax: 0.10.2.dev20260603
libtpu: 0.0.44.dev20260713+nightly
codegen_flags: <defaults>
</compile_context>

<pallas_src>
import functools

import numpy as np
import jax
import jax.numpy as jnp
from jax import lax
from jax.experimental import pallas as pl
from jax.experimental.pallas import tpu as pltpu
from jax.experimental.pallas import tpu_sc as plsc

_SEQ_LEN = 4096
_D_MODEL = 1024
_NUM_BLOCKS = 4
_CLS_ID = 2


def _rel_indices(seq_len: int, num_blocks: int) -> list[np.ndarray]:
    zero_offset = seq_len * 2
    pos = np.arange(seq_len)
    idx_list = []
    for b in range(num_blocks):
        if b > 0:
            cls_pos = np.array([-(2 ** b) + 1])
            pooled = np.concatenate([cls_pos, pos[1:-1][::2]])
            stride = 2 ** (b - 1)
            ref_point = pooled[0] - pos[0]
            num_remove = 2 * len(pooled)
            max_dist = ref_point + num_remove * stride
            min_dist = pooled[0] - pos[-1]
            idx_list.append(np.arange(max_dist, min_dist - 1, -stride) + zero_offset)
            pos = pooled
        stride = 2 ** b
        max_dist = len(pos) * stride
        min_dist = pos[0] - pos[-1]
        idx_list.append(np.arange(max_dist, min_dist - 1, -stride) + zero_offset)
    return idx_list


_SEGS = _rel_indices(_SEQ_LEN, _NUM_BLOCKS)
_NROWS = sum(len(s) for s in _SEGS)
_IDX_SC = np.concatenate(_SEGS).astype(np.int32)
_SC_ROWS = _IDX_SC.shape[0]

_NW = 32
_BPW = _SC_ROWS // _NW
_CH = 32
_NCH = _BPW // _CH


def _sc_gather(table, idx):
    mesh = plsc.VectorSubcoreMesh(core_axis_name="c", subcore_axis_name="s")

    @functools.partial(
        pl.kernel,
        mesh=mesh,
        out_type=jax.ShapeDtypeStruct((_SC_ROWS, _D_MODEL), jnp.float32),
        scratch_types=[
            pltpu.VMEM((_BPW,), jnp.int32),
            pltpu.VMEM((3, _CH, _D_MODEL), jnp.float32),
            pltpu.SemaphoreType.DMA,
            pltpu.SemaphoreType.DMA,
        ],
    )
    def k(table_hbm, idx_hbm, out_hbm, idx_v, buf_v, gsem, psem):
        wid = lax.axis_index("s") * 2 + lax.axis_index("c")
        base = pl.multiple_of(wid * _BPW, 8)
        pltpu.sync_copy(idx_hbm.at[pl.ds(base, _BPW)], idx_v)

        def gather(j):
            src = table_hbm.at[idx_v.at[pl.ds(j * _CH, _CH)]]
            return pltpu.async_copy(src, buf_v.at[j % 3], gsem)

        def put(j):
            dst = out_hbm.at[pl.ds(base + j * _CH, _CH)]
            return pltpu.async_copy(buf_v.at[j % 3], dst, psem)

        g = {0: gather(0), 1: gather(1)}
        p = {}
        waited = set()
        for j in range(_NCH):
            g[j].wait()
            p[j] = put(j)
            if j + 2 < _NCH:
                if j - 1 >= 0:
                    p[j - 1].wait()
                    waited.add(j - 1)
                g[j + 2] = gather(j + 2)
        for j in range(_NCH):
            if j not in waited:
                p[j].wait()

    return k(table, idx)


_BI = 1024
_NI = _SEQ_LEN // _BI


def _mat_body(ids_row_ref, ids_col_ref, mat_ref):
    row = ids_row_ref[0]
    col = ids_col_ref[0]
    cls = jnp.int8(_CLS_ID)
    m = (col == row) | (col == cls) | (row == cls)
    mat_ref[0] = m.astype(jnp.int8)


def _cls_body(cls_ref):
    i = pl.program_id(0)
    r = lax.broadcasted_iota(jnp.int32, (_BI, _SEQ_LEN), 0) + i * _BI
    c = lax.broadcasted_iota(jnp.int32, (_BI, _SEQ_LEN), 1)
    cls_ref[...] = ((r > 0) & (c > 0)).astype(jnp.float32)


def _tc_mat(tti8):
    nb = tti8.shape[0]
    ids_row = tti8.reshape(nb, 1, _SEQ_LEN)
    ids_col = tti8.reshape(nb, _SEQ_LEN, 1)
    return pl.pallas_call(
        _mat_body,
        grid=(_NI, nb),
        in_specs=[
            pl.BlockSpec((1, 1, _SEQ_LEN), lambda i, b: (b, 0, 0)),
            pl.BlockSpec((1, _BI, 1), lambda i, b: (b, i, 0)),
        ],
        out_specs=pl.BlockSpec((1, _BI, _SEQ_LEN), lambda i, b: (b, i, 0)),
        out_shape=jax.ShapeDtypeStruct((nb, _SEQ_LEN, _SEQ_LEN), jnp.int8),
    )(ids_row, ids_col)


def _tc_cls():
    return pl.pallas_call(
        _cls_body,
        grid=(_NI,),
        out_specs=pl.BlockSpec((_BI, _SEQ_LEN), lambda i: (i, 0)),
        out_shape=jax.ShapeDtypeStruct((_SEQ_LEN, _SEQ_LEN), jnp.float32),
    )()


def kernel(pos_embed, token_type_ids):
    tti8 = token_type_ids.astype(jnp.int8)
    idx = jnp.asarray(_IDX_SC)
    pos_out = _sc_gather(pos_embed, idx)
    mat_i8 = _tc_mat(tti8)
    token_type_mat = mat_i8.view(jnp.bool_)
    cls_mask = _tc_cls()
    return (pos_out, token_type_mat, cls_mask)

# --- scband reference (transcript-rebuilt; emitter-appended) ---
"""Pipeline reference for scband-funnel-attention-structure-54520314855474 (READ-ONLY COPY).

The authoritative reference and input builder live on the scoring server;
editing this copy changes nothing except your own understanding.
"""

import jax, jax.numpy as jnp
import numpy as np

SEQ_LEN = 4096
D_MODEL = 1024
NUM_BLOCKS = 4
CLS_TOKEN_TYPE_ID = 2


def _rel_pos_indices(seq_len, num_blocks):
    """Replicates FunnelAttentionStructure.get_position_embeds (relative_shift path)
    index construction with separate_cls=True, truncate_seq=True. Returns list of
    int numpy index arrays into the pos_embed table of size 4*seq_len."""
    zero_offset = seq_len * 2
    pos = np.arange(seq_len)
    idx_list = []
    for b in range(num_blocks):
        if b > 0:
            # stride_pool_pos with separate_cls=True, truncate_seq=True
            cls_pos = np.array([-(2 ** b) + 1])
            pooled = np.concatenate([cls_pos, pos[1:-1][::2]])
            stride = 2 ** (b - 1)
            # relative_pos(pos, stride, pooled_pos, shift=2)
            ref_point = pooled[0] - pos[0]
            num_remove = 2 * len(pooled)
            max_dist = ref_point + num_remove * stride
            min_dist = pooled[0] - pos[-1]
            rel = np.arange(max_dist, min_dist - 1, -stride) + zero_offset
            idx_list.append(rel)
            pos = pooled
        stride = 2 ** b
        # relative_pos(pos, stride) with shift=1, pooled_pos=pos
        ref_point = 0
        num_remove = len(pos)
        max_dist = ref_point + num_remove * stride
        min_dist = pos[0] - pos[-1]
        rel = np.arange(max_dist, min_dist - 1, -stride) + zero_offset
        idx_list.append(rel)
    return idx_list


def setup_inputs(seed: int = 0) -> dict:
    key = jax.random.key(seed)
    # Sinusoidal relative position table, exactly as in get_position_embeds
    freq_seq = np.arange(0, D_MODEL // 2, dtype=np.float64)
    inv_freq = 1.0 / (10000.0 ** (freq_seq / (D_MODEL // 2)))
    rel_pos_id = np.arange(-SEQ_LEN * 2, SEQ_LEN * 2, dtype=np.float64)
    sinusoid = rel_pos_id[:, None] * inv_freq[None]
    pos_embed = jnp.asarray(
        np.concatenate([np.sin(sinusoid), np.cos(sinusoid)], axis=-1),
        dtype=jnp.float32,
    )
    token_type_ids = jax.random.randint(jax.random.fold_in(key, 1), (2, SEQ_LEN), 0, 3, dtype=jnp.int64)
    return {"pos_embed": pos_embed, "token_type_ids": token_type_ids}


def reference(pos_embed, token_type_ids):
    seq_len = token_type_ids.shape[1]
    idx_list = _rel_pos_indices(seq_len, NUM_BLOCKS)
    # torch.gather(pos_embed, 0, rel_pos expanded over d_model) == row gather
    gathered = [jnp.take(pos_embed, jnp.asarray(i, dtype=jnp.int32), axis=0) for i in idx_list]
    pos_out = jnp.concatenate(gathered, axis=0)
    # token_type_ids_to_mat
    token_type_mat = token_type_ids[:, :, None] == token_type_ids[:, None]
    cls_ids = token_type_ids == CLS_TOKEN_TYPE_ID
    cls_mat = cls_ids[:, :, None] | cls_ids[:, None]
    token_type_mat = cls_mat | token_type_mat
    # cls_mask from init_attention_inputs (separate_cls=True)
    cls_mask = jnp.pad(jnp.ones((seq_len - 1, seq_len - 1), dtype=pos_embed.dtype), ((1, 0), (1, 0)))
    return (pos_out, token_type_mat, cls_mask)

if __name__ == "__main__":
    import jax
    _d = setup_inputs()
    print(jax.jit(kernel)(*tuple(_d.values())))

</pallas_src>

<mosaic_0001>
#map = affine_map<(d0, d1) -> (0, 0)>
#map1 = affine_map<(d0, d1) -> (0)>
module attributes {stable_mosaic.version = 14 : i64} {
  func.func @k(%arg0: i32, %arg1: i32, %arg2: memref<16384x1024xf32, #tpu.memory_space<hbm>>, %arg3: memref<29696xi32, #tpu.memory_space<hbm>>, %arg4: memref<29696x1024xf32, #tpu.memory_space<hbm>>, %arg5: memref<928xi32, #tpu.memory_space<vmem>>, %arg6: memref<3x32x1024xf32, #tpu.memory_space<vmem>>, %arg7: memref<!tpu.dma_semaphore, #tpu.memory_space<semaphore_mem>>, %arg8: memref<!tpu.dma_semaphore, #tpu.memory_space<semaphore_mem>>) attributes {dimension_semantics = [#tpu.dimension_semantics<core_parallel>, #tpu.dimension_semantics<subcore_parallel>], iteration_bounds = array<i64: 2, 16>, scalar_prefetch = 0 : i64, scratch_operands = 4 : i64, tpu.core_type = #tpu.core_type<sc_vector_subcore>, window_params = [{transform_indices = #map}, {transform_indices = #map1}, {transform_indices = #map}]} {
    %mul3A = arith.constant 2 : i32
    %mul3A_0 = arith.muli %arg1, %mul3A : i32
    %add3A = arith.addi %mul3A_0, %arg0 : i32
    %mul3A_1 = arith.constant 928 : i32
    %mul3A_2 = arith.muli %add3A, %mul3A_1 : i32
    %multiple_of3A = tpu.assume_multiple %mul3A_2, 8 : i32
    "tpu.region"() ({
      %run_scoped3A = tpu.sem_alloc : memref<!tpu.dma_semaphore, #tpu.memory_space<semaphore_mem>>
      %dma_start3A_1393 = tpu.memref_slice %arg3[%multiple_of3A] : memref<29696xi32, #tpu.memory_space<hbm>> -> memref<928xi32, #tpu.memory_space<hbm>>
      %dma_start3A_1394 = tpu.memref_slice %arg3[%multiple_of3A] : memref<29696xi32, #tpu.memory_space<hbm>> -> memref<928xi32, #tpu.memory_space<hbm>>
      tpu.enqueue_dma source(%dma_start3A_1394 : memref<928xi32, #tpu.memory_space<hbm>>) target(%arg5 : memref<928xi32, #tpu.memory_space<vmem>>) target_semaphore(%run_scoped3A : memref<!tpu.dma_semaphore, #tpu.memory_space<semaphore_mem>>)
      %dma_wait3A_1395 = tpu.memref_slice %arg3[%multiple_of3A] : memref<29696xi32, #tpu.memory_space<hbm>> -> memref<928xi32, #tpu.memory_space<hbm>>
      %dma_wait3A_1396 = tpu.memref_slice %arg3[%multiple_of3A] : memref<29696xi32, #tpu.memory_space<hbm>> -> memref<928xi32, #tpu.memory_space<hbm>>
      tpu.wait_dma2 semaphore(%run_scoped3A : memref<!tpu.dma_semaphore, #tpu.memory_space<semaphore_mem>>) src(%dma_wait3A_1396 : memref<928xi32, #tpu.memory_space<hbm>>) dst(%arg5 : memref<928xi32, #tpu.memory_space<vmem>>)
      tpu.yield
    }) : () -> ()
    %dma_start3A = arith.constant 0 : i32
    %dma_start3A_3 = arith.constant 0 : i32
    %dma_start3A_4 = arith.constant 0 : i32
    %dma_start3A_5 = tpu.memref_slice %arg6[%dma_start3A, %dma_start3A_3, %dma_start3A_4] : memref<3x32x1024xf32, #tpu.memory_space<vmem>> -> memref<1x32x1024xf32, #tpu.memory_space<vmem>>
    %dma_start3A_6 = tpu.memref_squeeze %dma_start3A_5 : memref<1x32x1024xf32, #tpu.memory_space<vmem>> -> memref<32x1024xf32, #tpu.memory_space<vmem>>
    %dma_start3A_7 = arith.constant 0 : i32
    %dma_start3A_8 = tpu.memref_slice %arg5[%dma_start3A_7] : memref<928xi32, #tpu.memory_space<vmem>> -> memref<32xi32, #tpu.memory_space<vmem>>
    %dma_start3A_9 = arith.constant 0 : i32
    %dma_start3A_10 = arith.constant 0 : i32
    %dma_start3A_11 = tpu.memref_slice %arg2[%dma_start3A_9, %dma_start3A_10] : memref<16384x1024xf32, #tpu.memory_space<hbm>> -> memref<16384x1024xf32, #tpu.memory_space<hbm>>
    tpu.enqueue_indirect_dma source(%dma_start3A_11 : memref<16384x1024xf32, #tpu.memory_space<hbm>>) target(%dma_start3A_6 : memref<32x1024xf32, #tpu.memory_space<vmem>>) offsets(%dma_start3A_8 : memref<32xi32, #tpu.memory_space<vmem>>) semaphore(%arg7 : memref<!tpu.dma_semaphore, #tpu.memory_space<semaphore_mem>>)
    %dma_start3A_12 = arith.constant 1 : i32
    %dma_start3A_13 = arith.constant 0 : i32
    %dma_start3A_14 = arith.constant 0 : i32
    %dma_start3A_15 = tpu.memref_slice %arg6[%dma_start3A_12, %dma_start3A_13, %dma_start3A_14] : memref<3x32x1024xf32, #tpu.memory_space<vmem>> -> memref<1x32x1024xf32, #tpu.memory_space<vmem>>
    %dma_start3A_16 = tpu.memref_squeeze %dma_start3A_15 : memref<1x32x1024xf32, #tpu.memory_space<vmem>> -> memref<32x1024xf32, #tpu.memory_space<vmem>>
    %dma_start3A_17 = arith.constant 32 : i32
    %dma_start3A_18 = tpu.memref_slice %arg5[%dma_start3A_17] : memref<928xi32, #tpu.memory_space<vmem>> -> memref<32xi32, #tpu.memory_space<vmem>>
    %dma_start3A_19 = arith.constant 0 : i32
    %dma_start3A_20 = arith.constant 0 : i32
    %dma_start3A_21 = tpu.memref_slice %arg2[%dma_start3A_19, %dma_start3A_20] : memref<16384x1024xf32, #tpu.memory_space<hbm>> -> memref<16384x1024xf32, #tpu.memory_space<hbm>>
    tpu.enqueue_indirect_dma source(%dma_start3A_21 : memref<16384x1024xf32, #tpu.memory_space<hbm>>) target(%dma_start3A_16 : memref<32x1024xf32, #tpu.memory_space<vmem>>) offsets(%dma_start3A_18 : memref<32xi32, #tpu.memory_space<vmem>>) semaphore(%arg7 : memref<!tpu.dma_semaphore, #tpu.memory_space<semaphore_mem>>)
    %dma_wait3A = arith.constant 0 : i32
    %dma_wait3A_22 = arith.constant 0 : i32
    %dma_wait3A_23 = arith.constant 0 : i32
    %dma_wait3A_24 = tpu.memref_slice %arg6[%dma_wait3A, %dma_wait3A_22, %dma_wait3A_23] : memref<3x32x1024xf32, #tpu.memory_space<vmem>> -> memref<1x32x1024xf32, #tpu.memory_space<vmem>>
    %dma_wait3A_25 = tpu.memref_squeeze %dma_wait3A_24 : memref<1x32x1024xf32, #tpu.memory_space<vmem>> -> memref<32x1024xf32, #tpu.memory_space<vmem>>
    %dma_wait3A_26 = arith.constant 0 : i32
    %dma_wait3A_27 = tpu.memref_slice %arg5[%dma_wait3A_26] : memref<928xi32, #tpu.memory_space<vmem>> -> memref<32xi32, #tpu.memory_space<vmem>>
    %dma_wait3A_28 = arith.constant 0 : i32
    %dma_wait3A_29 = arith.constant 0 : i32
    %dma_wait3A_30 = tpu.memref_slice %arg2[%dma_wait3A_28, %dma_wait3A_29] : memref<16384x1024xf32, #tpu.memory_space<hbm>> -> memref<16384x1024xf32, #tpu.memory_space<hbm>>
    tpu.wait_indirect_dma semaphore(%arg7 : memref<!tpu.dma_semaphore, #tpu.memory_space<semaphore_mem>>) src(%dma_wait3A_30 : memref<16384x1024xf32, #tpu.memory_space<hbm>>) dst(%dma_wait3A_25 : memref<32x1024xf32, #tpu.memory_space<vmem>>)
    %add3A_31 = arith.constant 0 : i32
    %add3A_32 = arith.addi %multiple_of3A, %add3A_31 : i32
    %dma_start3A_33 = arith.constant 0 : i32
    %dma_start3A_34 = arith.constant 0 : i32
    %dma_start3A_35 = arith.constant 0 : i32
    %dma_start3A_36 = tpu.memref_slice %arg6[%dma_start3A_33, %dma_start3A_34, %dma_start3A_35] : memref<3x32x1024xf32, #tpu.memory_space<vmem>> -> memref<1x32x1024xf32, #tpu.memory_space<vmem>>
    %dma_start3A_37 = tpu.memref_squeeze %dma_start3A_36 : memref<1x32x1024xf32, #tpu.memory_space<vmem>> -> memref<32x1024xf32, #tpu.memory_space<vmem>>
    %dma_start3A_38 = arith.constant 0 : i32
    %dma_start3A_39 = tpu.memref_slice %arg4[%add3A_32, %dma_start3A_38] : memref<29696x1024xf32, #tpu.memory_space<hbm>> -> memref<32x1024xf32, #tpu.memory_space<hbm>>
    %dma_start3A_40 = arith.constant 0 : i32
    %dma_start3A_41 = tpu.memref_slice %arg4[%add3A_32, %dma_start3A_40] : memref<29696x1024xf32, #tpu.memory_space<hbm>> -> memref<32x1024xf32, #tpu.memory_space<hbm>>
    %dma_start3A_42 = arith.constant 0 : i32
    %dma_start3A_43 = arith.constant 0 : i32
    %dma_start3A_44 = tpu.memref_slice %arg6[%dma_start3A_33, %dma_start3A_42, %dma_start3A_43] : memref<3x32x1024xf32, #tpu.memory_space<vmem>> -> memref<1x32x1024xf32, #tpu.memory_space<vmem>>
    %dma_start3A_45 = tpu.memref_squeeze %dma_start3A_44 : memref<1x32x1024xf32, #tpu.memory_space<vmem>> -> memref<32x1024xf32, #tpu.memory_space<vmem>>
    tpu.enqueue_dma source(%dma_start3A_45 : memref<32x1024xf32, #tpu.memory_space<vmem>>) target(%dma_start3A_41 : memref<32x1024xf32, #tpu.memory_space<hbm>>) target_semaphore(%arg8 : memref<!tpu.dma_semaphore, #tpu.memory_space<semaphore_mem>>)
    %dma_start3A_46 = arith.constant 2 : i32
    %dma_start3A_47 = arith.constant 0 : i32
    %dma_start3A_48 = arith.constant 0 : i32
    %dma_start3A_49 = tpu.memref_slice %arg6[%dma_start3A_46, %dma_start3A_47, %dma_start3A_48] : memref<3x32x1024xf32, #tpu.memory_space<vmem>> -> memref<1x32x1024xf32, #tpu.memory_space<vmem>>
    %dma_start3A_50 = tpu.memref_squeeze %dma_start3A_49 : memref<1x32x1024xf32, #tpu.memory_space<vmem>> -> memref<32x1024xf32, #tpu.memory_space<vmem>>
    %dma_start3A_51 = arith.constant 64 : i32
    %dma_start3A_52 = tpu.memref_slice %arg5[%dma_start3A_51] : memref<928xi32, #tpu.memory_space<vmem>> -> memref<32xi32, #tpu.memory_space<vmem>>
    %dma_start3A_53 = arith.constant 0 : i32
    %dma_start3A_54 = arith.constant 0 : i32
    %dma_start3A_55 = tpu.memref_slice %arg2[%dma_start3A_53, %dma_start3A_54] : memref<16384x1024xf32, #tpu.memory_space<hbm>> -> memref<16384x1024xf32, #tpu.memory_space<hbm>>
    tpu.enqueue_indirect_dma source(%dma_start3A_55 : memref<16384x1024xf32, #tpu.memory_space<hbm>>) target(%dma_start3A_50 : memref<32x1024xf32, #tpu.memory_space<vmem>>) offsets(%dma_start3A_52 : memref<32xi32, #tpu.memory_space<vmem>>) semaphore(%arg7 : memref<!tpu.dma_semaphore, #tpu.memory_space<semaphore_mem>>)
    %dma_wait3A_56 = arith.constant 1 : i32
    %dma_wait3A_57 = arith.constant 0 : i32
    %dma_wait3A_58 = arith.constant 0 : i32
    %dma_wait3A_59 = tpu.memref_slice %arg6[%dma_wait3A_56, %dma_wait3A_57, %dma_wait3A_58] : memref<3x32x1024xf32, #tpu.memory_space<vmem>> -> memref<1x32x1024xf32, #tpu.memory_space<vmem>>
    %dma_wait3A_60 = tpu.memref_squeeze %dma_wait3A_59 : memref<1x32x1024xf32, #tpu.memory_space<vmem>> -> memref<32x1024xf32, #tpu.memory_space<vmem>>
    %dma_wait3A_61 = arith.constant 32 : i32
    %dma_wait3A_62 = tpu.memref_slice %arg5[%dma_wait3A_61] : memref<928xi32, #tpu.memory_space<vmem>> -> memref<32xi32, #tpu.memory_space<vmem>>
    %dma_wait3A_63 = arith.constant 0 : i32
    %dma_wait3A_64 = arith.constant 0 : i32
    %dma_wait3A_65 = tpu.memref_slice %arg2[%dma_wait3A_63, %dma_wait3A_64] : memref<16384x1024xf32, #tpu.memory_space<hbm>> -> memref<16384x1024xf32, #tpu.memory_space<hbm>>
    tpu.wait_indirect_dma semaphore(%arg7 : memref<!tpu.dma_semaphore, #tpu.memory_space<semaphore_mem>>) src(%dma_wait3A_65 : memref<16384x1024xf32, #tpu.memory_space<hbm>>) dst(%dma_wait3A_60 : memref<32x1024xf32, #tpu.memory_space<vmem>>)
    %add3A_66 = arith.constant 32 : i32
    %add3A_67 = arith.addi %multiple_of3A, %add3A_66 : i32
    %dma_start3A_68 = arith.constant 1 : i32
    %dma_start3A_69 = arith.constant 0 : i32
    %dma_start3A_70 = arith.constant 0 : i32
    %dma_start3A_71 = tpu.memref_slice %arg6[%dma_start3A_68, %dma_start3A_69, %dma_start3A_70] : memref<3x32x1024xf32, #tpu.memory_space<vmem>> -> memref<1x32x1024xf32, #tpu.memory_space<vmem>>
    %dma_start3A_72 = tpu.memref_squeeze %dma_start3A_71 : memref<1x32x1024xf32, #tpu.memory_space<vmem>> -> memref<32x1024xf32, #tpu.memory_space<vmem>>
    %dma_start3A_73 = arith.constant 0 : i32
    %dma_start3A_74 = tpu.memref_slice %arg4[%add3A_67, %dma_start3A_73] : memref<29696x1024xf32, #tpu.memory_space<hbm>> -> memref<32x1024xf32, #tpu.memory_space<hbm>>
    %dma_start3A_75 = arith.constant 0 : i32
    %dma_start3A_76 = tpu.memref_slice %arg4[%add3A_67, %dma_start3A_75] : memref<29696x1024xf32, #tpu.memory_space<hbm>> -> memref<32x1024xf32, #tpu.memory_space<hbm>>
    %dma_start3A_77 = arith.constant 0 : i32
    %dma_start3A_78 = arith.constant 0 : i32
    %dma_start3A_79 = tpu.memref_slice %arg6[%dma_start3A_68, %dma_start3A_77, %dma_start3A_78] : memref<3x32x1024xf32, #tpu.memory_space<vmem>> -> memref<1x32x1024xf32, #tpu.memory_space<vmem>>
    %dma_start3A_80 = tpu.memref_squeeze %dma_start3A_79 : memref<1x32x1024xf32, #tpu.memory_space<vmem>> -> memref<32x1024xf32, #tpu.memory_space<vmem>>
    tpu.enqueue_dma source(%dma_start3A_80 : memref<32x1024xf32, #tpu.memory_space<vmem>>) target(%dma_start3A_76 : memref<32x1024xf32, #tpu.memory_space<hbm>>) target_semaphore(%arg8 : memref<!tpu.dma_semaphore, #tpu.memory_space<semaphore_mem>>)
    %dma_wait3A_81 = arith.constant 0 : i32
    %dma_wait3A_82 = arith.constant 0 : i32
    %dma_wait3A_83 = arith.constant 0 : i32
    %dma_wait3A_84 = tpu.memref_slice %arg6[%dma_wait3A_81, %dma_wait3A_82, %dma_wait3A_83] : memref<3x32x1024xf32, #tpu.memory_space<vmem>> -> memref<1x32x1024xf32, #tpu.memory_space<vmem>>
    %dma_wait3A_85 = tpu.memref_squeeze %dma_wait3A_84 : memref<1x32x1024xf32, #tpu.memory_space<vmem>> -> memref<32x1024xf32, #tpu.memory_space<vmem>>
    %dma_wait3A_86 = arith.constant 0 : i32
    %dma_wait3A_87 = tpu.memref_slice %arg4[%add3A_32, %dma_wait3A_86] : memref<29696x1024xf32, #tpu.memory_space<hbm>> -> memref<32x1024xf32, #tpu.memory_space<hbm>>
    %dma_wait3A_88 = arith.constant 0 : i32
    %dma_wait3A_89 = tpu.memref_slice %arg4[%add3A_32, %dma_wait3A_88] : memref<29696x1024xf32, #tpu.memory_space<hbm>> -> memref<32x1024xf32, #tpu.memory_space<hbm>>
    %dma_wait3A_90 = arith.constant 0 : i32
    %dma_wait3A_91 = arith.constant 0 : i32
    %dma_wait3A_92 = tpu.memref_slice %arg6[%dma_wait3A_81, %dma_wait3A_90, %dma_wait3A_91] : memref<3x32x1024xf32, #tpu.memory_space<vmem>> -> memref<1x32x1024xf32, #tpu.memory_space<vmem>>
    %dma_wait3A_93 = tpu.memref_squeeze %dma_wait3A_92 : memref<1x32x1024xf32, #tpu.memory_space<vmem>> -> memref<32x1024xf32, #tpu.memory_space<vmem>>
    tpu.wait_dma2 semaphore(%arg8 : memref<!tpu.dma_semaphore, #tpu.memory_space<semaphore_mem>>) src(%dma_wait3A_93 : memref<32x1024xf32, #tpu.memory_space<vmem>>) dst(%dma_wait3A_89 : memref<32x1024xf32, #tpu.memory_space<hbm>>)
    %dma_start3A_94 = arith.constant 0 : i32
    %dma_start3A_95 = arith.constant 0 : i32
    %dma_start3A_96 = arith.constant 0 : i32
    %dma_start3A_97 = tpu.memref_slice %arg6[%dma_start3A_94, %dma_start3A_95, %dma_start3A_96] : memref<3x32x1024xf32, #tpu.memory_space<vmem>> -> memref<1x32x1024xf32, #tpu.memory_space<vmem>>
    %dma_start3A_98 = tpu.memref_squeeze %dma_start3A_97 : memref<1x32x1024xf32, #tpu.memory_space<vmem>> -> memref<32x1024xf32, #tpu.memory_space<vmem>>
    %dma_start3A_99 = arith.constant 96 : i32
    %dma_start3A_100 = tpu.memref_slice %arg5[%dma_start3A_99] : memref<928xi32, #tpu.memory_space<vmem>> -> memref<32xi32, #tpu.memory_space<vmem>>
    %dma_start3A_101 = arith.constant 0 : i32
    %dma_start3A_102 = arith.constant 0 : i32
    %dma_start3A_103 = tpu.memref_slice %arg2[%dma_start3A_101, %dma_start3A_102] : memref<16384x1024xf32, #tpu.memory_space<hbm>> -> memref<16384x1024xf32, #tpu.memory_space<hbm>>
    tpu.enqueue_indirect_dma source(%dma_start3A_103 : memref<16384x1024xf32, #tpu.memory_space<hbm>>) target(%dma_start3A_98 : memref<32x1024xf32, #tpu.memory_space<vmem>>) offsets(%dma_start3A_100 : memref<32xi32, #tpu.memory_space<vmem>>) semaphore(%arg7 : memref<!tpu.dma_semaphore, #tpu.memory_space<semaphore_mem>>)
    %dma_wait3A_104 = arith.constant 2 : i32
    %dma_wait3A_105 = arith.constant 0 : i32
    %dma_wait3A_106 = arith.constant 0 : i32
    %dma_wait3A_107 = tpu.memref_slice %arg6[%dma_wait3A_104, %dma_wait3A_105, %dma_wait3A_106] : memref<3x32x1024xf32, #tpu.memory_space<vmem>> -> memref<1x32x1024xf32, #tpu.memory_space<vmem>>
    %dma_wait3A_108 = tpu.memref_squeeze %dma_wait3A_107 : memref<1x32x1024xf32, #tpu.memory_space<vmem>> -> memref<32x1024xf32, #tpu.memory_space<vmem>>
    %dma_wait3A_109 = arith.constant 64 : i32
    %dma_wait3A_110 = tpu.memref_slice %arg5[%dma_wait3A_109] : memref<928xi32, #tpu.memory_space<vmem>> -> memref<32xi32, #tpu.memory_space<vmem>>
    %dma_wait3A_111 = arith.constant 0 : i32
    %dma_wait3A_112 = arith.constant 0 : i32
    %dma_wait3A_113 = tpu.memref_slice %arg2[%dma_wait3A_111, %dma_wait3A_112] : memref<16384x1024xf32, #tpu.memory_space<hbm>> -> memref<16384x1024xf32, #tpu.memory_space<hbm>>
    tpu.wait_indirect_dma semaphore(%arg7 : memref<!tpu.dma_semaphore, #tpu.memory_space<semaphore_mem>>) src(%dma_wait3A_113 : memref<16384x1024xf32, #tpu.memory_space<hbm>>) dst(%dma_wait3A_108 : memref<32x1024xf32, #tpu.memory_space<vmem>>)
    %add3A_114 = arith.constant 64 : i32
    %add3A_115 = arith.addi %multiple_of3A, %add3A_114 : i32
    %dma_start3A_116 = arith.constant 2 : i32
    %dma_start3A_117 = arith.constant 0 : i32
    %dma_start3A_118 = arith.constant 0 : i32
    %dma_start3A_119 = tpu.memref_slice %arg6[%dma_start3A_116, %dma_start3A_117, %dma_start3A_118] : memref<3x32x1024xf32, #tpu.memory_space<vmem>> -> memref<1x32x1024xf32, #tpu.memory_space<vmem>>
    %dma_start3A_120 = tpu.memref_squeeze %dma_start3A_119 : memref<1x32x1024xf32, #tpu.memory_space<vmem>> -> memref<32x1024xf32, #tpu.memory_space<vmem>>
    %dma_start3A_121 = arith.constant 0 : i32
    %dma_start3A_122 = tpu.memref_slice %arg4[%add3A_115, %dma_start3A_121] : memref<29696x1024xf32, #tpu.memory_space<hbm>> -> memref<32x1024xf32, #tpu.memory_space<hbm>>
    %dma_start3A_123 = arith.constant 0 : i32
    %dma_start3A_124 = tpu.memref_slice %arg4[%add3A_115, %dma_start3A_123] : memref<29696x1024xf32, #tpu.memory_space<hbm>> -> memref<32x1024xf32, #tpu.memory_space<hbm>>
    %dma_start3A_125 = arith.constant 0 : i32
    %dma_start3A_126 = arith.constant 0 : i32
    %dma_start3A_127 = tpu.memref_slice %arg6[%dma_start3A_116, %dma_start3A_125, %dma_start3A_126] : memref<3x32x1024xf32, #tpu.memory_space<vmem>> -> memref<1x32x1024xf32, #tpu.memory_space<vmem>>
    %dma_start3A_128 = tpu.memref_squeeze %dma_start3A_127 : memref<1x32x1024xf32, #tpu.memory_space<vmem>> -> memref<32x1024xf32, #tpu.memory_space<vmem>>
    tpu.enqueue_dma source(%dma_start3A_128 : memref<32x1024xf32, #tpu.memory_space<vmem>>) target(%dma_start3A_124 : memref<32x1024xf32, #tpu.memory_space<hbm>>) target_semaphore(%arg8 : memref<!tpu.dma_semaphore, #tpu.memory_space<semaphore_mem>>)
    %dma_wait3A_129 = arith.constant 1 : i32
    %dma_wait3A_130 = arith.constant 0 : i32
    %dma_wait3A_131 = arith.constant 0 : i32
    %dma_wait3A_132 = tpu.memref_slice %arg6[%dma_wait3A_129, %dma_wait3A_130, %dma_wait3A_131] : memref<3x32x1024xf32, #tpu.memory_space<vmem>> -> memref<1x32x1024xf32, #tpu.memory_space<vmem>>
    %dma_wait3A_133 = tpu.memref_squeeze %dma_wait3A_132 : memref<1x32x1024xf32, #tpu.memory_space<vmem>> -> memref<32x1024xf32, #tpu.memory_space<vmem>>
    %dma_wait3A_134 = arith.constant 0 : i32
    %dma_wait3A_135 = tpu.memref_slice %arg4[%add3A_67, %dma_wait3A_134] : memref<29696x1024xf32, #tpu.memory_space<hbm>> -> memref<32x1024xf32, #tpu.memory_space<hbm>>
    %dma_wait3A_136 = arith.constant 0 : i32
    %dma_wait3A_137 = tpu.memref_slice %arg4[%add3A_67, %dma_wait3A_136] : memref<29696x1024xf32, #tpu.memory_space<hbm>> -> memref<32x1024xf32, #tpu.memory_space<hbm>>
    %dma_wait3A_138 = arith.constant 0 : i32
    %dma_wait3A_139 = arith.constant 0 : i32
    %dma_wait3A_140 = tpu.memref_slice %arg6[%dma_wait3A_129, %dma_wait3A_138, %dma_wait3A_139] : memref<3x32x1024xf32, #tpu.memory_space<vmem>> -> memref<1x32x1024xf32, #tpu.memory_space<vmem>>
    %dma_wait3A_141 = tpu.memref_squeeze %dma_wait3A_140 : memref<1x32x1024xf32, #tpu.memory_space<vmem>> -> memref<32x1024xf32, #tpu.memory_space<vmem>>
    tpu.wait_dma2 semaphore(%arg8 : memref<!tpu.dma_semaphore, #tpu.memory_space<semaphore_mem>>) src(%dma_wait3A_141 : memref<32x1024xf32, #tpu.memory_space<vmem>>) dst(%dma_wait3A_137 : memref<32x1024xf32, #tpu.memory_space<hbm>>)
    %dma_start3A_142 = arith.constant 1 : i32
    %dma_start3A_143 = arith.constant 0 : i32
    %dma_start3A_144 = arith.constant 0 : i32
    %dma_start3A_145 = tpu.memref_slice %arg6[%dma_start3A_142, %dma_start3A_143, %dma_start3A_144] : memref<3x32x1024xf32, #tpu.memory_space<vmem>> -> memref<1x32x1024xf32, #tpu.memory_space<vmem>>
    %dma_start3A_146 = tpu.memref_squeeze %dma_start3A_145 : memref<1x32x1024xf32, #tpu.memory_space<vmem>> -> memref<32x1024xf32, #tpu.memory_space<vmem>>
    %dma_start3A_147 = arith.constant 128 : i32
    %dma_start3A_148 = tpu.memref_slice %arg5[%dma_start3A_147] : memref<928xi32, #tpu.memory_space<vmem>> -> memref<32xi32, #tpu.memory_space<vmem>>
    %dma_start3A_149 = arith.constant 0 : i32
    %dma_start3A_150 = arith.constant 0 : i32
    %dma_start3A_151 = tpu.memref_slice %arg2[%dma_start3A_149, %dma_start3A_150] : memref<16384x1024xf32, #tpu.memory_space<hbm>> -> memref<16384x1024xf32, #tpu.memory_space<hbm>>
    tpu.enqueue_indirect_dma source(%dma_start3A_151 : memref<16384x1024xf32, #tpu.memory_space<hbm>>) target(%dma_start3A_146 : memref<32x1024xf32, #tpu.memory_space<vmem>>) offsets(%dma_start3A_148 : memref<32xi32, #tpu.memory_space<vmem>>) semaphore(%arg7 : memref<!tpu.dma_semaphore, #tpu.memory_space<semaphore_mem>>)
    %dma_wait3A_152 = arith.constant 0 : i32
    %dma_wait3A_153 = arith.constant 0 : i32
    %dma_wait3A_154 = arith.constant 0 : i32
    %dma_wait3A_155 = tpu.memref_slice %arg6[%dma_wait3A_152, %dma_wait3A_153, %dma_wait3A_154] : memref<3x32x1024xf32, #tpu.memory_space<vmem>> -> memref<1x32x1024xf32, #tpu.memory_space<vmem>>
    %dma_wait3A_156 = tpu.memref_squeeze %dma_wait3A_155 : memref<1x32x1024xf32, #tpu.memory_space<vmem>> -> memref<32x1024xf32, #tpu.memory_space<vmem>>
    %dma_wait3A_157 = arith.constant 96 : i32
    %dma_wait3A_158 = tpu.memref_slice %arg5[%dma_wait3A_157] : memref<928xi32, #tpu.memory_space<vmem>> -> memref<32xi32, #tpu.memory_space<vmem>>
    %dma_wait3A_159 = arith.constant 0 : i32
    %dma_wait3A_160 = arith.constant 0 : i32
    %dma_wait3A_161 = tpu.memref_slice %arg2[%dma_wait3A_159, %dma_wait3A_160] : memref<16384x1024xf32, #tpu.memory_space<hbm>> -> memref<16384x1024xf32, #tpu.memory_space<hbm>>
    tpu.wait_indirect_dma semaphore(%arg7 : memref<!tpu.dma_semaphore, #tpu.memory_space<semaphore_mem>>) src(%dma_wait3A_161 : memref<16384x1024xf32, #tpu.memory_space<hbm>>) dst(%dma_wait3A_156 : memref<32x1024xf32, #tpu.memory_space<vmem>>)
    %add3A_162 = arith.constant 96 : i32
    %add3A_163 = arith.addi %multiple_of3A, %add3A_162 : i32
    %dma_start3A_164 = arith.constant 0 : i32
    %dma_start3A_165 = arith.constant 0 : i32
    %dma_start3A_166 = arith.constant 0 : i32
    %dma_start3A_167 = tpu.memref_slice %arg6[%dma_start3A_164, %dma_start3A_165, %dma_start3A_166] : memref<3x32x1024xf32, #tpu.memory_space<vmem>> -> memref<1x32x1024xf32, #tpu.memory_space<vmem>>
    %dma_start3A_168 = tpu.memref_squeeze %dma_start3A_167 : memref<1x32x1024xf32, #tpu.memory_space<vmem>> -> memref<32x1024xf32, #tpu.memory_space<vmem>>
    %dma_start3A_169 = arith.constant 0 : i32
    %dma_start3A_170 = tpu.memref_slice %arg4[%add3A_163, %dma_start3A_169] : memref<29696x1024xf32, #tpu.memory_space<hbm>> -> memref<32x1024xf32, #tpu.memory_space<hbm>>
    %dma_start3A_171 = arith.constant 0 : i32
    %dma_start3A_172 = tpu.memref_slice %arg4[%add3A_163, %dma_start3A_171] : memref<29696x1024xf32, #tpu.memory_space<hbm>> -> memref<32x1024xf32, #tpu.memory_space<hbm>>
    %dma_start3A_173 = arith.constant 0 : i32
    %dma_start3A_174 = arith.constant 0 : i32
    %dma_start3A_175 = tpu.memref_slice %arg6[%dma_start3A_164, %dma_start3A_173, %dma_start3A_174] : memref<3x32x1024xf32, #tpu.memory_space<vmem>> -> memref<1x32x1024xf32, #tpu.memory_space<vmem>>
    %dma_start3A_176 = tpu.memref_squeeze %dma_start3A_175 : memref<1x32x1024xf32, #tpu.memory_space<vmem>> -> memref<32x1024xf32, #tpu.memory_space<vmem>>
    tpu.enqueue_dma source(%dma_start3A_176 : memref<32x1024xf32, #tpu.memory_space<vmem>>) target(%dma_start3A_172 : memref<32x1024xf32, #tpu.memory_space<hbm>>) target_semaphore(%arg8 : memref<!tpu.dma_semaphore, #tpu.memory_space<semaphore_mem>>)
    %dma_wait3A_177 = arith.constant 2 : i32
    %dma_wait3A_178 = arith.constant 0 : i32
    %dma_wait3A_179 = arith.constant 0 : i32
    %dma_wait3A_180 = tpu.memref_slice %arg6[%dma_wait3A_177, %dma_wait3A_178, %dma_wait3A_179] : memref<3x32x1024xf32, #tpu.memory_space<vmem>> -> memref<1x32x1024xf32, #tpu.memory_space<vmem>>
    %dma_wait3A_181 = tpu.memref_squeeze %dma_wait3A_180 : memref<1x32x1024xf32, #tpu.memory_space<vmem>> -> memref<32x1024xf32, #tpu.memory_space<vmem>>
    %dma_wait3A_182 = arith.constant 0 : i32
    %dma_wait3A_183 = tpu.memref_slice %arg4[%add3A_115, %dma_wait3A_182] : memref<29696x1024xf32, #tpu.memory_space<hbm>> -> memref<32x1024xf32, #tpu.memory_space<hbm>>
    %dma_wait3A_184 = arith.constant 0 : i32
    %dma_wait3A_185 = tpu.memref_slice %arg4[%add3A_115, %dma_wait3A_184] : memref<29696x1024xf32, #tpu.memory_space<hbm>> -> memref<32x1024xf32, #tpu.memory_space<hbm>>
    %dma_wait3A_186 = arith.constant 0 : i32
    %dma_wait3A_187 = arith.constant 0 : i32
    %dma_wait3A_188 = tpu.memref_slice %arg6[%dma_wait3A_177, %dma_wait3A_186, %dma_wait3A_187] : memref<3x32x1024xf32, #tpu.memory_space<vmem>> -> memref<1x32x1024xf32, #tpu.memory_space<vmem>>
    %dma_wait3A_189 = tpu.memref_squeeze %dma_wait3A_188 : memref<1x32x1024xf32, #tpu.memory_space<vmem>> -> memref<32x1024xf32, #tpu.memory_space<vmem>>
    tpu.wait_dma2 semaphore(%arg8 : memref<!tpu.dma_semaphore, #tpu.memory_space<semaphore_mem>>) src(%dma_wait3A_189 : memref<32x1024xf32, #tpu.memory_space<vmem>>) dst(%dma_wait3A_185 : memref<32x1024xf32, #tpu.memory_space<hbm>>)
    %dma_start3A_190 = arith.constant 2 : i32
    %dma_start3A_191 = arith.constant 0 : i32
    %dma_start3A_192 = arith.constant 0 : i32
    %dma_start3A_193 = tpu.memref_slice %arg6[%dma_start3A_190, %dma_start3A_191, %dma_start3A_192] : memref<3x32x1024xf32, #tpu.memory_space<vmem>> -> memref<1x32x1024xf32, #tpu.memory_space<vmem>>
    %dma_start3A_194 = tpu.memref_squeeze %dma_start3A_193 : memref<1x32x1024xf32, #tpu.memory_space<vmem>> -> memref<32x1024xf32, #tpu.memory_space<vmem>>
    %dma_start3A_195 = arith.constant 160 : i32
    %dma_start3A_196 = tpu.memref_slice %arg5[%dma_start3A_195] : memref<928xi32, #tpu.memory_space<vmem>> -> memref<32xi32, #tpu.memory_space<vmem>>
    %dma_start3A_197 = arith.constant 0 : i32
    %dma_start3A_198 = arith.constant 0 : i32
    %dma_start3A_199 = tpu.memref_slice %arg2[%dma_start3A_197, %dma_start3A_198] : memref<16384x1024xf32, #tpu.memory_space<hbm>> -> memref<16384x1024xf32, #tpu.memory_space<hbm>>
    tpu.enqueue_indirect_dma source(%dma_start3A_199 : memref<16384x1024xf32, #tpu.memory_space<hbm>>) target(%dma_start3A_194 : memref<32x1024xf32, #tpu.memory_space<vmem>>) offsets(%dma_start3A_196 : memref<32xi32, #tpu.memory_space<vmem>>) semaphore(%arg7 : memref<!tpu.dma_semaphore, #tpu.memory_space<semaphore_mem>>)
    %dma_wait3A_200 = arith.constant 1 : i32
    %dma_wait3A_201 = arith.constant 0 : i32
    %dma_wait3A_202 = arith.constant 0 : i32
    %dma_wait3A_203 = tpu.memref_slice %arg6[%dma_wait3A_200, %dma_wait3A_201, %dma_wait3A_202] : memref<3x32x1024xf32, #tpu.memory_space<vmem>> -> memref<1x32x1024xf32, #tpu.memory_space<vmem>>
    %dma_wait3A_204 = tpu.memref_squeeze %dma_wait3A_203 : memref<1x32x1024xf32, #tpu.memory_space<vmem>> -> memref<32x1024xf32, #tpu.memory_space<vmem>>
    %dma_wait3A_205 = arith.constant 128 : i32
    %dma_wait3A_206 = tpu.memref_slice %arg5[%dma_wait3A_205] : memref<928xi32, #tpu.memory_space<vmem>> -> memref<32xi32, #tpu.memory_space<vmem>>
    %dma_wait3A_207 = arith.constant 0 : i32
    %dma_wait3A_208 = arith.constant 0 : i32
    %dma_wait3A_209 = tpu.memref_slice %arg2[%dma_wait3A_207, %dma_wait3A_208] : memref<16384x1024xf32, #tpu.memory_space<hbm>> -> memref<16384x1024xf32, #tpu.memory_space<hbm>>
    tpu.wait_indirect_dma semaphore(%arg7 : memref<!tpu.dma_semaphore, #tpu.memory_space<semaphore_mem>>) src(%dma_wait3A_209 : memref<16384x1024xf32, #tpu.memory_space<hbm>>) dst(%dma_wait3A_204 : memref<32x1024xf32, #tpu.memory_space<vmem>>)
    %add3A_210 = arith.constant 128 : i32
    %add3A_211 = arith.addi %multiple_of3A, %add3A_210 : i32
    %dma_start3A_212 = arith.constant 1 : i32
    %dma_start3A_213 = arith.constant 0 : i32
    %dma_start3A_214 = arith.constant 0 : i32
    %dma_start3A_215 = tpu.memref_slice %arg6[%dma_start3A_212, %dma_start3A_213, %dma_start3A_214] : memref<3x32x1024xf32, #tpu.memory_space<vmem>> -> memref<1x32x1024xf32, #tpu.memory_space<vmem>>
    %dma_start3A_216 = tpu.memref_squeeze %dma_start3A_215 : memref<1x32x1024xf32, #tpu.memory_space<vmem>> -> memref<32x1024xf32, #tpu.memory_space<vmem>>
    %dma_start3A_217 = arith.constant 0 : i32
    %dma_start3A_218 = tpu.memref_slice %arg4[%add3A_211, %dma_start3A_217] : memref<29696x1024xf32, #tpu.memory_space<hbm>> -> memref<32x1024xf32, #tpu.memory_space<hbm>>
    %dma_start3A_219 = arith.constant 0 : i32
    %dma_start3A_220 = tpu.memref_slice %arg4[%add3A_211, %dma_start3A_219] : memref<29696x1024xf32, #tpu.memory_space<hbm>> -> memref<32x1024xf32, #tpu.memory_space<hbm>>
    %dma_start3A_221 = arith.constant 0 : i32
    %dma_start3A_222 = arith.constant 0 : i32
    %dma_start3A_223 = tpu.memref_slice %arg6[%dma_start3A_212, %dma_start3A_221, %dma_start3A_222] : memref<3x32x1024xf32, #tpu.memory_space<vmem>> -> memref<1x32x1024xf32, #tpu.memory_space<vmem>>
    %dma_start3A_224 = tpu.memref_squeeze %dma_start3A_223 : memref<1x32x1024xf32, #tpu.memory_space<vmem>> -> memref<32x1024xf32, #tpu.memory_space<vmem>>
    tpu.enqueue_dma source(%dma_start3A_224 : memref<32x1024xf32, #tpu.memory_space<vmem>>) target(%dma_start3A_220 : memref<32x1024xf32, #tpu.memory_space<hbm>>) target_semaphore(%arg8 : memref<!tpu.dma_semaphore, #tpu.memory_space<semaphore_mem>>)
    %dma_wait3A_225 = arith.constant 0 : i32
    %dma_wait3A_226 = arith.constant 0 : i32
    %dma_wait3A_227 = arith.constant 0 : i32
    %dma_wait3A_228 = tpu.memref_slice %arg6[%dma_wait3A_225, %dma_wait3A_226, %dma_wait3A_227] : memref<3x32x1024xf32, #tpu.memory_space<vmem>> -> memref<1x32x1024xf32, #tpu.memory_space<vmem>>
    %dma_wait3A_229 = tpu.memref_squeeze %dma_wait3A_228 : memref<1x32x1024xf32, #tpu.memory_space<vmem>> -> memref<32x1024xf32, #tpu.memory_space<vmem>>
    %dma_wait3A_230 = arith.constant 0 : i32
    %dma_wait3A_231 = tpu.memref_slice %arg4[%add3A_163, %dma_wait3A_230] : memref<29696x1024xf32, #tpu.memory_space<hbm>> -> memref<32x1024xf32, #tpu.memory_space<hbm>>
    %dma_wait3A_232 = arith.constant 0 : i32
    %dma_wait3A_233 = tpu.memref_slice %arg4[%add3A_163, %dma_wait3A_232] : memref<29696x1024xf32, #tpu.memory_space<hbm>> -> memref<32x1024xf32, #tpu.memory_space<hbm>>
    %dma_wait3A_234 = arith.constant 0 : i32
    %dma_wait3A_235 = arith.constant 0 : i32
    %dma_wait3A_236 = tpu.memref_slice %arg6[%dma_wait3A_225, %dma_wait3A_234, %dma_wait3A_235] : memref<3x32x1024xf32, #tpu.memory_space<vmem>> -> memref<1x32x1024xf32, #tpu.memory_space<vmem>>
    %dma_wait3A_237 = tpu.memref_squeeze %dma_wait3A_236 : memref<1x32x1024xf32, #tpu.memory_space<vmem>> -> memref<32x1024xf32, #tpu.memory_space<vmem>>
    tpu.wait_dma2 semaphore(%arg8 : memref<!tpu.dma_semaphore, #tpu.memory_space<semaphore_mem>>) src(%dma_wait3A_237 : memref<32x1024xf32, #tpu.memory_space<vmem>>) dst(%dma_wait3A_233 : memref<32x1024xf32, #tpu.memory_space<hbm>>)
    %dma_start3A_238 = arith.constant 0 : i32
    %dma_start3A_239 = arith.constant 0 : i32
    %dma_start3A_240 = arith.constant 0 : i32
    %dma_start3A_241 = tpu.memref_slice %arg6[%dma_start3A_238, %dma_start3A_239, %dma_start3A_240] : memref<3x32x1024xf32, #tpu.memory_space<vmem>> -> memref<1x32x1024xf32, #tpu.memory_space<vmem>>
    %dma_start3A_242 = tpu.memref_squeeze %dma_start3A_241 : memref<1x32x1024xf32, #tpu.memory_space<vmem>> -> memref<32x1024xf32, #tpu.memory_space<vmem>>
    %dma_start3A_243 = arith.constant 192 : i32
    %dma_start3A_244 = tpu.memref_slice %arg5[%dma_start3A_243] : memref<928xi32, #tpu.memory_space<vmem>> -> memref<32xi32, #tpu.memory_space<vmem>>
    %dma_start3A_245 = arith.constant 0 : i32
    %dma_start3A_246 = arith.constant 0 : i32
    %dma_start3A_247 = tpu.memref_slice %arg2[%dma_start3A_245, %dma_start3A_246] : memref<16384x1024xf32, #tpu.memory_space<hbm>> -> memref<16384x1024xf32, #tpu.memory_space<hbm>>
    tpu.enqueue_indirect_dma source(%dma_start3A_247 : memref<16384x1024xf32, #tpu.memory_space<hbm>>) target(%dma_start3A_242 : memref<32x1024xf32, #tpu.memory_space<vmem>>) offsets(%dma_start3A_244 : memref<32xi32, #tpu.memory_space<vmem>>) semaphore(%arg7 : memref<!tpu.dma_semaphore, #tpu.memory_space<semaphore_mem>>)
    %dma_wait3A_248 = arith.constant 2 : i32
    %dma_wait3A_249 = arith.constant 0 : i32
    %dma_wait3A_250 = arith.constant 0 : i32
    %dma_wait3A_251 = tpu.memref_slice %arg6[%dma_wait3A_248, %dma_wait3A_249, %dma_wait3A_250] : memref<3x32x1024xf32, #tpu.memory_space<vmem>> -> memref<1x32x1024xf32, #tpu.memory_space<vmem>>
    %dma_wait3A_252 = tpu.memref_squeeze %dma_wait3A_251 : memref<1x32x1024xf32, #tpu.memory_space<vmem>> -> memref<32x1024xf32, #tpu.memory_space<vmem>>
    %dma_wait3A_253 = arith.constant 160 : i32
    %dma_wait3A_254 = tpu.memref_slice %arg5[%dma_wait3A_253] : memref<928xi32, #tpu.memory_space<vmem>> -> memref<32xi32, #tpu.memory_space<vmem>>
    %dma_wait3A_255 = arith.constant 0 : i32
    %dma_wait3A_256 = arith.constant 0 : i32
    %dma_wait3A_257 = tpu.memref_slice %arg2[%dma_wait3A_255, %dma_wait3A_256] : memref<16384x1024xf32, #tpu.memory_space<hbm>> -> memref<16384x1024xf32, #tpu.memory_space<hbm>>
    tpu.wait_indirect_dma semaphore(%arg7 : memref<!tpu.dma_semaphore, #tpu.memory_space<semaphore_mem>>) src(%dma_wait3A_257 : memref<16384x1024xf32, #tpu.memory_space<hbm>>) dst(%dma_wait3A_252 : memref<32x1024xf32, #tpu.memory_space<vmem>>)
    %add3A_258 = arith.constant 160 : i32
    %add3A_259 = arith.addi %multiple_of3A, %add3A_258 : i32
    %dma_start3A_260 = arith.constant 2 : i32
    %dma_start3A_261 = arith.constant 0 : i32
    %dma_start3A_262 = arith.constant 0 : i32
    %dma_start3A_263 = tpu.memref_slice %arg6[%dma_start3A_260, %dma_start3A_261, %dma_start3A_262] : memref<3x32x1024xf32, #tpu.memory_space<vmem>> -> memref<1x32x1024xf32, #tpu.memory_space<vmem>>
    %dma_start3A_264 = tpu.memref_squeeze %dma_start3A_263 : memref<1x32x1024xf32, #tpu.memory_space<vmem>> -> memref<32x1024xf32, #tpu.memory_space<vmem>>
    %dma_start3A_265 = arith.constant 0 : i32
    %dma_start3A_266 = tpu.memref_slice %arg4[%add3A_259, %dma_start3A_265] : memref<29696x1024xf32, #tpu.memory_space<hbm>> -> memref<32x1024xf32, #tpu.memory_space<hbm>>
    %dma_start3A_267 = arith.constant 0 : i32
    %dma_start3A_268 = tpu.memref_slice %arg4[%add3A_259, %dma_start3A_267] : memref<29696x1024xf32, #tpu.memory_space<hbm>> -> memref<32x1024xf32, #tpu.memory_space<hbm>>
    %dma_start3A_269 = arith.constant 0 : i32
    %dma_start3A_270 = arith.constant 0 : i32
    %dma_start3A_271 = tpu.memref_slice %arg6[%dma_start3A_260, %dma_start3A_269, %dma_start3A_270] : memref<3x32x1024xf32, #tpu.memory_space<vmem>> -> memref<1x32x1024xf32, #tpu.memory_space<vmem>>
    %dma_start3A_272 = tpu.memref_squeeze %dma_start3A_271 : memref<1x32x1024xf32, #tpu.memory_space<vmem>> -> memref<32x1024xf32, #tpu.memory_space<vmem>>
    tpu.enqueue_dma source(%dma_start3A_272 : memref<32x1024xf32, #tpu.memory_space<vmem>>) target(%dma_start3A_268 : memref<32x1024xf32, #tpu.memory_space<hbm>>) target_semaphore(%arg8 : memref<!tpu.dma_semaphore, #tpu.memory_space<semaphore_mem>>)
    %dma_wait3A_273 = arith.constant 1 : i32
    %dma_wait3A_274 = arith.constant 0 : i32
    %dma_wait3A_275 = arith.constant 0 : i32
    %dma_wait3A_276 = tpu.memref_slice %arg6[%dma_wait3A_273, %dma_wait3A_274, %dma_wait3A_275] : memref<3x32x1024xf32, #tpu.memory_space<vmem>> -> memref<1x32x1024xf32, #tpu.memory_space<vmem>>
    %dma_wait3A_277 = tpu.memref_squeeze %dma_wait3A_276 : memref<1x32x1024xf32, #tpu.memory_space<vmem>> -> memref<32x1024xf32, #tpu.memory_space<vmem>>
    %dma_wait3A_278 = arith.constant 0 : i32
    %dma_wait3A_279 = tpu.memref_slice %arg4[%add3A_211, %dma_wait3A_278] : memref<29696x1024xf32, #tpu.memory_space<hbm>> -> memref<32x1024xf32, #tpu.memory_space<hbm>>
    %dma_wait3A_280 = arith.constant 0 : i32
    %dma_wait3A_281 = tpu.memref_slice %arg4[%add3A_211, %dma_wait3A_280] : memref<29696x1024xf32, #tpu.memory_space<hbm>> -> memref<32x1024xf32, #tpu.memory_space<hbm>>
    %dma_wait3A_282 = arith.constant 0 : i32
    %dma_wait3A_283 = arith.constant 0 : i32
    %dma_wait3A_284 = tpu.memref_slice %arg6[%dma_wait3A_273, %dma_wait3A_282, %dma_wait3A_283] : memref<3x32x1024xf32, #tpu.memory_space<vmem>> -> memref<1x32x1024xf32, #tpu.memory_space<vmem>>
    %dma_wait3A_285 = tpu.memref_squeeze %dma_wait3A_284 : memref<1x32x1024xf32, #tpu.memory_space<vmem>> -> memref<32x1024xf32, #tpu.memory_space<vmem>>
    tpu.wait_dma2 semaphore(%arg8 : memref<!tpu.dma_semaphore, #tpu.memory_space<semaphore_mem>>) src(%dma_wait3A_285 : memref<32x1024xf32, #tpu.memory_space<vmem>>) dst(%dma_wait3A_281 : memref<32x1024xf32, #tpu.memory_space<hbm>>)
    %dma_start3A_286 = arith.constant 1 : i32
    %dma_start3A_287 = arith.constant 0 : i32
    %dma_start3A_288 = arith.constant 0 : i32
    %dma_start3A_289 = tpu.memref_slice %arg6[%dma_start3A_286, %dma_start3A_287, %dma_start3A_288] : memref<3x32x1024xf32, #tpu.memory_space<vmem>> -> memref<1x32x1024xf32, #tpu.memory_space<vmem>>
    %dma_start3A_290 = tpu.memref_squeeze %dma_start3A_289 : memref<1x32x1024xf32, #tpu.memory_space<vmem>> -> memref<32x1024xf32, #tpu.memory_space<vmem>>
    %dma_start3A_291 = arith.constant 224 : i32
    %dma_start3A_292 = tpu.memref_slice %arg5[%dma_start3A_291] : memref<928xi32, #tpu.memory_space<vmem>> -> memref<32xi32, #tpu.memory_space<vmem>>
    %dma_start3A_293 = arith.constant 0 : i32
    %dma_start3A_294 = arith.constant 0 : i32
    %dma_start3A_295 = tpu.memref_slice %arg2[%dma_start3A_293, %dma_start3A_294] : memref<16384x1024xf32, #tpu.memory_space<hbm>> -> memref<16384x1024xf32, #tpu.memory_space<hbm>>
    tpu.enqueue_indirect_dma source(%dma_start3A_295 : memref<16384x1024xf32, #tpu.memory_space<hbm>>) target(%dma_start3A_290 : memref<32x1024xf32, #tpu.memory_space<vmem>>) offsets(%dma_start3A_292 : memref<32xi32, #tpu.memory_space<vmem>>) semaphore(%arg7 : memref<!tpu.dma_semaphore, #tpu.memory_space<semaphore_mem>>)
    %dma_wait3A_296 = arith.constant 0 : i32
    %dma_wait3A_297 = arith.constant 0 : i32
    %dma_wait3A_298 = arith.constant 0 : i32
    %dma_wait3A_299 = tpu.memref_slice %arg6[%dma_wait3A_296, %dma_wait3A_297, %dma_wait3A_298] : memref<3x32x1024xf32, #tpu.memory_space<vmem>> -> memref<1x32x1024xf32, #tpu.memory_space<vmem>>
    %dma_wait3A_300 = tpu.memref_squeeze %dma_wait3A_299 : memref<1x32x1024xf32, #tpu.memory_space<vmem>> -> memref<32x1024xf32, #tpu.memory_space<vmem>>
    %dma_wait3A_301 = arith.constant 192 : i32
    %dma_wait3A_302 = tpu.memref_slice %arg5[%dma_wait3A_301] : memref<928xi32, #tpu.memory_space<vmem>> -> memref<32xi32, #tpu.memory_space<vmem>>
    %dma_wait3A_303 = arith.constant 0 : i32
    %dma_wait3A_304 = arith.constant 0 : i32
    %dma_wait3A_305 = tpu.memref_slice %arg2[%dma_wait3A_303, %dma_wait3A_304] : memref<16384x1024xf32, #tpu.memory_space<hbm>> -> memref<16384x1024xf32, #tpu.memory_space<hbm>>
    tpu.wait_indirect_dma semaphore(%arg7 : memref<!tpu.dma_semaphore, #tpu.memory_space<semaphore_mem>>) src(%dma_wait3A_305 : memref<16384x1024xf32, #tpu.memory_space<hbm>>) dst(%dma_wait3A_300 : memref<32x1024xf32, #tpu.memory_space<vmem>>)
    %add3A_306 = arith.constant 192 : i32
    %add3A_307 = arith.addi %multiple_of3A, %add3A_306 : i32
    %dma_start3A_308 = arith.constant 0 : i32
    %dma_start3A_309 = arith.constant 0 : i32
    %dma_start3A_310 = arith.constant 0 : i32
    %dma_start3A_311 = tpu.memref_slice %arg6[%dma_start3A_308, %dma_start3A_309, %dma_start3A_310] : memref<3x32x1024xf32, #tpu.memory_space<vmem>> -> memref<1x32x1024xf32, #tpu.memory_space<vmem>>
    %dma_start3A_312 = tpu.memref_squeeze %dma_start3A_311 : memref<1x32x1024xf32, #tpu.memory_space<vmem>> -> memref<32x1024xf32, #tpu.memory_space<vmem>>
    %dma_start3A_313 = arith.constant 0 : i32
    %dma_start3A_314 = tpu.memref_slice %arg4[%add3A_307, %dma_start3A_313] : memref<29696x1024xf32, #tpu.memory_space<hbm>> -> memref<32x1024xf32, #tpu.memory_space<hbm>>
    %dma_start3A_315 = arith.constant 0 : i32
    %dma_start3A_316 = tpu.memref_slice %arg4[%add3A_307, %dma_start3A_315] : memref<29696x1024xf32, #tpu.memory_space<hbm>> -> memref<32x1024xf32, #tpu.memory_space<hbm>>
    %dma_start3A_317 = arith.constant 0 : i32
    %dma_start3A_318 = arith.constant 0 : i32
    %dma_start3A_319 = tpu.memref_slice %arg6[%dma_start3A_308, %dma_start3A_317, %dma_start3A_318] : memref<3x32x1024xf32, #tpu.memory_space<vmem>> -> memref<1x32x1024xf32, #tpu.memory_space<vmem>>
    %dma_start3A_320 = tpu.memref_squeeze %dma_start3A_319 : memref<1x32x1024xf32, #tpu.memory_space<vmem>> -> memref<32x1024xf32, #tpu.memory_space<vmem>>
    tpu.enqueue_dma source(%dma_start3A_320 : memref<32x1024xf32, #tpu.memory_space<vmem>>) target(%dma_start3A_316 : memref<32x1024xf32, #tpu.memory_space<hbm>>) target_semaphore(%arg8 : memref<!tpu.dma_semaphore, #tpu.memory_space<semaphore_mem>>)
    %dma_wait3A_321 = arith.constant 2 : i32
    %dma_wait3A_322 = arith.constant 0 : i32
    %dma_wait3A_323 = arith.constant 0 : i32
    %dma_wait3A_324 = tpu.memref_slice %arg6[%dma_wait3A_321, %dma_wait3A_322, %dma_wait3A_323] : memref<3x32x1024xf32, #tpu.memory_space<vmem>> -> memref<1x32x1024xf32, #tpu.memory_space<vmem>>
    %dma_wait3A_325 = tpu.memref_squeeze %dma_wait3A_324 : memref<1x32x1024xf32, #tpu.memory_space<vmem>> -> memref<32x1024xf32, #tpu.memory_space<vmem>>
    %dma_wait3A_326 = arith.constant 0 : i32
    %dma_wait3A_327 = tpu.memref_slice %arg4[%add3A_259, %dma_wait3A_326] : memref<29696x1024xf32, #tpu.memory_space<hbm>> -> memref<32x1024xf32, #tpu.memory_space<hbm>>
    %dma_wait3A_328 = arith.constant 0 : i32
    %dma_wait3A_329 = tpu.memref_slice %arg4[%add3A_259, %dma_wait3A_328] : memref<29696x1024xf32, #tpu.memory_space<hbm>> -> memref<32x1024xf32, #tpu.memory_space<hbm>>
    %dma_wait3A_330 = arith.constant 0 : i32
    %dma_wait3A_331 = arith.constant 0 : i32
    %dma_wait3A_332 = tpu.memref_slice %arg6[%dma_wait3A_321, %dma_wait3A_330, %dma_wait3A_331] : memref<3x32x1024xf32, #tpu.memory_space<vmem>> -> memref<1x32x1024xf32, #tpu.memory_space<vmem>>
    %dma_wait3A_333 = tpu.memref_squeeze %dma_wait3A_332 : memref<1x32x1024xf32, #tpu.memory_space<vmem>> -> memref<32x1024xf32, #tpu.memory_space<vmem>>
    tpu.wait_dma2 semaphore(%arg8 : memref<!tpu.dma_semaphore, #tpu.memory_space<semaphore_mem>>) src(%dma_wait3A_333 : memref<32x1024xf32, #tpu.memory_space<vmem>>) dst(%dma_wait3A_329 : memref<32x1024xf32, #tpu.memory_space<hbm>>)
    %dma_start3A_334 = arith.constant 2 : i32
    %dma_start3A_335 = arith.constant 0 : i32
    %dma_start3A_336 = arith.constant 0 : i32
    %dma_start3A_337 = tpu.memref_slice %arg6[%dma_start3A_334, %dma_start3A_335, %dma_start3A_336] : memref<3x32x1024xf32, #tpu.memory_space<vmem>> -> memref<1x32x1024xf32, #tpu.memory_space<vmem>>
    %dma_start3A_338 = tpu.memref_squeeze %dma_start3A_337 : memref<1x32x1024xf32, #tpu.memory_space<vmem>> -> memref<32x1024xf32, #tpu.memory_space<vmem>>
    %dma_start3A_339 = arith.constant 256 : i32
    %dma_start3A_340 = tpu.memref_slice %arg5[%dma_start3A_339] : memref<928xi32, #tpu.memory_space<vmem>> -> memref<32xi32, #tpu.memory_space<vmem>>
    %dma_start3A_341 = arith.constant 0 : i32
    %dma_start3A_342 = arith.constant 0 : i32
    %dma_start3A_343 = tpu.memref_slice %arg2[%dma_start3A_341, %dma_start3A_342] : memref<16384x1024xf32, #tpu.memory_space<hbm>> -> memref<16384x1024xf32, #tpu.memory_space<hbm>>
    tpu.enqueue_indirect_dma source(%dma_start3A_343 : memref<16384x1024xf32, #tpu.memory_space<hbm>>) target(%dma_start3A_338 : memref<32x1024xf32, #tpu.memory_space<vmem>>) offsets(%dma_start3A_340 : memref<32xi32, #tpu.memory_space<vmem>>) semaphore(%arg7 : memref<!tpu.dma_semaphore, #tpu.memory_space<semaphore_mem>>)
    %dma_wait3A_344 = arith.constant 1 : i32
    %dma_wait3A_345 = arith.constant 0 : i32
    %dma_wait3A_346 = arith.constant 0 : i32
    %dma_wait3A_347 = tpu.memref_slice %arg6[%dma_wait3A_344, %dma_wait3A_345, %dma_wait3A_346] : memref<3x32x1024xf32, #tpu.memory_space<vmem>> -> memref<1x32x1024xf32, #tpu.memory_space<vmem>>
    %dma_wait3A_348 = tpu.memref_squeeze %dma_wait3A_347 : memref<1x32x1024xf32, #tpu.memory_space<vmem>> -> memref<32x1024xf32, #tpu.memory_space<vmem>>
    %dma_wait3A_349 = arith.constant 224 : i32
    %dma_wait3A_350 = tpu.memref_slice %arg5[%dma_wait3A_349] : memref<928xi32, #tpu.memory_space<vmem>> -> memref<32xi32, #tpu.memory_space<vmem>>
    %dma_wait3A_351 = arith.constant 0 : i32
    %dma_wait3A_352 = arith.constant 0 : i32
    %dma_wait3A_353 = tpu.memref_slice %arg2[%dma_wait3A_351, %dma_wait3A_352] : memref<16384x1024xf32, #tpu.memory_space<hbm>> -> memref<16384x1024xf32, #tpu.memory_space<hbm>>
    tpu.wait_indirect_dma semaphore(%arg7 : memref<!tpu.dma_semaphore, #tpu.memory_space<semaphore_mem>>) src(%dma_wait3A_353 : memref<16384x1024xf32, #tpu.memory_space<hbm>>) dst(%dma_wait3A_348 : memref<32x1024xf32, #tpu.memory_space<vmem>>)
    %add3A_354 = arith.constant 224 : i32
    %add3A_355 = arith.addi %multiple_of3A, %add3A_354 : i32
    %dma_start3A_356 = arith.constant 1 : i32
    %dma_start3A_357 = arith.constant 0 : i32
    %dma_start3A_358 = arith.constant 0 : i32
    %dma_start3A_359 = tpu.memref_slice %arg6[%dma_start3A_356, %dma_start3A_357, %dma_start3A_358] : memref<3x32x1024xf32, #tpu.memory_space<vmem>> -> memref<1x32x1024xf32, #tpu.memory_space<vmem>>
    %dma_start3A_360 = tpu.memref_squeeze %dma_start3A_359 : memref<1x32x1024xf32, #tpu.memory_space<vmem>> -> memref<32x1024xf32, #tpu.memory_space<vmem>>
    %dma_start3A_361 = arith.constant 0 : i32
    %dma_start3A_362 = tpu.memref_slice %arg4[%add3A_355, %dma_start3A_361] : memref<29696x1024xf32, #tpu.memory_space<hbm>> -> memref<32x1024xf32, #tpu.memory_space<hbm>>
    %dma_start3A_363 = arith.constant 0 : i32
    %dma_start3A_364 = tpu.memref_slice %arg4[%add3A_355, %dma_start3A_363] : memref<29696x1024xf32, #tpu.memory_space<hbm>> -> memref<32x1024xf32, #tpu.memory_space<hbm>>
    %dma_start3A_365 = arith.constant 0 : i32
    %dma_start3A_366 = arith.constant 0 : i32
    %dma_start3A_367 = tpu.memref_slice %arg6[%dma_start3A_356, %dma_start3A_365, %dma_start3A_366] : memref<3x32x1024xf32, #tpu.memory_space<vmem>> -> memref<1x32x1024xf32, #tpu.memory_space<vmem>>
    %dma_start3A_368 = tpu.memref_squeeze %dma_start3A_367 : memref<1x32x1024xf32, #tpu.memory_space<vmem>> -> memref<32x1024xf32, #tpu.memory_space<vmem>>
    tpu.enqueue_dma source(%dma_start3A_368 : memref<32x1024xf32, #tpu.memory_space<vmem>>) target(%dma_start3A_364 : memref<32x1024xf32, #tpu.memory_space<hbm>>) target_semaphore(%arg8 : memref<!tpu.dma_semaphore, #tpu.memory_space<semaphore_mem>>)
    %dma_wait3A_369 = arith.constant 0 : i32
    %dma_wait3A_370 = arith.constant 0 : i32
    %dma_wait3A_371 = arith.constant 0 : i32
    %dma_wait3A_372 = tpu.memref_slice %arg6[%dma_wait3A_369, %dma_wait3A_370, %dma_wait3A_371] : memref<3x32x1024xf32, #tpu.memory_space<vmem>> -> memref<1x32x1024xf32, #tpu.memory_space<vmem>>
    %dma_wait3A_373 = tpu.memref_squeeze %dma_wait3A_372 : memref<1x32x1024xf32, #tpu.memory_space<vmem>> -> memref<32x1024xf32, #tpu.memory_space<vmem>>
    %dma_wait3A_374 = arith.constant 0 : i32
    %dma_wait3A_375 = tpu.memref_slice %arg4[%add3A_307, %dma_wait3A_374] : memref<29696x1024xf32, #tpu.memory_space<hbm>> -> memref<32x1024xf32, #tpu.memory_space<hbm>>
    %dma_wait3A_376 = arith.constant 0 : i32
    %dma_wait3A_377 = tpu.memref_slice %arg4[%add3A_307, %dma_wait3A_376] : memref<29696x1024xf32, #tpu.memory_space<hbm>> -> memref<32x1024xf32, #tpu.memory_space<hbm>>
    %dma_wait3A_378 = arith.constant 0 : i32
    %dma_wait3A_379 = arith.constant 0 : i32
    %dma_wait3A_380 = tpu.memref_slice %arg6[%dma_wait3A_369, %dma_wait3A_378, %dma_wait3A_379] : memref<3x32x1024xf32, #tpu.memory_space<vmem>> -> memref<1x32x1024xf32, #tpu.memory_space<vmem>>
    %dma_wait3A_381 = tpu.memref_squeeze %dma_wait3A_380 : memref<1x32x1024xf32, #tpu.memory_space<vmem>> -> memref<32x1024xf32, #tpu.memory_space<vmem>>
    tpu.wait_dma2 semaphore(%arg8 : memref<!tpu.dma_semaphore, #tpu.memory_space<semaphore_mem>>) src(%dma_wait3A_381 : memref<32x1024xf32, #tpu.memory_space<vmem>>) dst(%dma_wait3A_377 : memref<32x1024xf32, #tpu.memory_space<hbm>>)
    %dma_start3A_382 = arith.constant 0 : i32
    %dma_start3A_383 = arith.constant 0 : i32
    %dma_start3A_384 = arith.constant 0 : i32
    %dma_start3A_385 = tpu.memref_slice %arg6[%dma_start3A_382, %dma_start3A_383, %dma_start3A_384] : memref<3x32x1024xf32, #tpu.memory_space<vmem>> -> memref<1x32x1024xf32, #tpu.memory_space<vmem>>
    %dma_start3A_386 = tpu.memref_squeeze %dma_start3A_385 : memref<1x32x1024xf32, #tpu.memory_space<vmem>> -> memref<32x1024xf32, #tpu.memory_space<vmem>>
    %dma_start3A_387 = arith.constant 288 : i32
    %dma_start3A_388 = tpu.memref_slice %arg5[%dma_start3A_387] : memref<928xi32, #tpu.memory_space<vmem>> -> memref<32xi32, #tpu.memory_space<vmem>>
    %dma_start3A_389 = arith.constant 0 : i32
    %dma_start3A_390 = arith.constant 0 : i32
    %dma_start3A_391 = tpu.memref_slice %arg2[%dma_start3A_389, %dma_start3A_390] : memref<16384x1024xf32, #tpu.memory_space<hbm>> -> memref<16384x1024xf32, #tpu.memory_space<hbm>>
    tpu.enqueue_indirect_dma source(%dma_start3A_391 : memref<16384x1024xf32, #tpu.memory_space<hbm>>) target(%dma_start3A_386 : memref<32x1024xf32, #tpu.memory_space<vmem>>) offsets(%dma_start3A_388 : memref<32xi32, #tpu.memory_space<vmem>>) semaphore(%arg7 : memref<!tpu.dma_semaphore, #tpu.memory_space<semaphore_mem>>)
    %dma_wait3A_392 = arith.constant 2 : i32
    %dma_wait3A_393 = arith.constant 0 : i32
    %dma_wait3A_394 = arith.constant 0 : i32
    %dma_wait3A_395 = tpu.memref_slice %arg6[%dma_wait3A_392, %dma_wait3A_393, %dma_wait3A_394] : memref<3x32x1024xf32, #tpu.memory_space<vmem>> -> memref<1x32x1024xf32, #tpu.memory_space<vmem>>
    %dma_wait3A_396 = tpu.memref_squeeze %dma_wait3A_395 : memref<1x32x1024xf32, #tpu.memory_space<vmem>> -> memref<32x1024xf32, #tpu.memory_space<vmem>>
    %dma_wait3A_397 = arith.constant 256 : i32
    %dma_wait3A_398 = tpu.memref_slice %arg5[%dma_wait3A_397] : memref<928xi32, #tpu.memory_space<vmem>> -> memref<32xi32, #tpu.memory_space<vmem>>
    %dma_wait3A_399 = arith.constant 0 : i32
    %dma_wait3A_400 = arith.constant 0 : i32
    %dma_wait3A_401 = tpu.memref_slice %arg2[%dma_wait3A_399, %dma_wait3A_400] : memref<16384x1024xf32, #tpu.memory_space<hbm>> -> memref<16384x1024xf32, #tpu.memory_space<hbm>>
    tpu.wait_indirect_dma semaphore(%arg7 : memref<!tpu.dma_semaphore, #tpu.memory_space<semaphore_mem>>) src(%dma_wait3A_401 : memref<16384x1024xf32, #tpu.memory_space<hbm>>) dst(%dma_wait3A_396 : memref<32x1024xf32, #tpu.memory_space<vmem>>)
    %add3A_402 = arith.constant 256 : i32
    %add3A_403 = arith.addi %multiple_of3A, %add3A_402 : i32
    %dma_start3A_404 = arith.constant 2 : i32
    %dma_start3A_405 = arith.constant 0 : i32
    %dma_start3A_406 = arith.constant 0 : i32
    %dma_start3A_407 = tpu.memref_slice %arg6[%dma_start3A_404, %dma_start3A_405, %dma_start3A_406] : memref<3x32x1024xf32, #tpu.memory_space<vmem>> -> memref<1x32x1024xf32, #tpu.memory_space<vmem>>
    %dma_start3A_408 = tpu.memref_squeeze %dma_start3A_407 : memref<1x32x1024xf32, #tpu.memory_space<vmem>> -> memref<32x1024xf32, #tpu.memory_space<vmem>>
    %dma_start3A_409 = arith.constant 0 : i32
    %dma_start3A_410 = tpu.memref_slice %arg4[%add3A_403, %dma_start3A_409] : memref<29696x1024xf32, #tpu.memory_space<hbm>> -> memref<32x1024xf32, #tpu.memory_space<hbm>>
    %dma_start3A_411 = arith.constant 0 : i32
    %dma_start3A_412 = tpu.memref_slice %arg4[%add3A_403, %dma_start3A_411] : memref<29696x1024xf32, #tpu.memory_space<hbm>> -> memref<32x1024xf32, #tpu.memory_space<hbm>>
    %dma_start3A_413 = arith.constant 0 : i32
    %dma_start3A_414 = arith.constant 0 : i32
    %dma_start3A_415 = tpu.memref_slice %arg6[%dma_start3A_404, %dma_start3A_413, %dma_start3A_414] : memref<3x32x1024xf32, #tpu.memory_space<vmem>> -> memref<1x32x1024xf32, #tpu.memory_space<vmem>>
    %dma_start3A_416 = tpu.memref_squeeze %dma_start3A_415 : memref<1x32x1024xf32, #tpu.memory_space<vmem>> -> memref<32x1024xf32, #tpu.memory_space<vmem>>
    tpu.enqueue_dma source(%dma_start3A_416 : memref<32x1024xf32, #tpu.memory_space<vmem>>) target(%dma_start3A_412 : memref<32x1024xf32, #tpu.memory_space<hbm>>) target_semaphore(%arg8 : memref<!tpu.dma_semaphore, #tpu.memory_space<semaphore_mem>>)
    %dma_wait3A_417 = arith.constant 1 : i32
    %dma_wait3A_418 = arith.constant 0 : i32
    %dma_wait3A_419 = arith.constant 0 : i32
    %dma_wait3A_420 = tpu.memref_slice %arg6[%dma_wait3A_417, %dma_wait3A_418, %dma_wait3A_419] : memref<3x32x1024xf32, #tpu.memory_space<vmem>> -> memref<1x32x1024xf32, #tpu.memory_space<vmem>>
    %dma_wait3A_421 = tpu.memref_squeeze %dma_wait3A_420 : memref<1x32x1024xf32, #tpu.memory_space<vmem>> -> memref<32x1024xf32, #tpu.memory_space<vmem>>
    %dma_wait3A_422 = arith.constant 0 : i32
    %dma_wait3A_423 = tpu.memref_slice %arg4[%add3A_355, %dma_wait3A_422] : memref<29696x1024xf32, #tpu.memory_space<hbm>> -> memref<32x1024xf32, #tpu.memory_space<hbm>>
    %dma_wait3A_424 = arith.constant 0 : i32
    %dma_wait3A_425 = tpu.memref_slice %arg4[%add3A_355, %dma_wait3A_424] : memref<29696x1024xf32, #tpu.memory_space<hbm>> -> memref<32x1024xf32, #tpu.memory_space<hbm>>
    %dma_wait3A_426 = arith.constant 0 : i32
    %dma_wait3A_427 = arith.constant 0 : i32
    %dma_wait3A_428 = tpu.memref_slice %arg6[%dma_wait3A_417, %dma_wait3A_426, %dma_wait3A_427] : memref<3x32x1024xf32, #tpu.memory_space<vmem>> -> memref<1x32x1024xf32, #tpu.memory_space<vmem>>
    %dma_wait3A_429 = tpu.memref_squeeze %dma_wait3A_428 : memref<1x32x1024xf32, #tpu.memory_space<vmem>> -> memref<32x1024xf32, #tpu.memory_space<vmem>>
    tpu.wait_dma2 semaphore(%arg8 : memref<!tpu.dma_semaphore, #tpu.memory_space<semaphore_mem>>) src(%dma_wait3A_429 : memref<32x1024xf32, #tpu.memory_space<vmem>>) dst(%dma_wait3A_425 : memref<32x1024xf32, #tpu.memory_space<hbm>>)
    %dma_start3A_430 = arith.constant 1 : i32
    %dma_start3A_431 = arith.constant 0 : i32
    %dma_start3A_432 = arith.constant 0 : i32
    %dma_start3A_433 = tpu.memref_slice %arg6[%dma_start3A_430, %dma_start3A_431, %dma_start3A_432] : memref<3x32x1024xf32, #tpu.memory_space<vmem>> -> memref<1x32x1024xf32, #tpu.memory_space<vmem>>
    %dma_start3A_434 = tpu.memref_squeeze %dma_start3A_433 : memref<1x32x1024xf32, #tpu.memory_space<vmem>> -> memref<32x1024xf32, #tpu.memory_space<vmem>>
    %dma_start3A_435 = arith.constant 320 : i32
    %dma_start3A_436 = tpu.memref_slice %arg5[%dma_start3A_435] : memref<928xi32, #tpu.memory_space<vmem>> -> memref<32xi32, #tpu.memory_space<vmem>>
    %dma_start3A_437 = arith.constant 0 : i32
    %dma_start3A_438 = arith.constant 0 : i32
    %dma_start3A_439 = tpu.memref_slice %arg2[%dma_start3A_437, %dma_start3A_438] : memref<16384x1024xf32, #tpu.memory_space<hbm>> -> memref<16384x1024xf32, #tpu.memory_space<hbm>>
    tpu.enqueue_indirect_dma source(%dma_start3A_439 : memref<16384x1024xf32, #tpu.memory_space<hbm>>) target(%dma_start3A_434 : memref<32x1024xf32, #tpu.memory_space<vmem>>) offsets(%dma_start3A_436 : memref<32xi32, #tpu.memory_space<vmem>>) semaphore(%arg7 : memref<!tpu.dma_semaphore, #tpu.memory_space<semaphore_mem>>)
    %dma_wait3A_440 = arith.constant 0 : i32
    %dma_wait3A_441 = arith.constant 0 : i32
    %dma_wait3A_442 = arith.constant 0 : i32
    %dma_wait3A_443 = tpu.memref_slice %arg6[%dma_wait3A_440, %dma_wait3A_441, %dma_wait3A_442] : memref<3x32x1024xf32, #tpu.memory_space<vmem>> -> memref<1x32x1024xf32, #tpu.memory_space<vmem>>
    %dma_wait3A_444 = tpu.memref_squeeze %dma_wait3A_443 : memref<1x32x1024xf32, #tpu.memory_space<vmem>> -> memref<32x1024xf32, #tpu.memory_space<vmem>>
    %dma_wait3A_445 = arith.constant 288 : i32
    %dma_wait3A_446 = tpu.memref_slice %arg5[%dma_wait3A_445] : memref<928xi32, #tpu.memory_space<vmem>> -> memref<32xi32, #tpu.memory_space<vmem>>
    %dma_wait3A_447 = arith.constant 0 : i32
    %dma_wait3A_448 = arith.constant 0 : i32
    %dma_wait3A_449 = tpu.memref_slice %arg2[%dma_wait3A_447, %dma_wait3A_448] : memref<16384x1024xf32, #tpu.memory_space<hbm>> -> memref<16384x1024xf32, #tpu.memory_space<hbm>>
    tpu.wait_indirect_dma semaphore(%arg7 : memref<!tpu.dma_semaphore, #tpu.memory_space<semaphore_mem>>) src(%dma_wait3A_449 : memref<16384x1024xf32, #tpu.memory_space<hbm>>) dst(%dma_wait3A_444 : memref<32x1024xf32, #tpu.memory_space<vmem>>)
    %add3A_450 = arith.constant 288 : i32
    %add3A_451 = arith.addi %multiple_of3A, %add3A_450 : i32
    %dma_start3A_452 = arith.constant 0 : i32
    %dma_start3A_453 = arith.constant 0 : i32
    %dma_start3A_454 = arith.constant 0 : i32
    %dma_start3A_455 = tpu.memref_slice %arg6[%dma_start3A_452, %dma_start3A_453, %dma_start3A_454] : memref<3x32x1024xf32, #tpu.memory_space<vmem>> -> memref<1x32x1024xf32, #tpu.memory_space<vmem>>
    %dma_start3A_456 = tpu.memref_squeeze %dma_start3A_455 : memref<1x32x1024xf32, #tpu.memory_space<vmem>> -> memref<32x1024xf32, #tpu.memory_space<vmem>>
    %dma_start3A_457 = arith.constant 0 : i32
    %dma_start3A_458 = tpu.memref_slice %arg4[%add3A_451, %dma_start3A_457] : memref<29696x1024xf32, #tpu.memory_space<hbm>> -> memref<32x1024xf32, #tpu.memory_space<hbm>>
    %dma_start3A_459 = arith.constant 0 : i32
    %dma_start3A_460 = tpu.memref_slice %arg4[%add3A_451, %dma_start3A_459] : memref<29696x1024xf32, #tpu.memory_space<hbm>> -> memref<32x1024xf32, #tpu.memory_space<hbm>>
    %dma_start3A_461 = arith.constant 0 : i32
    %dma_start3A_462 = arith.constant 0 : i32
    %dma_start3A_463 = tpu.memref_slice %arg6[%dma_start3A_452, %dma_start3A_461, %dma_start3A_462] : memref<3x32x1024xf32, #tpu.memory_space<vmem>> -> memref<1x32x1024xf32, #tpu.memory_space<vmem>>
    %dma_start3A_464 = tpu.memref_squeeze %dma_start3A_463 : memref<1x32x1024xf32, #tpu.memory_space<vmem>> -> memref<32x1024xf32, #tpu.memory_space<vmem>>
    tpu.enqueue_dma source(%dma_start3A_464 : memref<32x1024xf32, #tpu.memory_space<vmem>>) target(%dma_start3A_460 : memref<32x1024xf32, #tpu.memory_space<hbm>>) target_semaphore(%arg8 : memref<!tpu.dma_semaphore, #tpu.memory_space<semaphore_mem>>)
    %dma_wait3A_465 = arith.constant 2 : i32
    %dma_wait3A_466 = arith.constant 0 : i32
    %dma_wait3A_467 = arith.constant 0 : i32
    %dma_wait3A_468 = tpu.memref_slice %arg6[%dma_wait3A_465, %dma_wait3A_466, %dma_wait3A_467] : memref<3x32x1024xf32, #tpu.memory_space<vmem>> -> memref<1x32x1024xf32, #tpu.memory_space<vmem>>
    %dma_wait3A_469 = tpu.memref_squeeze %dma_wait3A_468 : memref<1x32x1024xf32, #tpu.memory_space<vmem>> -> memref<32x1024xf32, #tpu.memory_space<vmem>>
    %dma_wait3A_470 = arith.constant 0 : i32
    %dma_wait3A_471 = tpu.memref_slice %arg4[%add3A_403, %dma_wait3A_470] : memref<29696x1024xf32, #tpu.memory_space<hbm>> -> memref<32x1024xf32, #tpu.memory_space<hbm>>
    %dma_wait3A_472 = arith.constant 0 : i32
    %dma_wait3A_473 = tpu.memref_slice %arg4[%add3A_403, %dma_wait3A_472] : memref<29696x1024xf32, #tpu.memory_space<hbm>> -> memref<32x1024xf32, #tpu.memory_space<hbm>>
    %dma_wait3A_474 = arith.constant 0 : i32
    %dma_wait3A_475 = arith.constant 0 : i32
    %dma_wait3A_476 = tpu.memref_slice %arg6[%dma_wait3A_465, %dma_wait3A_474, %dma_wait3A_475] : memref<3x32x1024xf32, #tpu.memory_space<vmem>> -> memref<1x32x1024xf32, #tpu.memory_space<vmem>>
    %dma_wait3A_477 = tpu.memref_squeeze %dma_wait3A_476 : memref<1x32x1024xf32, #tpu.memory_space<vmem>> -> memref<32x1024xf32, #tpu.memory_space<vmem>>
    tpu.wait_dma2 semaphore(%arg8 : memref<!tpu.dma_semaphore, #tpu.memory_space<semaphore_mem>>) src(%dma_wait3A_477 : memref<32x1024xf32, #tpu.memory_space<vmem>>) dst(%dma_wait3A_473 : memref<32x1024xf32, #tpu.memory_space<hbm>>)
    %dma_start3A_478 = arith.constant 2 : i32
    %dma_start3A_479 = arith.constant 0 : i32
    %dma_start3A_480 = arith.constant 0 : i32
    %dma_start3A_481 = tpu.memref_slice %arg6[%dma_start3A_478, %dma_start3A_479, %dma_start3A_480] : memref<3x32x1024xf32, #tpu.memory_space<vmem>> -> memref<1x32x1024xf32, #tpu.memory_space<vmem>>
    %dma_start3A_482 = tpu.memref_squeeze %dma_start3A_481 : memref<1x32x1024xf32, #tpu.memory_space<vmem>> -> memref<32x1024xf32, #tpu.memory_space<vmem>>
    %dma_start3A_483 = arith.constant 352 : i32
    %dma_start3A_484 = tpu.memref_slice %arg5[%dma_start3A_483] : memref<928xi32, #tpu.memory_space<vmem>> -> memref<32xi32, #tpu.memory_space<vmem>>
    %dma_start3A_485 = arith.constant 0 : i32
    %dma_start3A_486 = arith.constant 0 : i32
    %dma_start3A_487 = tpu.memref_slice %arg2[%dma_start3A_485, %dma_start3A_486] : memref<16384x1024xf32, #tpu.memory_space<hbm>> -> memref<16384x1024xf32, #tpu.memory_space<hbm>>
    tpu.enqueue_indirect_dma source(%dma_start3A_487 : memref<16384x1024xf32, #tpu.memory_space<hbm>>) target(%dma_start3A_482 : memref<32x1024xf32, #tpu.memory_space<vmem>>) offsets(%dma_start3A_484 : memref<32xi32, #tpu.memory_space<vmem>>) semaphore(%arg7 : memref<!tpu.dma_semaphore, #tpu.memory_space<semaphore_mem>>)
    %dma_wait3A_488 = arith.constant 1 : i32
    %dma_wait3A_489 = arith.constant 0 : i32
    %dma_wait3A_490 = arith.constant 0 : i32
    %dma_wait3A_491 = tpu.memref_slice %arg6[%dma_wait3A_488, %dma_wait3A_489, %dma_wait3A_490] : memref<3x32x1024xf32, #tpu.memory_space<vmem>> -> memref<1x32x1024xf32, #tpu.memory_space<vmem>>
    %dma_wait3A_492 = tpu.memref_squeeze %dma_wait3A_491 : memref<1x32x1024xf32, #tpu.memory_space<vmem>> -> memref<32x1024xf32, #tpu.memory_space<vmem>>
    %dma_wait3A_493 = arith.constant 320 : i32
    %dma_wait3A_494 = tpu.memref_slice %arg5[%dma_wait3A_493] : memref<928xi32, #tpu.memory_space<vmem>> -> memref<32xi32, #tpu.memory_space<vmem>>
    %dma_wait3A_495 = arith.constant 0 : i32
    %dma_wait3A_496 = arith.constant 0 : i32
    %dma_wait3A_497 = tpu.memref_slice %arg2[%dma_wait3A_495, %dma_wait3A_496] : memref<16384x1024xf32, #tpu.memory_space<hbm>> -> memref<16384x1024xf32, #tpu.memory_space<hbm>>
    tpu.wait_indirect_dma semaphore(%arg7 : memref<!tpu.dma_semaphore, #tpu.memory_space<semaphore_mem>>) src(%dma_wait3A_497 : memref<16384x1024xf32, #tpu.memory_space<hbm>>) dst(%dma_wait3A_492 : memref<32x1024xf32, #tpu.memory_space<vmem>>)
    %add3A_498 = arith.constant 320 : i32
    %add3A_499 = arith.addi %multiple_of3A, %add3A_498 : i32
    %dma_start3A_500 = arith.constant 1 : i32
    %dma_start3A_501 = arith.constant 0 : i32
    %dma_start3A_502 = arith.constant 0 : i32
    %dma_start3A_503 = tpu.memref_slice %arg6[%dma_start3A_500, %dma_start3A_501, %dma_start3A_502] : memref<3x32x1024xf32, #tpu.memory_space<vmem>> -> memref<1x32x1024xf32, #tpu.memory_space<vmem>>
    %dma_start3A_504 = tpu.memref_squeeze %dma_start3A_503 : memref<1x32x1024xf32, #tpu.memory_space<vmem>> -> memref<32x1024xf32, #tpu.memory_space<vmem>>
    %dma_start3A_505 = arith.constant 0 : i32
    %dma_start3A_506 = tpu.memref_slice %arg4[%add3A_499, %dma_start3A_505] : memref<29696x1024xf32, #tpu.memory_space<hbm>> -> memref<32x1024xf32, #tpu.memory_space<hbm>>
    %dma_start3A_507 = arith.constant 0 : i32
    %dma_start3A_508 = tpu.memref_slice %arg4[%add3A_499, %dma_start3A_507] : memref<29696x1024xf32, #tpu.memory_space<hbm>> -> memref<32x1024xf32, #tpu.memory_space<hbm>>
    %dma_start3A_509 = arith.constant 0 : i32
    %dma_start3A_510 = arith.constant 0 : i32
    %dma_start3A_511 = tpu.memref_slice %arg6[%dma_start3A_500, %dma_start3A_509, %dma_start3A_510] : memref<3x32x1024xf32, #tpu.memory_space<vmem>> -> memref<1x32x1024xf32, #tpu.memory_space<vmem>>
    %dma_start3A_512 = tpu.memref_squeeze %dma_start3A_511 : memref<1x32x1024xf32, #tpu.memory_space<vmem>> -> memref<32x1024xf32, #tpu.memory_space<vmem>>
    tpu.enqueue_dma source(%dma_start3A_512 : memref<32x1024xf32, #tpu.memory_space<vmem>>) target(%dma_start3A_508 : memref<32x1024xf32, #tpu.memory_space<hbm>>) target_semaphore(%arg8 : memref<!tpu.dma_semaphore, #tpu.memory_space<semaphore_mem>>)
    %dma_wait3A_513 = arith.constant 0 : i32
    %dma_wait3A_514 = arith.constant 0 : i32
    %dma_wait3A_515 = arith.constant 0 : i32
    %dma_wait3A_516 = tpu.memref_slice %arg6[%dma_wait3A_513, %dma_wait3A_514, %dma_wait3A_515] : memref<3x32x1024xf32, #tpu.memory_space<vmem>> -> memref<1x32x1024xf32, #tpu.memory_space<vmem>>
    %dma_wait3A_517 = tpu.memref_squeeze %dma_wait3A_516 : memref<1x32x1024xf32, #tpu.memory_space<vmem>> -> memref<32x1024xf32, #tpu.memory_space<vmem>>
    %dma_wait3A_518 = arith.constant 0 : i32
    %dma_wait3A_519 = tpu.memref_slice %arg4[%add3A_451, %dma_wait3A_518] : memref<29696x1024xf32, #tpu.memory_space<hbm>> -> memref<32x1024xf32, #tpu.memory_space<hbm>>
    %dma_wait3A_520 = arith.constant 0 : i32
    %dma_wait3A_521 = tpu.memref_slice %arg4[%add3A_451, %dma_wait3A_520] : memref<29696x1024xf32, #tpu.memory_space<hbm>> -> memref<32x1024xf32, #tpu.memory_space<hbm>>
    %dma_wait3A_522 = arith.constant 0 : i32
    %dma_wait3A_523 = arith.constant 0 : i32
    %dma_wait3A_524 = tpu.memref_slice %arg6[%dma_wait3A_513, %dma_wait3A_522, %dma_wait3A_523] : memref<3x32x1024xf32, #tpu.memory_space<vmem>> -> memref<1x32x1024xf32, #tpu.memory_space<vmem>>
    %dma_wait3A_525 = tpu.memref_squeeze %dma_wait3A_524 : memref<1x32x1024xf32, #tpu.memory_space<vmem>> -> memref<32x1024xf32, #tpu.memory_space<vmem>>
    tpu.wait_dma2 semaphore(%arg8 : memref<!tpu.dma_semaphore, #tpu.memory_space<semaphore_mem>>) src(%dma_wait3A_525 : memref<32x1024xf32, #tpu.memory_space<vmem>>) dst(%dma_wait3A_521 : memref<32x1024xf32, #tpu.memory_space<hbm>>)
    %dma_start3A_526 = arith.constant 0 : i32
    %dma_start3A_527 = arith.constant 0 : i32
    %dma_start3A_528 = arith.constant 0 : i32
    %dma_start3A_529 = tpu.memref_slice %arg6[%dma_start3A_526, %dma_start3A_527, %dma_start3A_528] : memref<3x32x1024xf32, #tpu.memory_space<vmem>> -> memref<1x32x1024xf32, #tpu.memory_space<vmem>>
    %dma_start3A_530 = tpu.memref_squeeze %dma_start3A_529 : memref<1x32x1024xf32, #tpu.memory_space<vmem>> -> memref<32x1024xf32, #tpu.memory_space<vmem>>
    %dma_start3A_531 = arith.constant 384 : i32
    %dma_start3A_532 = tpu.memref_slice %arg5[%dma_start3A_531] : memref<928xi32, #tpu.memory_space<vmem>> -> memref<32xi32, #tpu.memory_space<vmem>>
    %dma_start3A_533 = arith.constant 0 : i32
    %dma_start3A_534 = arith.constant 0 : i32
    %dma_start3A_535 = tpu.memref_slice %arg2[%dma_start3A_533, %dma_start3A_534] : memref<16384x1024xf32, #tpu.memory_space<hbm>> -> memref<16384x1024xf32, #tpu.memory_space<hbm>>
    tpu.enqueue_indirect_dma source(%dma_start3A_535 : memref<16384x1024xf32, #tpu.memory_space<hbm>>) target(%dma_start3A_530 : memref<32x1024xf32, #tpu.memory_space<vmem>>) offsets(%dma_start3A_532 : memref<32xi32, #tpu.memory_space<vmem>>) semaphore(%arg7 : memref<!tpu.dma_semaphore, #tpu.memory_space<semaphore_mem>>)
    %dma_wait3A_536 = arith.constant 2 : i32
    %dma_wait3A_537 = arith.constant 0 : i32
    %dma_wait3A_538 = arith.constant 0 : i32
    %dma_wait3A_539 = tpu.memref_slice %arg6[%dma_wait3A_536, %dma_wait3A_537, %dma_wait3A_538] : memref<3x32x1024xf32, #tpu.memory_space<vmem>> -> memref<1x32x1024xf32, #tpu.memory_space<vmem>>
    %dma_wait3A_540 = tpu.memref_squeeze %dma_wait3A_539 : memref<1x32x1024xf32, #tpu.memory_space<vmem>> -> memref<32x1024xf32, #tpu.memory_space<vmem>>
    %dma_wait3A_541 = arith.constant 352 : i32
    %dma_wait3A_542 = tpu.memref_slice %arg5[%dma_wait3A_541] : memref<928xi32, #tpu.memory_space<vmem>> -> memref<32xi32, #tpu.memory_space<vmem>>
    %dma_wait3A_543 = arith.constant 0 : i32
    %dma_wait3A_544 = arith.constant 0 : i32
    %dma_wait3A_545 = tpu.memref_slice %arg2[%dma_wait3A_543, %dma_wait3A_544] : memref<16384x1024xf32, #tpu.memory_space<hbm>> -> memref<16384x1024xf32, #tpu.memory_space<hbm>>
    tpu.wait_indirect_dma semaphore(%arg7 : memref<!tpu.dma_semaphore, #tpu.memory_space<semaphore_mem>>) src(%dma_wait3A_545 : memref<16384x1024xf32, #tpu.memory_space<hbm>>) dst(%dma_wait3A_540 : memref<32x1024xf32, #tpu.memory_space<vmem>>)
    %add3A_546 = arith.constant 352 : i32
    %add3A_547 = arith.addi %multiple_of3A, %add3A_546 : i32
    %dma_start3A_548 = arith.constant 2 : i32
    %dma_start3A_549 = arith.constant 0 : i32
    %dma_start3A_550 = arith.constant 0 : i32
    %dma_start3A_551 = tpu.memref_slice %arg6[%dma_start3A_548, %dma_start3A_549, %dma_start3A_550] : memref<3x32x1024xf32, #tpu.memory_space<vmem>> -> memref<1x32x1024xf32, #tpu.memory_space<vmem>>
    %dma_start3A_552 = tpu.memref_squeeze %dma_start3A_551 : memref<1x32x1024xf32, #tpu.memory_space<vmem>> -> memref<32x1024xf32, #tpu.memory_space<vmem>>
    %dma_start3A_553 = arith.constant 0 : i32
    %dma_start3A_554 = tpu.memref_slice %arg4[%add3A_547, %dma_start3A_553] : memref<29696x1024xf32, #tpu.memory_space<hbm>> -> memref<32x1024xf32, #tpu.memory_space<hbm>>
    %dma_start3A_555 = arith.constant 0 : i32
    %dma_start3A_556 = tpu.memref_slice %arg4[%add3A_547, %dma_start3A_555] : memref<29696x1024xf32, #tpu.memory_space<hbm>> -> memref<32x1024xf32, #tpu.memory_space<hbm>>
    %dma_start3A_557 = arith.constant 0 : i32
    %dma_start3A_558 = arith.constant 0 : i32
    %dma_start3A_559 = tpu.memref_slice %arg6[%dma_start3A_548, %dma_start3A_557, %dma_start3A_558] : memref<3x32x1024xf32, #tpu.memory_space<vmem>> -> memref<1x32x1024xf32, #tpu.memory_space<vmem>>
    %dma_start3A_560 = tpu.memref_squeeze %dma_start3A_559 : memref<1x32x1024xf32, #tpu.memory_space<vmem>> -> memref<32x1024xf32, #tpu.memory_space<vmem>>
    tpu.enqueue_dma source(%dma_start3A_560 : memref<32x1024xf32, #tpu.memory_space<vmem>>) target(%dma_start3A_556 : memref<32x1024xf32, #tpu.memory_space<hbm>>) target_semaphore(%arg8 : memref<!tpu.dma_semaphore, #tpu.memory_space<semaphore_mem>>)
    %dma_wait3A_561 = arith.constant 1 : i32
    %dma_wait3A_562 = arith.constant 0 : i32
    %dma_wait3A_563 = arith.constant 0 : i32
    %dma_wait3A_564 = tpu.memref_slice %arg6[%dma_wait3A_561, %dma_wait3A_562, %dma_wait3A_563] : memref<3x32x1024xf32, #tpu.memory_space<vmem>> -> memref<1x32x1024xf32, #tpu.memory_space<vmem>>
    %dma_wait3A_565 = tpu.memref_squeeze %dma_wait3A_564 : memref<1x32x1024xf32, #tpu.memory_space<vmem>> -> memref<32x1024xf32, #tpu.memory_space<vmem>>
    %dma_wait3A_566 = arith.constant 0 : i32
    %dma_wait3A_567 = tpu.memref_slice %arg4[%add3A_499, %dma_wait3A_566] : memref<29696x1024xf32, #tpu.memory_space<hbm>> -> memref<32x1024xf32, #tpu.memory_space<hbm>>
    %dma_wait3A_568 = arith.constant 0 : i32
    %dma_wait3A_569 = tpu.memref_slice %arg4[%add3A_499, %dma_wait3A_568] : memref<29696x1024xf32, #tpu.memory_space<hbm>> -> memref<32x1024xf32, #tpu.memory_space<hbm>>
    %dma_wait3A_570 = arith.constant 0 : i32
    %dma_wait3A_571 = arith.constant 0 : i32
    %dma_wait3A_572 = tpu.memref_slice %arg6[%dma_wait3A_561, %dma_wait3A_570, %dma_wait3A_571] : memref<3x32x1024xf32, #tpu.memory_space<vmem>> -> memref<1x32x1024xf32, #tpu.memory_space<vmem>>
    %dma_wait3A_573 = tpu.memref_squeeze %dma_wait3A_572 : memref<1x32x1024xf32, #tpu.memory_space<vmem>> -> memref<32x1024xf32, #tpu.memory_space<vmem>>
    tpu.wait_dma2 semaphore(%arg8 : memref<!tpu.dma_semaphore, #tpu.memory_space<semaphore_mem>>) src(%dma_wait3A_573 : memref<32x1024xf32, #tpu.memory_space<vmem>>) dst(%dma_wait3A_569 : memref<32x1024xf32, #tpu.memory_space<hbm>>)
    %dma_start3A_574 = arith.constant 1 : i32
    %dma_start3A_575 = arith.constant 0 : i32
    %dma_start3A_576 = arith.constant 0 : i32
    %dma_start3A_577 = tpu.memref_slice %arg6[%dma_start3A_574, %dma_start3A_575, %dma_start3A_576] : memref<3x32x1024xf32, #tpu.memory_space<vmem>> -> memref<1x32x1024xf32, #tpu.memory_space<vmem>>
    %dma_start3A_578 = tpu.memref_squeeze %dma_start3A_577 : memref<1x32x1024xf32, #tpu.memory_space<vmem>> -> memref<32x1024xf32, #tpu.memory_space<vmem>>
    %dma_start3A_579 = arith.constant 416 : i32
    %dma_start3A_580 = tpu.memref_slice %arg5[%dma_start3A_579] : memref<928xi32, #tpu.memory_space<vmem>> -> memref<32xi32, #tpu.memory_space<vmem>>
    %dma_start3A_581 = arith.constant 0 : i32
    %dma_start3A_582 = arith.constant 0 : i32
    %dma_start3A_583 = tpu.memref_slice %arg2[%dma_start3A_581, %dma_start3A_582] : memref<16384x1024xf32, #tpu.memory_space<hbm>> -> memref<16384x1024xf32, #tpu.memory_space<hbm>>
    tpu.enqueue_indirect_dma source(%dma_start3A_583 : memref<16384x1024xf32, #tpu.memory_space<hbm>>) target(%dma_start3A_578 : memref<32x1024xf32, #tpu.memory_space<vmem>>) offsets(%dma_start3A_580 : memref<32xi32, #tpu.memory_space<vmem>>) semaphore(%arg7 : memref<!tpu.dma_semaphore, #tpu.memory_space<semaphore_mem>>)
    %dma_wait3A_584 = arith.constant 0 : i32
    %dma_wait3A_585 = arith.constant 0 : i32
    %dma_wait3A_586 = arith.constant 0 : i32
    %dma_wait3A_587 = tpu.memref_slice %arg6[%dma_wait3A_584, %dma_wait3A_585, %dma_wait3A_586] : memref<3x32x1024xf32, #tpu.memory_space<vmem>> -> memref<1x32x1024xf32, #tpu.memory_space<vmem>>
    %dma_wait3A_588 = tpu.memref_squeeze %dma_wait3A_587 : memref<1x32x1024xf32, #tpu.memory_space<vmem>> -> memref<32x1024xf32, #tpu.memory_space<vmem>>
    %dma_wait3A_589 = arith.constant 384 : i32
    %dma_wait3A_590 = tpu.memref_slice %arg5[%dma_wait3A_589] : memref<928xi32, #tpu.memory_space<vmem>> -> memref<32xi32, #tpu.memory_space<vmem>>
    %dma_wait3A_591 = arith.constant 0 : i32
    %dma_wait3A_592 = arith.constant 0 : i32
    %dma_wait3A_593 = tpu.memref_slice %arg2[%dma_wait3A_591, %dma_wait3A_592] : memref<16384x1024xf32, #tpu.memory_space<hbm>> -> memref<16384x1024xf32, #tpu.memory_space<hbm>>
    tpu.wait_indirect_dma semaphore(%arg7 : memref<!tpu.dma_semaphore, #tpu.memory_space<semaphore_mem>>) src(%dma_wait3A_593 : memref<16384x1024xf32, #tpu.memory_space<hbm>>) dst(%dma_wait3A_588 : memref<32x1024xf32, #tpu.memory_space<vmem>>)
    %add3A_594 = arith.constant 384 : i32
    %add3A_595 = arith.addi %multiple_of3A, %add3A_594 : i32
    %dma_start3A_596 = arith.constant 0 : i32
    %dma_start3A_597 = arith.constant 0 : i32
    %dma_start3A_598 = arith.constant 0 : i32
    %dma_start3A_599 = tpu.memref_slice %arg6[%dma_start3A_596, %dma_start3A_597, %dma_start3A_598] : memref<3x32x1024xf32, #tpu.memory_space<vmem>> -> memref<1x32x1024xf32, #tpu.memory_space<vmem>>
    %dma_start3A_600 = tpu.memref_squeeze %dma_start3A_599 : memref<1x32x1024xf32, #tpu.memory_space<vmem>> -> memref<32x1024xf32, #tpu.memory_space<vmem>>
    %dma_start3A_601 = arith.constant 0 : i32
    %dma_start3A_602 = tpu.memref_slice %arg4[%add3A_595, %dma_start3A_601] : memref<29696x1024xf32, #tpu.memory_space<hbm>> -> memref<32x1024xf32, #tpu.memory_space<hbm>>
    %dma_start3A_603 = arith.constant 0 : i32
    %dma_start3A_604 = tpu.memref_slice %arg4[%add3A_595, %dma_start3A_603] : memref<29696x1024xf32, #tpu.memory_space<hbm>> -> memref<32x1024xf32, #tpu.memory_space<hbm>>
    %dma_start3A_605 = arith.constant 0 : i32
    %dma_start3A_606 = arith.constant 0 : i32
    %dma_start3A_607 = tpu.memref_slice %arg6[%dma_start3A_596, %dma_start3A_605, %dma_start3A_606] : memref<3x32x1024xf32, #tpu.memory_space<vmem>> -> memref<1x32x1024xf32, #tpu.memory_space<vmem>>
    %dma_start3A_608 = tpu.memref_squeeze %dma_start3A_607 : memref<1x32x1024xf32, #tpu.memory_space<vmem>> -> memref<32x1024xf32, #tpu.memory_space<vmem>>
    tpu.enqueue_dma source(%dma_start3A_608 : memref<32x1024xf32, #tpu.memory_space<vmem>>) target(%dma_start3A_604 : memref<32x1024xf32, #tpu.memory_space<hbm>>) target_semaphore(%arg8 : memref<!tpu.dma_semaphore, #tpu.memory_space<semaphore_mem>>)
    %dma_wait3A_609 = arith.constant 2 : i32
    %dma_wait3A_610 = arith.constant 0 : i32
    %dma_wait3A_611 = arith.constant 0 : i32
    %dma_wait3A_612 = tpu.memref_slice %arg6[%dma_wait3A_609, %dma_wait3A_610, %dma_wait3A_611] : memref<3x32x1024xf32, #tpu.memory_space<vmem>> -> memref<1x32x1024xf32, #tpu.memory_space<vmem>>
    %dma_wait3A_613 = tpu.memref_squeeze %dma_wait3A_612 : memref<1x32x1024xf32, #tpu.memory_space<vmem>> -> memref<32x1024xf32, #tpu.memory_space<vmem>>
    %dma_wait3A_614 = arith.constant 0 : i32
    %dma_wait3A_615 = tpu.memref_slice %arg4[%add3A_547, %dma_wait3A_614] : memref<29696x1024xf32, #tpu.memory_space<hbm>> -> memref<32x1024xf32, #tpu.memory_space<hbm>>
    %dma_wait3A_616 = arith.constant 0 : i32
    %dma_wait3A_617 = tpu.memref_slice %arg4[%add3A_547, %dma_wait3A_616] : memref<29696x1024xf32, #tpu.memory_space<hbm>> -> memref<32x1024xf32, #tpu.memory_space<hbm>>
    %dma_wait3A_618 = arith.constant 0 : i32
    %dma_wait3A_619 = arith.constant 0 : i32
    %dma_wait3A_620 = tpu.memref_slice %arg6[%dma_wait3A_609, %dma_wait3A_618, %dma_wait3A_619] : memref<3x32x1024xf32, #tpu.memory_space<vmem>> -> memref<1x32x1024xf32, #tpu.memory_space<vmem>>
    %dma_wait3A_621 = tpu.memref_squeeze %dma_wait3A_620 : memref<1x32x1024xf32, #tpu.memory_space<vmem>> -> memref<32x1024xf32, #tpu.memory_space<vmem>>
    tpu.wait_dma2 semaphore(%arg8 : memref<!tpu.dma_semaphore, #tpu.memory_space<semaphore_mem>>) src(%dma_wait3A_621 : memref<32x1024xf32, #tpu.memory_space<vmem>>) dst(%dma_wait3A_617 : memref<32x1024xf32, #tpu.memory_space<hbm>>)
    %dma_start3A_622 = arith.constant 2 : i32
    %dma_start3A_623 = arith.constant 0 : i32
    %dma_start3A_624 = arith.constant 0 : i32
    %dma_start3A_625 = tpu.memref_slice %arg6[%dma_start3A_622, %dma_start3A_623, %dma_start3A_624] : memref<3x32x1024xf32, #tpu.memory_space<vmem>> -> memref<1x32x1024xf32, #tpu.memory_space<vmem>>
    %dma_start3A_626 = tpu.memref_squeeze %dma_start3A_625 : memref<1x32x1024xf32, #tpu.memory_space<vmem>> -> memref<32x1024xf32, #tpu.memory_space<vmem>>
    %dma_start3A_627 = arith.constant 448 : i32
    %dma_start3A_628 = tpu.memref_slice %arg5[%dma_start3A_627] : memref<928xi32, #tpu.memory_space<vmem>> -> memref<32xi32, #tpu.memory_space<vmem>>
    %dma_start3A_629 = arith.constant 0 : i32
    %dma_start3A_630 = arith.constant 0 : i32
    %dma_start3A_631 = tpu.memref_slice %arg2[%dma_start3A_629, %dma_start3A_630] : memref<16384x1024xf32, #tpu.memory_space<hbm>> -> memref<16384x1024xf32, #tpu.memory_space<hbm>>
    tpu.enqueue_indirect_dma source(%dma_start3A_631 : memref<16384x1024xf32, #tpu.memory_space<hbm>>) target(%dma_start3A_626 : memref<32x1024xf32, #tpu.memory_space<vmem>>) offsets(%dma_start3A_628 : memref<32xi32, #tpu.memory_space<vmem>>) semaphore(%arg7 : memref<!tpu.dma_semaphore, #tpu.memory_space<semaphore_mem>>)
    %dma_wait3A_632 = arith.constant 1 : i32
    %dma_wait3A_633 = arith.constant 0 : i32
    %dma_wait3A_634 = arith.constant 0 : i32
    %dma_wait3A_635 = tpu.memref_slice %arg6[%dma_wait3A_632, %dma_wait3A_633, %dma_wait3A_634] : memref<3x32x1024xf32, #tpu.memory_space<vmem>> -> memref<1x32x1024xf32, #tpu.memory_space<vmem>>
    %dma_wait3A_636 = tpu.memref_squeeze %dma_wait3A_635 : memref<1x32x1024xf32, #tpu.memory_space<vmem>> -> memref<32x1024xf32, #tpu.memory_space<vmem>>
    %dma_wait3A_637 = arith.constant 416 : i32
    %dma_wait3A_638 = tpu.memref_slice %arg5[%dma_wait3A_637] : memref<928xi32, #tpu.memory_space<vmem>> -> memref<32xi32, #tpu.memory_space<vmem>>
    %dma_wait3A_639 = arith.constant 0 : i32
    %dma_wait3A_640 = arith.constant 0 : i32
    %dma_wait3A_641 = tpu.memref_slice %arg2[%dma_wait3A_639, %dma_wait3A_640] : memref<16384x1024xf32, #tpu.memory_space<hbm>> -> memref<16384x1024xf32, #tpu.memory_space<hbm>>
    tpu.wait_indirect_dma semaphore(%arg7 : memref<!tpu.dma_semaphore, #tpu.memory_space<semaphore_mem>>) src(%dma_wait3A_641 : memref<16384x1024xf32, #tpu.memory_space<hbm>>) dst(%dma_wait3A_636 : memref<32x1024xf32, #tpu.memory_space<vmem>>)
    %add3A_642 = arith.constant 416 : i32
    %add3A_643 = arith.addi %multiple_of3A, %add3A_642 : i32
    %dma_start3A_644 = arith.constant 1 : i32
    %dma_start3A_645 = arith.constant 0 : i32
    %dma_start3A_646 = arith.constant 0 : i32
    %dma_start3A_647 = tpu.memref_slice %arg6[%dma_start3A_644, %dma_start3A_645, %dma_start3A_646] : memref<3x32x1024xf32, #tpu.memory_space<vmem>> -> memref<1x32x1024xf32, #tpu.memory_space<vmem>>
    %dma_start3A_648 = tpu.memref_squeeze %dma_start3A_647 : memref<1x32x1024xf32, #tpu.memory_space<vmem>> -> memref<32x1024xf32, #tpu.memory_space<vmem>>
    %dma_start3A_649 = arith.constant 0 : i32
    %dma_start3A_650 = tpu.memref_slice %arg4[%add3A_643, %dma_start3A_649] : memref<29696x1024xf32, #tpu.memory_space<hbm>> -> memref<32x1024xf32, #tpu.memory_space<hbm>>
    %dma_start3A_651 = arith.constant 0 : i32
    %dma_start3A_652 = tpu.memref_slice %arg4[%add3A_643, %dma_start3A_651] : memref<29696x1024xf32, #tpu.memory_space<hbm>> -> memref<32x1024xf32, #tpu.memory_space<hbm>>
    %dma_start3A_653 = arith.constant 0 : i32
    %dma_start3A_654 = arith.constant 0 : i32
    %dma_start3A_655 = tpu.memref_slice %arg6[%dma_start3A_644, %dma_start3A_653, %dma_start3A_654] : memref<3x32x1024xf32, #tpu.memory_space<vmem>> -> memref<1x32x1024xf32, #tpu.memory_space<vmem>>
    %dma_start3A_656 = tpu.memref_squeeze %dma_start3A_655 : memref<1x32x1024xf32, #tpu.memory_space<vmem>> -> memref<32x1024xf32, #tpu.memory_space<vmem>>
    tpu.enqueue_dma source(%dma_start3A_656 : memref<32x1024xf32, #tpu.memory_space<vmem>>) target(%dma_start3A_652 : memref<32x1024xf32, #tpu.memory_space<hbm>>) target_semaphore(%arg8 : memref<!tpu.dma_semaphore, #tpu.memory_space<semaphore_mem>>)
    %dma_wait3A_657 = arith.constant 0 : i32
    %dma_wait3A_658 = arith.constant 0 : i32
    %dma_wait3A_659 = arith.constant 0 : i32
    %dma_wait3A_660 = tpu.memref_slice %arg6[%dma_wait3A_657, %dma_wait3A_658, %dma_wait3A_659] : memref<3x32x1024xf32, #tpu.memory_space<vmem>> -> memref<1x32x1024xf32, #tpu.memory_space<vmem>>
    %dma_wait3A_661 = tpu.memref_squeeze %dma_wait3A_660 : memref<1x32x1024xf32, #tpu.memory_space<vmem>> -> memref<32x1024xf32, #tpu.memory_space<vmem>>
    %dma_wait3A_662 = arith.constant 0 : i32
    %dma_wait3A_663 = tpu.memref_slice %arg4[%add3A_595, %dma_wait3A_662] : memref<29696x1024xf32, #tpu.memory_space<hbm>> -> memref<32x1024xf32, #tpu.memory_space<hbm>>
    %dma_wait3A_664 = arith.constant 0 : i32
    %dma_wait3A_665 = tpu.memref_slice %arg4[%add3A_595, %dma_wait3A_664] : memref<29696x1024xf32, #tpu.memory_space<hbm>> -> memref<32x1024xf32, #tpu.memory_space<hbm>>
    %dma_wait3A_666 = arith.constant 0 : i32
    %dma_wait3A_667 = arith.constant 0 : i32
    %dma_wait3A_668 = tpu.memref_slice %arg6[%dma_wait3A_657, %dma_wait3A_666, %dma_wait3A_667] : memref<3x32x1024xf32, #tpu.memory_space<vmem>> -> memref<1x32x1024xf32, #tpu.memory_space<vmem>>
    %dma_wait3A_669 = tpu.memref_squeeze %dma_wait3A_668 : memref<1x32x1024xf32, #tpu.memory_space<vmem>> -> memref<32x1024xf32, #tpu.memory_space<vmem>>
    tpu.wait_dma2 semaphore(%arg8 : memref<!tpu.dma_semaphore, #tpu.memory_space<semaphore_mem>>) src(%dma_wait3A_669 : memref<32x1024xf32, #tpu.memory_space<vmem>>) dst(%dma_wait3A_665 : memref<32x1024xf32, #tpu.memory_space<hbm>>)
    %dma_start3A_670 = arith.constant 0 : i32
    %dma_start3A_671 = arith.constant 0 : i32
    %dma_start3A_672 = arith.constant 0 : i32
    %dma_start3A_673 = tpu.memref_slice %arg6[%dma_start3A_670, %dma_start3A_671, %dma_start3A_672] : memref<3x32x1024xf32, #tpu.memory_space<vmem>> -> memref<1x32x1024xf32, #tpu.memory_space<vmem>>
    %dma_start3A_674 = tpu.memref_squeeze %dma_start3A_673 : memref<1x32x1024xf32, #tpu.memory_space<vmem>> -> memref<32x1024xf32, #tpu.memory_space<vmem>>
    %dma_start3A_675 = arith.constant 480 : i32
    %dma_start3A_676 = tpu.memref_slice %arg5[%dma_start3A_675] : memref<928xi32, #tpu.memory_space<vmem>> -> memref<32xi32, #tpu.memory_space<vmem>>
    %dma_start3A_677 = arith.constant 0 : i32
    %dma_start3A_678 = arith.constant 0 : i32
    %dma_start3A_679 = tpu.memref_slice %arg2[%dma_start3A_677, %dma_start3A_678] : memref<16384x1024xf32, #tpu.memory_space<hbm>> -> memref<16384x1024xf32, #tpu.memory_space<hbm>>
    tpu.enqueue_indirect_dma source(%dma_start3A_679 : memref<16384x1024xf32, #tpu.memory_space<hbm>>) target(%dma_start3A_674 : memref<32x1024xf32, #tpu.memory_space<vmem>>) offsets(%dma_start3A_676 : memref<32xi32, #tpu.memory_space<vmem>>) semaphore(%arg7 : memref<!tpu.dma_semaphore, #tpu.memory_space<semaphore_mem>>)
    %dma_wait3A_680 = arith.constant 2 : i32
    %dma_wait3A_681 = arith.constant 0 : i32
    %dma_wait3A_682 = arith.constant 0 : i32
    %dma_wait3A_683 = tpu.memref_slice %arg6[%dma_wait3A_680, %dma_wait3A_681, %dma_wait3A_682] : memref<3x32x1024xf32, #tpu.memory_space<vmem>> -> memref<1x32x1024xf32, #tpu.memory_space<vmem>>
    %dma_wait3A_684 = tpu.memref_squeeze %dma_wait3A_683 : memref<1x32x1024xf32, #tpu.memory_space<vmem>> -> memref<32x1024xf32, #tpu.memory_space<vmem>>
    %dma_wait3A_685 = arith.constant 448 : i32
    %dma_wait3A_686 = tpu.memref_slice %arg5[%dma_wait3A_685] : memref<928xi32, #tpu.memory_space<vmem>> -> memref<32xi32, #tpu.memory_space<vmem>>
    %dma_wait3A_687 = arith.constant 0 : i32
    %dma_wait3A_688 = arith.constant 0 : i32
    %dma_wait3A_689 = tpu.memref_slice %arg2[%dma_wait3A_687, %dma_wait3A_688] : memref<16384x1024xf32, #tpu.memory_space<hbm>> -> memref<16384x1024xf32, #tpu.memory_space<hbm>>
    tpu.wait_indirect_dma semaphore(%arg7 : memref<!tpu.dma_semaphore, #tpu.memory_space<semaphore_mem>>) src(%dma_wait3A_689 : memref<16384x1024xf32, #tpu.memory_space<hbm>>) dst(%dma_wait3A_684 : memref<32x1024xf32, #tpu.memory_space<vmem>>)
    %add3A_690 = arith.constant 448 : i32
    %add3A_691 = arith.addi %multiple_of3A, %add3A_690 : i32
    %dma_start3A_692 = arith.constant 2 : i32
    %dma_start3A_693 = arith.constant 0 : i32
    %dma_start3A_694 = arith.constant 0 : i32
    %dma_start3A_695 = tpu.memref_slice %arg6[%dma_start3A_692, %dma_start3A_693, %dma_start3A_694] : memref<3x32x1024xf32, #tpu.memory_space<vmem>> -> memref<1x32x1024xf32, #tpu.memory_space<vmem>>
    %dma_start3A_696 = tpu.memref_squeeze %dma_start3A_695 : memref<1x32x1024xf32, #tpu.memory_space<vmem>> -> memref<32x1024xf32, #tpu.memory_space<vmem>>
    %dma_start3A_697 = arith.constant 0 : i32
    %dma_start3A_698 = tpu.memref_slice %arg4[%add3A_691, %dma_start3A_697] : memref<29696x1024xf32, #tpu.memory_space<hbm>> -> memref<32x1024xf32, #tpu.memory_space<hbm>>
    %dma_start3A_699 = arith.constant 0 : i32
    %dma_start3A_700 = tpu.memref_slice %arg4[%add3A_691, %dma_start3A_699] : memref<29696x1024xf32, #tpu.memory_space<hbm>> -> memref<32x1024xf32, #tpu.memory_space<hbm>>
    %dma_start3A_701 = arith.constant 0 : i32
    %dma_start3A_702 = arith.constant 0 : i32
    %dma_start3A_703 = tpu.memref_slice %arg6[%dma_start3A_692, %dma_start3A_701, %dma_start3A_702] : memref<3x32x1024xf32, #tpu.memory_space<vmem>> -> memref<1x32x1024xf32, #tpu.memory_space<vmem>>
    %dma_start3A_704 = tpu.memref_squeeze %dma_start3A_703 : memref<1x32x1024xf32, #tpu.memory_space<vmem>> -> memref<32x1024xf32, #tpu.memory_space<vmem>>
    tpu.enqueue_dma source(%dma_start3A_704 : memref<32x1024xf32, #tpu.memory_space<vmem>>) target(%dma_start3A_700 : memref<32x1024xf32, #tpu.memory_space<hbm>>) target_semaphore(%arg8 : memref<!tpu.dma_semaphore, #tpu.memory_space<semaphore_mem>>)
    %dma_wait3A_705 = arith.constant 1 : i32
    %dma_wait3A_706 = arith.constant 0 : i32
    %dma_wait3A_707 = arith.constant 0 : i32
    %dma_wait3A_708 = tpu.memref_slice %arg6[%dma_wait3A_705, %dma_wait3A_706, %dma_wait3A_707] : memref<3x32x1024xf32, #tpu.memory_space<vmem>> -> memref<1x32x1024xf32, #tpu.memory_space<vmem>>
    %dma_wait3A_709 = tpu.memref_squeeze %dma_wait3A_708 : memref<1x32x1024xf32, #tpu.memory_space<vmem>> -> memref<32x1024xf32, #tpu.memory_space<vmem>>
    %dma_wait3A_710 = arith.constant 0 : i32
    %dma_wait3A_711 = tpu.memref_slice %arg4[%add3A_643, %dma_wait3A_710] : memref<29696x1024xf32, #tpu.memory_space<hbm>> -> memref<32x1024xf32, #tpu.memory_space<hbm>>
    %dma_wait3A_712 = arith.constant 0 : i32
    %dma_wait3A_713 = tpu.memref_slice %arg4[%add3A_643, %dma_wait3A_712] : memref<29696x1024xf32, #tpu.memory_space<hbm>> -> memref<32x1024xf32, #tpu.memory_space<hbm>>
    %dma_wait3A_714 = arith.constant 0 : i32
    %dma_wait3A_715 = arith.constant 0 : i32
    %dma_wait3A_716 = tpu.memref_slice %arg6[%dma_wait3A_705, %dma_wait3A_714, %dma_wait3A_715] : memref<3x32x1024xf32, #tpu.memory_space<vmem>> -> memref<1x32x1024xf32, #tpu.memory_space<vmem>>
    %dma_wait3A_717 = tpu.memref_squeeze %dma_wait3A_716 : memref<1x32x1024xf32, #tpu.memory_space<vmem>> -> memref<32x1024xf32, #tpu.memory_space<vmem>>
    tpu.wait_dma2 semaphore(%arg8 : memref<!tpu.dma_semaphore, #tpu.memory_space<semaphore_mem>>) src(%dma_wait3A_717 : memref<32x1024xf32, #tpu.memory_space<vmem>>) dst(%dma_wait3A_713 : memref<32x1024xf32, #tpu.memory_space<hbm>>)
    %dma_start3A_718 = arith.constant 1 : i32
    %dma_start3A_719 = arith.constant 0 : i32
    %dma_start3A_720 = arith.constant 0 : i32
    %dma_start3A_721 = tpu.memref_slice %arg6[%dma_start3A_718, %dma_start3A_719, %dma_start3A_720] : memref<3x32x1024xf32, #tpu.memory_space<vmem>> -> memref<1x32x1024xf32, #tpu.memory_space<vmem>>
    %dma_start3A_722 = tpu.memref_squeeze %dma_start3A_721 : memref<1x32x1024xf32, #tpu.memory_space<vmem>> -> memref<32x1024xf32, #tpu.memory_space<vmem>>
    %dma_start3A_723 = arith.constant 512 : i32
    %dma_start3A_724 = tpu.memref_slice %arg5[%dma_start3A_723] : memref<928xi32, #tpu.memory_space<vmem>> -> memref<32xi32, #tpu.memory_space<vmem>>
    %dma_start3A_725 = arith.constant 0 : i32
    %dma_start3A_726 = arith.constant 0 : i32
    %dma_start3A_727 = tpu.memref_slice %arg2[%dma_start3A_725, %dma_start3A_726] : memref<16384x1024xf32, #tpu.memory_space<hbm>> -> memref<16384x1024xf32, #tpu.memory_space<hbm>>
    tpu.enqueue_indirect_dma source(%dma_start3A_727 : memref<16384x1024xf32, #tpu.memory_space<hbm>>) target(%dma_start3A_722 : memref<32x1024xf32, #tpu.memory_space<vmem>>) offsets(%dma_start3A_724 : memref<32xi32, #tpu.memory_space<vmem>>) semaphore(%arg7 : memref<!tpu.dma_semaphore, #tpu.memory_space<semaphore_mem>>)
    %dma_wait3A_728 = arith.constant 0 : i32
    %dma_wait3A_729 = arith.constant 0 : i32
    %dma_wait3A_730 = arith.constant 0 : i32
    %dma_wait3A_731 = tpu.memref_slice %arg6[%dma_wait3A_728, %dma_wait3A_729, %dma_wait3A_730] : memref<3x32x1024xf32, #tpu.memory_space<vmem>> -> memref<1x32x1024xf32, #tpu.memory_space<vmem>>
    %dma_wait3A_732 = tpu.memref_squeeze %dma_wait3A_731 : memref<1x32x1024xf32, #tpu.memory_space<vmem>> -> memref<32x1024xf32, #tpu.memory_space<vmem>>
    %dma_wait3A_733 = arith.constant 480 : i32
    %dma_wait3A_734 = tpu.memref_slice %arg5[%dma_wait3A_733] : memref<928xi32, #tpu.memory_space<vmem>> -> memref<32xi32, #tpu.memory_space<vmem>>
    %dma_wait3A_735 = arith.constant 0 : i32
    %dma_wait3A_736 = arith.constant 0 : i32
    %dma_wait3A_737 = tpu.memref_slice %arg2[%dma_wait3A_735, %dma_wait3A_736] : memref<16384x1024xf32, #tpu.memory_space<hbm>> -> memref<16384x1024xf32, #tpu.memory_space<hbm>>
    tpu.wait_indirect_dma semaphore(%arg7 : memref<!tpu.dma_semaphore, #tpu.memory_space<semaphore_mem>>) src(%dma_wait3A_737 : memref<16384x1024xf32, #tpu.memory_space<hbm>>) dst(%dma_wait3A_732 : memref<32x1024xf32, #tpu.memory_space<vmem>>)
    %add3A_738 = arith.constant 480 : i32
    %add3A_739 = arith.addi %multiple_of3A, %add3A_738 : i32
    %dma_start3A_740 = arith.constant 0 : i32
    %dma_start3A_741 = arith.constant 0 : i32
    %dma_start3A_742 = arith.constant 0 : i32
    %dma_start3A_743 = tpu.memref_slice %arg6[%dma_start3A_740, %dma_start3A_741, %dma_start3A_742] : memref<3x32x1024xf32, #tpu.memory_space<vmem>> -> memref<1x32x1024xf32, #tpu.memory_space<vmem>>
    %dma_start3A_744 = tpu.memref_squeeze %dma_start3A_743 : memref<1x32x1024xf32, #tpu.memory_space<vmem>> -> memref<32x1024xf32, #tpu.memory_space<vmem>>
    %dma_start3A_745 = arith.constant 0 : i32
    %dma_start3A_746 = tpu.memref_slice %arg4[%add3A_739, %dma_start3A_745] : memref<29696x1024xf32, #tpu.memory_space<hbm>> -> memref<32x1024xf32, #tpu.memory_space<hbm>>
    %dma_start3A_747 = arith.constant 0 : i32
    %dma_start3A_748 = tpu.memref_slice %arg4[%add3A_739, %dma_start3A_747] : memref<29696x1024xf32, #tpu.memory_space<hbm>> -> memref<32x1024xf32, #tpu.memory_space<hbm>>
    %dma_start3A_749 = arith.constant 0 : i32
    %dma_start3A_750 = arith.constant 0 : i32
    %dma_start3A_751 = tpu.memref_slice %arg6[%dma_start3A_740, %dma_start3A_749, %dma_start3A_750] : memref<3x32x1024xf32, #tpu.memory_space<vmem>> -> memref<1x32x1024xf32, #tpu.memory_space<vmem>>
    %dma_start3A_752 = tpu.memref_squeeze %dma_start3A_751 : memref<1x32x1024xf32, #tpu.memory_space<vmem>> -> memref<32x1024xf32, #tpu.memory_space<vmem>>
    tpu.enqueue_dma source(%dma_start3A_752 : memref<32x1024xf32, #tpu.memory_space<vmem>>) target(%dma_start3A_748 : memref<32x1024xf32, #tpu.memory_space<hbm>>) target_semaphore(%arg8 : memref<!tpu.dma_semaphore, #tpu.memory_space<semaphore_mem>>)
    %dma_wait3A_753 = arith.constant 2 : i32
    %dma_wait3A_754 = arith.constant 0 : i32
    %dma_wait3A_755 = arith.constant 0 : i32
    %dma_wait3A_756 = tpu.memref_slice %arg6[%dma_wait3A_753, %dma_wait3A_754, %dma_wait3A_755] : memref<3x32x1024xf32, #tpu.memory_space<vmem>> -> memref<1x32x1024xf32, #tpu.memory_space<vmem>>
    %dma_wait3A_757 = tpu.memref_squeeze %dma_wait3A_756 : memref<1x32x1024xf32, #tpu.memory_space<vmem>> -> memref<32x1024xf32, #tpu.memory_space<vmem>>
    %dma_wait3A_758 = arith.constant 0 : i32
    %dma_wait3A_759 = tpu.memref_slice %arg4[%add3A_691, %dma_wait3A_758] : memref<29696x1024xf32, #tpu.memory_space<hbm>> -> memref<32x1024xf32, #tpu.memory_space<hbm>>
    %dma_wait3A_760 = arith.constant 0 : i32
    %dma_wait3A_761 = tpu.memref_slice %arg4[%add3A_691, %dma_wait3A_760] : memref<29696x1024xf32, #tpu.memory_space<hbm>> -> memref<32x1024xf32, #tpu.memory_space<hbm>>
    %dma_wait3A_762 = arith.constant 0 : i32
    %dma_wait3A_763 = arith.constant 0 : i32
    %dma_wait3A_764 = tpu.memref_slice %arg6[%dma_wait3A_753, %dma_wait3A_762, %dma_wait3A_763] : memref<3x32x1024xf32, #tpu.memory_space<vmem>> -> memref<1x32x1024xf32, #tpu.memory_space<vmem>>
    %dma_wait3A_765 = tpu.memref_squeeze %dma_wait3A_764 : memref<1x32x1024xf32, #tpu.memory_space<vmem>> -> memref<32x1024xf32, #tpu.memory_space<vmem>>
    tpu.wait_dma2 semaphore(%arg8 : memref<!tpu.dma_semaphore, #tpu.memory_space<semaphore_mem>>) src(%dma_wait3A_765 : memref<32x1024xf32, #tpu.memory_space<vmem>>) dst(%dma_wait3A_761 : memref<32x1024xf32, #tpu.memory_space<hbm>>)
    %dma_start3A_766 = arith.constant 2 : i32
    %dma_start3A_767 = arith.constant 0 : i32
    %dma_start3A_768 = arith.constant 0 : i32
    %dma_start3A_769 = tpu.memref_slice %arg6[%dma_start3A_766, %dma_start3A_767, %dma_start3A_768] : memref<3x32x1024xf32, #tpu.memory_space<vmem>> -> memref<1x32x1024xf32, #tpu.memory_space<vmem>>
    %dma_start3A_770 = tpu.memref_squeeze %dma_start3A_769 : memref<1x32x1024xf32, #tpu.memory_space<vmem>> -> memref<32x1024xf32, #tpu.memory_space<vmem>>
    %dma_start3A_771 = arith.constant 544 : i32
    %dma_start3A_772 = tpu.memref_slice %arg5[%dma_start3A_771] : memref<928xi32, #tpu.memory_space<vmem>> -> memref<32xi32, #tpu.memory_space<vmem>>
    %dma_start3A_773 = arith.constant 0 : i32
    %dma_start3A_774 = arith.constant 0 : i32
    %dma_start3A_775 = tpu.memref_slice %arg2[%dma_start3A_773, %dma_start3A_774] : memref<16384x1024xf32, #tpu.memory_space<hbm>> -> memref<16384x1024xf32, #tpu.memory_space<hbm>>
    tpu.enqueue_indirect_dma source(%dma_start3A_775 : memref<16384x1024xf32, #tpu.memory_space<hbm>>) target(%dma_start3A_770 : memref<32x1024xf32, #tpu.memory_space<vmem>>) offsets(%dma_start3A_772 : memref<32xi32, #tpu.memory_space<vmem>>) semaphore(%arg7 : memref<!tpu.dma_semaphore, #tpu.memory_space<semaphore_mem>>)
    %dma_wait3A_776 = arith.constant 1 : i32
    %dma_wait3A_777 = arith.constant 0 : i32
    %dma_wait3A_778 = arith.constant 0 : i32
    %dma_wait3A_779 = tpu.memref_slice %arg6[%dma_wait3A_776, %dma_wait3A_777, %dma_wait3A_778] : memref<3x32x1024xf32, #tpu.memory_space<vmem>> -> memref<1x32x1024xf32, #tpu.memory_space<vmem>>
    %dma_wait3A_780 = tpu.memref_squeeze %dma_wait3A_779 : memref<1x32x1024xf32, #tpu.memory_space<vmem>> -> memref<32x1024xf32, #tpu.memory_space<vmem>>
    %dma_wait3A_781 = arith.constant 512 : i32
    %dma_wait3A_782 = tpu.memref_slice %arg5[%dma_wait3A_781] : memref<928xi32, #tpu.memory_space<vmem>> -> memref<32xi32, #tpu.memory_space<vmem>>
    %dma_wait3A_783 = arith.constant 0 : i32
    %dma_wait3A_784 = arith.constant 0 : i32
    %dma_wait3A_785 = tpu.memref_slice %arg2[%dma_wait3A_783, %dma_wait3A_784] : memref<16384x1024xf32, #tpu.memory_space<hbm>> -> memref<16384x1024xf32, #tpu.memory_space<hbm>>
    tpu.wait_indirect_dma semaphore(%arg7 : memref<!tpu.dma_semaphore, #tpu.memory_space<semaphore_mem>>) src(%dma_wait3A_785 : memref<16384x1024xf32, #tpu.memory_space<hbm>>) dst(%dma_wait3A_780 : memref<32x1024xf32, #tpu.memory_space<vmem>>)
    %add3A_786 = arith.constant 512 : i32
    %add3A_787 = arith.addi %multiple_of3A, %add3A_786 : i32
    %dma_start3A_788 = arith.constant 1 : i32
    %dma_start3A_789 = arith.constant 0 : i32
    %dma_start3A_790 = arith.constant 0 : i32
    %dma_start3A_791 = tpu.memref_slice %arg6[%dma_start3A_788, %dma_start3A_789, %dma_start3A_790] : memref<3x32x1024xf32, #tpu.memory_space<vmem>> -> memref<1x32x1024xf32, #tpu.memory_space<vmem>>
    %dma_start3A_792 = tpu.memref_squeeze %dma_start3A_791 : memref<1x32x1024xf32, #tpu.memory_space<vmem>> -> memref<32x1024xf32, #tpu.memory_space<vmem>>
    %dma_start3A_793 = arith.constant 0 : i32
    %dma_start3A_794 = tpu.memref_slice %arg4[%add3A_787, %dma_start3A_793] : memref<29696x1024xf32, #tpu.memory_space<hbm>> -> memref<32x1024xf32, #tpu.memory_space<hbm>>
    %dma_start3A_795 = arith.constant 0 : i32
    %dma_start3A_796 = tpu.memref_slice %arg4[%add3A_787, %dma_start3A_795] : memref<29696x1024xf32, #tpu.memory_space<hbm>> -> memref<32x1024xf32, #tpu.memory_space<hbm>>
    %dma_start3A_797 = arith.constant 0 : i32
    %dma_start3A_798 = arith.constant 0 : i32
    %dma_start3A_799 = tpu.memref_slice %arg6[%dma_start3A_788, %dma_start3A_797, %dma_start3A_798] : memref<3x32x1024xf32, #tpu.memory_space<vmem>> -> memref<1x32x1024xf32, #tpu.memory_space<vmem>>
    %dma_start3A_800 = tpu.memref_squeeze %dma_start3A_799 : memref<1x32x1024xf32, #tpu.memory_space<vmem>> -> memref<32x1024xf32, #tpu.memory_space<vmem>>
    tpu.enqueue_dma source(%dma_start3A_800 : memref<32x1024xf32, #tpu.memory_space<vmem>>) target(%dma_start3A_796 : memref<32x1024xf32, #tpu.memory_space<hbm>>) target_semaphore(%arg8 : memref<!tpu.dma_semaphore, #tpu.memory_space<semaphore_mem>>)
    %dma_wait3A_801 = arith.constant 0 : i32
    %dma_wait3A_802 = arith.constant 0 : i32
    %dma_wait3A_803 = arith.constant 0 : i32
    %dma_wait3A_804 = tpu.memref_slice %arg6[%dma_wait3A_801, %dma_wait3A_802, %dma_wait3A_803] : memref<3x32x1024xf32, #tpu.memory_space<vmem>> -> memref<1x32x1024xf32, #tpu.memory_space<vmem>>
    %dma_wait3A_805 = tpu.memref_squeeze %dma_wait3A_804 : memref<1x32x1024xf32, #tpu.memory_space<vmem>> -> memref<32x1024xf32, #tpu.memory_space<vmem>>
    %dma_wait3A_806 = arith.constant 0 : i32
    %dma_wait3A_807 = tpu.memref_slice %arg4[%add3A_739, %dma_wait3A_806] : memref<29696x1024xf32, #tpu.memory_space<hbm>> -> memref<32x1024xf32, #tpu.memory_space<hbm>>
    %dma_wait3A_808 = arith.constant 0 : i32
    %dma_wait3A_809 = tpu.memref_slice %arg4[%add3A_739, %dma_wait3A_808] : memref<29696x1024xf32, #tpu.memory_space<hbm>> -> memref<32x1024xf32, #tpu.memory_space<hbm>>
    %dma_wait3A_810 = arith.constant 0 : i32
    %dma_wait3A_811 = arith.constant 0 : i32
    %dma_wait3A_812 = tpu.memref_slice %arg6[%dma_wait3A_801, %dma_wait3A_810, %dma_wait3A_811] : memref<3x32x1024xf32, #tpu.memory_space<vmem>> -> memref<1x32x1024xf32, #tpu.memory_space<vmem>>
    %dma_wait3A_813 = tpu.memref_squeeze %dma_wait3A_812 : memref<1x32x1024xf32, #tpu.memory_space<vmem>> -> memref<32x1024xf32, #tpu.memory_space<vmem>>
    tpu.wait_dma2 semaphore(%arg8 : memref<!tpu.dma_semaphore, #tpu.memory_space<semaphore_mem>>) src(%dma_wait3A_813 : memref<32x1024xf32, #tpu.memory_space<vmem>>) dst(%dma_wait3A_809 : memref<32x1024xf32, #tpu.memory_space<hbm>>)
    %dma_start3A_814 = arith.constant 0 : i32
    %dma_start3A_815 = arith.constant 0 : i32
    %dma_start3A_816 = arith.constant 0 : i32
    %dma_start3A_817 = tpu.memref_slice %arg6[%dma_start3A_814, %dma_start3A_815, %dma_start3A_816] : memref<3x32x1024xf32, #tpu.memory_space<vmem>> -> memref<1x32x1024xf32, #tpu.memory_space<vmem>>
    %dma_start3A_818 = tpu.memref_squeeze %dma_start3A_817 : memref<1x32x1024xf32, #tpu.memory_space<vmem>> -> memref<32x1024xf32, #tpu.memory_space<vmem>>
    %dma_start3A_819 = arith.constant 576 : i32
    %dma_start3A_820 = tpu.memref_slice %arg5[%dma_start3A_819] : memref<928xi32, #tpu.memory_space<vmem>> -> memref<32xi32, #tpu.memory_space<vmem>>
    %dma_start3A_821 = arith.constant 0 : i32
    %dma_start3A_822 = arith.constant 0 : i32
    %dma_start3A_823 = tpu.memref_slice %arg2[%dma_start3A_821, %dma_start3A_822] : memref<16384x1024xf32, #tpu.memory_space<hbm>> -> memref<16384x1024xf32, #tpu.memory_space<hbm>>
    tpu.enqueue_indirect_dma source(%dma_start3A_823 : memref<16384x1024xf32, #tpu.memory_space<hbm>>) target(%dma_start3A_818 : memref<32x1024xf32, #tpu.memory_space<vmem>>) offsets(%dma_start3A_820 : memref<32xi32, #tpu.memory_space<vmem>>) semaphore(%arg7 : memref<!tpu.dma_semaphore, #tpu.memory_space<semaphore_mem>>)
    %dma_wait3A_824 = arith.constant 2 : i32
    %dma_wait3A_825 = arith.constant 0 : i32
    %dma_wait3A_826 = arith.constant 0 : i32
    %dma_wait3A_827 = tpu.memref_slice %arg6[%dma_wait3A_824, %dma_wait3A_825, %dma_wait3A_826] : memref<3x32x1024xf32, #tpu.memory_space<vmem>> -> memref<1x32x1024xf32, #tpu.memory_space<vmem>>
    %dma_wait3A_828 = tpu.memref_squeeze %dma_wait3A_827 : memref<1x32x1024xf32, #tpu.memory_space<vmem>> -> memref<32x1024xf32, #tpu.memory_space<vmem>>
    %dma_wait3A_829 = arith.constant 544 : i32
    %dma_wait3A_830 = tpu.memref_slice %arg5[%dma_wait3A_829] : memref<928xi32, #tpu.memory_space<vmem>> -> memref<32xi32, #tpu.memory_space<vmem>>
    %dma_wait3A_831 = arith.constant 0 : i32
    %dma_wait3A_832 = arith.constant 0 : i32
    %dma_wait3A_833 = tpu.memref_slice %arg2[%dma_wait3A_831, %dma_wait3A_832] : memref<16384x1024xf32, #tpu.memory_space<hbm>> -> memref<16384x1024xf32, #tpu.memory_space<hbm>>
    tpu.wait_indirect_dma semaphore(%arg7 : memref<!tpu.dma_semaphore, #tpu.memory_space<semaphore_mem>>) src(%dma_wait3A_833 : memref<16384x1024xf32, #tpu.memory_space<hbm>>) dst(%dma_wait3A_828 : memref<32x1024xf32, #tpu.memory_space<vmem>>)
    %add3A_834 = arith.constant 544 : i32
    %add3A_835 = arith.addi %multiple_of3A, %add3A_834 : i32
    %dma_start3A_836 = arith.constant 2 : i32
    %dma_start3A_837 = arith.constant 0 : i32
    %dma_start3A_838 = arith.constant 0 : i32
    %dma_start3A_839 = tpu.memref_slice %arg6[%dma_start3A_836, %dma_start3A_837, %dma_start3A_838] : memref<3x32x1024xf32, #tpu.memory_space<vmem>> -> memref<1x32x1024xf32, #tpu.memory_space<vmem>>
    %dma_start3A_840 = tpu.memref_squeeze %dma_start3A_839 : memref<1x32x1024xf32, #tpu.memory_space<vmem>> -> memref<32x1024xf32, #tpu.memory_space<vmem>>
    %dma_start3A_841 = arith.constant 0 : i32
    %dma_start3A_842 = tpu.memref_slice %arg4[%add3A_835, %dma_start3A_841] : memref<29696x1024xf32, #tpu.memory_space<hbm>> -> memref<32x1024xf32, #tpu.memory_space<hbm>>
    %dma_start3A_843 = arith.constant 0 : i32
    %dma_start3A_844 = tpu.memref_slice %arg4[%add3A_835, %dma_start3A_843] : memref<29696x1024xf32, #tpu.memory_space<hbm>> -> memref<32x1024xf32, #tpu.memory_space<hbm>>
    %dma_start3A_845 = arith.constant 0 : i32
    %dma_start3A_846 = arith.constant 0 : i32
    %dma_start3A_847 = tpu.memref_slice %arg6[%dma_start3A_836, %dma_start3A_845, %dma_start3A_846] : memref<3x32x1024xf32, #tpu.memory_space<vmem>> -> memref<1x32x1024xf32, #tpu.memory_space<vmem>>
    %dma_start3A_848 = tpu.memref_squeeze %dma_start3A_847 : memref<1x32x1024xf32, #tpu.memory_space<vmem>> -> memref<32x1024xf32, #tpu.memory_space<vmem>>
    tpu.enqueue_dma source(%dma_start3A_848 : memref<32x1024xf32, #tpu.memory_space<vmem>>) target(%dma_start3A_844 : memref<32x1024xf32, #tpu.memory_space<hbm>>) target_semaphore(%arg8 : memref<!tpu.dma_semaphore, #tpu.memory_space<semaphore_mem>>)
    %dma_wait3A_849 = arith.constant 1 : i32
    %dma_wait3A_850 = arith.constant 0 : i32
    %dma_wait3A_851 = arith.constant 0 : i32
    %dma_wait3A_852 = tpu.memref_slice %arg6[%dma_wait3A_849, %dma_wait3A_850, %dma_wait3A_851] : memref<3x32x1024xf32, #tpu.memory_space<vmem>> -> memref<1x32x1024xf32, #tpu.memory_space<vmem>>
    %dma_wait3A_853 = tpu.memref_squeeze %dma_wait3A_852 : memref<1x32x1024xf32, #tpu.memory_space<vmem>> -> memref<32x1024xf32, #tpu.memory_space<vmem>>
    %dma_wait3A_854 = arith.constant 0 : i32
    %dma_wait3A_855 = tpu.memref_slice %arg4[%add3A_787, %dma_wait3A_854] : memref<29696x1024xf32, #tpu.memory_space<hbm>> -> memref<32x1024xf32, #tpu.memory_space<hbm>>
    %dma_wait3A_856 = arith.constant 0 : i32
    %dma_wait3A_857 = tpu.memref_slice %arg4[%add3A_787, %dma_wait3A_856] : memref<29696x1024xf32, #tpu.memory_space<hbm>> -> memref<32x1024xf32, #tpu.memory_space<hbm>>
    %dma_wait3A_858 = arith.constant 0 : i32
    %dma_wait3A_859 = arith.constant 0 : i32
    %dma_wait3A_860 = tpu.memref_slice %arg6[%dma_wait3A_849, %dma_wait3A_858, %dma_wait3A_859] : memref<3x32x1024xf32, #tpu.memory_space<vmem>> -> memref<1x32x1024xf32, #tpu.memory_space<vmem>>
    %dma_wait3A_861 = tpu.memref_squeeze %dma_wait3A_860 : memref<1x32x1024xf32, #tpu.memory_space<vmem>> -> memref<32x1024xf32, #tpu.memory_space<vmem>>
    tpu.wait_dma2 semaphore(%arg8 : memref<!tpu.dma_semaphore, #tpu.memory_space<semaphore_mem>>) src(%dma_wait3A_861 : memref<32x1024xf32, #tpu.memory_space<vmem>>) dst(%dma_wait3A_857 : memref<32x1024xf32, #tpu.memory_space<hbm>>)
    %dma_start3A_862 = arith.constant 1 : i32
    %dma_start3A_863 = arith.constant 0 : i32
    %dma_start3A_864 = arith.constant 0 : i32
    %dma_start3A_865 = tpu.memref_slice %arg6[%dma_start3A_862, %dma_start3A_863, %dma_start3A_864] : memref<3x32x1024xf32, #tpu.memory_space<vmem>> -> memref<1x32x1024xf32, #tpu.memory_space<vmem>>
    %dma_start3A_866 = tpu.memref_squeeze %dma_start3A_865 : memref<1x32x1024xf32, #tpu.memory_space<vmem>> -> memref<32x1024xf32, #tpu.memory_space<vmem>>
    %dma_start3A_867 = arith.constant 608 : i32
    %dma_start3A_868 = tpu.memref_slice %arg5[%dma_start3A_867] : memref<928xi32, #tpu.memory_space<vmem>> -> memref<32xi32, #tpu.memory_space<vmem>>
    %dma_start3A_869 = arith.constant 0 : i32
    %dma_start3A_870 = arith.constant 0 : i32
    %dma_start3A_871 = tpu.memref_slice %arg2[%dma_start3A_869, %dma_start3A_870] : memref<16384x1024xf32, #tpu.memory_space<hbm>> -> memref<16384x1024xf32, #tpu.memory_space<hbm>>
    tpu.enqueue_indirect_dma source(%dma_start3A_871 : memref<16384x1024xf32, #tpu.memory_space<hbm>>) target(%dma_start3A_866 : memref<32x1024xf32, #tpu.memory_space<vmem>>) offsets(%dma_start3A_868 : memref<32xi32, #tpu.memory_space<vmem>>) semaphore(%arg7 : memref<!tpu.dma_semaphore, #tpu.memory_space<semaphore_mem>>)
    %dma_wait3A_872 = arith.constant 0 : i32
    %dma_wait3A_873 = arith.constant 0 : i32
    %dma_wait3A_874 = arith.constant 0 : i32
    %dma_wait3A_875 = tpu.memref_slice %arg6[%dma_wait3A_872, %dma_wait3A_873, %dma_wait3A_874] : memref<3x32x1024xf32, #tpu.memory_space<vmem>> -> memref<1x32x1024xf32, #tpu.memory_space<vmem>>
    %dma_wait3A_876 = tpu.memref_squeeze %dma_wait3A_875 : memref<1x32x1024xf32, #tpu.memory_space<vmem>> -> memref<32x1024xf32, #tpu.memory_space<vmem>>
    %dma_wait3A_877 = arith.constant 576 : i32
    %dma_wait3A_878 = tpu.memref_slice %arg5[%dma_wait3A_877] : memref<928xi32, #tpu.memory_space<vmem>> -> memref<32xi32, #tpu.memory_space<vmem>>
    %dma_wait3A_879 = arith.constant 0 : i32
    %dma_wait3A_880 = arith.constant 0 : i32
    %dma_wait3A_881 = tpu.memref_slice %arg2[%dma_wait3A_879, %dma_wait3A_880] : memref<16384x1024xf32, #tpu.memory_space<hbm>> -> memref<16384x1024xf32, #tpu.memory_space<hbm>>
    tpu.wait_indirect_dma semaphore(%arg7 : memref<!tpu.dma_semaphore, #tpu.memory_space<semaphore_mem>>) src(%dma_wait3A_881 : memref<16384x1024xf32, #tpu.memory_space<hbm>>) dst(%dma_wait3A_876 : memref<32x1024xf32, #tpu.memory_space<vmem>>)
    %add3A_882 = arith.constant 576 : i32
    %add3A_883 = arith.addi %multiple_of3A, %add3A_882 : i32
    %dma_start3A_884 = arith.constant 0 : i32
    %dma_start3A_885 = arith.constant 0 : i32
    %dma_start3A_886 = arith.constant 0 : i32
    %dma_start3A_887 = tpu.memref_slice %arg6[%dma_start3A_884, %dma_start3A_885, %dma_start3A_886] : memref<3x32x1024xf32, #tpu.memory_space<vmem>> -> memref<1x32x1024xf32, #tpu.memory_space<vmem>>
    %dma_start3A_888 = tpu.memref_squeeze %dma_start3A_887 : memref<1x32x1024xf32, #tpu.memory_space<vmem>> -> memref<32x1024xf32, #tpu.memory_space<vmem>>
    %dma_start3A_889 = arith.constant 0 : i32
    %dma_start3A_890 = tpu.memref_slice %arg4[%add3A_883, %dma_start3A_889] : memref<29696x1024xf32, #tpu.memory_space<hbm>> -> memref<32x1024xf32, #tpu.memory_space<hbm>>
    %dma_start3A_891 = arith.constant 0 : i32
    %dma_start3A_892 = tpu.memref_slice %arg4[%add3A_883, %dma_start3A_891] : memref<29696x1024xf32, #tpu.memory_space<hbm>> -> memref<32x1024xf32, #tpu.memory_space<hbm>>
    %dma_start3A_893 = arith.constant 0 : i32
    %dma_start3A_894 = arith.constant 0 : i32
    %dma_start3A_895 = tpu.memref_slice %arg6[%dma_start3A_884, %dma_start3A_893, %dma_start3A_894] : memref<3x32x1024xf32, #tpu.memory_space<vmem>> -> memref<1x32x1024xf32, #tpu.memory_space<vmem>>
    %dma_start3A_896 = tpu.memref_squeeze %dma_start3A_895 : memref<1x32x1024xf32, #tpu.memory_space<vmem>> -> memref<32x1024xf32, #tpu.memory_space<vmem>>
    tpu.enqueue_dma source(%dma_start3A_896 : memref<32x1024xf32, #tpu.memory_space<vmem>>) target(%dma_start3A_892 : memref<32x1024xf32, #tpu.memory_space<hbm>>) target_semaphore(%arg8 : memref<!tpu.dma_semaphore, #tpu.memory_space<semaphore_mem>>)
    %dma_wait3A_897 = arith.constant 2 : i32
    %dma_wait3A_898 = arith.constant 0 : i32
    %dma_wait3A_899 = arith.constant 0 : i32
    %dma_wait3A_900 = tpu.memref_slice %arg6[%dma_wait3A_897, %dma_wait3A_898, %dma_wait3A_899] : memref<3x32x1024xf32, #tpu.memory_space<vmem>> -> memref<1x32x1024xf32, #tpu.memory_space<vmem>>
    %dma_wait3A_901 = tpu.memref_squeeze %dma_wait3A_900 : memref<1x32x1024xf32, #tpu.memory_space<vmem>> -> memref<32x1024xf32, #tpu.memory_space<vmem>>
    %dma_wait3A_902 = arith.constant 0 : i32
    %dma_wait3A_903 = tpu.memref_slice %arg4[%add3A_835, %dma_wait3A_902] : memref<29696x1024xf32, #tpu.memory_space<hbm>> -> memref<32x1024xf32, #tpu.memory_space<hbm>>
    %dma_wait3A_904 = arith.constant 0 : i32
    %dma_wait3A_905 = tpu.memref_slice %arg4[%add3A_835, %dma_wait3A_904] : memref<29696x1024xf32, #tpu.memory_space<hbm>> -> memref<32x1024xf32, #tpu.memory_space<hbm>>
    %dma_wait3A_906 = arith.constant 0 : i32
    %dma_wait3A_907 = arith.constant 0 : i32
    %dma_wait3A_908 = tpu.memref_slice %arg6[%dma_wait3A_897, %dma_wait3A_906, %dma_wait3A_907] : memref<3x32x1024xf32, #tpu.memory_space<vmem>> -> memref<1x32x1024xf32, #tpu.memory_space<vmem>>
    %dma_wait3A_909 = tpu.memref_squeeze %dma_wait3A_908 : memref<1x32x1024xf32, #tpu.memory_space<vmem>> -> memref<32x1024xf32, #tpu.memory_space<vmem>>
    tpu.wait_dma2 semaphore(%arg8 : memref<!tpu.dma_semaphore, #tpu.memory_space<semaphore_mem>>) src(%dma_wait3A_909 : memref<32x1024xf32, #tpu.memory_space<vmem>>) dst(%dma_wait3A_905 : memref<32x1024xf32, #tpu.memory_space<hbm>>)
    %dma_start3A_910 = arith.constant 2 : i32
    %dma_start3A_911 = arith.constant 0 : i32
    %dma_start3A_912 = arith.constant 0 : i32
    %dma_start3A_913 = tpu.memref_slice %arg6[%dma_start3A_910, %dma_start3A_911, %dma_start3A_912] : memref<3x32x1024xf32, #tpu.memory_space<vmem>> -> memref<1x32x1024xf32, #tpu.memory_space<vmem>>
    %dma_start3A_914 = tpu.memref_squeeze %dma_start3A_913 : memref<1x32x1024xf32, #tpu.memory_space<vmem>> -> memref<32x1024xf32, #tpu.memory_space<vmem>>
    %dma_start3A_915 = arith.constant 640 : i32
    %dma_start3A_916 = tpu.memref_slice %arg5[%dma_start3A_915] : memref<928xi32, #tpu.memory_space<vmem>> -> memref<32xi32, #tpu.memory_space<vmem>>
    %dma_start3A_917 = arith.constant 0 : i32
    %dma_start3A_918 = arith.constant 0 : i32
    %dma_start3A_919 = tpu.memref_slice %arg2[%dma_start3A_917, %dma_start3A_918] : memref<16384x1024xf32, #tpu.memory_space<hbm>> -> memref<16384x1024xf32, #tpu.memory_space<hbm>>
    tpu.enqueue_indirect_dma source(%dma_start3A_919 : memref<16384x1024xf32, #tpu.memory_space<hbm>>) target(%dma_start3A_914 : memref<32x1024xf32, #tpu.memory_space<vmem>>) offsets(%dma_start3A_916 : memref<32xi32, #tpu.memory_space<vmem>>) semaphore(%arg7 : memref<!tpu.dma_semaphore, #tpu.memory_space<semaphore_mem>>)
    %dma_wait3A_920 = arith.constant 1 : i32
    %dma_wait3A_921 = arith.constant 0 : i32
    %dma_wait3A_922 = arith.constant 0 : i32
    %dma_wait3A_923 = tpu.memref_slice %arg6[%dma_wait3A_920, %dma_wait3A_921, %dma_wait3A_922] : memref<3x32x1024xf32, #tpu.memory_space<vmem>> -> memref<1x32x1024xf32, #tpu.memory_space<vmem>>
    %dma_wait3A_924 = tpu.memref_squeeze %dma_wait3A_923 : memref<1x32x1024xf32, #tpu.memory_space<vmem>> -> memref<32x1024xf32, #tpu.memory_space<vmem>>
    %dma_wait3A_925 = arith.constant 608 : i32
    %dma_wait3A_926 = tpu.memref_slice %arg5[%dma_wait3A_925] : memref<928xi32, #tpu.memory_space<vmem>> -> memref<32xi32, #tpu.memory_space<vmem>>
    %dma_wait3A_927 = arith.constant 0 : i32
    %dma_wait3A_928 = arith.constant 0 : i32
    %dma_wait3A_929 = tpu.memref_slice %arg2[%dma_wait3A_927, %dma_wait3A_928] : memref<16384x1024xf32, #tpu.memory_space<hbm>> -> memref<16384x1024xf32, #tpu.memory_space<hbm>>
    tpu.wait_indirect_dma semaphore(%arg7 : memref<!tpu.dma_semaphore, #tpu.memory_space<semaphore_mem>>) src(%dma_wait3A_929 : memref<16384x1024xf32, #tpu.memory_space<hbm>>) dst(%dma_wait3A_924 : memref<32x1024xf32, #tpu.memory_space<vmem>>)
    %add3A_930 = arith.constant 608 : i32
    %add3A_931 = arith.addi %multiple_of3A, %add3A_930 : i32
    %dma_start3A_932 = arith.constant 1 : i32
    %dma_start3A_933 = arith.constant 0 : i32
    %dma_start3A_934 = arith.constant 0 : i32
    %dma_start3A_935 = tpu.memref_slice %arg6[%dma_start3A_932, %dma_start3A_933, %dma_start3A_934] : memref<3x32x1024xf32, #tpu.memory_space<vmem>> -> memref<1x32x1024xf32, #tpu.memory_space<vmem>>
    %dma_start3A_936 = tpu.memref_squeeze %dma_start3A_935 : memref<1x32x1024xf32, #tpu.memory_space<vmem>> -> memref<32x1024xf32, #tpu.memory_space<vmem>>
    %dma_start3A_937 = arith.constant 0 : i32
    %dma_start3A_938 = tpu.memref_slice %arg4[%add3A_931, %dma_start3A_937] : memref<29696x1024xf32, #tpu.memory_space<hbm>> -> memref<32x1024xf32, #tpu.memory_space<hbm>>
    %dma_start3A_939 = arith.constant 0 : i32
    %dma_start3A_940 = tpu.memref_slice %arg4[%add3A_931, %dma_start3A_939] : memref<29696x1024xf32, #tpu.memory_space<hbm>> -> memref<32x1024xf32, #tpu.memory_space<hbm>>
    %dma_start3A_941 = arith.constant 0 : i32
    %dma_start3A_942 = arith.constant 0 : i32
    %dma_start3A_943 = tpu.memref_slice %arg6[%dma_start3A_932, %dma_start3A_941, %dma_start3A_942] : memref<3x32x1024xf32, #tpu.memory_space<vmem>> -> memref<1x32x1024xf32, #tpu.memory_space<vmem>>
    %dma_start3A_944 = tpu.memref_squeeze %dma_start3A_943 : memref<1x32x1024xf32, #tpu.memory_space<vmem>> -> memref<32x1024xf32, #tpu.memory_space<vmem>>
    tpu.enqueue_dma source(%dma_start3A_944 : memref<32x1024xf32, #tpu.memory_space<vmem>>) target(%dma_start3A_940 : memref<32x1024xf32, #tpu.memory_space<hbm>>) target_semaphore(%arg8 : memref<!tpu.dma_semaphore, #tpu.memory_space<semaphore_mem>>)
    %dma_wait3A_945 = arith.constant 0 : i32
    %dma_wait3A_946 = arith.constant 0 : i32
    %dma_wait3A_947 = arith.constant 0 : i32
    %dma_wait3A_948 = tpu.memref_slice %arg6[%dma_wait3A_945, %dma_wait3A_946, %dma_wait3A_947] : memref<3x32x1024xf32, #tpu.memory_space<vmem>> -> memref<1x32x1024xf32, #tpu.memory_space<vmem>>
    %dma_wait3A_949 = tpu.memref_squeeze %dma_wait3A_948 : memref<1x32x1024xf32, #tpu.memory_space<vmem>> -> memref<32x1024xf32, #tpu.memory_space<vmem>>
    %dma_wait3A_950 = arith.constant 0 : i32
    %dma_wait3A_951 = tpu.memref_slice %arg4[%add3A_883, %dma_wait3A_950] : memref<29696x1024xf32, #tpu.memory_space<hbm>> -> memref<32x1024xf32, #tpu.memory_space<hbm>>
    %dma_wait3A_952 = arith.constant 0 : i32
    %dma_wait3A_953 = tpu.memref_slice %arg4[%add3A_883, %dma_wait3A_952] : memref<29696x1024xf32, #tpu.memory_space<hbm>> -> memref<32x1024xf32, #tpu.memory_space<hbm>>
    %dma_wait3A_954 = arith.constant 0 : i32
    %dma_wait3A_955 = arith.constant 0 : i32
    %dma_wait3A_956 = tpu.memref_slice %arg6[%dma_wait3A_945, %dma_wait3A_954, %dma_wait3A_955] : memref<3x32x1024xf32, #tpu.memory_space<vmem>> -> memref<1x32x1024xf32, #tpu.memory_space<vmem>>
    %dma_wait3A_957 = tpu.memref_squeeze %dma_wait3A_956 : memref<1x32x1024xf32, #tpu.memory_space<vmem>> -> memref<32x1024xf32, #tpu.memory_space<vmem>>
    tpu.wait_dma2 semaphore(%arg8 : memref<!tpu.dma_semaphore, #tpu.memory_space<semaphore_mem>>) src(%dma_wait3A_957 : memref<32x1024xf32, #tpu.memory_space<vmem>>) dst(%dma_wait3A_953 : memref<32x1024xf32, #tpu.memory_space<hbm>>)
    %dma_start3A_958 = arith.constant 0 : i32
    %dma_start3A_959 = arith.constant 0 : i32
    %dma_start3A_960 = arith.constant 0 : i32
    %dma_start3A_961 = tpu.memref_slice %arg6[%dma_start3A_958, %dma_start3A_959, %dma_start3A_960] : memref<3x32x1024xf32, #tpu.memory_space<vmem>> -> memref<1x32x1024xf32, #tpu.memory_space<vmem>>
    %dma_start3A_962 = tpu.memref_squeeze %dma_start3A_961 : memref<1x32x1024xf32, #tpu.memory_space<vmem>> -> memref<32x1024xf32, #tpu.memory_space<vmem>>
    %dma_start3A_963 = arith.constant 672 : i32
    %dma_start3A_964 = tpu.memref_slice %arg5[%dma_start3A_963] : memref<928xi32, #tpu.memory_space<vmem>> -> memref<32xi32, #tpu.memory_space<vmem>>
    %dma_start3A_965 = arith.constant 0 : i32
    %dma_start3A_966 = arith.constant 0 : i32
    %dma_start3A_967 = tpu.memref_slice %arg2[%dma_start3A_965, %dma_start3A_966] : memref<16384x1024xf32, #tpu.memory_space<hbm>> -> memref<16384x1024xf32, #tpu.memory_space<hbm>>
    tpu.enqueue_indirect_dma source(%dma_start3A_967 : memref<16384x1024xf32, #tpu.memory_space<hbm>>) target(%dma_start3A_962 : memref<32x1024xf32, #tpu.memory_space<vmem>>) offsets(%dma_start3A_964 : memref<32xi32, #tpu.memory_space<vmem>>) semaphore(%arg7 : memref<!tpu.dma_semaphore, #tpu.memory_space<semaphore_mem>>)
    %dma_wait3A_968 = arith.constant 2 : i32
    %dma_wait3A_969 = arith.constant 0 : i32
    %dma_wait3A_970 = arith.constant 0 : i32
    %dma_wait3A_971 = tpu.memref_slice %arg6[%dma_wait3A_968, %dma_wait3A_969, %dma_wait3A_970] : memref<3x32x1024xf32, #tpu.memory_space<vmem>> -> memref<1x32x1024xf32, #tpu.memory_space<vmem>>
    %dma_wait3A_972 = tpu.memref_squeeze %dma_wait3A_971 : memref<1x32x1024xf32, #tpu.memory_space<vmem>> -> memref<32x1024xf32, #tpu.memory_space<vmem>>
    %dma_wait3A_973 = arith.constant 640 : i32
    %dma_wait3A_974 = tpu.memref_slice %arg5[%dma_wait3A_973] : memref<928xi32, #tpu.memory_space<vmem>> -> memref<32xi32, #tpu.memory_space<vmem>>
    %dma_wait3A_975 = arith.constant 0 : i32
    %dma_wait3A_976 = arith.constant 0 : i32
    %dma_wait3A_977 = tpu.memref_slice %arg2[%dma_wait3A_975, %dma_wait3A_976] : memref<16384x1024xf32, #tpu.memory_space<hbm>> -> memref<16384x1024xf32, #tpu.memory_space<hbm>>
    tpu.wait_indirect_dma semaphore(%arg7 : memref<!tpu.dma_semaphore, #tpu.memory_space<semaphore_mem>>) src(%dma_wait3A_977 : memref<16384x1024xf32, #tpu.memory_space<hbm>>) dst(%dma_wait3A_972 : memref<32x1024xf32, #tpu.memory_space<vmem>>)
    %add3A_978 = arith.constant 640 : i32
    %add3A_979 = arith.addi %multiple_of3A, %add3A_978 : i32
    %dma_start3A_980 = arith.constant 2 : i32
    %dma_start3A_981 = arith.constant 0 : i32
    %dma_start3A_982 = arith.constant 0 : i32
    %dma_start3A_983 = tpu.memref_slice %arg6[%dma_start3A_980, %dma_start3A_981, %dma_start3A_982] : memref<3x32x1024xf32, #tpu.memory_space<vmem>> -> memref<1x32x1024xf32, #tpu.memory_space<vmem>>
    %dma_start3A_984 = tpu.memref_squeeze %dma_start3A_983 : memref<1x32x1024xf32, #tpu.memory_space<vmem>> -> memref<32x1024xf32, #tpu.memory_space<vmem>>
    %dma_start3A_985 = arith.constant 0 : i32
    %dma_start3A_986 = tpu.memref_slice %arg4[%add3A_979, %dma_start3A_985] : memref<29696x1024xf32, #tpu.memory_space<hbm>> -> memref<32x1024xf32, #tpu.memory_space<hbm>>
    %dma_start3A_987 = arith.constant 0 : i32
    %dma_start3A_988 = tpu.memref_slice %arg4[%add3A_979, %dma_start3A_987] : memref<29696x1024xf32, #tpu.memory_space<hbm>> -> memref<32x1024xf32, #tpu.memory_space<hbm>>
    %dma_start3A_989 = arith.constant 0 : i32
    %dma_start3A_990 = arith.constant 0 : i32
    %dma_start3A_991 = tpu.memref_slice %arg6[%dma_start3A_980, %dma_start3A_989, %dma_start3A_990] : memref<3x32x1024xf32, #tpu.memory_space<vmem>> -> memref<1x32x1024xf32, #tpu.memory_space<vmem>>
    %dma_start3A_992 = tpu.memref_squeeze %dma_start3A_991 : memref<1x32x1024xf32, #tpu.memory_space<vmem>> -> memref<32x1024xf32, #tpu.memory_space<vmem>>
    tpu.enqueue_dma source(%dma_start3A_992 : memref<32x1024xf32, #tpu.memory_space<vmem>>) target(%dma_start3A_988 : memref<32x1024xf32, #tpu.memory_space<hbm>>) target_semaphore(%arg8 : memref<!tpu.dma_semaphore, #tpu.memory_space<semaphore_mem>>)
    %dma_wait3A_993 = arith.constant 1 : i32
    %dma_wait3A_994 = arith.constant 0 : i32
    %dma_wait3A_995 = arith.constant 0 : i32
    %dma_wait3A_996 = tpu.memref_slice %arg6[%dma_wait3A_993, %dma_wait3A_994, %dma_wait3A_995] : memref<3x32x1024xf32, #tpu.memory_space<vmem>> -> memref<1x32x1024xf32, #tpu.memory_space<vmem>>
    %dma_wait3A_997 = tpu.memref_squeeze %dma_wait3A_996 : memref<1x32x1024xf32, #tpu.memory_space<vmem>> -> memref<32x1024xf32, #tpu.memory_space<vmem>>
    %dma_wait3A_998 = arith.constant 0 : i32
    %dma_wait3A_999 = tpu.memref_slice %arg4[%add3A_931, %dma_wait3A_998] : memref<29696x1024xf32, #tpu.memory_space<hbm>> -> memref<32x1024xf32, #tpu.memory_space<hbm>>
    %dma_wait3A_1000 = arith.constant 0 : i32
    %dma_wait3A_1001 = tpu.memref_slice %arg4[%add3A_931, %dma_wait3A_1000] : memref<29696x1024xf32, #tpu.memory_space<hbm>> -> memref<32x1024xf32, #tpu.memory_space<hbm>>
    %dma_wait3A_1002 = arith.constant 0 : i32
    %dma_wait3A_1003 = arith.constant 0 : i32
    %dma_wait3A_1004 = tpu.memref_slice %arg6[%dma_wait3A_993, %dma_wait3A_1002, %dma_wait3A_1003] : memref<3x32x1024xf32, #tpu.memory_space<vmem>> -> memref<1x32x1024xf32, #tpu.memory_space<vmem>>
    %dma_wait3A_1005 = tpu.memref_squeeze %dma_wait3A_1004 : memref<1x32x1024xf32, #tpu.memory_space<vmem>> -> memref<32x1024xf32, #tpu.memory_space<vmem>>
    tpu.wait_dma2 semaphore(%arg8 : memref<!tpu.dma_semaphore, #tpu.memory_space<semaphore_mem>>) src(%dma_wait3A_1005 : memref<32x1024xf32, #tpu.memory_space<vmem>>) dst(%dma_wait3A_1001 : memref<32x1024xf32, #tpu.memory_space<hbm>>)
    %dma_start3A_1006 = arith.constant 1 : i32
    %dma_start3A_1007 = arith.constant 0 : i32
    %dma_start3A_1008 = arith.constant 0 : i32
    %dma_start3A_1009 = tpu.memref_slice %arg6[%dma_start3A_1006, %dma_start3A_1007, %dma_start3A_1008] : memref<3x32x1024xf32, #tpu.memory_space<vmem>> -> memref<1x32x1024xf32, #tpu.memory_space<vmem>>
    %dma_start3A_1010 = tpu.memref_squeeze %dma_start3A_1009 : memref<1x32x1024xf32, #tpu.memory_space<vmem>> -> memref<32x1024xf32, #tpu.memory_space<vmem>>
    %dma_start3A_1011 = arith.constant 704 : i32
    %dma_start3A_1012 = tpu.memref_slice %arg5[%dma_start3A_1011] : memref<928xi32, #tpu.memory_space<vmem>> -> memref<32xi32, #tpu.memory_space<vmem>>
    %dma_start3A_1013 = arith.constant 0 : i32
    %dma_start3A_1014 = arith.constant 0 : i32
    %dma_start3A_1015 = tpu.memref_slice %arg2[%dma_start3A_1013, %dma_start3A_1014] : memref<16384x1024xf32, #tpu.memory_space<hbm>> -> memref<16384x1024xf32, #tpu.memory_space<hbm>>
    tpu.enqueue_indirect_dma source(%dma_start3A_1015 : memref<16384x1024xf32, #tpu.memory_space<hbm>>) target(%dma_start3A_1010 : memref<32x1024xf32, #tpu.memory_space<vmem>>) offsets(%dma_start3A_1012 : memref<32xi32, #tpu.memory_space<vmem>>) semaphore(%arg7 : memref<!tpu.dma_semaphore, #tpu.memory_space<semaphore_mem>>)
    %dma_wait3A_1016 = arith.constant 0 : i32
    %dma_wait3A_1017 = arith.constant 0 : i32
    %dma_wait3A_1018 = arith.constant 0 : i32
    %dma_wait3A_1019 = tpu.memref_slice %arg6[%dma_wait3A_1016, %dma_wait3A_1017, %dma_wait3A_1018] : memref<3x32x1024xf32, #tpu.memory_space<vmem>> -> memref<1x32x1024xf32, #tpu.memory_space<vmem>>
    %dma_wait3A_1020 = tpu.memref_squeeze %dma_wait3A_1019 : memref<1x32x1024xf32, #tpu.memory_space<vmem>> -> memref<32x1024xf32, #tpu.memory_space<vmem>>
    %dma_wait3A_1021 = arith.constant 672 : i32
    %dma_wait3A_1022 = tpu.memref_slice %arg5[%dma_wait3A_1021] : memref<928xi32, #tpu.memory_space<vmem>> -> memref<32xi32, #tpu.memory_space<vmem>>
    %dma_wait3A_1023 = arith.constant 0 : i32
    %dma_wait3A_1024 = arith.constant 0 : i32
    %dma_wait3A_1025 = tpu.memref_slice %arg2[%dma_wait3A_1023, %dma_wait3A_1024] : memref<16384x1024xf32, #tpu.memory_space<hbm>> -> memref<16384x1024xf32, #tpu.memory_space<hbm>>
    tpu.wait_indirect_dma semaphore(%arg7 : memref<!tpu.dma_semaphore, #tpu.memory_space<semaphore_mem>>) src(%dma_wait3A_1025 : memref<16384x1024xf32, #tpu.memory_space<hbm>>) dst(%dma_wait3A_1020 : memref<32x1024xf32, #tpu.memory_space<vmem>>)
    %add3A_1026 = arith.constant 672 : i32
    %add3A_1027 = arith.addi %multiple_of3A, %add3A_1026 : i32
    %dma_start3A_1028 = arith.constant 0 : i32
    %dma_start3A_1029 = arith.constant 0 : i32
    %dma_start3A_1030 = arith.constant 0 : i32
    %dma_start3A_1031 = tpu.memref_slice %arg6[%dma_start3A_1028, %dma_start3A_1029, %dma_start3A_1030] : memref<3x32x1024xf32, #tpu.memory_space<vmem>> -> memref<1x32x1024xf32, #tpu.memory_space<vmem>>
    %dma_start3A_1032 = tpu.memref_squeeze %dma_start3A_1031 : memref<1x32x1024xf32, #tpu.memory_space<vmem>> -> memref<32x1024xf32, #tpu.memory_space<vmem>>
    %dma_start3A_1033 = arith.constant 0 : i32
    %dma_start3A_1034 = tpu.memref_slice %arg4[%add3A_1027, %dma_start3A_1033] : memref<29696x1024xf32, #tpu.memory_space<hbm>> -> memref<32x1024xf32, #tpu.memory_space<hbm>>
    %dma_start3A_1035 = arith.constant 0 : i32
    %dma_start3A_1036 = tpu.memref_slice %arg4[%add3A_1027, %dma_start3A_1035] : memref<29696x1024xf32, #tpu.memory_space<hbm>> -> memref<32x1024xf32, #tpu.memory_space<hbm>>
    %dma_start3A_1037 = arith.constant 0 : i32
    %dma_start3A_1038 = arith.constant 0 : i32
    %dma_start3A_1039 = tpu.memref_slice %arg6[%dma_start3A_1028, %dma_start3A_1037, %dma_start3A_1038] : memref<3x32x1024xf32, #tpu.memory_space<vmem>> -> memref<1x32x1024xf32, #tpu.memory_space<vmem>>
    %dma_start3A_1040 = tpu.memref_squeeze %dma_start3A_1039 : memref<1x32x1024xf32, #tpu.memory_space<vmem>> -> memref<32x1024xf32, #tpu.memory_space<vmem>>
    tpu.enqueue_dma source(%dma_start3A_1040 : memref<32x1024xf32, #tpu.memory_space<vmem>>) target(%dma_start3A_1036 : memref<32x1024xf32, #tpu.memory_space<hbm>>) target_semaphore(%arg8 : memref<!tpu.dma_semaphore, #tpu.memory_space<semaphore_mem>>)
    %dma_wait3A_1041 = arith.constant 2 : i32
    %dma_wait3A_1042 = arith.constant 0 : i32
    %dma_wait3A_1043 = arith.constant 0 : i32
    %dma_wait3A_1044 = tpu.memref_slice %arg6[%dma_wait3A_1041, %dma_wait3A_1042, %dma_wait3A_1043] : memref<3x32x1024xf32, #tpu.memory_space<vmem>> -> memref<1x32x1024xf32, #tpu.memory_space<vmem>>
    %dma_wait3A_1045 = tpu.memref_squeeze %dma_wait3A_1044 : memref<1x32x1024xf32, #tpu.memory_space<vmem>> -> memref<32x1024xf32, #tpu.memory_space<vmem>>
    %dma_wait3A_1046 = arith.constant 0 : i32
    %dma_wait3A_1047 = tpu.memref_slice %arg4[%add3A_979, %dma_wait3A_1046] : memref<29696x1024xf32, #tpu.memory_space<hbm>> -> memref<32x1024xf32, #tpu.memory_space<hbm>>
    %dma_wait3A_1048 = arith.constant 0 : i32
    %dma_wait3A_1049 = tpu.memref_slice %arg4[%add3A_979, %dma_wait3A_1048] : memref<29696x1024xf32, #tpu.memory_space<hbm>> -> memref<32x1024xf32, #tpu.memory_space<hbm>>
    %dma_wait3A_1050 = arith.constant 0 : i32
    %dma_wait3A_1051 = arith.constant 0 : i32
    %dma_wait3A_1052 = tpu.memref_slice %arg6[%dma_wait3A_1041, %dma_wait3A_1050, %dma_wait3A_1051] : memref<3x32x1024xf32, #tpu.memory_space<vmem>> -> memref<1x32x1024xf32, #tpu.memory_space<vmem>>
    %dma_wait3A_1053 = tpu.memref_squeeze %dma_wait3A_1052 : memref<1x32x1024xf32, #tpu.memory_space<vmem>> -> memref<32x1024xf32, #tpu.memory_space<vmem>>
    tpu.wait_dma2 semaphore(%arg8 : memref<!tpu.dma_semaphore, #tpu.memory_space<semaphore_mem>>) src(%dma_wait3A_1053 : memref<32x1024xf32, #tpu.memory_space<vmem>>) dst(%dma_wait3A_1049 : memref<32x1024xf32, #tpu.memory_space<hbm>>)
    %dma_start3A_1054 = arith.constant 2 : i32
    %dma_start3A_1055 = arith.constant 0 : i32
    %dma_start3A_1056 = arith.constant 0 : i32
    %dma_start3A_1057 = tpu.memref_slice %arg6[%dma_start3A_1054, %dma_start3A_1055, %dma_start3A_1056] : memref<3x32x1024xf32, #tpu.memory_space<vmem>> -> memref<1x32x1024xf32, #tpu.memory_space<vmem>>
    %dma_start3A_1058 = tpu.memref_squeeze %dma_start3A_1057 : memref<1x32x1024xf32, #tpu.memory_space<vmem>> -> memref<32x1024xf32, #tpu.memory_space<vmem>>
    %dma_start3A_1059 = arith.constant 736 : i32
    %dma_start3A_1060 = tpu.memref_slice %arg5[%dma_start3A_1059] : memref<928xi32, #tpu.memory_space<vmem>> -> memref<32xi32, #tpu.memory_space<vmem>>
    %dma_start3A_1061 = arith.constant 0 : i32
    %dma_start3A_1062 = arith.constant 0 : i32
    %dma_start3A_1063 = tpu.memref_slice %arg2[%dma_start3A_1061, %dma_start3A_1062] : memref<16384x1024xf32, #tpu.memory_space<hbm>> -> memref<16384x1024xf32, #tpu.memory_space<hbm>>
    tpu.enqueue_indirect_dma source(%dma_start3A_1063 : memref<16384x1024xf32, #tpu.memory_space<hbm>>) target(%dma_start3A_1058 : memref<32x1024xf32, #tpu.memory_space<vmem>>) offsets(%dma_start3A_1060 : memref<32xi32, #tpu.memory_space<vmem>>) semaphore(%arg7 : memref<!tpu.dma_semaphore, #tpu.memory_space<semaphore_mem>>)
    %dma_wait3A_1064 = arith.constant 1 : i32
    %dma_wait3A_1065 = arith.constant 0 : i32
    %dma_wait3A_1066 = arith.constant 0 : i32
    %dma_wait3A_1067 = tpu.memref_slice %arg6[%dma_wait3A_1064, %dma_wait3A_1065, %dma_wait3A_1066] : memref<3x32x1024xf32, #tpu.memory_space<vmem>> -> memref<1x32x1024xf32, #tpu.memory_space<vmem>>
    %dma_wait3A_1068 = tpu.memref_squeeze %dma_wait3A_1067 : memref<1x32x1024xf32, #tpu.memory_space<vmem>> -> memref<32x1024xf32, #tpu.memory_space<vmem>>
    %dma_wait3A_1069 = arith.constant 704 : i32
    %dma_wait3A_1070 = tpu.memref_slice %arg5[%dma_wait3A_1069] : memref<928xi32, #tpu.memory_space<vmem>> -> memref<32xi32, #tpu.memory_space<vmem>>
    %dma_wait3A_1071 = arith.constant 0 : i32
    %dma_wait3A_1072 = arith.constant 0 : i32
    %dma_wait3A_1073 = tpu.memref_slice %arg2[%dma_wait3A_1071, %dma_wait3A_1072] : memref<16384x1024xf32, #tpu.memory_space<hbm>> -> memref<16384x1024xf32, #tpu.memory_space<hbm>>
    tpu.wait_indirect_dma semaphore(%arg7 : memref<!tpu.dma_semaphore, #tpu.memory_space<semaphore_mem>>) src(%dma_wait3A_1073 : memref<16384x1024xf32, #tpu.memory_space<hbm>>) dst(%dma_wait3A_1068 : memref<32x1024xf32, #tpu.memory_space<vmem>>)
    %add3A_1074 = arith.constant 704 : i32
    %add3A_1075 = arith.addi %multiple_of3A, %add3A_1074 : i32
    %dma_start3A_1076 = arith.constant 1 : i32
    %dma_start3A_1077 = arith.constant 0 : i32
    %dma_start3A_1078 = arith.constant 0 : i32
    %dma_start3A_1079 = tpu.memref_slice %arg6[%dma_start3A_1076, %dma_start3A_1077, %dma_start3A_1078] : memref<3x32x1024xf32, #tpu.memory_space<vmem>> -> memref<1x32x1024xf32, #tpu.memory_space<vmem>>
    %dma_start3A_1080 = tpu.memref_squeeze %dma_start3A_1079 : memref<1x32x1024xf32, #tpu.memory_space<vmem>> -> memref<32x1024xf32, #tpu.memory_space<vmem>>
    %dma_start3A_1081 = arith.constant 0 : i32
    %dma_start3A_1082 = tpu.memref_slice %arg4[%add3A_1075, %dma_start3A_1081] : memref<29696x1024xf32, #tpu.memory_space<hbm>> -> memref<32x1024xf32, #tpu.memory_space<hbm>>
    %dma_start3A_1083 = arith.constant 0 : i32
    %dma_start3A_1084 = tpu.memref_slice %arg4[%add3A_1075, %dma_start3A_1083] : memref<29696x1024xf32, #tpu.memory_space<hbm>> -> memref<32x1024xf32, #tpu.memory_space<hbm>>
    %dma_start3A_1085 = arith.constant 0 : i32
    %dma_start3A_1086 = arith.constant 0 : i32
    %dma_start3A_1087 = tpu.memref_slice %arg6[%dma_start3A_1076, %dma_start3A_1085, %dma_start3A_1086] : memref<3x32x1024xf32, #tpu.memory_space<vmem>> -> memref<1x32x1024xf32, #tpu.memory_space<vmem>>
    %dma_start3A_1088 = tpu.memref_squeeze %dma_start3A_1087 : memref<1x32x1024xf32, #tpu.memory_space<vmem>> -> memref<32x1024xf32, #tpu.memory_space<vmem>>
    tpu.enqueue_dma source(%dma_start3A_1088 : memref<32x1024xf32, #tpu.memory_space<vmem>>) target(%dma_start3A_1084 : memref<32x1024xf32, #tpu.memory_space<hbm>>) target_semaphore(%arg8 : memref<!tpu.dma_semaphore, #tpu.memory_space<semaphore_mem>>)
    %dma_wait3A_1089 = arith.constant 0 : i32
    %dma_wait3A_1090 = arith.constant 0 : i32
    %dma_wait3A_1091 = arith.constant 0 : i32
    %dma_wait3A_1092 = tpu.memref_slice %arg6[%dma_wait3A_1089, %dma_wait3A_1090, %dma_wait3A_1091] : memref<3x32x1024xf32, #tpu.memory_space<vmem>> -> memref<1x32x1024xf32, #tpu.memory_space<vmem>>
    %dma_wait3A_1093 = tpu.memref_squeeze %dma_wait3A_1092 : memref<1x32x1024xf32, #tpu.memory_space<vmem>> -> memref<32x1024xf32, #tpu.memory_space<vmem>>
    %dma_wait3A_1094 = arith.constant 0 : i32
    %dma_wait3A_1095 = tpu.memref_slice %arg4[%add3A_1027, %dma_wait3A_1094] : memref<29696x1024xf32, #tpu.memory_space<hbm>> -> memref<32x1024xf32, #tpu.memory_space<hbm>>
    %dma_wait3A_1096 = arith.constant 0 : i32
    %dma_wait3A_1097 = tpu.memref_slice %arg4[%add3A_1027, %dma_wait3A_1096] : memref<29696x1024xf32, #tpu.memory_space<hbm>> -> memref<32x1024xf32, #tpu.memory_space<hbm>>
    %dma_wait3A_1098 = arith.constant 0 : i32
    %dma_wait3A_1099 = arith.constant 0 : i32
    %dma_wait3A_1100 = tpu.memref_slice %arg6[%dma_wait3A_1089, %dma_wait3A_1098, %dma_wait3A_1099] : memref<3x32x1024xf32, #tpu.memory_space<vmem>> -> memref<1x32x1024xf32, #tpu.memory_space<vmem>>
    %dma_wait3A_1101 = tpu.memref_squeeze %dma_wait3A_1100 : memref<1x32x1024xf32, #tpu.memory_space<vmem>> -> memref<32x1024xf32, #tpu.memory_space<vmem>>
    tpu.wait_dma2 semaphore(%arg8 : memref<!tpu.dma_semaphore, #tpu.memory_space<semaphore_mem>>) src(%dma_wait3A_1101 : memref<32x1024xf32, #tpu.memory_space<vmem>>) dst(%dma_wait3A_1097 : memref<32x1024xf32, #tpu.memory_space<hbm>>)
    %dma_start3A_1102 = arith.constant 0 : i32
    %dma_start3A_1103 = arith.constant 0 : i32
    %dma_start3A_1104 = arith.constant 0 : i32
    %dma_start3A_1105 = tpu.memref_slice %arg6[%dma_start3A_1102, %dma_start3A_1103, %dma_start3A_1104] : memref<3x32x1024xf32, #tpu.memory_space<vmem>> -> memref<1x32x1024xf32, #tpu.memory_space<vmem>>
    %dma_start3A_1106 = tpu.memref_squeeze %dma_start3A_1105 : memref<1x32x1024xf32, #tpu.memory_space<vmem>> -> memref<32x1024xf32, #tpu.memory_space<vmem>>
    %dma_start3A_1107 = arith.constant 768 : i32
    %dma_start3A_1108 = tpu.memref_slice %arg5[%dma_start3A_1107] : memref<928xi32, #tpu.memory_space<vmem>> -> memref<32xi32, #tpu.memory_space<vmem>>
    %dma_start3A_1109 = arith.constant 0 : i32
    %dma_start3A_1110 = arith.constant 0 : i32
    %dma_start3A_1111 = tpu.memref_slice %arg2[%dma_start3A_1109, %dma_start3A_1110] : memref<16384x1024xf32, #tpu.memory_space<hbm>> -> memref<16384x1024xf32, #tpu.memory_space<hbm>>
    tpu.enqueue_indirect_dma source(%dma_start3A_1111 : memref<16384x1024xf32, #tpu.memory_space<hbm>>) target(%dma_start3A_1106 : memref<32x1024xf32, #tpu.memory_space<vmem>>) offsets(%dma_start3A_1108 : memref<32xi32, #tpu.memory_space<vmem>>) semaphore(%arg7 : memref<!tpu.dma_semaphore, #tpu.memory_space<semaphore_mem>>)
    %dma_wait3A_1112 = arith.constant 2 : i32
    %dma_wait3A_1113 = arith.constant 0 : i32
    %dma_wait3A_1114 = arith.constant 0 : i32
    %dma_wait3A_1115 = tpu.memref_slice %arg6[%dma_wait3A_1112, %dma_wait3A_1113, %dma_wait3A_1114] : memref<3x32x1024xf32, #tpu.memory_space<vmem>> -> memref<1x32x1024xf32, #tpu.memory_space<vmem>>
    %dma_wait3A_1116 = tpu.memref_squeeze %dma_wait3A_1115 : memref<1x32x1024xf32, #tpu.memory_space<vmem>> -> memref<32x1024xf32, #tpu.memory_space<vmem>>
    %dma_wait3A_1117 = arith.constant 736 : i32
    %dma_wait3A_1118 = tpu.memref_slice %arg5[%dma_wait3A_1117] : memref<928xi32, #tpu.memory_space<vmem>> -> memref<32xi32, #tpu.memory_space<vmem>>
    %dma_wait3A_1119 = arith.constant 0 : i32
    %dma_wait3A_1120 = arith.constant 0 : i32
    %dma_wait3A_1121 = tpu.memref_slice %arg2[%dma_wait3A_1119, %dma_wait3A_1120] : memref<16384x1024xf32, #tpu.memory_space<hbm>> -> memref<16384x1024xf32, #tpu.memory_space<hbm>>
    tpu.wait_indirect_dma semaphore(%arg7 : memref<!tpu.dma_semaphore, #tpu.memory_space<semaphore_mem>>) src(%dma_wait3A_1121 : memref<16384x1024xf32, #tpu.memory_space<hbm>>) dst(%dma_wait3A_1116 : memref<32x1024xf32, #tpu.memory_space<vmem>>)
    %add3A_1122 = arith.constant 736 : i32
    %add3A_1123 = arith.addi %multiple_of3A, %add3A_1122 : i32
    %dma_start3A_1124 = arith.constant 2 : i32
    %dma_start3A_1125 = arith.constant 0 : i32
    %dma_start3A_1126 = arith.constant 0 : i32
    %dma_start3A_1127 = tpu.memref_slice %arg6[%dma_start3A_1124, %dma_start3A_1125, %dma_start3A_1126] : memref<3x32x1024xf32, #tpu.memory_space<vmem>> -> memref<1x32x1024xf32, #tpu.memory_space<vmem>>
    %dma_start3A_1128 = tpu.memref_squeeze %dma_start3A_1127 : memref<1x32x1024xf32, #tpu.memory_space<vmem>> -> memref<32x1024xf32, #tpu.memory_space<vmem>>
    %dma_start3A_1129 = arith.constant 0 : i32
    %dma_start3A_1130 = tpu.memref_slice %arg4[%add3A_1123, %dma_start3A_1129] : memref<29696x1024xf32, #tpu.memory_space<hbm>> -> memref<32x1024xf32, #tpu.memory_space<hbm>>
    %dma_start3A_1131 = arith.constant 0 : i32
    %dma_start3A_1132 = tpu.memref_slice %arg4[%add3A_1123, %dma_start3A_1131] : memref<29696x1024xf32, #tpu.memory_space<hbm>> -> memref<32x1024xf32, #tpu.memory_space<hbm>>
    %dma_start3A_1133 = arith.constant 0 : i32
    %dma_start3A_1134 = arith.constant 0 : i32
    %dma_start3A_1135 = tpu.memref_slice %arg6[%dma_start3A_1124, %dma_start3A_1133, %dma_start3A_1134] : memref<3x32x1024xf32, #tpu.memory_space<vmem>> -> memref<1x32x1024xf32, #tpu.memory_space<vmem>>
    %dma_start3A_1136 = tpu.memref_squeeze %dma_start3A_1135 : memref<1x32x1024xf32, #tpu.memory_space<vmem>> -> memref<32x1024xf32, #tpu.memory_space<vmem>>
    tpu.enqueue_dma source(%dma_start3A_1136 : memref<32x1024xf32, #tpu.memory_space<vmem>>) target(%dma_start3A_1132 : memref<32x1024xf32, #tpu.memory_space<hbm>>) target_semaphore(%arg8 : memref<!tpu.dma_semaphore, #tpu.memory_space<semaphore_mem>>)
    %dma_wait3A_1137 = arith.constant 1 : i32
    %dma_wait3A_1138 = arith.constant 0 : i32
    %dma_wait3A_1139 = arith.constant 0 : i32
    %dma_wait3A_1140 = tpu.memref_slice %arg6[%dma_wait3A_1137, %dma_wait3A_1138, %dma_wait3A_1139] : memref<3x32x1024xf32, #tpu.memory_space<vmem>> -> memref<1x32x1024xf32, #tpu.memory_space<vmem>>
    %dma_wait3A_1141 = tpu.memref_squeeze %dma_wait3A_1140 : memref<1x32x1024xf32, #tpu.memory_space<vmem>> -> memref<32x1024xf32, #tpu.memory_space<vmem>>
    %dma_wait3A_1142 = arith.constant 0 : i32
    %dma_wait3A_1143 = tpu.memref_slice %arg4[%add3A_1075, %dma_wait3A_1142] : memref<29696x1024xf32, #tpu.memory_space<hbm>> -> memref<32x1024xf32, #tpu.memory_space<hbm>>
    %dma_wait3A_1144 = arith.constant 0 : i32
    %dma_wait3A_1145 = tpu.memref_slice %arg4[%add3A_1075, %dma_wait3A_1144] : memref<29696x1024xf32, #tpu.memory_space<hbm>> -> memref<32x1024xf32, #tpu.memory_space<hbm>>
    %dma_wait3A_1146 = arith.constant 0 : i32
    %dma_wait3A_1147 = arith.constant 0 : i32
    %dma_wait3A_1148 = tpu.memref_slice %arg6[%dma_wait3A_1137, %dma_wait3A_1146, %dma_wait3A_1147] : memref<3x32x1024xf32, #tpu.memory_space<vmem>> -> memref<1x32x1024xf32, #tpu.memory_space<vmem>>
    %dma_wait3A_1149 = tpu.memref_squeeze %dma_wait3A_1148 : memref<1x32x1024xf32, #tpu.memory_space<vmem>> -> memref<32x1024xf32, #tpu.memory_space<vmem>>
    tpu.wait_dma2 semaphore(%arg8 : memref<!tpu.dma_semaphore, #tpu.memory_space<semaphore_mem>>) src(%dma_wait3A_1149 : memref<32x1024xf32, #tpu.memory_space<vmem>>) dst(%dma_wait3A_1145 : memref<32x1024xf32, #tpu.memory_space<hbm>>)
    %dma_start3A_1150 = arith.constant 1 : i32
    %dma_start3A_1151 = arith.constant 0 : i32
    %dma_start3A_1152 = arith.constant 0 : i32
    %dma_start3A_1153 = tpu.memref_slice %arg6[%dma_start3A_1150, %dma_start3A_1151, %dma_start3A_1152] : memref<3x32x1024xf32, #tpu.memory_space<vmem>> -> memref<1x32x1024xf32, #tpu.memory_space<vmem>>
    %dma_start3A_1154 = tpu.memref_squeeze %dma_start3A_1153 : memref<1x32x1024xf32, #tpu.memory_space<vmem>> -> memref<32x1024xf32, #tpu.memory_space<vmem>>
    %dma_start3A_1155 = arith.constant 800 : i32
    %dma_start3A_1156 = tpu.memref_slice %arg5[%dma_start3A_1155] : memref<928xi32, #tpu.memory_space<vmem>> -> memref<32xi32, #tpu.memory_space<vmem>>
    %dma_start3A_1157 = arith.constant 0 : i32
    %dma_start3A_1158 = arith.constant 0 : i32
    %dma_start3A_1159 = tpu.memref_slice %arg2[%dma_start3A_1157, %dma_start3A_1158] : memref<16384x1024xf32, #tpu.memory_space<hbm>> -> memref<16384x1024xf32, #tpu.memory_space<hbm>>
    tpu.enqueue_indirect_dma source(%dma_start3A_1159 : memref<16384x1024xf32, #tpu.memory_space<hbm>>) target(%dma_start3A_1154 : memref<32x1024xf32, #tpu.memory_space<vmem>>) offsets(%dma_start3A_1156 : memref<32xi32, #tpu.memory_space<vmem>>) semaphore(%arg7 : memref<!tpu.dma_semaphore, #tpu.memory_space<semaphore_mem>>)
    %dma_wait3A_1160 = arith.constant 0 : i32
    %dma_wait3A_1161 = arith.constant 0 : i32
    %dma_wait3A_1162 = arith.constant 0 : i32
    %dma_wait3A_1163 = tpu.memref_slice %arg6[%dma_wait3A_1160, %dma_wait3A_1161, %dma_wait3A_1162] : memref<3x32x1024xf32, #tpu.memory_space<vmem>> -> memref<1x32x1024xf32, #tpu.memory_space<vmem>>
    %dma_wait3A_1164 = tpu.memref_squeeze %dma_wait3A_1163 : memref<1x32x1024xf32, #tpu.memory_space<vmem>> -> memref<32x1024xf32, #tpu.memory_space<vmem>>
    %dma_wait3A_1165 = arith.constant 768 : i32
    %dma_wait3A_1166 = tpu.memref_slice %arg5[%dma_wait3A_1165] : memref<928xi32, #tpu.memory_space<vmem>> -> memref<32xi32, #tpu.memory_space<vmem>>
    %dma_wait3A_1167 = arith.constant 0 : i32
    %dma_wait3A_1168 = arith.constant 0 : i32
    %dma_wait3A_1169 = tpu.memref_slice %arg2[%dma_wait3A_1167, %dma_wait3A_1168] : memref<16384x1024xf32, #tpu.memory_space<hbm>> -> memref<16384x1024xf32, #tpu.memory_space<hbm>>
    tpu.wait_indirect_dma semaphore(%arg7 : memref<!tpu.dma_semaphore, #tpu.memory_space<semaphore_mem>>) src(%dma_wait3A_1169 : memref<16384x1024xf32, #tpu.memory_space<hbm>>) dst(%dma_wait3A_1164 : memref<32x1024xf32, #tpu.memory_space<vmem>>)
    %add3A_1170 = arith.constant 768 : i32
    %add3A_1171 = arith.addi %multiple_of3A, %add3A_1170 : i32
    %dma_start3A_1172 = arith.constant 0 : i32
    %dma_start3A_1173 = arith.constant 0 : i32
    %dma_start3A_1174 = arith.constant 0 : i32
    %dma_start3A_1175 = tpu.memref_slice %arg6[%dma_start3A_1172, %dma_start3A_1173, %dma_start3A_1174] : memref<3x32x1024xf32, #tpu.memory_space<vmem>> -> memref<1x32x1024xf32, #tpu.memory_space<vmem>>
    %dma_start3A_1176 = tpu.memref_squeeze %dma_start3A_1175 : memref<1x32x1024xf32, #tpu.memory_space<vmem>> -> memref<32x1024xf32, #tpu.memory_space<vmem>>
    %dma_start3A_1177 = arith.constant 0 : i32
    %dma_start3A_1178 = tpu.memref_slice %arg4[%add3A_1171, %dma_start3A_1177] : memref<29696x1024xf32, #tpu.memory_space<hbm>> -> memref<32x1024xf32, #tpu.memory_space<hbm>>
    %dma_start3A_1179 = arith.constant 0 : i32
    %dma_start3A_1180 = tpu.memref_slice %arg4[%add3A_1171, %dma_start3A_1179] : memref<29696x1024xf32, #tpu.memory_space<hbm>> -> memref<32x1024xf32, #tpu.memory_space<hbm>>
    %dma_start3A_1181 = arith.constant 0 : i32
    %dma_start3A_1182 = arith.constant 0 : i32
    %dma_start3A_1183 = tpu.memref_slice %arg6[%dma_start3A_1172, %dma_start3A_1181, %dma_start3A_1182] : memref<3x32x1024xf32, #tpu.memory_space<vmem>> -> memref<1x32x1024xf32, #tpu.memory_space<vmem>>
    %dma_start3A_1184 = tpu.memref_squeeze %dma_start3A_1183 : memref<1x32x1024xf32, #tpu.memory_space<vmem>> -> memref<32x1024xf32, #tpu.memory_space<vmem>>
    tpu.enqueue_dma source(%dma_start3A_1184 : memref<32x1024xf32, #tpu.memory_space<vmem>>) target(%dma_start3A_1180 : memref<32x1024xf32, #tpu.memory_space<hbm>>) target_semaphore(%arg8 : memref<!tpu.dma_semaphore, #tpu.memory_space<semaphore_mem>>)
    %dma_wait3A_1185 = arith.constant 2 : i32
    %dma_wait3A_1186 = arith.constant 0 : i32
    %dma_wait3A_1187 = arith.constant 0 : i32
    %dma_wait3A_1188 = tpu.memref_slice %arg6[%dma_wait3A_1185, %dma_wait3A_1186, %dma_wait3A_1187] : memref<3x32x1024xf32, #tpu.memory_space<vmem>> -> memref<1x32x1024xf32, #tpu.memory_space<vmem>>
    %dma_wait3A_1189 = tpu.memref_squeeze %dma_wait3A_1188 : memref<1x32x1024xf32, #tpu.memory_space<vmem>> -> memref<32x1024xf32, #tpu.memory_space<vmem>>
    %dma_wait3A_1190 = arith.constant 0 : i32
    %dma_wait3A_1191 = tpu.memref_slice %arg4[%add3A_1123, %dma_wait3A_1190] : memref<29696x1024xf32, #tpu.memory_space<hbm>> -> memref<32x1024xf32, #tpu.memory_space<hbm>>
    %dma_wait3A_1192 = arith.constant 0 : i32
    %dma_wait3A_1193 = tpu.memref_slice %arg4[%add3A_1123, %dma_wait3A_1192] : memref<29696x1024xf32, #tpu.memory_space<hbm>> -> memref<32x1024xf32, #tpu.memory_space<hbm>>
    %dma_wait3A_1194 = arith.constant 0 : i32
    %dma_wait3A_1195 = arith.constant 0 : i32
    %dma_wait3A_1196 = tpu.memref_slice %arg6[%dma_wait3A_1185, %dma_wait3A_1194, %dma_wait3A_1195] : memref<3x32x1024xf32, #tpu.memory_space<vmem>> -> memref<1x32x1024xf32, #tpu.memory_space<vmem>>
    %dma_wait3A_1197 = tpu.memref_squeeze %dma_wait3A_1196 : memref<1x32x1024xf32, #tpu.memory_space<vmem>> -> memref<32x1024xf32, #tpu.memory_space<vmem>>
    tpu.wait_dma2 semaphore(%arg8 : memref<!tpu.dma_semaphore, #tpu.memory_space<semaphore_mem>>) src(%dma_wait3A_1197 : memref<32x1024xf32, #tpu.memory_space<vmem>>) dst(%dma_wait3A_1193 : memref<32x1024xf32, #tpu.memory_space<hbm>>)
    %dma_start3A_1198 = arith.constant 2 : i32
    %dma_start3A_1199 = arith.constant 0 : i32
    %dma_start3A_1200 = arith.constant 0 : i32
    %dma_start3A_1201 = tpu.memref_slice %arg6[%dma_start3A_1198, %dma_start3A_1199, %dma_start3A_1200] : memref<3x32x1024xf32, #tpu.memory_space<vmem>> -> memref<1x32x1024xf32, #tpu.memory_space<vmem>>
    %dma_start3A_1202 = tpu.memref_squeeze %dma_start3A_1201 : memref<1x32x1024xf32, #tpu.memory_space<vmem>> -> memref<32x1024xf32, #tpu.memory_space<vmem>>
    %dma_start3A_1203 = arith.constant 832 : i32
    %dma_start3A_1204 = tpu.memref_slice %arg5[%dma_start3A_1203] : memref<928xi32, #tpu.memory_space<vmem>> -> memref<32xi32, #tpu.memory_space<vmem>>
    %dma_start3A_1205 = arith.constant 0 : i32
    %dma_start3A_1206 = arith.constant 0 : i32
    %dma_start3A_1207 = tpu.memref_slice %arg2[%dma_start3A_1205, %dma_start3A_1206] : memref<16384x1024xf32, #tpu.memory_space<hbm>> -> memref<16384x1024xf32, #tpu.memory_space<hbm>>
    tpu.enqueue_indirect_dma source(%dma_start3A_1207 : memref<16384x1024xf32, #tpu.memory_space<hbm>>) target(%dma_start3A_1202 : memref<32x1024xf32, #tpu.memory_space<vmem>>) offsets(%dma_start3A_1204 : memref<32xi32, #tpu.memory_space<vmem>>) semaphore(%arg7 : memref<!tpu.dma_semaphore, #tpu.memory_space<semaphore_mem>>)
    %dma_wait3A_1208 = arith.constant 1 : i32
    %dma_wait3A_1209 = arith.constant 0 : i32
    %dma_wait3A_1210 = arith.constant 0 : i32
    %dma_wait3A_1211 = tpu.memref_slice %arg6[%dma_wait3A_1208, %dma_wait3A_1209, %dma_wait3A_1210] : memref<3x32x1024xf32, #tpu.memory_space<vmem>> -> memref<1x32x1024xf32, #tpu.memory_space<vmem>>
    %dma_wait3A_1212 = tpu.memref_squeeze %dma_wait3A_1211 : memref<1x32x1024xf32, #tpu.memory_space<vmem>> -> memref<32x1024xf32, #tpu.memory_space<vmem>>
    %dma_wait3A_1213 = arith.constant 800 : i32
    %dma_wait3A_1214 = tpu.memref_slice %arg5[%dma_wait3A_1213] : memref<928xi32, #tpu.memory_space<vmem>> -> memref<32xi32, #tpu.memory_space<vmem>>
    %dma_wait3A_1215 = arith.constant 0 : i32
    %dma_wait3A_1216 = arith.constant 0 : i32
    %dma_wait3A_1217 = tpu.memref_slice %arg2[%dma_wait3A_1215, %dma_wait3A_1216] : memref<16384x1024xf32, #tpu.memory_space<hbm>> -> memref<16384x1024xf32, #tpu.memory_space<hbm>>
    tpu.wait_indirect_dma semaphore(%arg7 : memref<!tpu.dma_semaphore, #tpu.memory_space<semaphore_mem>>) src(%dma_wait3A_1217 : memref<16384x1024xf32, #tpu.memory_space<hbm>>) dst(%dma_wait3A_1212 : memref<32x1024xf32, #tpu.memory_space<vmem>>)
    %add3A_1218 = arith.constant 800 : i32
    %add3A_1219 = arith.addi %multiple_of3A, %add3A_1218 : i32
    %dma_start3A_1220 = arith.constant 1 : i32
    %dma_start3A_1221 = arith.constant 0 : i32
    %dma_start3A_1222 = arith.constant 0 : i32
    %dma_start3A_1223 = tpu.memref_slice %arg6[%dma_start3A_1220, %dma_start3A_1221, %dma_start3A_1222] : memref<3x32x1024xf32, #tpu.memory_space<vmem>> -> memref<1x32x1024xf32, #tpu.memory_space<vmem>>
    %dma_start3A_1224 = tpu.memref_squeeze %dma_start3A_1223 : memref<1x32x1024xf32, #tpu.memory_space<vmem>> -> memref<32x1024xf32, #tpu.memory_space<vmem>>
    %dma_start3A_1225 = arith.constant 0 : i32
    %dma_start3A_1226 = tpu.memref_slice %arg4[%add3A_1219, %dma_start3A_1225] : memref<29696x1024xf32, #tpu.memory_space<hbm>> -> memref<32x1024xf32, #tpu.memory_space<hbm>>
    %dma_start3A_1227 = arith.constant 0 : i32
    %dma_start3A_1228 = tpu.memref_slice %arg4[%add3A_1219, %dma_start3A_1227] : memref<29696x1024xf32, #tpu.memory_space<hbm>> -> memref<32x1024xf32, #tpu.memory_space<hbm>>
    %dma_start3A_1229 = arith.constant 0 : i32
    %dma_start3A_1230 = arith.constant 0 : i32
    %dma_start3A_1231 = tpu.memref_slice %arg6[%dma_start3A_1220, %dma_start3A_1229, %dma_start3A_1230] : memref<3x32x1024xf32, #tpu.memory_space<vmem>> -> memref<1x32x1024xf32, #tpu.memory_space<vmem>>
    %dma_start3A_1232 = tpu.memref_squeeze %dma_start3A_1231 : memref<1x32x1024xf32, #tpu.memory_space<vmem>> -> memref<32x1024xf32, #tpu.memory_space<vmem>>
    tpu.enqueue_dma source(%dma_start3A_1232 : memref<32x1024xf32, #tpu.memory_space<vmem>>) target(%dma_start3A_1228 : memref<32x1024xf32, #tpu.memory_space<hbm>>) target_semaphore(%arg8 : memref<!tpu.dma_semaphore, #tpu.memory_space<semaphore_mem>>)
    %dma_wait3A_1233 = arith.constant 0 : i32
    %dma_wait3A_1234 = arith.constant 0 : i32
    %dma_wait3A_1235 = arith.constant 0 : i32
    %dma_wait3A_1236 = tpu.memref_slice %arg6[%dma_wait3A_1233, %dma_wait3A_1234, %dma_wait3A_1235] : memref<3x32x1024xf32, #tpu.memory_space<vmem>> -> memref<1x32x1024xf32, #tpu.memory_space<vmem>>
    %dma_wait3A_1237 = tpu.memref_squeeze %dma_wait3A_1236 : memref<1x32x1024xf32, #tpu.memory_space<vmem>> -> memref<32x1024xf32, #tpu.memory_space<vmem>>
    %dma_wait3A_1238 = arith.constant 0 : i32
    %dma_wait3A_1239 = tpu.memref_slice %arg4[%add3A_1171, %dma_wait3A_1238] : memref<29696x1024xf32, #tpu.memory_space<hbm>> -> memref<32x1024xf32, #tpu.memory_space<hbm>>
    %dma_wait3A_1240 = arith.constant 0 : i32
    %dma_wait3A_1241 = tpu.memref_slice %arg4[%add3A_1171, %dma_wait3A_1240] : memref<29696x1024xf32, #tpu.memory_space<hbm>> -> memref<32x1024xf32, #tpu.memory_space<hbm>>
    %dma_wait3A_1242 = arith.constant 0 : i32
    %dma_wait3A_1243 = arith.constant 0 : i32
    %dma_wait3A_1244 = tpu.memref_slice %arg6[%dma_wait3A_1233, %dma_wait3A_1242, %dma_wait3A_1243] : memref<3x32x1024xf32, #tpu.memory_space<vmem>> -> memref<1x32x1024xf32, #tpu.memory_space<vmem>>
    %dma_wait3A_1245 = tpu.memref_squeeze %dma_wait3A_1244 : memref<1x32x1024xf32, #tpu.memory_space<vmem>> -> memref<32x1024xf32, #tpu.memory_space<vmem>>
    tpu.wait_dma2 semaphore(%arg8 : memref<!tpu.dma_semaphore, #tpu.memory_space<semaphore_mem>>) src(%dma_wait3A_1245 : memref<32x1024xf32, #tpu.memory_space<vmem>>) dst(%dma_wait3A_1241 : memref<32x1024xf32, #tpu.memory_space<hbm>>)
    %dma_start3A_1246 = arith.constant 0 : i32
    %dma_start3A_1247 = arith.constant 0 : i32
    %dma_start3A_1248 = arith.constant 0 : i32
    %dma_start3A_1249 = tpu.memref_slice %arg6[%dma_start3A_1246, %dma_start3A_1247, %dma_start3A_1248] : memref<3x32x1024xf32, #tpu.memory_space<vmem>> -> memref<1x32x1024xf32, #tpu.memory_space<vmem>>
    %dma_start3A_1250 = tpu.memref_squeeze %dma_start3A_1249 : memref<1x32x1024xf32, #tpu.memory_space<vmem>> -> memref<32x1024xf32, #tpu.memory_space<vmem>>
    %dma_start3A_1251 = arith.constant 864 : i32
    %dma_start3A_1252 = tpu.memref_slice %arg5[%dma_start3A_1251] : memref<928xi32, #tpu.memory_space<vmem>> -> memref<32xi32, #tpu.memory_space<vmem>>
    %dma_start3A_1253 = arith.constant 0 : i32
    %dma_start3A_1254 = arith.constant 0 : i32
    %dma_start3A_1255 = tpu.memref_slice %arg2[%dma_start3A_1253, %dma_start3A_1254] : memref<16384x1024xf32, #tpu.memory_space<hbm>> -> memref<16384x1024xf32, #tpu.memory_space<hbm>>
    tpu.enqueue_indirect_dma source(%dma_start3A_1255 : memref<16384x1024xf32, #tpu.memory_space<hbm>>) target(%dma_start3A_1250 : memref<32x1024xf32, #tpu.memory_space<vmem>>) offsets(%dma_start3A_1252 : memref<32xi32, #tpu.memory_space<vmem>>) semaphore(%arg7 : memref<!tpu.dma_semaphore, #tpu.memory_space<semaphore_mem>>)
    %dma_wait3A_1256 = arith.constant 2 : i32
    %dma_wait3A_1257 = arith.constant 0 : i32
    %dma_wait3A_1258 = arith.constant 0 : i32
    %dma_wait3A_1259 = tpu.memref_slice %arg6[%dma_wait3A_1256, %dma_wait3A_1257, %dma_wait3A_1258] : memref<3x32x1024xf32, #tpu.memory_space<vmem>> -> memref<1x32x1024xf32, #tpu.memory_space<vmem>>
    %dma_wait3A_1260 = tpu.memref_squeeze %dma_wait3A_1259 : memref<1x32x1024xf32, #tpu.memory_space<vmem>> -> memref<32x1024xf32, #tpu.memory_space<vmem>>
    %dma_wait3A_1261 = arith.constant 832 : i32
    %dma_wait3A_1262 = tpu.memref_slice %arg5[%dma_wait3A_1261] : memref<928xi32, #tpu.memory_space<vmem>> -> memref<32xi32, #tpu.memory_space<vmem>>
    %dma_wait3A_1263 = arith.constant 0 : i32
    %dma_wait3A_1264 = arith.constant 0 : i32
    %dma_wait3A_1265 = tpu.memref_slice %arg2[%dma_wait3A_1263, %dma_wait3A_1264] : memref<16384x1024xf32, #tpu.memory_space<hbm>> -> memref<16384x1024xf32, #tpu.memory_space<hbm>>
    tpu.wait_indirect_dma semaphore(%arg7 : memref<!tpu.dma_semaphore, #tpu.memory_space<semaphore_mem>>) src(%dma_wait3A_1265 : memref<16384x1024xf32, #tpu.memory_space<hbm>>) dst(%dma_wait3A_1260 : memref<32x1024xf32, #tpu.memory_space<vmem>>)
    %add3A_1266 = arith.constant 832 : i32
    %add3A_1267 = arith.addi %multiple_of3A, %add3A_1266 : i32
    %dma_start3A_1268 = arith.constant 2 : i32
    %dma_start3A_1269 = arith.constant 0 : i32
    %dma_start3A_1270 = arith.constant 0 : i32
    %dma_start3A_1271 = tpu.memref_slice %arg6[%dma_start3A_1268, %dma_start3A_1269, %dma_start3A_1270] : memref<3x32x1024xf32, #tpu.memory_space<vmem>> -> memref<1x32x1024xf32, #tpu.memory_space<vmem>>
    %dma_start3A_1272 = tpu.memref_squeeze %dma_start3A_1271 : memref<1x32x1024xf32, #tpu.memory_space<vmem>> -> memref<32x1024xf32, #tpu.memory_space<vmem>>
    %dma_start3A_1273 = arith.constant 0 : i32
    %dma_start3A_1274 = tpu.memref_slice %arg4[%add3A_1267, %dma_start3A_1273] : memref<29696x1024xf32, #tpu.memory_space<hbm>> -> memref<32x1024xf32, #tpu.memory_space<hbm>>
    %dma_start3A_1275 = arith.constant 0 : i32
    %dma_start3A_1276 = tpu.memref_slice %arg4[%add3A_1267, %dma_start3A_1275] : memref<29696x1024xf32, #tpu.memory_space<hbm>> -> memref<32x1024xf32, #tpu.memory_space<hbm>>
    %dma_start3A_1277 = arith.constant 0 : i32
    %dma_start3A_1278 = arith.constant 0 : i32
    %dma_start3A_1279 = tpu.memref_slice %arg6[%dma_start3A_1268, %dma_start3A_1277, %dma_start3A_1278] : memref<3x32x1024xf32, #tpu.memory_space<vmem>> -> memref<1x32x1024xf32, #tpu.memory_space<vmem>>
    %dma_start3A_1280 = tpu.memref_squeeze %dma_start3A_1279 : memref<1x32x1024xf32, #tpu.memory_space<vmem>> -> memref<32x1024xf32, #tpu.memory_space<vmem>>
    tpu.enqueue_dma source(%dma_start3A_1280 : memref<32x1024xf32, #tpu.memory_space<vmem>>) target(%dma_start3A_1276 : memref<32x1024xf32, #tpu.memory_space<hbm>>) target_semaphore(%arg8 : memref<!tpu.dma_semaphore, #tpu.memory_space<semaphore_mem>>)
    %dma_wait3A_1281 = arith.constant 1 : i32
    %dma_wait3A_1282 = arith.constant 0 : i32
    %dma_wait3A_1283 = arith.constant 0 : i32
    %dma_wait3A_1284 = tpu.memref_slice %arg6[%dma_wait3A_1281, %dma_wait3A_1282, %dma_wait3A_1283] : memref<3x32x1024xf32, #tpu.memory_space<vmem>> -> memref<1x32x1024xf32, #tpu.memory_space<vmem>>
    %dma_wait3A_1285 = tpu.memref_squeeze %dma_wait3A_1284 : memref<1x32x1024xf32, #tpu.memory_space<vmem>> -> memref<32x1024xf32, #tpu.memory_space<vmem>>
    %dma_wait3A_1286 = arith.constant 0 : i32
    %dma_wait3A_1287 = tpu.memref_slice %arg4[%add3A_1219, %dma_wait3A_1286] : memref<29696x1024xf32, #tpu.memory_space<hbm>> -> memref<32x1024xf32, #tpu.memory_space<hbm>>
    %dma_wait3A_1288 = arith.constant 0 : i32
    %dma_wait3A_1289 = tpu.memref_slice %arg4[%add3A_1219, %dma_wait3A_1288] : memref<29696x1024xf32, #tpu.memory_space<hbm>> -> memref<32x1024xf32, #tpu.memory_space<hbm>>
    %dma_wait3A_1290 = arith.constant 0 : i32
    %dma_wait3A_1291 = arith.constant 0 : i32
    %dma_wait3A_1292 = tpu.memref_slice %arg6[%dma_wait3A_1281, %dma_wait3A_1290, %dma_wait3A_1291] : memref<3x32x1024xf32, #tpu.memory_space<vmem>> -> memref<1x32x1024xf32, #tpu.memory_space<vmem>>
    %dma_wait3A_1293 = tpu.memref_squeeze %dma_wait3A_1292 : memref<1x32x1024xf32, #tpu.memory_space<vmem>> -> memref<32x1024xf32, #tpu.memory_space<vmem>>
    tpu.wait_dma2 semaphore(%arg8 : memref<!tpu.dma_semaphore, #tpu.memory_space<semaphore_mem>>) src(%dma_wait3A_1293 : memref<32x1024xf32, #tpu.memory_space<vmem>>) dst(%dma_wait3A_1289 : memref<32x1024xf32, #tpu.memory_space<hbm>>)
    %dma_start3A_1294 = arith.constant 1 : i32
    %dma_start3A_1295 = arith.constant 0 : i32
    %dma_start3A_1296 = arith.constant 0 : i32
    %dma_start3A_1297 = tpu.memref_slice %arg6[%dma_start3A_1294, %dma_start3A_1295, %dma_start3A_1296] : memref<3x32x1024xf32, #tpu.memory_space<vmem>> -> memref<1x32x1024xf32, #tpu.memory_space<vmem>>
    %dma_start3A_1298 = tpu.memref_squeeze %dma_start3A_1297 : memref<1x32x1024xf32, #tpu.memory_space<vmem>> -> memref<32x1024xf32, #tpu.memory_space<vmem>>
    %dma_start3A_1299 = arith.constant 896 : i32
    %dma_start3A_1300 = tpu.memref_slice %arg5[%dma_start3A_1299] : memref<928xi32, #tpu.memory_space<vmem>> -> memref<32xi32, #tpu.memory_space<vmem>>
    %dma_start3A_1301 = arith.constant 0 : i32
    %dma_start3A_1302 = arith.constant 0 : i32
    %dma_start3A_1303 = tpu.memref_slice %arg2[%dma_start3A_1301, %dma_start3A_1302] : memref<16384x1024xf32, #tpu.memory_space<hbm>> -> memref<16384x1024xf32, #tpu.memory_space<hbm>>
    tpu.enqueue_indirect_dma source(%dma_start3A_1303 : memref<16384x1024xf32, #tpu.memory_space<hbm>>) target(%dma_start3A_1298 : memref<32x1024xf32, #tpu.memory_space<vmem>>) offsets(%dma_start3A_1300 : memref<32xi32, #tpu.memory_space<vmem>>) semaphore(%arg7 : memref<!tpu.dma_semaphore, #tpu.memory_space<semaphore_mem>>)
    %dma_wait3A_1304 = arith.constant 0 : i32
    %dma_wait3A_1305 = arith.constant 0 : i32
    %dma_wait3A_1306 = arith.constant 0 : i32
    %dma_wait3A_1307 = tpu.memref_slice %arg6[%dma_wait3A_1304, %dma_wait3A_1305, %dma_wait3A_1306] : memref<3x32x1024xf32, #tpu.memory_space<vmem>> -> memref<1x32x1024xf32, #tpu.memory_space<vmem>>
    %dma_wait3A_1308 = tpu.memref_squeeze %dma_wait3A_1307 : memref<1x32x1024xf32, #tpu.memory_space<vmem>> -> memref<32x1024xf32, #tpu.memory_space<vmem>>
    %dma_wait3A_1309 = arith.constant 864 : i32
    %dma_wait3A_1310 = tpu.memref_slice %arg5[%dma_wait3A_1309] : memref<928xi32, #tpu.memory_space<vmem>> -> memref<32xi32, #tpu.memory_space<vmem>>
    %dma_wait3A_1311 = arith.constant 0 : i32
    %dma_wait3A_1312 = arith.constant 0 : i32
    %dma_wait3A_1313 = tpu.memref_slice %arg2[%dma_wait3A_1311, %dma_wait3A_1312] : memref<16384x1024xf32, #tpu.memory_space<hbm>> -> memref<16384x1024xf32, #tpu.memory_space<hbm>>
    tpu.wait_indirect_dma semaphore(%arg7 : memref<!tpu.dma_semaphore, #tpu.memory_space<semaphore_mem>>) src(%dma_wait3A_1313 : memref<16384x1024xf32, #tpu.memory_space<hbm>>) dst(%dma_wait3A_1308 : memref<32x1024xf32, #tpu.memory_space<vmem>>)
    %add3A_1314 = arith.constant 864 : i32
    %add3A_1315 = arith.addi %multiple_of3A, %add3A_1314 : i32
    %dma_start3A_1316 = arith.constant 0 : i32
    %dma_start3A_1317 = arith.constant 0 : i32
    %dma_start3A_1318 = arith.constant 0 : i32
    %dma_start3A_1319 = tpu.memref_slice %arg6[%dma_start3A_1316, %dma_start3A_1317, %dma_start3A_1318] : memref<3x32x1024xf32, #tpu.memory_space<vmem>> -> memref<1x32x1024xf32, #tpu.memory_space<vmem>>
    %dma_start3A_1320 = tpu.memref_squeeze %dma_start3A_1319 : memref<1x32x1024xf32, #tpu.memory_space<vmem>> -> memref<32x1024xf32, #tpu.memory_space<vmem>>
    %dma_start3A_1321 = arith.constant 0 : i32
    %dma_start3A_1322 = tpu.memref_slice %arg4[%add3A_1315, %dma_start3A_1321] : memref<29696x1024xf32, #tpu.memory_space<hbm>> -> memref<32x1024xf32, #tpu.memory_space<hbm>>
    %dma_start3A_1323 = arith.constant 0 : i32
    %dma_start3A_1324 = tpu.memref_slice %arg4[%add3A_1315, %dma_start3A_1323] : memref<29696x1024xf32, #tpu.memory_space<hbm>> -> memref<32x1024xf32, #tpu.memory_space<hbm>>
    %dma_start3A_1325 = arith.constant 0 : i32
    %dma_start3A_1326 = arith.constant 0 : i32
    %dma_start3A_1327 = tpu.memref_slice %arg6[%dma_start3A_1316, %dma_start3A_1325, %dma_start3A_1326] : memref<3x32x1024xf32, #tpu.memory_space<vmem>> -> memref<1x32x1024xf32, #tpu.memory_space<vmem>>
    %dma_start3A_1328 = tpu.memref_squeeze %dma_start3A_1327 : memref<1x32x1024xf32, #tpu.memory_space<vmem>> -> memref<32x1024xf32, #tpu.memory_space<vmem>>
    tpu.enqueue_dma source(%dma_start3A_1328 : memref<32x1024xf32, #tpu.memory_space<vmem>>) target(%dma_start3A_1324 : memref<32x1024xf32, #tpu.memory_space<hbm>>) target_semaphore(%arg8 : memref<!tpu.dma_semaphore, #tpu.memory_space<semaphore_mem>>)
    %dma_wait3A_1329 = arith.constant 1 : i32
    %dma_wait3A_1330 = arith.constant 0 : i32
    %dma_wait3A_1331 = arith.constant 0 : i32
    %dma_wait3A_1332 = tpu.memref_slice %arg6[%dma_wait3A_1329, %dma_wait3A_1330, %dma_wait3A_1331] : memref<3x32x1024xf32, #tpu.memory_space<vmem>> -> memref<1x32x1024xf32, #tpu.memory_space<vmem>>
    %dma_wait3A_1333 = tpu.memref_squeeze %dma_wait3A_1332 : memref<1x32x1024xf32, #tpu.memory_space<vmem>> -> memref<32x1024xf32, #tpu.memory_space<vmem>>
    %dma_wait3A_1334 = arith.constant 896 : i32
    %dma_wait3A_1335 = tpu.memref_slice %arg5[%dma_wait3A_1334] : memref<928xi32, #tpu.memory_space<vmem>> -> memref<32xi32, #tpu.memory_space<vmem>>
    %dma_wait3A_1336 = arith.constant 0 : i32
    %dma_wait3A_1337 = arith.constant 0 : i32
    %dma_wait3A_1338 = tpu.memref_slice %arg2[%dma_wait3A_1336, %dma_wait3A_1337] : memref<16384x1024xf32, #tpu.memory_space<hbm>> -> memref<16384x1024xf32, #tpu.memory_space<hbm>>
    tpu.wait_indirect_dma semaphore(%arg7 : memref<!tpu.dma_semaphore, #tpu.memory_space<semaphore_mem>>) src(%dma_wait3A_1338 : memref<16384x1024xf32, #tpu.memory_space<hbm>>) dst(%dma_wait3A_1333 : memref<32x1024xf32, #tpu.memory_space<vmem>>)
    %add3A_1339 = arith.constant 896 : i32
    %add3A_1340 = arith.addi %multiple_of3A, %add3A_1339 : i32
    %dma_start3A_1341 = arith.constant 1 : i32
    %dma_start3A_1342 = arith.constant 0 : i32
    %dma_start3A_1343 = arith.constant 0 : i32
    %dma_start3A_1344 = tpu.memref_slice %arg6[%dma_start3A_1341, %dma_start3A_1342, %dma_start3A_1343] : memref<3x32x1024xf32, #tpu.memory_space<vmem>> -> memref<1x32x1024xf32, #tpu.memory_space<vmem>>
    %dma_start3A_1345 = tpu.memref_squeeze %dma_start3A_1344 : memref<1x32x1024xf32, #tpu.memory_space<vmem>> -> memref<32x1024xf32, #tpu.memory_space<vmem>>
    %dma_start3A_1346 = arith.constant 0 : i32
    %dma_start3A_1347 = tpu.memref_slice %arg4[%add3A_1340, %dma_start3A_1346] : memref<29696x1024xf32, #tpu.memory_space<hbm>> -> memref<32x1024xf32, #tpu.memory_space<hbm>>
    %dma_start3A_1348 = arith.constant 0 : i32
    %dma_start3A_1349 = tpu.memref_slice %arg4[%add3A_1340, %dma_start3A_1348] : memref<29696x1024xf32, #tpu.memory_space<hbm>> -> memref<32x1024xf32, #tpu.memory_space<hbm>>
    %dma_start3A_1350 = arith.constant 0 : i32
    %dma_start3A_1351 = arith.constant 0 : i32
    %dma_start3A_1352 = tpu.memref_slice %arg6[%dma_start3A_1341, %dma_start3A_1350, %dma_start3A_1351] : memref<3x32x1024xf32, #tpu.memory_space<vmem>> -> memref<1x32x1024xf32, #tpu.memory_space<vmem>>
    %dma_start3A_1353 = tpu.memref_squeeze %dma_start3A_1352 : memref<1x32x1024xf32, #tpu.memory_space<vmem>> -> memref<32x1024xf32, #tpu.memory_space<vmem>>
    tpu.enqueue_dma source(%dma_start3A_1353 : memref<32x1024xf32, #tpu.memory_space<vmem>>) target(%dma_start3A_1349 : memref<32x1024xf32, #tpu.memory_space<hbm>>) target_semaphore(%arg8 : memref<!tpu.dma_semaphore, #tpu.memory_space<semaphore_mem>>)
    %dma_wait3A_1354 = arith.constant 2 : i32
    %dma_wait3A_1355 = arith.constant 0 : i32
    %dma_wait3A_1356 = arith.constant 0 : i32
    %dma_wait3A_1357 = tpu.memref_slice %arg6[%dma_wait3A_1354, %dma_wait3A_1355, %dma_wait3A_1356] : memref<3x32x1024xf32, #tpu.memory_space<vmem>> -> memref<1x32x1024xf32, #tpu.memory_space<vmem>>
    %dma_wait3A_1358 = tpu.memref_squeeze %dma_wait3A_1357 : memref<1x32x1024xf32, #tpu.memory_space<vmem>> -> memref<32x1024xf32, #tpu.memory_space<vmem>>
    %dma_wait3A_1359 = arith.constant 0 : i32
    %dma_wait3A_1360 = tpu.memref_slice %arg4[%add3A_1267, %dma_wait3A_1359] : memref<29696x1024xf32, #tpu.memory_space<hbm>> -> memref<32x1024xf32, #tpu.memory_space<hbm>>
    %dma_wait3A_1361 = arith.constant 0 : i32
    %dma_wait3A_1362 = tpu.memref_slice %arg4[%add3A_1267, %dma_wait3A_1361] : memref<29696x1024xf32, #tpu.memory_space<hbm>> -> memref<32x1024xf32, #tpu.memory_space<hbm>>
    %dma_wait3A_1363 = arith.constant 0 : i32
    %dma_wait3A_1364 = arith.constant 0 : i32
    %dma_wait3A_1365 = tpu.memref_slice %arg6[%dma_wait3A_1354, %dma_wait3A_1363, %dma_wait3A_1364] : memref<3x32x1024xf32, #tpu.memory_space<vmem>> -> memref<1x32x1024xf32, #tpu.memory_space<vmem>>
    %dma_wait3A_1366 = tpu.memref_squeeze %dma_wait3A_1365 : memref<1x32x1024xf32, #tpu.memory_space<vmem>> -> memref<32x1024xf32, #tpu.memory_space<vmem>>
    tpu.wait_dma2 semaphore(%arg8 : memref<!tpu.dma_semaphore, #tpu.memory_space<semaphore_mem>>) src(%dma_wait3A_1366 : memref<32x1024xf32, #tpu.memory_space<vmem>>) dst(%dma_wait3A_1362 : memref<32x1024xf32, #tpu.memory_space<hbm>>)
    %dma_wait3A_1367 = arith.constant 0 : i32
    %dma_wait3A_1368 = arith.constant 0 : i32
    %dma_wait3A_1369 = arith.constant 0 : i32
    %dma_wait3A_1370 = tpu.memref_slice %arg6[%dma_wait3A_1367, %dma_wait3A_1368, %dma_wait3A_1369] : memref<3x32x1024xf32, #tpu.memory_space<vmem>> -> memref<1x32x1024xf32, #tpu.memory_space<vmem>>
    %dma_wait3A_1371 = tpu.memref_squeeze %dma_wait3A_1370 : memref<1x32x1024xf32, #tpu.memory_space<vmem>> -> memref<32x1024xf32, #tpu.memory_space<vmem>>
    %dma_wait3A_1372 = arith.constant 0 : i32
    %dma_wait3A_1373 = tpu.memref_slice %arg4[%add3A_1315, %dma_wait3A_1372] : memref<29696x1024xf32, #tpu.memory_space<hbm>> -> memref<32x1024xf32, #tpu.memory_space<hbm>>
    %dma_wait3A_1374 = arith.constant 0 : i32
    %dma_wait3A_1375 = tpu.memref_slice %arg4[%add3A_1315, %dma_wait3A_1374] : memref<29696x1024xf32, #tpu.memory_space<hbm>> -> memref<32x1024xf32, #tpu.memory_space<hbm>>
    %dma_wait3A_1376 = arith.constant 0 : i32
    %dma_wait3A_1377 = arith.constant 0 : i32
    %dma_wait3A_1378 = tpu.memref_slice %arg6[%dma_wait3A_1367, %dma_wait3A_1376, %dma_wait3A_1377] : memref<3x32x1024xf32, #tpu.memory_space<vmem>> -> memref<1x32x1024xf32, #tpu.memory_space<vmem>>
    %dma_wait3A_1379 = tpu.memref_squeeze %dma_wait3A_1378 : memref<1x32x1024xf32, #tpu.memory_space<vmem>> -> memref<32x1024xf32, #tpu.memory_space<vmem>>
    tpu.wait_dma2 semaphore(%arg8 : memref<!tpu.dma_semaphore, #tpu.memory_space<semaphore_mem>>) src(%dma_wait3A_1379 : memref<32x1024xf32, #tpu.memory_space<vmem>>) dst(%dma_wait3A_1375 : memref<32x1024xf32, #tpu.memory_space<hbm>>)
    %dma_wait3A_1380 = arith.constant 1 : i32
    %dma_wait3A_1381 = arith.constant 0 : i32
    %dma_wait3A_1382 = arith.constant 0 : i32
    %dma_wait3A_1383 = tpu.memref_slice %arg6[%dma_wait3A_1380, %dma_wait3A_1381, %dma_wait3A_1382] : memref<3x32x1024xf32, #tpu.memory_space<vmem>> -> memref<1x32x1024xf32, #tpu.memory_space<vmem>>
    %dma_wait3A_1384 = tpu.memref_squeeze %dma_wait3A_1383 : memref<1x32x1024xf32, #tpu.memory_space<vmem>> -> memref<32x1024xf32, #tpu.memory_space<vmem>>
    %dma_wait3A_1385 = arith.constant 0 : i32
    %dma_wait3A_1386 = tpu.memref_slice %arg4[%add3A_1340, %dma_wait3A_1385] : memref<29696x1024xf32, #tpu.memory_space<hbm>> -> memref<32x1024xf32, #tpu.memory_space<hbm>>
    %dma_wait3A_1387 = arith.constant 0 : i32
    %dma_wait3A_1388 = tpu.memref_slice %arg4[%add3A_1340, %dma_wait3A_1387] : memref<29696x1024xf32, #tpu.memory_space<hbm>> -> memref<32x1024xf32, #tpu.memory_space<hbm>>
    %dma_wait3A_1389 = arith.constant 0 : i32
    %dma_wait3A_1390 = arith.constant 0 : i32
    %dma_wait3A_1391 = tpu.memref_slice %arg6[%dma_wait3A_1380, %dma_wait3A_1389, %dma_wait3A_1390] : memref<3x32x1024xf32, #tpu.memory_space<vmem>> -> memref<1x32x1024xf32, #tpu.memory_space<vmem>>
    %dma_wait3A_1392 = tpu.memref_squeeze %dma_wait3A_1391 : memref<1x32x1024xf32, #tpu.memory_space<vmem>> -> memref<32x1024xf32, #tpu.memory_space<vmem>>
    tpu.wait_dma2 semaphore(%arg8 : memref<!tpu.dma_semaphore, #tpu.memory_space<semaphore_mem>>) src(%dma_wait3A_1392 : memref<32x1024xf32, #tpu.memory_space<vmem>>) dst(%dma_wait3A_1388 : memref<32x1024xf32, #tpu.memory_space<hbm>>)
    return
  }
}

module attributes {stable_mosaic.version = 14 : i64} {
  func.func @_cls_body(%arg0: i32, %arg1: memref<1024x4096xf32, #tpu.memory_space<vmem>>) attributes {dimension_semantics = [#tpu.dimension_semantics<arbitrary>], iteration_bounds = array<i64: 4>, scalar_prefetch = 0 : i64, scratch_operands = 0 : i64, tpu.core_type = #tpu.core_type<tc>, window_params = [{transform_indices = @transform_0, window_bounds = array<i64: 1024, 4096>}]} {
    %iota3A = tpu.iota {dimensions = array<i32: 0>} : vector<1024x4096xi32>
    %mul3A = arith.constant 1024 : i32
    %mul3A_0 = arith.muli %arg0, %mul3A : i32
    %add3A = vector.broadcast %mul3A_0 : i32 to vector<1024x4096xi32>
    %add3A_1 = arith.addi %iota3A, %add3A : vector<1024x4096xi32>
    %iota3A_2 = tpu.iota {dimensions = array<i32: 1>} : vector<1024x4096xi32>
    %gt3A = arith.constant 0 : i32
    %gt3A_3 = vector.broadcast %gt3A : i32 to vector<1024x4096xi32>
    %gt3A_4 = arith.cmpi sgt, %add3A_1, %gt3A_3 : vector<1024x4096xi32>
    %gt3A_5 = arith.constant 0 : i32
    %gt3A_6 = vector.broadcast %gt3A_5 : i32 to vector<1024x4096xi32>
    %gt3A_7 = arith.cmpi sgt, %iota3A_2, %gt3A_6 : vector<1024x4096xi32>
    %and3A = arith.andi %gt3A_4, %gt3A_7 : vector<1024x4096xi1>
    %convert_element_type3A = arith.extui %and3A : vector<1024x4096xi1> to vector<1024x4096xi32>
    %convert_element_type3A_8 = arith.sitofp %convert_element_type3A : vector<1024x4096xi32> to vector<1024x4096xf32>
    %swap3A = arith.constant 0 : index
    %swap3A_9 = arith.constant 0 : index
    %swap3A_10 = vector.load %arg1[%swap3A, %swap3A_9] : memref<1024x4096xf32, #tpu.memory_space<vmem>>, vector<1024x4096xf32>
    tpu.vector_store %arg1[%swap3A, %swap3A_9], %convert_element_type3A_8 {strides = array<i32>} : memref<1024x4096xf32, #tpu.memory_space<vmem>>, vector<1024x4096xf32>,
    return
  }
  func.func @transform_0(%arg0: i32) -> (i32, i32) {
    %c0_i32 = arith.constant 0 : i32
    %c0_i32_0 = arith.constant 0 : i32
    return %arg0, %c0_i32 : i32, i32
  }
}

module attributes {stable_mosaic.version = 14 : i64} {
  func.func @_mat_body(%arg0: i32, %arg1: i32, %arg2: memref<1x1x4096xi8, #tpu.memory_space<vmem>>, %arg3: memref<1x1024x1xi8, #tpu.memory_space<vmem>>, %arg4: memref<1x1024x4096xi8, #tpu.memory_space<vmem>>) attributes {dimension_semantics = [#tpu.dimension_semantics<arbitrary>, #tpu.dimension_semantics<arbitrary>], iteration_bounds = array<i64: 4, 2>, scalar_prefetch = 0 : i64, scratch_operands = 0 : i64, tpu.core_type = #tpu.core_type<tc>, window_params = [{transform_indices = @transform_0, window_bounds = array<i64: 1, 1, 4096>}, {transform_indices = @transform_1, window_bounds = array<i64: 1, 1024, 1>}, {transform_indices = @transform_2, window_bounds = array<i64: 1, 1024, 4096>}]} {
    %get3A = arith.constant 0 : index
    %get3A_0 = arith.constant 0 : index
    %get3A_1 = arith.constant 0 : index
    %get3A_2 = vector.load %arg2[%get3A, %get3A_0, %get3A_1] : memref<1x1x4096xi8, #tpu.memory_space<vmem>>, vector<1x1x4096xi8>
    %get3A_3 = vector.shape_cast %get3A_2 : vector<1x1x4096xi8> to vector<1x4096xi8>
    %get3A_4 = arith.constant 0 : index
    %get3A_5 = arith.constant 0 : index
    %get3A_6 = arith.constant 0 : index
    %get3A_7 = vector.load %arg3[%get3A_4, %get3A_5, %get3A_6] : memref<1x1024x1xi8, #tpu.memory_space<vmem>>, vector<1x1024x1xi8>
    %get3A_8 = vector.shape_cast %get3A_7 : vector<1x1024x1xi8> to vector<1024x1xi8>
    %eq3A = vector.broadcast %get3A_8 : vector<1024x1xi8> to vector<1024x4096xi8>
    %eq3A_9 = vector.broadcast %get3A_3 : vector<1x4096xi8> to vector<1024x4096xi8>
    %eq3A_10 = arith.cmpi eq, %eq3A, %eq3A_9 : vector<1024x4096xi8>
    %eq3A_11 = arith.constant 2 : i8
    %eq3A_12 = vector.broadcast %eq3A_11 : i8 to vector<1024x1xi8>
    %eq3A_13 = arith.cmpi eq, %get3A_8, %eq3A_12 : vector<1024x1xi8>
    %or3A = vector.broadcast %eq3A_13 : vector<1024x1xi1> to vector<1024x4096xi1>
    %or3A_14 = arith.ori %eq3A_10, %or3A : vector<1024x4096xi1>
    %eq3A_15 = arith.constant 2 : i8
    %eq3A_16 = vector.broadcast %eq3A_15 : i8 to vector<1x4096xi8>
    %eq3A_17 = arith.cmpi eq, %get3A_3, %eq3A_16 : vector<1x4096xi8>
    %or3A_18 = vector.broadcast %eq3A_17 : vector<1x4096xi1> to vector<1024x4096xi1>
    %or3A_19 = arith.ori %or3A_14, %or3A_18 : vector<1024x4096xi1>
    %convert_element_type3A = arith.extui %or3A_19 : vector<1024x4096xi1> to vector<1024x4096xi8>
    %swap3A = arith.constant 0 : index
    %swap3A_20 = arith.constant 0 : index
    %swap3A_21 = arith.constant 0 : index
    %swap3A_22 = vector.load %arg4[%swap3A, %swap3A_20, %swap3A_21] : memref<1x1024x4096xi8, #tpu.memory_space<vmem>>, vector<1x1024x4096xi8>
    %swap3A_23 = vector.shape_cast %swap3A_22 : vector<1x1024x4096xi8> to vector<1024x4096xi8>
    %swap3A_24 = vector.shape_cast %convert_element_type3A : vector<1024x4096xi8> to vector<1x1024x4096xi8>
    tpu.vector_store %arg4[%swap3A, %swap3A_20, %swap3A_21], %swap3A_24 {strides = array<i32>} : memref<1x1024x4096xi8, #tpu.memory_space<vmem>>, vector<1x1024x4096xi8>,
    return
  }
  func.func @transform_0(%arg0: i32, %arg1: i32) -> (i32, i32, i32) {
    %c0_i32 = arith.constant 0 : i32
    %c0_i32_0 = arith.constant 0 : i32
    %c0_i32_1 = arith.constant 0 : i32
    return %arg1, %c0_i32, %c0_i32_0 : i32, i32, i32
  }
  func.func @transform_1(%arg0: i32, %arg1: i32) -> (i32, i32, i32) {
    %c0_i32 = arith.constant 0 : i32
    %c0_i32_0 = arith.constant 0 : i32
    return %arg1, %arg0, %c0_i32 : i32, i32, i32
  }
  func.func @transform_2(%arg0: i32, %arg1: i32) -> (i32, i32, i32) {
    %c0_i32 = arith.constant 0 : i32
    %c0_i32_0 = arith.constant 0 : i32
    return %arg1, %arg0, %c0_i32 : i32, i32, i32
  }
}

</mosaic_0001>

<sc_bundles>
// kernel: kernel.5.cloned.1.call-start
scs
__scs_entry_jumppad:
0x0: {  	(pc) =	sbr.rel $0x88, $3  }
0x1: {  	(tag) =	ssettag $0x0;
	lr =	simm.s32 $0x1  }
0x2: {  	[smem:$0x3F9F] =	sst lr;
	_ =	strace $0xD0000000  }
0x3: {  	_ = 	snop  }
0x4: {  	_ = 	snop  }
0x5: {  	_ = 	snop  }
0x6: {  	_ = 	snop  }
0x7: {  	_ = 	snop  }
__scs_overlays_trampoline_lowered:
0x8: {  	[smem:$0x3FAE] =	sst s0  }
0x9: {  	[smem:$0x3FAF] =	sst s1  }
0xa: {  	[smem:$0x3FB0] =	sst s2  }
0xb: {  	[smem:$0x3FB1] =	sst s3  }
0xc: {  	[smem:$0x3FB2] =	sst s4  }
0xd: {  	[smem:$0x3FB3] =	sst s5  }
0xe: {  	[smem:$0x3FB4] =	sst s6  }
0xf: {  	[smem:$0x3FB5] =	sst s7  }
0x10: {  	[smem:$0x3FB6] =	sst s8  }
0x11: {  	[smem:$0x3FB7] =	sst s9;
	s0 =	simm.s32 @!p0 $0x0  }
0x12: {  	s1 =	sld [smem:$0x3F9D];
	s0 =	simm.s32 @p0 $0x1  }
0x13: {  	[smem:$0x3FB8] =	sst s0;
	s0 =	simm.s32 @!p1 $0x0  }
0x14: {  	s2 =	sld [smem:$0x3F9C];
	s0 =	simm.s32 @p1 $0x1  }
0x15: {  	[smem:$0x3FB9] =	sst s0;
	s0 =	simm.s32 @!p2 $0x0  }
0x16: {  	s3 =	sld [smem:$0x3FDB];
	s0 =	simm.s32 @p2 $0x1  }
0x17: {  	s4 =	simm.s32 $0x1BF5;
	[smem:$0x3FBB] =	sst s0  }
0x18: {  	s0 =	sld [smem:$0x3F9E];
	_ =	swait.ge [sflag:s4], $0x0  }
0x19: {  	s7 =	sld [smem:$0x3F9F]  }
0x1a: {  	s8 =	sadd.s32 $0xFFFFE003, lr  }
0x1b: {  	s9 =	sadd.s32 $0xFFFFFEF7, lr;
	s5 =	simm.s32 $0xFFFFFFFF;
	p2 =	slt.u32 s8, $0xFFFFF086  }
0x1c: {  	p1 =	slt.u32 s9, $0xF7A;
	s5 =	simm.s32 @!p2 $0x0  }
0x1d: {  	s5 =	simm.s32 @p1 $0x1;
	p0 =	seq.s32 s7, s2  }
0x1e: {  	s7 =	smul.u32 @!p0 $0xF7A, s2;
	p2 =	seq.s32 @!p0 s5, $0x0  }
0x1f: {  	s9 =	smul.u32 $0xF7A, s1;
	s8 =	simm.s32 @!p0 $0x1BF5;
	p2 =	por !p2, p0  }
0x20: {  	[sflag:s8] =	ssyncset.s32 @!p0 $0xFFFFF086;
	s6 =	sadd.s32 @!p0 s3, s7;
	s7 =	simm.s32 @!p0 $0x108  }
0x21: {  	s3 =	sadd.s32 s3, s9;
	s6 =	sadd.s32 @!p0 $0x88, s6;
	s7 =	simm.s32 @p2 $0x1082  }
0x22: {  	[simem:s7], [sflag:s8] =	dma.local @!p0 [hbm:s6], $0xF7A  }
0x23: {  	s9 =	sor.u32 $0xD0000000, s2;
	s6 =	simm.s32 $0x108;
	_ =	swait.ge @!p0 [sflag:s8], $0x0  }
0x24: {  	s3 =	sadd.s32 $0x88, s3;
	s6 =	simm.s32 @!p1 $0x1082;
	[sflag:s4] =	ssyncset.s32 $0xFFFFF086  }
0x25: {  	[simem:s6], [sflag:s4] =	dma.local [hbm:s3], $0xF7A  }
0x26: {  	[smem:$0x3F9F] =	sst s1;
	(tag) =	ssettag s2;
	_ =	strace s9  }
0x27: {  	s1 =	sld [smem:$0x3FAF]  }
0x28: {  	s2 =	sld [smem:$0x3FB0]  }
0x29: {  	s4 =	sld [smem:$0x3FB2]  }
0x2a: {  	p0 =	seq.s32 s5, $0x0;
	s5 =	sld [smem:$0x3FB3]  }
0x2b: {  	s6 =	sld [smem:$0x3FB4]  }
0x2c: {  	s7 =	sld [smem:$0x3FB5]  }
0x2d: {  	s3 =	simm.s32 $0x108;
	s8 =	sld [smem:$0x3FB6]  }
0x2e: {  	s3 =	simm.s32 @!p0 $0x1082;
	s9 =	sld [smem:$0x3FB7]  }
0x2f: {  	lr =	sadd.s32 s0, s3;
	s0 =	sld [smem:$0x3FAE]  }
0x30: {  	s3 =	sld [smem:$0x3FB1]  }
0x31: {  	[smem:$0x3FBA] =	sst s10  }
0x32: {  	s10 =	sld [smem:$0x3FB8];
	_ =	sdelay $0x3  }
0x33: {  	p0 =	seq.s32 s10, $0x1;
	s10 =	sld [smem:$0x3FBA];
	_ =	sdelay $0x3  }
0x34: {  	[smem:$0x3FBA] =	sst s10  }
0x35: {  	s10 =	sld [smem:$0x3FB9];
	_ =	sdelay $0x3  }
0x36: {  	p1 =	seq.s32 s10, $0x1;
	s10 =	sld [smem:$0x3FBA];
	_ =	sdelay $0x3  }
0x37: {  	[smem:$0x3FBA] =	sst s10  }
0x38: {  	s10 =	sld [smem:$0x3FBB]  }
0x39: {  	_ = 	snop;
	(pc) =	sbr.ind lr, $3  }
0x3a: {  	_ = 	snop  }
0x3b: {  	_ = 	snop  }
0x3c: {  	p2 =	seq.s32 s10, $0x1;
	s10 =	sld [smem:$0x3FBA]  }
0x3d: {  	_ =	shalt  }
0x3e: {  	_ =	shalt  }
0x3f: {  	_ =	shalt  }
0x40: {  	_ =	shalt  }
0x41: {  	_ =	shalt  }
0x42: {  	_ =	shalt  }
0x43: {  	_ =	shalt  }
0x44: {  	_ =	shalt  }
0x45: {  	_ =	shalt  }
0x46: {  	_ =	shalt  }
0x47: {  	_ =	shalt  }
0x48: {  	_ =	shalt  }
0x49: {  	_ =	shalt  }
0x4a: {  	_ =	shalt  }
0x4b: {  	_ =	shalt  }
0x4c: {  	_ =	shalt  }
0x4d: {  	_ =	shalt  }
0x4e: {  	_ =	shalt  }
0x4f: {  	_ =	shalt  }
0x50: {  	_ =	shalt  }
0x51: {  	_ =	shalt  }
0x52: {  	_ =	shalt  }
0x53: {  	_ =	shalt  }
0x54: {  	_ =	shalt  }
0x55: {  	_ =	shalt  }
0x56: {  	_ =	shalt  }
0x57: {  	_ =	shalt  }
0x58: {  	_ =	shalt  }
0x59: {  	_ =	shalt  }
0x5a: {  	_ =	shalt  }
0x5b: {  	_ =	shalt  }
0x5c: {  	_ =	shalt  }
0x5d: {  	_ =	shalt  }
0x5e: {  	_ =	shalt  }
0x5f: {  	_ =	shalt  }
0x60: {  	_ =	shalt  }
0x61: {  	_ =	shalt  }
0x62: {  	_ =	shalt  }
0x63: {  	_ =	shalt  }
0x64: {  	_ =	shalt  }
0x65: {  	_ =	shalt  }
0x66: {  	_ =	shalt  }
0x67: {  	_ =	shalt  }
0x68: {  	_ =	shalt  }
0x69: {  	_ =	shalt  }
0x6a: {  	_ =	shalt  }
0x6b: {  	_ =	shalt  }
0x6c: {  	_ =	shalt  }
0x6d: {  	_ =	shalt  }
0x6e: {  	_ =	shalt  }
0x6f: {  	_ =	shalt  }
0x70: {  	_ =	shalt  }
0x71: {  	_ =	shalt  }
0x72: {  	_ =	shalt  }
0x73: {  	_ =	shalt  }
0x74: {  	_ =	shalt  }
0x75: {  	_ =	shalt  }
0x76: {  	_ =	shalt  }
0x77: {  	_ =	shalt  }
0x78: {  	_ =	shalt  }
0x79: {  	_ =	shalt  }
0x7a: {  	_ =	shalt  }
0x7b: {  	_ =	shalt  }
0x7c: {  	_ =	shalt  }
0x7d: {  	_ =	shalt  }
0x7e: {  	_ =	shalt  }
0x7f: {  	_ =	shalt  }
0x80: {  	_ =	shalt  }
0x81: {  	_ =	shalt  }
0x82: {  	_ =	shalt  }
0x83: {  	_ =	shalt  }
0x84: {  	_ =	shalt  }
0x85: {  	_ =	shalt  }
0x86: {  	_ =	shalt  }
0x87: {  	_ =	shalt  }
.Lfunc_end0:
.L_simem_size_0:
called_computation_lowered:
.L_overlay_start_0:
0x88: {  	s2 =	sld [smem:$0x3FD9]  }
0x89: {  	s3 =	sld [smem:$0x3FFE];
	_ =	sdelay $0x1  }
0x8a: {  	s1 =	srdreg.scid  }
0x8b: {  	s0 =	sand.u32 $0x1, s1  }
0x8c: {  	s14 =	sshll.u32 s0, $0xA;
	s2 =	sadd.s32 s3, s2  }
0x8d: {  	s2 =	sadd.s32 s2, s14  }
0x8e: {  	[smem:$0x3FC6] =	sst s2  }
0x8f: {  	_ = 	snop  }
0x90: {  	s2 =	sld [smem:$0x3FD0];
	_ =	sdelay $0x2  }
0x91: {  	s4 =	simm.s32 $0xA;
	s5 =	simm.s32 $0x10;
	s15 =	sld [smem:$0x3FC9]  }
0x92: {  	[smem:s5], [sflag:s4] =	dma.local [hbm:s2], $0x1  }
0x93: {  	_ =	swait.eq [sflag:s4], $0x1  }
0x94: {  	[sflag:s4] =	ssyncset.done $0x0  }
0x95: {  	[sflag:s4] =	ssyncadd.s32 $0xFFFFFFFF  }
0x96: {  	s16 =	sld [smem:$0x10];
	(tm) =	ssettm $0x1  }
0x97: {  	s17 =	sld [smem:$0x3FFB];
	_ =	sdelay $0x3  }
0x98: {  	_ =	strace s17  }
0x99: {  	s4 =	sld [smem:$0x3FFC];
	_ =	sdelay $0x3  }
0x9a: {  	_ =	strace s4  }
0x9b: {  	s4 =	sld [smem:$0x3FFD];
	_ =	sdelay $0x3  }
0x9c: {  	_ =	strace s4  }
0x9d: {  	_ =	strace $0x8FFFFFFF  }
0x9e: {  	s18 =	sld [smem:$0x3FDB];
	_ =	sdelay $0x1  }
0x9f: {  	s19 =	simm.s32 $_scs_section_size  }
0xa0: {  	s6 =	simm.s32 $_size__tile_overlayer_lowered;
	s7 =	simm.s32 $_tile_overlayer_lowered  }
0xa1: {  	s22 =	simm.s32 $0x1BFF;
	s21 =	sshll.u32 s7, $0x1;
	s4 =	sadd.s32 s19, s18  }
0xa2: {  	s8 =	simm.s32 $0x0;
	s20 =	sshll.u32 s6, $0x1;
	s6 =	sadd.s32 s21, s4  }
0xa3: {  	[timem:s8], [sflag:s22] =	dma.local [hbm:s6], s20  }
0xa4: {  	_ =	swait.ge [sflag:s22], s20  }
0xa5: {  	s5 =	ssub.s32 $0x0, s20;
	[sflag:s22] =	ssyncset.done $0x0  }
0xa6: {  	[sflag:s22] =	ssyncadd.s32 s5;
	_ =	sdelay $0x1  }
0xa7: {  	s23 =	simm.s32 $0x1B8B  }
0xa8: {  	_ =	swait.ge [sflag:s23], $0x1  }
0xa9: {  	[sflag:s23] =	ssyncset.done $0x0  }
0xaa: {  	s25 =	simm.s32 $0x1B8E;
	s24 =	sld [smem:$0x3FFE];
	[sflag:s23] =	ssyncadd.s32 $0xFFFFFFFF  }
0xab: {  	s26 =	simm.s32 $execute0_lowered;
	[smem:$0x3FD2] =	sst s25  }
0xac: {  	s6 =	sshll.u32 s26, $0x1;
	_ =	strace $0x80000046;
	[dreg:$0x1] =	wrdreg $0xFFFFFFFF  }
0xad: {  	s28 =	simm.s32 $_size_execute0_lowered;
	s4 =	sadd.s32 s4, s6;
	[dreg:$0x0] =	wrdreg $0x0  }
0xae: {  	s6 =	sshll.u32 s28, $0x1;
	[dreg:$0x2] =	wrdreg s4  }
0xaf: {  	[dreg:$0x3] =	wrdreg s6  }
0xb0: {  	[dreg:$0x4] =	wrdreg $0xC0  }
0xb1: {  	_ =	task [dreg:s8], $0x5FFFF  }
0xb2: {  	[dreg:$0x1] =	wrdreg $0xFFFFFFFF  }
0xb3: {  	[dreg:$0x0] =	wrdreg $0x60  }
0xb4: {  	[dreg:$0x2] =	wrdreg s15  }
0xb5: {  	[dreg:$0x3] =	wrdreg s24  }
0xb6: {  	[dreg:$0x4] =	wrdreg s16  }
0xb7: {  	[dreg:$0x5] =	wrdreg $0x9  }
0xb8: {  	_ =	task.clear_ibuf [dreg:s8], $0x6FFFF;
	_ =	strace $0x90000046  }
0xb9: {  	s29 =	simm.s32 $0x9;
	_ =	strace $0x80000048  }
0xba: {  	_ =	swait.ge [sflag:s29], $0x1  }
0xbb: {  	[sflag:s29] =	ssyncadd.s32 $0xFFFFFFFF  }
0xbc: {  	_ =	strace $0x90000048  }
0xbd: {  	_ =	sfence  }
0xbe: {  	s30 =	sld [smem:$0x0];
	_ =	sdelay $0x2  }
0xbf: {  	s31 =	sshll.u32 s1, $0xD;
	s1 =	sshrl.u32 s1, $0x2  }
0xc0: {  	s3 =	sand.u32 $0x4000, s31;
	s1 =	sadd.s32 s1, s30  }
0xc1: {  	s0 =	sor.u32 s3, s0;
	s1 =	sshll.u32 s1, $0x11  }
0xc2: {  	s0 =	sor.u32 s1, s0  }
0xc3: {  	s0 =	sadd.s32 $0x8F2B, s0  }
0xc4: {  	[sflag:s0] =	ssyncadd.remote.s32 $0x1  }
0xc5: {  	_ =	sfence.sel $0xFFFF  }
0xc6: {  	[dreg:$0x0] =	wrdreg $0xFFFFFFFF;
	(pc) =	sbr.abs _section_cstart, $3  }
0xc7: {  	[dreg:$0x1] =	wrdreg $0xFFFFFFFF  }
0xc8: {  	_ =	task.clear_ibuf [dreg:s8], $0x2FFFF;
	_ =	strace $0x9FFFFFFF  }
0xc9: {  	(tm) =	ssettm $0x7FFFFFFF  }
tec
execute0_lowered:
.L_overlay_start_1:
0x0: {  	(tag) =	ssettag $0x1  }
0x1: {  	s0 =	srdreg.scid;
	s2 =	stileid.u32  }
0x2: {  	s0 =	sand.u32 $0x1, s0;
	s2 =	sshll.u32 s2, $0x1  }
0x3: {  	s2 =	sor.u32 s0, s2  }
0x4: {  	s1 =	rddreg [dreg:$0x0];
	s6 =	smul.u32 $0x74, s2  }
0x5: {  	s4 =	rddreg [dreg:$0x1];
	s3 =	simm.s32 $0x0;
	s7 =	smul.u32 $0xE8000, s2  }
0x6: {  	[smem:$0x7FF] =	sst s3;
	s2 =	smul.u32 $0x1D000, s2  }
0x7: {  	s5 =	rddreg [dreg:$0x2];
	_ =	strace $0x80000047  }
0x8: {  	s4 =	sadd.s32 s6, s4;
	s28 =	sshrl.u32 s7, $0x3;
	s2 =	sadd.s32 s5, s2  }
0x9: {  	s4 =	sadd.s32 $0x800, s4;
	s6 =	sadd.s32 s5, s28;
	[dreg:$0x5] =	wrdreg s2  }
0xa: {  	[dreg:$0x4] =	wrdreg s4;
	s29 =	sadd.s32 $0x1000, s6  }
0xb: {  	s30 =	sadd.s32 $0x2000, s6;
	[dreg:$0x6] =	wrdreg s29  }
0xc: {  	s31 =	sadd.s32 $0x3000, s6;
	[dreg:$0x7] =	wrdreg s30  }
0xd: {  	s4 =	sadd.s32 $0x4000, s6;
	[dreg:$0x8] =	wrdreg s31  }
0xe: {  	s5 =	sadd.s32 $0x5000, s6;
	[dreg:$0x9] =	wrdreg s4  }
0xf: {  	s7 =	sadd.s32 $0x6000, s6;
	[dreg:$0xa] =	wrdreg s5  }
0x10: {  	s8 =	sadd.s32 $0x7000, s6;
	[dreg:$0xb] =	wrdreg s7  }
0x11: {  	s9 =	sadd.s32 $0x8000, s6;
	[dreg:$0xc] =	wrdreg s8  }
0x12: {  	s10 =	sadd.s32 $0x9000, s6;
	[dreg:$0xd] =	wrdreg s9  }
0x13: {  	s11 =	sadd.s32 $0xA000, s6;
	[dreg:$0xe] =	wrdreg s10  }
0x14: {  	s12 =	sadd.s32 $0xB000, s6;
	[dreg:$0xf] =	wrdreg s11  }
0x15: {  	s13 =	sadd.s32 $0xC000, s6;
	[dreg:$0x10] =	wrdreg s12  }
0x16: {  	s14 =	sadd.s32 $0xD000, s6;
	[dreg:$0x11] =	wrdreg s13  }
0x17: {  	s15 =	sadd.s32 $0xE000, s6;
	[dreg:$0x12] =	wrdreg s14  }
0x18: {  	s16 =	sadd.s32 $0xF000, s6;
	[dreg:$0x13] =	wrdreg s15  }
0x19: {  	s17 =	sadd.s32 $0x10000, s6;
	[dreg:$0x14] =	wrdreg s16  }
0x1a: {  	s18 =	sadd.s32 $0x11000, s6;
	[dreg:$0x15] =	wrdreg s17  }
0x1b: {  	s19 =	sadd.s32 $0x12000, s6;
	[dreg:$0x16] =	wrdreg s18  }
0x1c: {  	s20 =	sadd.s32 $0x13000, s6;
	[dreg:$0x17] =	wrdreg s19  }
0x1d: {  	s21 =	sadd.s32 $0x14000, s6;
	[dreg:$0x18] =	wrdreg s20  }
0x1e: {  	s22 =	sadd.s32 $0x15000, s6;
	[dreg:$0x19] =	wrdreg s21  }
0x1f: {  	s0 =	ssub.s32 $0x2, s0;
	s23 =	sadd.s32 $0x16000, s6;
	[dreg:$0x1a] =	wrdreg s22  }
0x20: {  	s26 =	sshrl.u32 s0, $0x1;
	s24 =	sadd.s32 $0x17000, s6;
	[dreg:$0x1b] =	wrdreg s23  }
0x21: {  	s0 =	ssub.s32 s0, s26;
	s25 =	sadd.s32 $0x18000, s6;
	[dreg:$0x1c] =	wrdreg s24  }
0x22: {  	s0 =	smax.u32 s0, $0x1;
	s28 =	sadd.s32 $0x19000, s6;
	[dreg:$0x1d] =	wrdreg s25  }
0x23: {  	[dreg:$0x1e] =	wrdreg s28;
	s29 =	sadd.s32 $0x1A000, s6;
	s4 =	sadd.s32 $0x100, s1  }
0x24: {  	v2 =	vlaneseq.u32;
	s30 =	sadd.s32 $0x1B000, s6;
	s5 =	sadd.s32 $0x200, s1;
	[dreg:$0x1f] =	wrdreg s29  }
0x25: {  	vm0 =	vmmov $0xffff;
	v1 =	vshrl.u32 v2, $0x3;
	s31 =	sadd.s32 $0x1C000, s6;
	s6 =	sadd.s32 $0x300, s1;
	[smem:$0x7FC] =	sst s30  }
0x26: {  	v0 =	vand.u32 $0x7, v2;
	v2 =	vor.u32 $0x8, v2;
	v1 =	vmul.u32 $0x8, v1;
	s17 =	simm.s32 $0x1;
	s19 =	simm.s32 $0x2;
	[smem:$0x7FD] =	sst s31  }
.LBB2_1:
0x27: {  	[smem:$0x7FB] =	sst s0  }
0x28: {  	s20 =	rddreg [dreg:$0x4];
	s10 =	simm.s32 $0x3  }
0x29: {  	[tilespmem:s3], [sflag:$0x3] =	stream.linear.gather [hbm4b:s20+s3], $0x3A0, $0x38;
	[tilespmem:$0x18400] =	vst v63  }
0x2a: {  	_ =	swait.ge [sflag:s10], $0x3A0  }
0x2b: {  	[sflag:s10] =	ssyncset.done $0x0  }
0x2c: {  	[sflag:s10] =	ssyncadd.s32 $0xFFFFFC60  }
0x2d: {  	v3 =	vld [tilespmem:$0x0];
	_ =	sdelay $0x4  }
0x2e: {  	v4 =	vshll.u32 v3, $0x3  }
0x2f: {  	v3 =	vand.u32 $0x7, v3;
	v4 =	vand.u32 $0xFFFFFFC0, v4  }
0x30: {  	v3 =	vor.u32 v3, v4  }
0x31: {  	v4 =	vperm.xlane v3, v0;
	_ =	sdelay $0x1  }
0x32: {  	v4 =	vadd.s32 v1, v4;
	_ =	sdelay $0x3  }
0x33: {  	s11 =	simm.s32 $0x400  }
0x34: {  	[tilespmem:s11], [sflag:$0x1] =	stream.indirect_vreg.gather [hbm4b:s1+s3], $0x80, v4, vm0, $0xb8;
	[tilespmem:$0x18400] =	vst v63  }
0x35: {  	s12 =	simm.s32 $0xC00;
	v3 =	vperm.xlane v3, v2  }
0x36: {  	[tilespmem:s12], [sflag:$0x1] =	stream.indirect_vreg.gather [hbm4b:s4+s3], $0x80, v4, vm0, $0xb8;
	[tilespmem:$0x18400] =	vst v63  }
0x37: {  	s13 =	simm.s32 $0x1400;
	v3 =	vadd.s32 v1, v3  }
0x38: {  	[tilespmem:s13], [sflag:$0x1] =	stream.indirect_vreg.gather [hbm4b:s5+s3], $0x80, v4, vm0, $0xb8;
	[tilespmem:$0x18400] =	vst v63  }
0x39: {  	s14 =	simm.s32 $0x1C00  }
0x3a: {  	[tilespmem:s14], [sflag:$0x1] =	stream.indirect_vreg.gather [hbm4b:s6+s3], $0x80, v4, vm0, $0xb8;
	[tilespmem:$0x18400] =	vst v63  }
0x3b: {  	s15 =	simm.s32 $0x2400  }
0x3c: {  	[tilespmem:s15], [sflag:$0x1] =	stream.indirect_vreg.gather [hbm4b:s1+s3], $0x80, v3, vm0, $0xb8;
	[tilespmem:$0x18400] =	vst v63  }
0x3d: {  	s16 =	simm.s32 $0x2C00  }
0x3e: {  	[tilespmem:s16], [sflag:$0x1] =	stream.indirect_vreg.gather [hbm4b:s4+s3], $0x80, v3, vm0, $0xb8;
	[tilespmem:$0x18400] =	vst v63  }
0x3f: {  	s18 =	simm.s32 $0x3400  }
0x40: {  	[tilespmem:s18], [sflag:$0x1] =	stream.indirect_vreg.gather [hbm4b:s5+s3], $0x80, v3, vm0, $0xb8;
	[tilespmem:$0x18400] =	vst v63  }
0x41: {  	s20 =	simm.s32 $0x3C00  }
0x42: {  	[tilespmem:s20], [sflag:$0x1] =	stream.indirect_vreg.gather [hbm4b:s6+s3], $0x80, v3, vm0, $0xb8;
	[tilespmem:$0x18400] =	vst v63  }
0x43: {  	v3 =	vld [tilespmem:$0x10];
	_ =	sdelay $0x4  }
0x44: {  	v63 =	vshll.u32 v3, $0x3  }
0x45: {  	v3 =	vand.u32 $0x7, v3;
	v4 =	vand.u32 $0xFFFFFFC0, v63  }
0x46: {  	v3 =	vor.u32 v3, v4  }
0x47: {  	v4 =	vperm.xlane v3, v0;
	_ =	sdelay $0x1  }
0x48: {  	v4 =	vadd.s32 v1, v4;
	_ =	sdelay $0x3  }
0x49: {  	s21 =	simm.s32 $0x4400  }
0x4a: {  	[tilespmem:s21], [sflag:$0x1] =	stream.indirect_vreg.gather [hbm4b:s1+s3], $0x80, v4, vm0, $0xb8;
	[tilespmem:$0x18400] =	vst v63  }
0x4b: {  	s22 =	simm.s32 $0x4C00;
	v3 =	vperm.xlane v3, v2  }
0x4c: {  	[tilespmem:s22], [sflag:$0x1] =	stream.indirect_vreg.gather [hbm4b:s4+s3], $0x80, v4, vm0, $0xb8;
	[tilespmem:$0x18400] =	vst v63  }
0x4d: {  	s24 =	simm.s32 $0x5400;
	v3 =	vadd.s32 v1, v3  }
0x4e: {  	[tilespmem:s24], [sflag:$0x1] =	stream.indirect_vreg.gather [hbm4b:s5+s3], $0x80, v4, vm0, $0xb8;
	[tilespmem:$0x18400] =	vst v63  }
0x4f: {  	s25 =	simm.s32 $0x5C00  }
0x50: {  	[tilespmem:s25], [sflag:$0x1] =	stream.indirect_vreg.gather [hbm4b:s6+s3], $0x80, v4, vm0, $0xb8;
	[tilespmem:$0x18400] =	vst v63  }
0x51: {  	s29 =	simm.s32 $0x6400  }
0x52: {  	[tilespmem:s29], [sflag:$0x1] =	stream.indirect_vreg.gather [hbm4b:s1+s3], $0x80, v3, vm0, $0xb8;
	[tilespmem:$0x18400] =	vst v63  }
0x53: {  	s2 =	simm.s32 $0x6C00  }
0x54: {  	[tilespmem:s2], [sflag:$0x1] =	stream.indirect_vreg.gather [hbm4b:s4+s3], $0x80, v3, vm0, $0xb8;
	[tilespmem:$0x18400] =	vst v63  }
0x55: {  	s10 =	simm.s32 $0x7400  }
0x56: {  	[tilespmem:s10], [sflag:$0x1] =	stream.indirect_vreg.gather [hbm4b:s5+s3], $0x80, v3, vm0, $0xb8;
	[tilespmem:$0x18400] =	vst v63  }
0x57: {  	s11 =	simm.s32 $0x7C00  }
0x58: {  	[tilespmem:s11], [sflag:$0x1] =	stream.indirect_vreg.gather [hbm4b:s6+s3], $0x80, v3, vm0, $0xb8;
	[tilespmem:$0x18400] =	vst v63  }
0x59: {  	v3 =	vld [tilespmem:$0x20];
	_ =	sdelay $0x4  }
0x5a: {  	v8 =	vshll.u32 v3, $0x3  }
0x5b: {  	v3 =	vand.u32 $0x7, v3;
	v4 =	vand.u32 $0xFFFFFFC0, v8  }
0x5c: {  	v3 =	vor.u32 v3, v4  }
0x5d: {  	v4 =	vperm.xlane v3, v0;
	_ =	sdelay $0x1  }
0x5e: {  	v4 =	vadd.s32 v1, v4;
	_ =	sdelay $0x3  }
0x5f: {  	s12 =	simm.s32 $0x8400  }
0x60: {  	[tilespmem:s12], [sflag:$0x1] =	stream.indirect_vreg.gather [hbm4b:s1+s3], $0x80, v4, vm0, $0xb8;
	[tilespmem:$0x18400] =	vst v63  }
0x61: {  	s18 =	simm.s32 $0x8C00;
	v3 =	vperm.xlane v3, v2  }
0x62: {  	[tilespmem:s18], [sflag:$0x1] =	stream.indirect_vreg.gather [hbm4b:s4+s3], $0x80, v4, vm0, $0xb8;
	[tilespmem:$0x18400] =	vst v63  }
0x63: {  	s20 =	simm.s32 $0x9400;
	v3 =	vadd.s32 v1, v3  }
0x64: {  	[tilespmem:s20], [sflag:$0x1] =	stream.indirect_vreg.gather [hbm4b:s5+s3], $0x80, v4, vm0, $0xb8;
	[tilespmem:$0x18400] =	vst v63  }
0x65: {  	s25 =	simm.s32 $0x9C00  }
0x66: {  	[tilespmem:s25], [sflag:$0x1] =	stream.indirect_vreg.gather [hbm4b:s6+s3], $0x80, v4, vm0, $0xb8;
	[tilespmem:$0x18400] =	vst v63  }
0x67: {  	s29 =	simm.s32 $0xA400  }
0x68: {  	[tilespmem:s29], [sflag:$0x1] =	stream.indirect_vreg.gather [hbm4b:s1+s3], $0x80, v3, vm0, $0xb8;
	[tilespmem:$0x18400] =	vst v63  }
0x69: {  	s10 =	simm.s32 $0xAC00  }
0x6a: {  	[tilespmem:s10], [sflag:$0x1] =	stream.indirect_vreg.gather [hbm4b:s4+s3], $0x80, v3, vm0, $0xb8;
	[tilespmem:$0x18400] =	vst v63  }
0x6b: {  	s11 =	simm.s32 $0xB400  }
0x6c: {  	[tilespmem:s11], [sflag:$0x1] =	stream.indirect_vreg.gather [hbm4b:s5+s3], $0x80, v3, vm0, $0xb8;
	[tilespmem:$0x18400] =	vst v63  }
0x6d: {  	s12 =	simm.s32 $0xBC00  }
0x6e: {  	[tilespmem:s12], [sflag:$0x1] =	stream.indirect_vreg.gather [hbm4b:s6+s3], $0x80, v3, vm0, $0xb8;
	[tilespmem:$0x18400] =	vst v63  }
0x6f: {  	v3 =	vld [tilespmem:$0x30];
	_ =	sdelay $0x4  }
0x70: {  	v9 =	vshll.u32 v3, $0x3  }
0x71: {  	v3 =	vand.u32 $0x7, v3;
	v4 =	vand.u32 $0xFFFFFFC0, v9  }
0x72: {  	v3 =	vor.u32 v3, v4  }
0x73: {  	v4 =	vperm.xlane v3, v0;
	_ =	sdelay $0x1  }
0x74: {  	v4 =	vadd.s32 v1, v4;
	_ =	sdelay $0x3  }
0x75: {  	s18 =	simm.s32 $0xC400  }
0x76: {  	[tilespmem:s18], [sflag:$0x1] =	stream.indirect_vreg.gather [hbm4b:s1+s3], $0x80, v4, vm0, $0xb8;
	[tilespmem:$0x18400] =	vst v63  }
0x77: {  	s20 =	simm.s32 $0xCC00;
	v3 =	vperm.xlane v3, v2  }
0x78: {  	[tilespmem:s20], [sflag:$0x1] =	stream.indirect_vreg.gather [hbm4b:s4+s3], $0x80, v4, vm0, $0xb8;
	[tilespmem:$0x18400] =	vst v63  }
0x79: {  	s25 =	simm.s32 $0xD400;
	v3 =	vadd.s32 v1, v3  }
0x7a: {  	[tilespmem:s25], [sflag:$0x1] =	stream.indirect_vreg.gather [hbm4b:s5+s3], $0x80, v4, vm0, $0xb8;
	[tilespmem:$0x18400] =	vst v63  }
0x7b: {  	s29 =	simm.s32 $0xDC00  }
0x7c: {  	[tilespmem:s29], [sflag:$0x1] =	stream.indirect_vreg.gather [hbm4b:s6+s3], $0x80, v4, vm0, $0xb8;
	[tilespmem:$0x18400] =	vst v63  }
0x7d: {  	s18 =	simm.s32 $0xE400  }
0x7e: {  	[tilespmem:s18], [sflag:$0x1] =	stream.indirect_vreg.gather [hbm4b:s1+s3], $0x80, v3, vm0, $0xb8;
	[tilespmem:$0x18400] =	vst v63  }
0x7f: {  	s20 =	simm.s32 $0xEC00  }
0x80: {  	[tilespmem:s20], [sflag:$0x1] =	stream.indirect_vreg.gather [hbm4b:s4+s3], $0x80, v3, vm0, $0xb8;
	[tilespmem:$0x18400] =	vst v63  }
0x81: {  	s25 =	simm.s32 $0xF400  }
0x82: {  	[tilespmem:s25], [sflag:$0x1] =	stream.indirect_vreg.gather [hbm4b:s5+s3], $0x80, v3, vm0, $0xb8;
	[tilespmem:$0x18400] =	vst v63  }
0x83: {  	s29 =	simm.s32 $0xFC00  }
0x84: {  	[tilespmem:s29], [sflag:$0x1] =	stream.indirect_vreg.gather [hbm4b:s6+s3], $0x80, v3, vm0, $0xb8;
	[tilespmem:$0x18400] =	vst v63  }
0x85: {  	_ =	swait.ge [sflag:s17], $0x8000  }
0x86: {  	[sflag:s17] =	ssyncset.done $0x0  }
0x87: {  	s9 =	simm.s32 $0x400;
	s0 =	rddreg [dreg:$0x5];
	[sflag:s17] =	ssyncadd.s32 $0xFFFF8000  }
0x88: {  	[hbm4b:s0+s3] =	stream.linear.scatter [tilespmem:s9], [sflag:$0x2], $0x8000, $0x38;
	[tilespmem:$0x18400] =	vst v63  }
0x89: {  	v3 =	vld [tilespmem:$0x40];
	_ =	sdelay $0x4  }
0x8a: {  	v10 =	vshll.u32 v3, $0x3  }
0x8b: {  	v3 =	vand.u32 $0x7, v3;
	v4 =	vand.u32 $0xFFFFFFC0, v10  }
0x8c: {  	v3 =	vor.u32 v3, v4  }
0x8d: {  	v4 =	vperm.xlane v3, v0;
	_ =	sdelay $0x1  }
0x8e: {  	v4 =	vadd.s32 v1, v4;
	_ =	sdelay $0x3  }
0x8f: {  	s25 =	simm.s32 $0x10400  }
0x90: {  	[tilespmem:s25], [sflag:$0x1] =	stream.indirect_vreg.gather [hbm4b:s1+s3], $0x80, v4, vm0, $0xb8;
	[tilespmem:$0x18400] =	vst v63  }
0x91: {  	s29 =	simm.s32 $0x10C00;
	v3 =	vperm.xlane v3, v2  }
0x92: {  	[tilespmem:s29], [sflag:$0x1] =	stream.indirect_vreg.gather [hbm4b:s4+s3], $0x80, v4, vm0, $0xb8;
	[tilespmem:$0x18400] =	vst v63  }
0x93: {  	s20 =	simm.s32 $0x11400;
	v3 =	vadd.s32 v1, v3  }
0x94: {  	[tilespmem:s20], [sflag:$0x1] =	stream.indirect_vreg.gather [hbm4b:s5+s3], $0x80, v4, vm0, $0xb8;
	[tilespmem:$0x18400] =	vst v63  }
0x95: {  	s25 =	simm.s32 $0x11C00  }
0x96: {  	[tilespmem:s25], [sflag:$0x1] =	stream.indirect_vreg.gather [hbm4b:s6+s3], $0x80, v4, vm0, $0xb8;
	[tilespmem:$0x18400] =	vst v63  }
0x97: {  	s20 =	simm.s32 $0x12400  }
0x98: {  	[tilespmem:s20], [sflag:$0x1] =	stream.indirect_vreg.gather [hbm4b:s1+s3], $0x80, v3, vm0, $0xb8;
	[tilespmem:$0x18400] =	vst v63  }
0x99: {  	s25 =	simm.s32 $0x12C00  }
0x9a: {  	[tilespmem:s25], [sflag:$0x1] =	stream.indirect_vreg.gather [hbm4b:s4+s3], $0x80, v3, vm0, $0xb8;
	[tilespmem:$0x18400] =	vst v63  }
0x9b: {  	s20 =	simm.s32 $0x13400  }
0x9c: {  	[tilespmem:s20], [sflag:$0x1] =	stream.indirect_vreg.gather [hbm4b:s5+s3], $0x80, v3, vm0, $0xb8;
	[tilespmem:$0x18400] =	vst v63  }
0x9d: {  	s25 =	simm.s32 $0x13C00  }
0x9e: {  	[tilespmem:s25], [sflag:$0x1] =	stream.indirect_vreg.gather [hbm4b:s6+s3], $0x80, v3, vm0, $0xb8;
	[tilespmem:$0x18400] =	vst v63  }
0x9f: {  	v3 =	vld [tilespmem:$0x50];
	_ =	sdelay $0x4  }
0xa0: {  	v11 =	vshll.u32 v3, $0x3  }
0xa1: {  	v3 =	vand.u32 $0x7, v3;
	v4 =	vand.u32 $0xFFFFFFC0, v11  }
0xa2: {  	v3 =	vor.u32 v3, v4  }
0xa3: {  	v4 =	vperm.xlane v3, v0;
	_ =	sdelay $0x1  }
0xa4: {  	v4 =	vadd.s32 v1, v4;
	_ =	sdelay $0x3  }
0xa5: {  	s20 =	simm.s32 $0x14400  }
0xa6: {  	[tilespmem:s20], [sflag:$0x1] =	stream.indirect_vreg.gather [hbm4b:s1+s3], $0x80, v4, vm0, $0xb8;
	[tilespmem:$0x18400] =	vst v63  }
0xa7: {  	s25 =	simm.s32 $0x14C00;
	v3 =	vperm.xlane v3, v2  }
0xa8: {  	[tilespmem:s25], [sflag:$0x1] =	stream.indirect_vreg.gather [hbm4b:s4+s3], $0x80, v4, vm0, $0xb8;
	[tilespmem:$0x18400] =	vst v63  }
0xa9: {  	v3 =	vadd.s32 v1, v3;
	s20 =	simm.s32 $0x15400  }
0xaa: {  	[tilespmem:s20], [sflag:$0x1] =	stream.indirect_vreg.gather [hbm4b:s5+s3], $0x80, v4, vm0, $0xb8;
	[tilespmem:$0x18400] =	vst v63  }
0xab: {  	s25 =	simm.s32 $0x15C00  }
0xac: {  	[tilespmem:s25], [sflag:$0x1] =	stream.indirect_vreg.gather [hbm4b:s6+s3], $0x80, v4, vm0, $0xb8;
	[tilespmem:$0x18400] =	vst v63  }
0xad: {  	s20 =	simm.s32 $0x16400  }
0xae: {  	[tilespmem:s20], [sflag:$0x1] =	stream.indirect_vreg.gather [hbm4b:s1+s3], $0x80, v3, vm0, $0xb8;
	[tilespmem:$0x18400] =	vst v63  }
0xaf: {  	s25 =	simm.s32 $0x16C00  }
0xb0: {  	[tilespmem:s25], [sflag:$0x1] =	stream.indirect_vreg.gather [hbm4b:s4+s3], $0x80, v3, vm0, $0xb8;
	[tilespmem:$0x18400] =	vst v63  }
0xb1: {  	s20 =	simm.s32 $0x17400  }
0xb2: {  	[tilespmem:s20], [sflag:$0x1] =	stream.indirect_vreg.gather [hbm4b:s5+s3], $0x80, v3, vm0, $0xb8;
	[tilespmem:$0x18400] =	vst v63  }
0xb3: {  	s25 =	simm.s32 $0x17C00  }
0xb4: {  	[tilespmem:s25], [sflag:$0x1] =	stream.indirect_vreg.gather [hbm4b:s6+s3], $0x80, v3, vm0, $0xb8;
	[tilespmem:$0x18400] =	vst v63  }
0xb5: {  	_ =	swait.ge [sflag:s17], $0x8000  }
0xb6: {  	[sflag:s17] =	ssyncset.done $0x0  }
0xb7: {  	s25 =	simm.s32 $0x8400;
	s0 =	rddreg [dreg:$0x6];
	[sflag:s17] =	ssyncadd.s32 $0xFFFF8000  }
0xb8: {  	[hbm4b:s0+s3] =	stream.linear.scatter [tilespmem:s25], [sflag:$0x2], $0x8000, $0x38;
	[tilespmem:$0x18400] =	vst v63  }
0xb9: {  	_ =	swait.ge [sflag:s19], $0x8000  }
0xba: {  	[sflag:s19] =	ssyncset.done $0x0  }
0xbb: {  	[sflag:s19] =	ssyncadd.s32 $0xFFFF8000  }
0xbc: {  	v3 =	vld [tilespmem:$0x60];
	_ =	sdelay $0x4  }
0xbd: {  	v12 =	vshll.u32 v3, $0x3  }
0xbe: {  	v3 =	vand.u32 $0x7, v3;
	v4 =	vand.u32 $0xFFFFFFC0, v12  }
0xbf: {  	v3 =	vor.u32 v3, v4  }
0xc0: {  	v4 =	vperm.xlane v3, v0;
	_ =	sdelay $0x1  }
0xc1: {  	v4 =	vadd.s32 v1, v4;
	_ =	sdelay $0x3  }
0xc2: {  	s9 =	simm.s32 $0x400  }
0xc3: {  	[tilespmem:s9], [sflag:$0x1] =	stream.indirect_vreg.gather [hbm4b:s1+s3], $0x80, v4, vm0, $0xb8;
	[tilespmem:$0x18400] =	vst v63  }
0xc4: {  	s23 =	simm.s32 $0xC00;
	v3 =	vperm.xlane v3, v2  }
0xc5: {  	[tilespmem:s23], [sflag:$0x1] =	stream.indirect_vreg.gather [hbm4b:s4+s3], $0x80, v4, vm0, $0xb8;
	[tilespmem:$0x18400] =	vst v63  }
0xc6: {  	s7 =	simm.s32 $0x1400;
	v3 =	vadd.s32 v1, v3  }
0xc7: {  	[tilespmem:s7], [sflag:$0x1] =	stream.indirect_vreg.gather [hbm4b:s5+s3], $0x80, v4, vm0, $0xb8;
	[tilespmem:$0x18400] =	vst v63  }
0xc8: {  	s8 =	simm.s32 $0x1C00  }
0xc9: {  	[tilespmem:s8], [sflag:$0x1] =	stream.indirect_vreg.gather [hbm4b:s6+s3], $0x80, v4, vm0, $0xb8;
	[tilespmem:$0x18400] =	vst v63  }
0xca: {  	s13 =	simm.s32 $0x2400  }
0xcb: {  	[tilespmem:s13], [sflag:$0x1] =	stream.indirect_vreg.gather [hbm4b:s1+s3], $0x80, v3, vm0, $0xb8;
	[tilespmem:$0x18400] =	vst v63  }
0xcc: {  	s14 =	simm.s32 $0x2C00  }
0xcd: {  	[tilespmem:s14], [sflag:$0x1] =	stream.indirect_vreg.gather [hbm4b:s4+s3], $0x80, v3, vm0, $0xb8;
	[tilespmem:$0x18400] =	vst v63  }
0xce: {  	s30 =	simm.s32 $0x3400  }
0xcf: {  	[tilespmem:s30], [sflag:$0x1] =	stream.indirect_vreg.gather [hbm4b:s5+s3], $0x80, v3, vm0, $0xb8;
	[tilespmem:$0x18400] =	vst v63  }
0xd0: {  	s26 =	simm.s32 $0x3C00  }
0xd1: {  	[tilespmem:s26], [sflag:$0x1] =	stream.indirect_vreg.gather [hbm4b:s6+s3], $0x80, v3, vm0, $0xb8;
	[tilespmem:$0x18400] =	vst v63  }
0xd2: {  	v3 =	vld [tilespmem:$0x70];
	_ =	sdelay $0x4  }
0xd3: {  	v13 =	vshll.u32 v3, $0x3  }
0xd4: {  	v3 =	vand.u32 $0x7, v3;
	v4 =	vand.u32 $0xFFFFFFC0, v13  }
0xd5: {  	v3 =	vor.u32 v3, v4  }
0xd6: {  	v4 =	vperm.xlane v3, v0;
	_ =	sdelay $0x1  }
0xd7: {  	v4 =	vadd.s32 v1, v4;
	_ =	sdelay $0x3  }
0xd8: {  	s28 =	simm.s32 $0x4400  }
0xd9: {  	[tilespmem:s28], [sflag:$0x1] =	stream.indirect_vreg.gather [hbm4b:s1+s3], $0x80, v4, vm0, $0xb8;
	[tilespmem:$0x18400] =	vst v63  }
0xda: {  	s31 =	simm.s32 $0x4C00;
	v3 =	vperm.xlane v3, v2  }
0xdb: {  	[tilespmem:s31], [sflag:$0x1] =	stream.indirect_vreg.gather [hbm4b:s4+s3], $0x80, v4, vm0, $0xb8;
	[tilespmem:$0x18400] =	vst v63  }
0xdc: {  	s15 =	simm.s32 $0x5400;
	v3 =	vadd.s32 v1, v3  }
0xdd: {  	[tilespmem:s15], [sflag:$0x1] =	stream.indirect_vreg.gather [hbm4b:s5+s3], $0x80, v4, vm0, $0xb8;
	[tilespmem:$0x18400] =	vst v63  }
0xde: {  	s16 =	simm.s32 $0x5C00  }
0xdf: {  	[tilespmem:s16], [sflag:$0x1] =	stream.indirect_vreg.gather [hbm4b:s6+s3], $0x80, v4, vm0, $0xb8;
	[tilespmem:$0x18400] =	vst v63  }
0xe0: {  	s21 =	simm.s32 $0x6400  }
0xe1: {  	[tilespmem:s21], [sflag:$0x1] =	stream.indirect_vreg.gather [hbm4b:s1+s3], $0x80, v3, vm0, $0xb8;
	[tilespmem:$0x18400] =	vst v63  }
0xe2: {  	s22 =	simm.s32 $0x6C00  }
0xe3: {  	[tilespmem:s22], [sflag:$0x1] =	stream.indirect_vreg.gather [hbm4b:s4+s3], $0x80, v3, vm0, $0xb8;
	[tilespmem:$0x18400] =	vst v63  }
0xe4: {  	s24 =	simm.s32 $0x7400  }
0xe5: {  	[tilespmem:s24], [sflag:$0x1] =	stream.indirect_vreg.gather [hbm4b:s5+s3], $0x80, v3, vm0, $0xb8;
	[tilespmem:$0x18400] =	vst v63  }
0xe6: {  	s24 =	simm.s32 $0x7C00  }
0xe7: {  	[tilespmem:s24], [sflag:$0x1] =	stream.indirect_vreg.gather [hbm4b:s6+s3], $0x80, v3, vm0, $0xb8;
	[tilespmem:$0x18400] =	vst v63  }
0xe8: {  	_ =	swait.ge [sflag:s17], $0x8000  }
0xe9: {  	[sflag:s17] =	ssyncset.done $0x0  }
0xea: {  	s16 =	simm.s32 $0x10400;
	s15 =	rddreg [dreg:$0x7];
	[sflag:s17] =	ssyncadd.s32 $0xFFFF8000  }
0xeb: {  	[hbm4b:s15+s3] =	stream.linear.scatter [tilespmem:s16], [sflag:$0x2], $0x8000, $0x38;
	[tilespmem:$0x18400] =	vst v63  }
0xec: {  	_ =	swait.ge [sflag:s19], $0x8000  }
0xed: {  	[sflag:s19] =	ssyncset.done $0x0  }
0xee: {  	[sflag:s19] =	ssyncadd.s32 $0xFFFF8000  }
0xef: {  	v3 =	vld [tilespmem:$0x80];
	_ =	sdelay $0x4  }
0xf0: {  	v14 =	vshll.u32 v3, $0x3  }
0xf1: {  	v3 =	vand.u32 $0x7, v3;
	v4 =	vand.u32 $0xFFFFFFC0, v14  }
0xf2: {  	v3 =	vor.u32 v3, v4  }
0xf3: {  	v4 =	vperm.xlane v3, v0;
	_ =	sdelay $0x1  }
0xf4: {  	v4 =	vadd.s32 v1, v4;
	_ =	sdelay $0x4  }
0xf5: {  	[tilespmem:s25], [sflag:$0x1] =	stream.indirect_vreg.gather [hbm4b:s1+s3], $0x80, v4, vm0, $0xb8;
	[tilespmem:$0x18400] =	vst v63  }
0xf6: {  	s2 =	simm.s32 $0x8C00;
	v3 =	vperm.xlane v3, v2  }
0xf7: {  	[tilespmem:s2], [sflag:$0x1] =	stream.indirect_vreg.gather [hbm4b:s4+s3], $0x80, v4, vm0, $0xb8;
	[tilespmem:$0x18400] =	vst v63  }
0xf8: {  	s21 =	simm.s32 $0x9400;
	v3 =	vadd.s32 v1, v3  }
0xf9: {  	[tilespmem:s21], [sflag:$0x1] =	stream.indirect_vreg.gather [hbm4b:s5+s3], $0x80, v4, vm0, $0xb8;
	[tilespmem:$0x18400] =	vst v63  }
0xfa: {  	s22 =	simm.s32 $0x9C00  }
0xfb: {  	[tilespmem:s22], [sflag:$0x1] =	stream.indirect_vreg.gather [hbm4b:s6+s3], $0x80, v4, vm0, $0xb8;
	[tilespmem:$0x18400] =	vst v63  }
0xfc: {  	s23 =	simm.s32 $0xA400  }
0xfd: {  	[tilespmem:s23], [sflag:$0x1] =	stream.indirect_vreg.gather [hbm4b:s1+s3], $0x80, v3, vm0, $0xb8;
	[tilespmem:$0x18400] =	vst v63  }
0xfe: {  	s8 =	simm.s32 $0xAC00  }
0xff: {  	[tilespmem:s8], [sflag:$0x1] =	stream.indirect_vreg.gather [hbm4b:s4+s3], $0x80, v3, vm0, $0xb8;
	[tilespmem:$0x18400] =	vst v63  }
0x100: {  	s30 =	simm.s32 $0xB400  }
0x101: {  	[tilespmem:s30], [sflag:$0x1] =	stream.indirect_vreg.gather [hbm4b:s5+s3], $0x80, v3, vm0, $0xb8;
	[tilespmem:$0x18400] =	vst v63  }
0x102: {  	s10 =	simm.s32 $0xBC00  }
0x103: {  	[tilespmem:s10], [sflag:$0x1] =	stream.indirect_vreg.gather [hbm4b:s6+s3], $0x80, v3, vm0, $0xb8;
	[tilespmem:$0x18400] =	vst v63  }
0x104: {  	v3 =	vld [tilespmem:$0x90];
	_ =	sdelay $0x4  }
0x105: {  	v15 =	vshll.u32 v3, $0x3  }
0x106: {  	v3 =	vand.u32 $0x7, v3;
	v4 =	vand.u32 $0xFFFFFFC0, v15  }
0x107: {  	v3 =	vor.u32 v3, v4  }
0x108: {  	v4 =	vperm.xlane v3, v0;
	_ =	sdelay $0x1  }
0x109: {  	v4 =	vadd.s32 v1, v4;
	_ =	sdelay $0x3  }
0x10a: {  	s11 =	simm.s32 $0xC400  }
0x10b: {  	[tilespmem:s11], [sflag:$0x1] =	stream.indirect_vreg.gather [hbm4b:s1+s3], $0x80, v4, vm0, $0xb8;
	[tilespmem:$0x18400] =	vst v63  }
0x10c: {  	s12 =	simm.s32 $0xCC00;
	v3 =	vperm.xlane v3, v2  }
0x10d: {  	[tilespmem:s12], [sflag:$0x1] =	stream.indirect_vreg.gather [hbm4b:s4+s3], $0x80, v4, vm0, $0xb8;
	[tilespmem:$0x18400] =	vst v63  }
0x10e: {  	s10 =	simm.s32 $0xD400;
	v3 =	vadd.s32 v1, v3  }
0x10f: {  	[tilespmem:s10], [sflag:$0x1] =	stream.indirect_vreg.gather [hbm4b:s5+s3], $0x80, v4, vm0, $0xb8;
	[tilespmem:$0x18400] =	vst v63  }
0x110: {  	s11 =	simm.s32 $0xDC00  }
0x111: {  	[tilespmem:s11], [sflag:$0x1] =	stream.indirect_vreg.gather [hbm4b:s6+s3], $0x80, v4, vm0, $0xb8;
	[tilespmem:$0x18400] =	vst v63  }
0x112: {  	s12 =	simm.s32 $0xE400  }
0x113: {  	[tilespmem:s12], [sflag:$0x1] =	stream.indirect_vreg.gather [hbm4b:s1+s3], $0x80, v3, vm0, $0xb8;
	[tilespmem:$0x18400] =	vst v63  }
0x114: {  	s13 =	simm.s32 $0xEC00  }
0x115: {  	[tilespmem:s13], [sflag:$0x1] =	stream.indirect_vreg.gather [hbm4b:s4+s3], $0x80, v3, vm0, $0xb8;
	[tilespmem:$0x18400] =	vst v63  }
0x116: {  	s14 =	simm.s32 $0xF400  }
0x117: {  	[tilespmem:s14], [sflag:$0x1] =	stream.indirect_vreg.gather [hbm4b:s5+s3], $0x80, v3, vm0, $0xb8;
	[tilespmem:$0x18400] =	vst v63  }
0x118: {  	s18 =	simm.s32 $0xFC00  }
0x119: {  	[tilespmem:s18], [sflag:$0x1] =	stream.indirect_vreg.gather [hbm4b:s6+s3], $0x80, v3, vm0, $0xb8;
	[tilespmem:$0x18400] =	vst v63  }
0x11a: {  	_ =	swait.ge [sflag:s17], $0x8000  }
0x11b: {  	[sflag:s17] =	ssyncset.done $0x0  }
0x11c: {  	s9 =	simm.s32 $0x400;
	s26 =	rddreg [dreg:$0x8];
	[sflag:s17] =	ssyncadd.s32 $0xFFFF8000  }
0x11d: {  	[hbm4b:s26+s3] =	stream.linear.scatter [tilespmem:s9], [sflag:$0x2], $0x8000, $0x38;
	[tilespmem:$0x18400] =	vst v63  }
0x11e: {  	_ =	swait.ge [sflag:s19], $0x8000  }
0x11f: {  	[sflag:s19] =	ssyncset.done $0x0  }
0x120: {  	[sflag:s19] =	ssyncadd.s32 $0xFFFF8000  }
0x121: {  	v3 =	vld [tilespmem:$0xA0];
	_ =	sdelay $0x4  }
0x122: {  	v16 =	vshll.u32 v3, $0x3  }
0x123: {  	v3 =	vand.u32 $0x7, v3;
	v4 =	vand.u32 $0xFFFFFFC0, v16  }
0x124: {  	v3 =	vor.u32 v3, v4  }
0x125: {  	v4 =	vperm.xlane v3, v0;
	_ =	sdelay $0x1  }
0x126: {  	v4 =	vadd.s32 v1, v4;
	_ =	sdelay $0x4  }
0x127: {  	[tilespmem:s16], [sflag:$0x1] =	stream.indirect_vreg.gather [hbm4b:s1+s3], $0x80, v4, vm0, $0xb8;
	[tilespmem:$0x18400] =	vst v63  }
0x128: {  	s29 =	simm.s32 $0x10C00;
	v3 =	vperm.xlane v3, v2  }
0x129: {  	[tilespmem:s29], [sflag:$0x1] =	stream.indirect_vreg.gather [hbm4b:s4+s3], $0x80, v4, vm0, $0xb8;
	[tilespmem:$0x18400] =	vst v63  }
0x12a: {  	s31 =	simm.s32 $0x11400;
	v3 =	vadd.s32 v1, v3  }
0x12b: {  	[tilespmem:s31], [sflag:$0x1] =	stream.indirect_vreg.gather [hbm4b:s5+s3], $0x80, v4, vm0, $0xb8;
	[tilespmem:$0x18400] =	vst v63  }
0x12c: {  	s18 =	simm.s32 $0x11C00  }
0x12d: {  	[tilespmem:s18], [sflag:$0x1] =	stream.indirect_vreg.gather [hbm4b:s6+s3], $0x80, v4, vm0, $0xb8;
	[tilespmem:$0x18400] =	vst v63  }
0x12e: {  	s15 =	simm.s32 $0x12400  }
0x12f: {  	[tilespmem:s15], [sflag:$0x1] =	stream.indirect_vreg.gather [hbm4b:s1+s3], $0x80, v3, vm0, $0xb8;
	[tilespmem:$0x18400] =	vst v63  }
0x130: {  	s16 =	simm.s32 $0x12C00  }
0x131: {  	[tilespmem:s16], [sflag:$0x1] =	stream.indirect_vreg.gather [hbm4b:s4+s3], $0x80, v3, vm0, $0xb8;
	[tilespmem:$0x18400] =	vst v63  }
0x132: {  	s21 =	simm.s32 $0x13400  }
0x133: {  	[tilespmem:s21], [sflag:$0x1] =	stream.indirect_vreg.gather [hbm4b:s5+s3], $0x80, v3, vm0, $0xb8;
	[tilespmem:$0x18400] =	vst v63  }
0x134: {  	s28 =	simm.s32 $0x13C00  }
0x135: {  	[tilespmem:s28], [sflag:$0x1] =	stream.indirect_vreg.gather [hbm4b:s6+s3], $0x80, v3, vm0, $0xb8;
	[tilespmem:$0x18400] =	vst v63  }
0x136: {  	v3 =	vld [tilespmem:$0xB0];
	_ =	sdelay $0x4  }
0x137: {  	v17 =	vshll.u32 v3, $0x3  }
0x138: {  	v3 =	vand.u32 $0x7, v3;
	v4 =	vand.u32 $0xFFFFFFC0, v17  }
0x139: {  	v3 =	vor.u32 v3, v4  }
0x13a: {  	v4 =	vperm.xlane v3, v0;
	_ =	sdelay $0x1  }
0x13b: {  	v4 =	vadd.s32 v1, v4;
	_ =	sdelay $0x3  }
0x13c: {  	s29 =	simm.s32 $0x14400  }
0x13d: {  	[tilespmem:s29], [sflag:$0x1] =	stream.indirect_vreg.gather [hbm4b:s1+s3], $0x80, v4, vm0, $0xb8;
	[tilespmem:$0x18400] =	vst v63  }
0x13e: {  	s7 =	simm.s32 $0x14C00;
	v3 =	vperm.xlane v3, v2  }
0x13f: {  	[tilespmem:s7], [sflag:$0x1] =	stream.indirect_vreg.gather [hbm4b:s4+s3], $0x80, v4, vm0, $0xb8;
	[tilespmem:$0x18400] =	vst v63  }
0x140: {  	s22 =	simm.s32 $0x15400;
	v3 =	vadd.s32 v1, v3  }
0x141: {  	[tilespmem:s22], [sflag:$0x1] =	stream.indirect_vreg.gather [hbm4b:s5+s3], $0x80, v4, vm0, $0xb8;
	[tilespmem:$0x18400] =	vst v63  }
0x142: {  	s23 =	simm.s32 $0x15C00  }
0x143: {  	[tilespmem:s23], [sflag:$0x1] =	stream.indirect_vreg.gather [hbm4b:s6+s3], $0x80, v4, vm0, $0xb8;
	[tilespmem:$0x18400] =	vst v63  }
0x144: {  	s26 =	simm.s32 $0x16400  }
0x145: {  	[tilespmem:s26], [sflag:$0x1] =	stream.indirect_vreg.gather [hbm4b:s1+s3], $0x80, v3, vm0, $0xb8;
	[tilespmem:$0x18400] =	vst v63  }
0x146: {  	s28 =	simm.s32 $0x16C00  }
0x147: {  	[tilespmem:s28], [sflag:$0x1] =	stream.indirect_vreg.gather [hbm4b:s4+s3], $0x80, v3, vm0, $0xb8;
	[tilespmem:$0x18400] =	vst v63  }
0x148: {  	s29 =	simm.s32 $0x17400  }
0x149: {  	[tilespmem:s29], [sflag:$0x1] =	stream.indirect_vreg.gather [hbm4b:s5+s3], $0x80, v3, vm0, $0xb8;
	[tilespmem:$0x18400] =	vst v63  }
0x14a: {  	s20 =	simm.s32 $0x17C00  }
0x14b: {  	[tilespmem:s20], [sflag:$0x1] =	stream.indirect_vreg.gather [hbm4b:s6+s3], $0x80, v3, vm0, $0xb8;
	[tilespmem:$0x18400] =	vst v63  }
0x14c: {  	_ =	swait.ge [sflag:s17], $0x8000  }
0x14d: {  	[sflag:s17] =	ssyncset.done $0x0  }
0x14e: {  	s25 =	simm.s32 $0x8400;
	s7 =	rddreg [dreg:$0x9];
	[sflag:s17] =	ssyncadd.s32 $0xFFFF8000  }
0x14f: {  	[hbm4b:s7+s3] =	stream.linear.scatter [tilespmem:s25], [sflag:$0x2], $0x8000, $0x38;
	[tilespmem:$0x18400] =	vst v63  }
0x150: {  	_ =	swait.ge [sflag:s19], $0x8000  }
0x151: {  	[sflag:s19] =	ssyncset.done $0x0  }
0x152: {  	[sflag:s19] =	ssyncadd.s32 $0xFFFF8000  }
0x153: {  	v3 =	vld [tilespmem:$0xC0];
	_ =	sdelay $0x4  }
0x154: {  	v18 =	vshll.u32 v3, $0x3  }
0x155: {  	v3 =	vand.u32 $0x7, v3;
	v4 =	vand.u32 $0xFFFFFFC0, v18  }
0x156: {  	v3 =	vor.u32 v3, v4  }
0x157: {  	v4 =	vperm.xlane v3, v0;
	_ =	sdelay $0x1  }
0x158: {  	v4 =	vadd.s32 v1, v4;
	_ =	sdelay $0x3  }
0x159: {  	s9 =	simm.s32 $0x400  }
0x15a: {  	[tilespmem:s9], [sflag:$0x1] =	stream.indirect_vreg.gather [hbm4b:s1+s3], $0x80, v4, vm0, $0xb8;
	[tilespmem:$0x18400] =	vst v63  }
0x15b: {  	s20 =	simm.s32 $0xC00;
	v3 =	vperm.xlane v3, v2  }
0x15c: {  	[tilespmem:s20], [sflag:$0x1] =	stream.indirect_vreg.gather [hbm4b:s4+s3], $0x80, v4, vm0, $0xb8;
	[tilespmem:$0x18400] =	vst v63  }
0x15d: {  	s25 =	simm.s32 $0x1400;
	v3 =	vadd.s32 v1, v3  }
0x15e: {  	[tilespmem:s25], [sflag:$0x1] =	stream.indirect_vreg.gather [hbm4b:s5+s3], $0x80, v4, vm0, $0xb8;
	[tilespmem:$0x18400] =	vst v63  }
0x15f: {  	s25 =	simm.s32 $0x1C00  }
0x160: {  	[tilespmem:s25], [sflag:$0x1] =	stream.indirect_vreg.gather [hbm4b:s6+s3], $0x80, v4, vm0, $0xb8;
	[tilespmem:$0x18400] =	vst v63  }
0x161: {  	s20 =	simm.s32 $0x2400  }
0x162: {  	[tilespmem:s20], [sflag:$0x1] =	stream.indirect_vreg.gather [hbm4b:s1+s3], $0x80, v3, vm0, $0xb8;
	[tilespmem:$0x18400] =	vst v63  }
0x163: {  	s20 =	simm.s32 $0x2C00  }
0x164: {  	[tilespmem:s20], [sflag:$0x1] =	stream.indirect_vreg.gather [hbm4b:s4+s3], $0x80, v3, vm0, $0xb8;
	[tilespmem:$0x18400] =	vst v63  }
0x165: {  	s20 =	simm.s32 $0x3400  }
0x166: {  	[tilespmem:s20], [sflag:$0x1] =	stream.indirect_vreg.gather [hbm4b:s5+s3], $0x80, v3, vm0, $0xb8;
	[tilespmem:$0x18400] =	vst v63  }
0x167: {  	s20 =	simm.s32 $0x3C00  }
0x168: {  	[tilespmem:s20], [sflag:$0x1] =	stream.indirect_vreg.gather [hbm4b:s6+s3], $0x80, v3, vm0, $0xb8;
	[tilespmem:$0x18400] =	vst v63  }
0x169: {  	v3 =	vld [tilespmem:$0xD0];
	_ =	sdelay $0x4  }
0x16a: {  	v19 =	vshll.u32 v3, $0x3  }
0x16b: {  	v3 =	vand.u32 $0x7, v3;
	v4 =	vand.u32 $0xFFFFFFC0, v19  }
0x16c: {  	v3 =	vor.u32 v3, v4  }
0x16d: {  	v4 =	vperm.xlane v3, v0;
	_ =	sdelay $0x1  }
0x16e: {  	v4 =	vadd.s32 v1, v4;
	_ =	sdelay $0x3  }
0x16f: {  	s20 =	simm.s32 $0x4400  }
0x170: {  	[tilespmem:s20], [sflag:$0x1] =	stream.indirect_vreg.gather [hbm4b:s1+s3], $0x80, v4, vm0, $0xb8;
	[tilespmem:$0x18400] =	vst v63  }
0x171: {  	v3 =	vperm.xlane v3, v2;
	s20 =	simm.s32 $0x4C00  }
0x172: {  	[tilespmem:s20], [sflag:$0x1] =	stream.indirect_vreg.gather [hbm4b:s4+s3], $0x80, v4, vm0, $0xb8;
	[tilespmem:$0x18400] =	vst v63  }
0x173: {  	v3 =	vadd.s32 v1, v3;
	s20 =	simm.s32 $0x5400  }
0x174: {  	[tilespmem:s20], [sflag:$0x1] =	stream.indirect_vreg.gather [hbm4b:s5+s3], $0x80, v4, vm0, $0xb8;
	[tilespmem:$0x18400] =	vst v63  }
0x175: {  	s20 =	simm.s32 $0x5C00  }
0x176: {  	[tilespmem:s20], [sflag:$0x1] =	stream.indirect_vreg.gather [hbm4b:s6+s3], $0x80, v4, vm0, $0xb8;
	[tilespmem:$0x18400] =	vst v63  }
0x177: {  	s20 =	simm.s32 $0x6400  }
0x178: {  	[tilespmem:s20], [sflag:$0x1] =	stream.indirect_vreg.gather [hbm4b:s1+s3], $0x80, v3, vm0, $0xb8;
	[tilespmem:$0x18400] =	vst v63  }
0x179: {  	s20 =	simm.s32 $0x6C00  }
0x17a: {  	[tilespmem:s20], [sflag:$0x1] =	stream.indirect_vreg.gather [hbm4b:s4+s3], $0x80, v3, vm0, $0xb8;
	[tilespmem:$0x18400] =	vst v63  }
0x17b: {  	s20 =	simm.s32 $0x7400  }
0x17c: {  	[tilespmem:s20], [sflag:$0x1] =	stream.indirect_vreg.gather [hbm4b:s5+s3], $0x80, v3, vm0, $0xb8;
	[tilespmem:$0x18400] =	vst v63  }
0x17d: {  	_ = 	snop  }
0x17e: {  	[tilespmem:s24], [sflag:$0x1] =	stream.indirect_vreg.gather [hbm4b:s6+s3], $0x80, v3, vm0, $0xb8;
	[tilespmem:$0x18400] =	vst v63  }
0x17f: {  	_ =	swait.ge [sflag:s17], $0x8000  }
0x180: {  	[sflag:s17] =	ssyncset.done $0x0  }
0x181: {  	s2 =	simm.s32 $0x10400;
	s9 =	rddreg [dreg:$0xa];
	[sflag:s17] =	ssyncadd.s32 $0xFFFF8000  }
0x182: {  	[hbm4b:s9+s3] =	stream.linear.scatter [tilespmem:s2], [sflag:$0x2], $0x8000, $0x38;
	[tilespmem:$0x18400] =	vst v63  }
0x183: {  	_ =	swait.ge [sflag:s19], $0x8000  }
0x184: {  	[sflag:s19] =	ssyncset.done $0x0  }
0x185: {  	[sflag:s19] =	ssyncadd.s32 $0xFFFF8000  }
0x186: {  	v3 =	vld [tilespmem:$0xE0];
	_ =	sdelay $0x4  }
0x187: {  	v20 =	vshll.u32 v3, $0x3  }
0x188: {  	v3 =	vand.u32 $0x7, v3;
	v4 =	vand.u32 $0xFFFFFFC0, v20  }
0x189: {  	v3 =	vor.u32 v3, v4  }
0x18a: {  	v4 =	vperm.xlane v3, v0;
	_ =	sdelay $0x1  }
0x18b: {  	v4 =	vadd.s32 v1, v4;
	_ =	sdelay $0x3  }
0x18c: {  	s0 =	simm.s32 $0x8400  }
0x18d: {  	[tilespmem:s0], [sflag:$0x1] =	stream.indirect_vreg.gather [hbm4b:s1+s3], $0x80, v4, vm0, $0xb8;
	[tilespmem:$0x18400] =	vst v63  }
0x18e: {  	s24 =	simm.s32 $0x8C00;
	v3 =	vperm.xlane v3, v2  }
0x18f: {  	[tilespmem:s24], [sflag:$0x1] =	stream.indirect_vreg.gather [hbm4b:s4+s3], $0x80, v4, vm0, $0xb8;
	[tilespmem:$0x18400] =	vst v63  }
0x190: {  	s20 =	simm.s32 $0x9400;
	v3 =	vadd.s32 v1, v3  }
0x191: {  	[tilespmem:s20], [sflag:$0x1] =	stream.indirect_vreg.gather [hbm4b:s5+s3], $0x80, v4, vm0, $0xb8;
	[tilespmem:$0x18400] =	vst v63  }
0x192: {  	s20 =	simm.s32 $0x9C00  }
0x193: {  	[tilespmem:s20], [sflag:$0x1] =	stream.indirect_vreg.gather [hbm4b:s6+s3], $0x80, v4, vm0, $0xb8;
	[tilespmem:$0x18400] =	vst v63  }
0x194: {  	s20 =	simm.s32 $0xA400  }
0x195: {  	[tilespmem:s20], [sflag:$0x1] =	stream.indirect_vreg.gather [hbm4b:s1+s3], $0x80, v3, vm0, $0xb8;
	[tilespmem:$0x18400] =	vst v63  }
0x196: {  	_ = 	snop  }
0x197: {  	[tilespmem:s8], [sflag:$0x1] =	stream.indirect_vreg.gather [hbm4b:s4+s3], $0x80, v3, vm0, $0xb8;
	[tilespmem:$0x18400] =	vst v63  }
0x198: {  	_ = 	snop  }
0x199: {  	[tilespmem:s30], [sflag:$0x1] =	stream.indirect_vreg.gather [hbm4b:s5+s3], $0x80, v3, vm0, $0xb8;
	[tilespmem:$0x18400] =	vst v63  }
0x19a: {  	s9 =	simm.s32 $0xBC00  }
0x19b: {  	[tilespmem:s9], [sflag:$0x1] =	stream.indirect_vreg.gather [hbm4b:s6+s3], $0x80, v3, vm0, $0xb8;
	[tilespmem:$0x18400] =	vst v63  }
0x19c: {  	v3 =	vld [tilespmem:$0xF0];
	_ =	sdelay $0x4  }
0x19d: {  	v21 =	vshll.u32 v3, $0x3  }
0x19e: {  	v3 =	vand.u32 $0x7, v3;
	v4 =	vand.u32 $0xFFFFFFC0, v21  }
0x19f: {  	v3 =	vor.u32 v3, v4  }
0x1a0: {  	v4 =	vperm.xlane v3, v0;
	_ =	sdelay $0x1  }
0x1a1: {  	v4 =	vadd.s32 v1, v4;
	_ =	sdelay $0x3  }
0x1a2: {  	s30 =	simm.s32 $0xC400  }
0x1a3: {  	[tilespmem:s30], [sflag:$0x1] =	stream.indirect_vreg.gather [hbm4b:s1+s3], $0x80, v4, vm0, $0xb8;
	[tilespmem:$0x18400] =	vst v63  }
0x1a4: {  	v3 =	vperm.xlane v3, v2;
	s30 =	simm.s32 $0xCC00  }
0x1a5: {  	[tilespmem:s30], [sflag:$0x1] =	stream.indirect_vreg.gather [hbm4b:s4+s3], $0x80, v4, vm0, $0xb8;
	[tilespmem:$0x18400] =	vst v63  }
0x1a6: {  	v3 =	vadd.s32 v1, v3  }
0x1a7: {  	[tilespmem:s10], [sflag:$0x1] =	stream.indirect_vreg.gather [hbm4b:s5+s3], $0x80, v4, vm0, $0xb8;
	[tilespmem:$0x18400] =	vst v63  }
0x1a8: {  	_ = 	snop  }
0x1a9: {  	[tilespmem:s11], [sflag:$0x1] =	stream.indirect_vreg.gather [hbm4b:s6+s3], $0x80, v4, vm0, $0xb8;
	[tilespmem:$0x18400] =	vst v63  }
0x1aa: {  	_ = 	snop  }
0x1ab: {  	[tilespmem:s12], [sflag:$0x1] =	stream.indirect_vreg.gather [hbm4b:s1+s3], $0x80, v3, vm0, $0xb8;
	[tilespmem:$0x18400] =	vst v63  }
0x1ac: {  	_ = 	snop  }
0x1ad: {  	[tilespmem:s13], [sflag:$0x1] =	stream.indirect_vreg.gather [hbm4b:s4+s3], $0x80, v3, vm0, $0xb8;
	[tilespmem:$0x18400] =	vst v63  }
0x1ae: {  	_ = 	snop  }
0x1af: {  	[tilespmem:s14], [sflag:$0x1] =	stream.indirect_vreg.gather [hbm4b:s5+s3], $0x80, v3, vm0, $0xb8;
	[tilespmem:$0x18400] =	vst v63  }
0x1b0: {  	s8 =	simm.s32 $0xFC00  }
0x1b1: {  	[tilespmem:s8], [sflag:$0x1] =	stream.indirect_vreg.gather [hbm4b:s6+s3], $0x80, v3, vm0, $0xb8;
	[tilespmem:$0x18400] =	vst v63  }
0x1b2: {  	_ =	swait.ge [sflag:s17], $0x8000  }
0x1b3: {  	[sflag:s17] =	ssyncset.done $0x0  }
0x1b4: {  	s7 =	simm.s32 $0x400;
	s11 =	rddreg [dreg:$0xb];
	[sflag:s17] =	ssyncadd.s32 $0xFFFF8000  }
0x1b5: {  	[hbm4b:s11+s3] =	stream.linear.scatter [tilespmem:s7], [sflag:$0x2], $0x8000, $0x38;
	[tilespmem:$0x18400] =	vst v63  }
0x1b6: {  	_ =	swait.ge [sflag:s19], $0x8000  }
0x1b7: {  	[sflag:s19] =	ssyncset.done $0x0  }
0x1b8: {  	[sflag:s19] =	ssyncadd.s32 $0xFFFF8000  }
0x1b9: {  	v3 =	vld [tilespmem:$0x100];
	_ =	sdelay $0x4  }
0x1ba: {  	v22 =	vshll.u32 v3, $0x3  }
0x1bb: {  	v3 =	vand.u32 $0x7, v3;
	v4 =	vand.u32 $0xFFFFFFC0, v22  }
0x1bc: {  	v3 =	vor.u32 v3, v4  }
0x1bd: {  	v4 =	vperm.xlane v3, v0;
	_ =	sdelay $0x1  }
0x1be: {  	v4 =	vadd.s32 v1, v4;
	_ =	sdelay $0x3  }
0x1bf: {  	s2 =	simm.s32 $0x10400  }
0x1c0: {  	[tilespmem:s2], [sflag:$0x1] =	stream.indirect_vreg.gather [hbm4b:s1+s3], $0x80, v4, vm0, $0xb8;
	[tilespmem:$0x18400] =	vst v63  }
0x1c1: {  	s20 =	simm.s32 $0x10C00;
	v3 =	vperm.xlane v3, v2  }
0x1c2: {  	[tilespmem:s20], [sflag:$0x1] =	stream.indirect_vreg.gather [hbm4b:s4+s3], $0x80, v4, vm0, $0xb8;
	[tilespmem:$0x18400] =	vst v63  }
0x1c3: {  	v3 =	vadd.s32 v1, v3  }
0x1c4: {  	[tilespmem:s31], [sflag:$0x1] =	stream.indirect_vreg.gather [hbm4b:s5+s3], $0x80, v4, vm0, $0xb8;
	[tilespmem:$0x18400] =	vst v63  }
0x1c5: {  	_ = 	snop  }
0x1c6: {  	[tilespmem:s18], [sflag:$0x1] =	stream.indirect_vreg.gather [hbm4b:s6+s3], $0x80, v4, vm0, $0xb8;
	[tilespmem:$0x18400] =	vst v63  }
0x1c7: {  	_ = 	snop  }
0x1c8: {  	[tilespmem:s15], [sflag:$0x1] =	stream.indirect_vreg.gather [hbm4b:s1+s3], $0x80, v3, vm0, $0xb8;
	[tilespmem:$0x18400] =	vst v63  }
0x1c9: {  	_ = 	snop  }
0x1ca: {  	[tilespmem:s16], [sflag:$0x1] =	stream.indirect_vreg.gather [hbm4b:s4+s3], $0x80, v3, vm0, $0xb8;
	[tilespmem:$0x18400] =	vst v63  }
0x1cb: {  	_ = 	snop  }
0x1cc: {  	[tilespmem:s21], [sflag:$0x1] =	stream.indirect_vreg.gather [hbm4b:s5+s3], $0x80, v3, vm0, $0xb8;
	[tilespmem:$0x18400] =	vst v63  }
0x1cd: {  	s21 =	simm.s32 $0x13C00  }
0x1ce: {  	[tilespmem:s21], [sflag:$0x1] =	stream.indirect_vreg.gather [hbm4b:s6+s3], $0x80, v3, vm0, $0xb8;
	[tilespmem:$0x18400] =	vst v63  }
0x1cf: {  	v3 =	vld [tilespmem:$0x110];
	_ =	sdelay $0x4  }
0x1d0: {  	v23 =	vshll.u32 v3, $0x3  }
0x1d1: {  	v3 =	vand.u32 $0x7, v3;
	v4 =	vand.u32 $0xFFFFFFC0, v23  }
0x1d2: {  	v3 =	vor.u32 v3, v4  }
0x1d3: {  	v4 =	vperm.xlane v3, v0;
	_ =	sdelay $0x1  }
0x1d4: {  	v4 =	vadd.s32 v1, v4;
	_ =	sdelay $0x3  }
0x1d5: {  	s20 =	simm.s32 $0x14400  }
0x1d6: {  	[tilespmem:s20], [sflag:$0x1] =	stream.indirect_vreg.gather [hbm4b:s1+s3], $0x80, v4, vm0, $0xb8;
	[tilespmem:$0x18400] =	vst v63  }
0x1d7: {  	s21 =	simm.s32 $0x14C00;
	v3 =	vperm.xlane v3, v2  }
0x1d8: {  	[tilespmem:s21], [sflag:$0x1] =	stream.indirect_vreg.gather [hbm4b:s4+s3], $0x80, v4, vm0, $0xb8;
	[tilespmem:$0x18400] =	vst v63  }
0x1d9: {  	v3 =	vadd.s32 v1, v3  }
0x1da: {  	[tilespmem:s22], [sflag:$0x1] =	stream.indirect_vreg.gather [hbm4b:s5+s3], $0x80, v4, vm0, $0xb8;
	[tilespmem:$0x18400] =	vst v63  }
0x1db: {  	_ = 	snop  }
0x1dc: {  	[tilespmem:s23], [sflag:$0x1] =	stream.indirect_vreg.gather [hbm4b:s6+s3], $0x80, v4, vm0, $0xb8;
	[tilespmem:$0x18400] =	vst v63  }
0x1dd: {  	_ = 	snop  }
0x1de: {  	[tilespmem:s26], [sflag:$0x1] =	stream.indirect_vreg.gather [hbm4b:s1+s3], $0x80, v3, vm0, $0xb8;
	[tilespmem:$0x18400] =	vst v63  }
0x1df: {  	_ = 	snop  }
0x1e0: {  	[tilespmem:s28], [sflag:$0x1] =	stream.indirect_vreg.gather [hbm4b:s4+s3], $0x80, v3, vm0, $0xb8;
	[tilespmem:$0x18400] =	vst v63  }
0x1e1: {  	_ = 	snop  }
0x1e2: {  	[tilespmem:s29], [sflag:$0x1] =	stream.indirect_vreg.gather [hbm4b:s5+s3], $0x80, v3, vm0, $0xb8;
	[tilespmem:$0x18400] =	vst v63  }
0x1e3: {  	s26 =	simm.s32 $0x17C00  }
0x1e4: {  	[tilespmem:s26], [sflag:$0x1] =	stream.indirect_vreg.gather [hbm4b:s6+s3], $0x80, v3, vm0, $0xb8;
	[tilespmem:$0x18400] =	vst v63  }
0x1e5: {  	_ =	swait.ge [sflag:s17], $0x8000  }
0x1e6: {  	[sflag:s17] =	ssyncset.done $0x0  }
0x1e7: {  	s0 =	simm.s32 $0x8400;
	s7 =	rddreg [dreg:$0xc];
	[sflag:s17] =	ssyncadd.s32 $0xFFFF8000  }
0x1e8: {  	[hbm4b:s7+s3] =	stream.linear.scatter [tilespmem:s0], [sflag:$0x2], $0x8000, $0x38;
	[tilespmem:$0x18400] =	vst v63  }
0x1e9: {  	_ =	swait.ge [sflag:s19], $0x8000  }
0x1ea: {  	[sflag:s19] =	ssyncset.done $0x0  }
0x1eb: {  	[sflag:s19] =	ssyncadd.s32 $0xFFFF8000  }
0x1ec: {  	v3 =	vld [tilespmem:$0x120];
	_ =	sdelay $0x4  }
0x1ed: {  	v24 =	vshll.u32 v3, $0x3  }
0x1ee: {  	v3 =	vand.u32 $0x7, v3;
	v4 =	vand.u32 $0xFFFFFFC0, v24  }
0x1ef: {  	v3 =	vor.u32 v3, v4  }
0x1f0: {  	v4 =	vperm.xlane v3, v0;
	_ =	sdelay $0x1  }
0x1f1: {  	v4 =	vadd.s32 v1, v4;
	_ =	sdelay $0x3  }
0x1f2: {  	s10 =	simm.s32 $0x400  }
0x1f3: {  	[tilespmem:s10], [sflag:$0x1] =	stream.indirect_vreg.gather [hbm4b:s1+s3], $0x80, v4, vm0, $0xb8;
	[tilespmem:$0x18400] =	vst v63  }
0x1f4: {  	s20 =	simm.s32 $0xC00;
	v3 =	vperm.xlane v3, v2  }
0x1f5: {  	[tilespmem:s20], [sflag:$0x1] =	stream.indirect_vreg.gather [hbm4b:s4+s3], $0x80, v4, vm0, $0xb8;
	[tilespmem:$0x18400] =	vst v63  }
0x1f6: {  	s26 =	simm.s32 $0x1400;
	v3 =	vadd.s32 v1, v3  }
0x1f7: {  	[tilespmem:s26], [sflag:$0x1] =	stream.indirect_vreg.gather [hbm4b:s5+s3], $0x80, v4, vm0, $0xb8;
	[tilespmem:$0x18400] =	vst v63  }
0x1f8: {  	_ = 	snop  }
0x1f9: {  	[tilespmem:s25], [sflag:$0x1] =	stream.indirect_vreg.gather [hbm4b:s6+s3], $0x80, v4, vm0, $0xb8;
	[tilespmem:$0x18400] =	vst v63  }
0x1fa: {  	s20 =	simm.s32 $0x2400  }
0x1fb: {  	[tilespmem:s20], [sflag:$0x1] =	stream.indirect_vreg.gather [hbm4b:s1+s3], $0x80, v3, vm0, $0xb8;
	[tilespmem:$0x18400] =	vst v63  }
0x1fc: {  	s25 =	simm.s32 $0x2C00  }
0x1fd: {  	[tilespmem:s25], [sflag:$0x1] =	stream.indirect_vreg.gather [hbm4b:s4+s3], $0x80, v3, vm0, $0xb8;
	[tilespmem:$0x18400] =	vst v63  }
0x1fe: {  	s20 =	simm.s32 $0x3400  }
0x1ff: {  	[tilespmem:s20], [sflag:$0x1] =	stream.indirect_vreg.gather [hbm4b:s5+s3], $0x80, v3, vm0, $0xb8;
	[tilespmem:$0x18400] =	vst v63  }
0x200: {  	s25 =	simm.s32 $0x3C00  }
0x201: {  	[tilespmem:s25], [sflag:$0x1] =	stream.indirect_vreg.gather [hbm4b:s6+s3], $0x80, v3, vm0, $0xb8;
	[tilespmem:$0x18400] =	vst v63  }
0x202: {  	v3 =	vld [tilespmem:$0x130];
	_ =	sdelay $0x4  }
0x203: {  	v25 =	vshll.u32 v3, $0x3  }
0x204: {  	v3 =	vand.u32 $0x7, v3;
	v4 =	vand.u32 $0xFFFFFFC0, v25  }
0x205: {  	v3 =	vor.u32 v3, v4  }
0x206: {  	v4 =	vperm.xlane v3, v0;
	_ =	sdelay $0x1  }
0x207: {  	v4 =	vadd.s32 v1, v4;
	_ =	sdelay $0x3  }
0x208: {  	s20 =	simm.s32 $0x4400  }
0x209: {  	[tilespmem:s20], [sflag:$0x1] =	stream.indirect_vreg.gather [hbm4b:s1+s3], $0x80, v4, vm0, $0xb8;
	[tilespmem:$0x18400] =	vst v63  }
0x20a: {  	s25 =	simm.s32 $0x4C00;
	v3 =	vperm.xlane v3, v2  }
0x20b: {  	[tilespmem:s25], [sflag:$0x1] =	stream.indirect_vreg.gather [hbm4b:s4+s3], $0x80, v4, vm0, $0xb8;
	[tilespmem:$0x18400] =	vst v63  }
0x20c: {  	v3 =	vadd.s32 v1, v3;
	s20 =	simm.s32 $0x5400  }
0x20d: {  	[tilespmem:s20], [sflag:$0x1] =	stream.indirect_vreg.gather [hbm4b:s5+s3], $0x80, v4, vm0, $0xb8;
	[tilespmem:$0x18400] =	vst v63  }
0x20e: {  	s25 =	simm.s32 $0x5C00  }
0x20f: {  	[tilespmem:s25], [sflag:$0x1] =	stream.indirect_vreg.gather [hbm4b:s6+s3], $0x80, v4, vm0, $0xb8;
	[tilespmem:$0x18400] =	vst v63  }
0x210: {  	s20 =	simm.s32 $0x6400  }
0x211: {  	[tilespmem:s20], [sflag:$0x1] =	stream.indirect_vreg.gather [hbm4b:s1+s3], $0x80, v3, vm0, $0xb8;
	[tilespmem:$0x18400] =	vst v63  }
0x212: {  	s25 =	simm.s32 $0x6C00  }
0x213: {  	[tilespmem:s25], [sflag:$0x1] =	stream.indirect_vreg.gather [hbm4b:s4+s3], $0x80, v3, vm0, $0xb8;
	[tilespmem:$0x18400] =	vst v63  }
0x214: {  	s20 =	simm.s32 $0x7400  }
0x215: {  	[tilespmem:s20], [sflag:$0x1] =	stream.indirect_vreg.gather [hbm4b:s5+s3], $0x80, v3, vm0, $0xb8;
	[tilespmem:$0x18400] =	vst v63  }
0x216: {  	s0 =	simm.s32 $0x7C00  }
0x217: {  	[tilespmem:s0], [sflag:$0x1] =	stream.indirect_vreg.gather [hbm4b:s6+s3], $0x80, v3, vm0, $0xb8;
	[tilespmem:$0x18400] =	vst v63  }
0x218: {  	_ =	swait.ge [sflag:s17], $0x8000  }
0x219: {  	[sflag:s17] =	ssyncset.done $0x0  }
0x21a: {  	s11 =	simm.s32 $0x10400;
	s25 =	rddreg [dreg:$0xd];
	[sflag:s17] =	ssyncadd.s32 $0xFFFF8000  }
0x21b: {  	[hbm4b:s25+s3] =	stream.linear.scatter [tilespmem:s11], [sflag:$0x2], $0x8000, $0x38;
	[tilespmem:$0x18400] =	vst v63  }
0x21c: {  	_ =	swait.ge [sflag:s19], $0x8000  }
0x21d: {  	[sflag:s19] =	ssyncset.done $0x0  }
0x21e: {  	[sflag:s19] =	ssyncadd.s32 $0xFFFF8000  }
0x21f: {  	v3 =	vld [tilespmem:$0x140];
	_ =	sdelay $0x4  }
0x220: {  	v26 =	vshll.u32 v3, $0x3  }
0x221: {  	v3 =	vand.u32 $0x7, v3;
	v4 =	vand.u32 $0xFFFFFFC0, v26  }
0x222: {  	v3 =	vor.u32 v3, v4  }
0x223: {  	v4 =	vperm.xlane v3, v0;
	_ =	sdelay $0x1  }
0x224: {  	v4 =	vadd.s32 v1, v4;
	_ =	sdelay $0x3  }
0x225: {  	s7 =	simm.s32 $0x8400  }
0x226: {  	[tilespmem:s7], [sflag:$0x1] =	stream.indirect_vreg.gather [hbm4b:s1+s3], $0x80, v4, vm0, $0xb8;
	[tilespmem:$0x18400] =	vst v63  }
0x227: {  	v3 =	vperm.xlane v3, v2  }
0x228: {  	[tilespmem:s24], [sflag:$0x1] =	stream.indirect_vreg.gather [hbm4b:s4+s3], $0x80, v4, vm0, $0xb8;
	[tilespmem:$0x18400] =	vst v63  }
0x229: {  	v3 =	vadd.s32 v1, v3;
	s24 =	simm.s32 $0x9400  }
0x22a: {  	[tilespmem:s24], [sflag:$0x1] =	stream.indirect_vreg.gather [hbm4b:s5+s3], $0x80, v4, vm0, $0xb8;
	[tilespmem:$0x18400] =	vst v63  }
0x22b: {  	s24 =	simm.s32 $0x9C00  }
0x22c: {  	[tilespmem:s24], [sflag:$0x1] =	stream.indirect_vreg.gather [hbm4b:s6+s3], $0x80, v4, vm0, $0xb8;
	[tilespmem:$0x18400] =	vst v63  }
0x22d: {  	s24 =	simm.s32 $0xA400  }
0x22e: {  	[tilespmem:s24], [sflag:$0x1] =	stream.indirect_vreg.gather [hbm4b:s1+s3], $0x80, v3, vm0, $0xb8;
	[tilespmem:$0x18400] =	vst v63  }
0x22f: {  	s24 =	simm.s32 $0xAC00  }
0x230: {  	[tilespmem:s24], [sflag:$0x1] =	stream.indirect_vreg.gather [hbm4b:s4+s3], $0x80, v3, vm0, $0xb8;
	[tilespmem:$0x18400] =	vst v63  }
0x231: {  	s24 =	simm.s32 $0xB400  }
0x232: {  	[tilespmem:s24], [sflag:$0x1] =	stream.indirect_vreg.gather [hbm4b:s5+s3], $0x80, v3, vm0, $0xb8;
	[tilespmem:$0x18400] =	vst v63  }
0x233: {  	_ = 	snop  }
0x234: {  	[tilespmem:s9], [sflag:$0x1] =	stream.indirect_vreg.gather [hbm4b:s6+s3], $0x80, v3, vm0, $0xb8;
	[tilespmem:$0x18400] =	vst v63  }
0x235: {  	v3 =	vld [tilespmem:$0x150];
	_ =	sdelay $0x4  }
0x236: {  	v27 =	vshll.u32 v3, $0x3  }
0x237: {  	v3 =	vand.u32 $0x7, v3;
	v4 =	vand.u32 $0xFFFFFFC0, v27  }
0x238: {  	v3 =	vor.u32 v3, v4  }
0x239: {  	v4 =	vperm.xlane v3, v0;
	_ =	sdelay $0x1  }
0x23a: {  	v4 =	vadd.s32 v1, v4;
	_ =	sdelay $0x3  }
0x23b: {  	s24 =	simm.s32 $0xC400  }
0x23c: {  	[tilespmem:s24], [sflag:$0x1] =	stream.indirect_vreg.gather [hbm4b:s1+s3], $0x80, v4, vm0, $0xb8;
	[tilespmem:$0x18400] =	vst v63  }
0x23d: {  	v3 =	vperm.xlane v3, v2  }
0x23e: {  	[tilespmem:s30], [sflag:$0x1] =	stream.indirect_vreg.gather [hbm4b:s4+s3], $0x80, v4, vm0, $0xb8;
	[tilespmem:$0x18400] =	vst v63  }
0x23f: {  	s20 =	simm.s32 $0xD400;
	v3 =	vadd.s32 v1, v3  }
0x240: {  	[tilespmem:s20], [sflag:$0x1] =	stream.indirect_vreg.gather [hbm4b:s5+s3], $0x80, v4, vm0, $0xb8;
	[tilespmem:$0x18400] =	vst v63  }
0x241: {  	s20 =	simm.s32 $0xDC00  }
0x242: {  	[tilespmem:s20], [sflag:$0x1] =	stream.indirect_vreg.gather [hbm4b:s6+s3], $0x80, v4, vm0, $0xb8;
	[tilespmem:$0x18400] =	vst v63  }
0x243: {  	s12 =	simm.s32 $0xE400  }
0x244: {  	[tilespmem:s12], [sflag:$0x1] =	stream.indirect_vreg.gather [hbm4b:s1+s3], $0x80, v3, vm0, $0xb8;
	[tilespmem:$0x18400] =	vst v63  }
0x245: {  	s13 =	simm.s32 $0xEC00  }
0x246: {  	[tilespmem:s13], [sflag:$0x1] =	stream.indirect_vreg.gather [hbm4b:s4+s3], $0x80, v3, vm0, $0xb8;
	[tilespmem:$0x18400] =	vst v63  }
0x247: {  	s14 =	simm.s32 $0xF400  }
0x248: {  	[tilespmem:s14], [sflag:$0x1] =	stream.indirect_vreg.gather [hbm4b:s5+s3], $0x80, v3, vm0, $0xb8;
	[tilespmem:$0x18400] =	vst v63  }
0x249: {  	_ = 	snop  }
0x24a: {  	[tilespmem:s8], [sflag:$0x1] =	stream.indirect_vreg.gather [hbm4b:s6+s3], $0x80, v3, vm0, $0xb8;
	[tilespmem:$0x18400] =	vst v63  }
0x24b: {  	_ =	swait.ge [sflag:s17], $0x8000  }
0x24c: {  	[sflag:s17] =	ssyncset.done $0x0  }
0x24d: {  	s8 =	rddreg [dreg:$0xe];
	[sflag:s17] =	ssyncadd.s32 $0xFFFF8000  }
0x24e: {  	[hbm4b:s8+s3] =	stream.linear.scatter [tilespmem:s10], [sflag:$0x2], $0x8000, $0x38;
	[tilespmem:$0x18400] =	vst v63  }
0x24f: {  	_ =	swait.ge [sflag:s19], $0x8000  }
0x250: {  	[sflag:s19] =	ssyncset.done $0x0  }
0x251: {  	[sflag:s19] =	ssyncadd.s32 $0xFFFF8000  }
0x252: {  	v3 =	vld [tilespmem:$0x160];
	_ =	sdelay $0x4  }
0x253: {  	v28 =	vshll.u32 v3, $0x3  }
0x254: {  	v3 =	vand.u32 $0x7, v3;
	v4 =	vand.u32 $0xFFFFFFC0, v28  }
0x255: {  	v3 =	vor.u32 v3, v4  }
0x256: {  	v4 =	vperm.xlane v3, v0;
	_ =	sdelay $0x1  }
0x257: {  	v4 =	vadd.s32 v1, v4;
	_ =	sdelay $0x4  }
0x258: {  	[tilespmem:s11], [sflag:$0x1] =	stream.indirect_vreg.gather [hbm4b:s1+s3], $0x80, v4, vm0, $0xb8;
	[tilespmem:$0x18400] =	vst v63  }
0x259: {  	s20 =	simm.s32 $0x10C00;
	v3 =	vperm.xlane v3, v2  }
0x25a: {  	[tilespmem:s20], [sflag:$0x1] =	stream.indirect_vreg.gather [hbm4b:s4+s3], $0x80, v4, vm0, $0xb8;
	[tilespmem:$0x18400] =	vst v63  }
0x25b: {  	s2 =	simm.s32 $0x11400;
	v3 =	vadd.s32 v1, v3  }
0x25c: {  	[tilespmem:s2], [sflag:$0x1] =	stream.indirect_vreg.gather [hbm4b:s5+s3], $0x80, v4, vm0, $0xb8;
	[tilespmem:$0x18400] =	vst v63  }
0x25d: {  	s31 =	simm.s32 $0x11C00  }
0x25e: {  	[tilespmem:s31], [sflag:$0x1] =	stream.indirect_vreg.gather [hbm4b:s6+s3], $0x80, v4, vm0, $0xb8;
	[tilespmem:$0x18400] =	vst v63  }
0x25f: {  	s18 =	simm.s32 $0x12400  }
0x260: {  	[tilespmem:s18], [sflag:$0x1] =	stream.indirect_vreg.gather [hbm4b:s1+s3], $0x80, v3, vm0, $0xb8;
	[tilespmem:$0x18400] =	vst v63  }
0x261: {  	s15 =	simm.s32 $0x12C00  }
0x262: {  	[tilespmem:s15], [sflag:$0x1] =	stream.indirect_vreg.gather [hbm4b:s4+s3], $0x80, v3, vm0, $0xb8;
	[tilespmem:$0x18400] =	vst v63  }
0x263: {  	s16 =	simm.s32 $0x13400  }
0x264: {  	[tilespmem:s16], [sflag:$0x1] =	stream.indirect_vreg.gather [hbm4b:s5+s3], $0x80, v3, vm0, $0xb8;
	[tilespmem:$0x18400] =	vst v63  }
0x265: {  	s31 =	simm.s32 $0x13C00  }
0x266: {  	[tilespmem:s31], [sflag:$0x1] =	stream.indirect_vreg.gather [hbm4b:s6+s3], $0x80, v3, vm0, $0xb8;
	[tilespmem:$0x18400] =	vst v63  }
0x267: {  	v3 =	vld [tilespmem:$0x170];
	_ =	sdelay $0x4  }
0x268: {  	v29 =	vshll.u32 v3, $0x3  }
0x269: {  	v3 =	vand.u32 $0x7, v3;
	v4 =	vand.u32 $0xFFFFFFC0, v29  }
0x26a: {  	v3 =	vor.u32 v3, v4  }
0x26b: {  	v4 =	vperm.xlane v3, v0;
	_ =	sdelay $0x1  }
0x26c: {  	v4 =	vadd.s32 v1, v4;
	_ =	sdelay $0x3  }
0x26d: {  	s18 =	simm.s32 $0x14400  }
0x26e: {  	[tilespmem:s18], [sflag:$0x1] =	stream.indirect_vreg.gather [hbm4b:s1+s3], $0x80, v4, vm0, $0xb8;
	[tilespmem:$0x18400] =	vst v63  }
0x26f: {  	s20 =	simm.s32 $0x14C00;
	v3 =	vperm.xlane v3, v2  }
0x270: {  	[tilespmem:s20], [sflag:$0x1] =	stream.indirect_vreg.gather [hbm4b:s4+s3], $0x80, v4, vm0, $0xb8;
	[tilespmem:$0x18400] =	vst v63  }
0x271: {  	s21 =	simm.s32 $0x15400;
	v3 =	vadd.s32 v1, v3  }
0x272: {  	[tilespmem:s21], [sflag:$0x1] =	stream.indirect_vreg.gather [hbm4b:s5+s3], $0x80, v4, vm0, $0xb8;
	[tilespmem:$0x18400] =	vst v63  }
0x273: {  	s22 =	simm.s32 $0x15C00  }
0x274: {  	[tilespmem:s22], [sflag:$0x1] =	stream.indirect_vreg.gather [hbm4b:s6+s3], $0x80, v4, vm0, $0xb8;
	[tilespmem:$0x18400] =	vst v63  }
0x275: {  	s23 =	simm.s32 $0x16400  }
0x276: {  	[tilespmem:s23], [sflag:$0x1] =	stream.indirect_vreg.gather [hbm4b:s1+s3], $0x80, v3, vm0, $0xb8;
	[tilespmem:$0x18400] =	vst v63  }
0x277: {  	s28 =	simm.s32 $0x16C00  }
0x278: {  	[tilespmem:s28], [sflag:$0x1] =	stream.indirect_vreg.gather [hbm4b:s4+s3], $0x80, v3, vm0, $0xb8;
	[tilespmem:$0x18400] =	vst v63  }
0x279: {  	s29 =	simm.s32 $0x17400  }
0x27a: {  	[tilespmem:s29], [sflag:$0x1] =	stream.indirect_vreg.gather [hbm4b:s5+s3], $0x80, v3, vm0, $0xb8;
	[tilespmem:$0x18400] =	vst v63  }
0x27b: {  	s28 =	simm.s32 $0x17C00  }
0x27c: {  	[tilespmem:s28], [sflag:$0x1] =	stream.indirect_vreg.gather [hbm4b:s6+s3], $0x80, v3, vm0, $0xb8;
	[tilespmem:$0x18400] =	vst v63  }
0x27d: {  	_ =	swait.ge [sflag:s17], $0x8000  }
0x27e: {  	[sflag:s17] =	ssyncset.done $0x0  }
0x27f: {  	s15 =	rddreg [dreg:$0xf];
	[sflag:s17] =	ssyncadd.s32 $0xFFFF8000  }
0x280: {  	[hbm4b:s15+s3] =	stream.linear.scatter [tilespmem:s7], [sflag:$0x2], $0x8000, $0x38;
	[tilespmem:$0x18400] =	vst v63  }
0x281: {  	_ =	swait.ge [sflag:s19], $0x8000  }
0x282: {  	[sflag:s19] =	ssyncset.done $0x0  }
0x283: {  	[sflag:s19] =	ssyncadd.s32 $0xFFFF8000  }
0x284: {  	v3 =	vld [tilespmem:$0x180];
	_ =	sdelay $0x4  }
0x285: {  	v30 =	vshll.u32 v3, $0x3  }
0x286: {  	v3 =	vand.u32 $0x7, v3;
	v4 =	vand.u32 $0xFFFFFFC0, v30  }
0x287: {  	v3 =	vor.u32 v3, v4  }
0x288: {  	v4 =	vperm.xlane v3, v0;
	_ =	sdelay $0x1  }
0x289: {  	v4 =	vadd.s32 v1, v4;
	_ =	sdelay $0x4  }
0x28a: {  	[tilespmem:s10], [sflag:$0x1] =	stream.indirect_vreg.gather [hbm4b:s1+s3], $0x80, v4, vm0, $0xb8;
	[tilespmem:$0x18400] =	vst v63  }
0x28b: {  	s20 =	simm.s32 $0xC00;
	v3 =	vperm.xlane v3, v2  }
0x28c: {  	[tilespmem:s20], [sflag:$0x1] =	stream.indirect_vreg.gather [hbm4b:s4+s3], $0x80, v4, vm0, $0xb8;
	[tilespmem:$0x18400] =	vst v63  }
0x28d: {  	s26 =	simm.s32 $0x1400;
	v3 =	vadd.s32 v1, v3  }
0x28e: {  	[tilespmem:s26], [sflag:$0x1] =	stream.indirect_vreg.gather [hbm4b:s5+s3], $0x80, v4, vm0, $0xb8;
	[tilespmem:$0x18400] =	vst v63  }
0x28f: {  	s23 =	simm.s32 $0x1C00  }
0x290: {  	[tilespmem:s23], [sflag:$0x1] =	stream.indirect_vreg.gather [hbm4b:s6+s3], $0x80, v4, vm0, $0xb8;
	[tilespmem:$0x18400] =	vst v63  }
0x291: {  	s26 =	simm.s32 $0x2400  }
0x292: {  	[tilespmem:s26], [sflag:$0x1] =	stream.indirect_vreg.gather [hbm4b:s1+s3], $0x80, v3, vm0, $0xb8;
	[tilespmem:$0x18400] =	vst v63  }
0x293: {  	s28 =	simm.s32 $0x2C00  }
0x294: {  	[tilespmem:s28], [sflag:$0x1] =	stream.indirect_vreg.gather [hbm4b:s4+s3], $0x80, v3, vm0, $0xb8;
	[tilespmem:$0x18400] =	vst v63  }
0x295: {  	s23 =	simm.s32 $0x3400  }
0x296: {  	[tilespmem:s23], [sflag:$0x1] =	stream.indirect_vreg.gather [hbm4b:s5+s3], $0x80, v3, vm0, $0xb8;
	[tilespmem:$0x18400] =	vst v63  }
0x297: {  	s26 =	simm.s32 $0x3C00  }
0x298: {  	[tilespmem:s26], [sflag:$0x1] =	stream.indirect_vreg.gather [hbm4b:s6+s3], $0x80, v3, vm0, $0xb8;
	[tilespmem:$0x18400] =	vst v63  }
0x299: {  	v3 =	vld [tilespmem:$0x190];
	_ =	sdelay $0x4  }
0x29a: {  	v31 =	vshll.u32 v3, $0x3  }
0x29b: {  	v3 =	vand.u32 $0x7, v3;
	v4 =	vand.u32 $0xFFFFFFC0, v31  }
0x29c: {  	v3 =	vor.u32 v3, v4  }
0x29d: {  	v4 =	vperm.xlane v3, v0;
	_ =	sdelay $0x1  }
0x29e: {  	v4 =	vadd.s32 v1, v4;
	_ =	sdelay $0x3  }
0x29f: {  	s28 =	simm.s32 $0x4400  }
0x2a0: {  	[tilespmem:s28], [sflag:$0x1] =	stream.indirect_vreg.gather [hbm4b:s1+s3], $0x80, v4, vm0, $0xb8;
	[tilespmem:$0x18400] =	vst v63  }
0x2a1: {  	s23 =	simm.s32 $0x4C00;
	v3 =	vperm.xlane v3, v2  }
0x2a2: {  	[tilespmem:s23], [sflag:$0x1] =	stream.indirect_vreg.gather [hbm4b:s4+s3], $0x80, v4, vm0, $0xb8;
	[tilespmem:$0x18400] =	vst v63  }
0x2a3: {  	s26 =	simm.s32 $0x5400;
	v3 =	vadd.s32 v1, v3  }
0x2a4: {  	[tilespmem:s26], [sflag:$0x1] =	stream.indirect_vreg.gather [hbm4b:s5+s3], $0x80, v4, vm0, $0xb8;
	[tilespmem:$0x18400] =	vst v63  }
0x2a5: {  	s28 =	simm.s32 $0x5C00  }
0x2a6: {  	[tilespmem:s28], [sflag:$0x1] =	stream.indirect_vreg.gather [hbm4b:s6+s3], $0x80, v4, vm0, $0xb8;
	[tilespmem:$0x18400] =	vst v63  }
0x2a7: {  	s23 =	simm.s32 $0x6400  }
0x2a8: {  	[tilespmem:s23], [sflag:$0x1] =	stream.indirect_vreg.gather [hbm4b:s1+s3], $0x80, v3, vm0, $0xb8;
	[tilespmem:$0x18400] =	vst v63  }
0x2a9: {  	s26 =	simm.s32 $0x6C00  }
0x2aa: {  	[tilespmem:s26], [sflag:$0x1] =	stream.indirect_vreg.gather [hbm4b:s4+s3], $0x80, v3, vm0, $0xb8;
	[tilespmem:$0x18400] =	vst v63  }
0x2ab: {  	s28 =	simm.s32 $0x7400  }
0x2ac: {  	[tilespmem:s28], [sflag:$0x1] =	stream.indirect_vreg.gather [hbm4b:s5+s3], $0x80, v3, vm0, $0xb8;
	[tilespmem:$0x18400] =	vst v63  }
0x2ad: {  	_ = 	snop  }
0x2ae: {  	[tilespmem:s0], [sflag:$0x1] =	stream.indirect_vreg.gather [hbm4b:s6+s3], $0x80, v3, vm0, $0xb8;
	[tilespmem:$0x18400] =	vst v63  }
0x2af: {  	_ =	swait.ge [sflag:s17], $0x8000  }
0x2b0: {  	[sflag:s17] =	ssyncset.done $0x0  }
0x2b1: {  	s23 =	rddreg [dreg:$0x10];
	[sflag:s17] =	ssyncadd.s32 $0xFFFF8000  }
0x2b2: {  	[hbm4b:s23+s3] =	stream.linear.scatter [tilespmem:s11], [sflag:$0x2], $0x8000, $0x38;
	[tilespmem:$0x18400] =	vst v63  }
0x2b3: {  	_ =	swait.ge [sflag:s19], $0x8000  }
0x2b4: {  	[sflag:s19] =	ssyncset.done $0x0  }
0x2b5: {  	[sflag:s19] =	ssyncadd.s32 $0xFFFF8000  }
0x2b6: {  	v3 =	vld [tilespmem:$0x1A0];
	_ =	sdelay $0x4  }
0x2b7: {  	v32 =	vshll.u32 v3, $0x3  }
0x2b8: {  	v3 =	vand.u32 $0x7, v3;
	v4 =	vand.u32 $0xFFFFFFC0, v32  }
0x2b9: {  	v3 =	vor.u32 v3, v4  }
0x2ba: {  	v4 =	vperm.xlane v3, v0;
	_ =	sdelay $0x1  }
0x2bb: {  	v4 =	vadd.s32 v1, v4;
	_ =	sdelay $0x4  }
0x2bc: {  	[tilespmem:s7], [sflag:$0x1] =	stream.indirect_vreg.gather [hbm4b:s1+s3], $0x80, v4, vm0, $0xb8;
	[tilespmem:$0x18400] =	vst v63  }
0x2bd: {  	s25 =	simm.s32 $0x8C00;
	v3 =	vperm.xlane v3, v2  }
0x2be: {  	[tilespmem:s25], [sflag:$0x1] =	stream.indirect_vreg.gather [hbm4b:s4+s3], $0x80, v4, vm0, $0xb8;
	[tilespmem:$0x18400] =	vst v63  }
0x2bf: {  	v3 =	vadd.s32 v1, v3;
	s25 =	simm.s32 $0x9400  }
0x2c0: {  	[tilespmem:s25], [sflag:$0x1] =	stream.indirect_vreg.gather [hbm4b:s5+s3], $0x80, v4, vm0, $0xb8;
	[tilespmem:$0x18400] =	vst v63  }
0x2c1: {  	s26 =	simm.s32 $0x9C00  }
0x2c2: {  	[tilespmem:s26], [sflag:$0x1] =	stream.indirect_vreg.gather [hbm4b:s6+s3], $0x80, v4, vm0, $0xb8;
	[tilespmem:$0x18400] =	vst v63  }
0x2c3: {  	s23 =	simm.s32 $0xA400  }
0x2c4: {  	[tilespmem:s23], [sflag:$0x1] =	stream.indirect_vreg.gather [hbm4b:s1+s3], $0x80, v3, vm0, $0xb8;
	[tilespmem:$0x18400] =	vst v63  }
0x2c5: {  	s26 =	simm.s32 $0xAC00  }
0x2c6: {  	[tilespmem:s26], [sflag:$0x1] =	stream.indirect_vreg.gather [hbm4b:s4+s3], $0x80, v3, vm0, $0xb8;
	[tilespmem:$0x18400] =	vst v63  }
0x2c7: {  	s23 =	simm.s32 $0xB400  }
0x2c8: {  	[tilespmem:s23], [sflag:$0x1] =	stream.indirect_vreg.gather [hbm4b:s5+s3], $0x80, v3, vm0, $0xb8;
	[tilespmem:$0x18400] =	vst v63  }
0x2c9: {  	s9 =	simm.s32 $0xBC00  }
0x2ca: {  	[tilespmem:s9], [sflag:$0x1] =	stream.indirect_vreg.gather [hbm4b:s6+s3], $0x80, v3, vm0, $0xb8;
	[tilespmem:$0x18400] =	vst v63  }
0x2cb: {  	v3 =	vld [tilespmem:$0x1B0];
	_ =	sdelay $0x4  }
0x2cc: {  	v33 =	vshll.u32 v3, $0x3  }
0x2cd: {  	v3 =	vand.u32 $0x7, v3;
	v4 =	vand.u32 $0xFFFFFFC0, v33  }
0x2ce: {  	v3 =	vor.u32 v3, v4  }
0x2cf: {  	v4 =	vperm.xlane v3, v0;
	_ =	sdelay $0x1  }
0x2d0: {  	v4 =	vadd.s32 v1, v4;
	_ =	sdelay $0x3  }
0x2d1: {  	s24 =	simm.s32 $0xC400  }
0x2d2: {  	[tilespmem:s24], [sflag:$0x1] =	stream.indirect_vreg.gather [hbm4b:s1+s3], $0x80, v4, vm0, $0xb8;
	[tilespmem:$0x18400] =	vst v63  }
0x2d3: {  	s30 =	simm.s32 $0xCC00;
	v3 =	vperm.xlane v3, v2  }
0x2d4: {  	[tilespmem:s30], [sflag:$0x1] =	stream.indirect_vreg.gather [hbm4b:s4+s3], $0x80, v4, vm0, $0xb8;
	[tilespmem:$0x18400] =	vst v63  }
0x2d5: {  	v3 =	vadd.s32 v1, v3;
	s24 =	simm.s32 $0xD400  }
0x2d6: {  	[tilespmem:s24], [sflag:$0x1] =	stream.indirect_vreg.gather [hbm4b:s5+s3], $0x80, v4, vm0, $0xb8;
	[tilespmem:$0x18400] =	vst v63  }
0x2d7: {  	s30 =	simm.s32 $0xDC00  }
0x2d8: {  	[tilespmem:s30], [sflag:$0x1] =	stream.indirect_vreg.gather [hbm4b:s6+s3], $0x80, v4, vm0, $0xb8;
	[tilespmem:$0x18400] =	vst v63  }
0x2d9: {  	s12 =	simm.s32 $0xE400  }
0x2da: {  	[tilespmem:s12], [sflag:$0x1] =	stream.indirect_vreg.gather [hbm4b:s1+s3], $0x80, v3, vm0, $0xb8;
	[tilespmem:$0x18400] =	vst v63  }
0x2db: {  	s13 =	simm.s32 $0xEC00  }
0x2dc: {  	[tilespmem:s13], [sflag:$0x1] =	stream.indirect_vreg.gather [hbm4b:s4+s3], $0x80, v3, vm0, $0xb8;
	[tilespmem:$0x18400] =	vst v63  }
0x2dd: {  	s20 =	simm.s32 $0xF400  }
0x2de: {  	[tilespmem:s20], [sflag:$0x1] =	stream.indirect_vreg.gather [hbm4b:s5+s3], $0x80, v3, vm0, $0xb8;
	[tilespmem:$0x18400] =	vst v63  }
0x2df: {  	s14 =	simm.s32 $0xFC00  }
0x2e0: {  	[tilespmem:s14], [sflag:$0x1] =	stream.indirect_vreg.gather [hbm4b:s6+s3], $0x80, v3, vm0, $0xb8;
	[tilespmem:$0x18400] =	vst v63  }
0x2e1: {  	_ =	swait.ge [sflag:s17], $0x8000  }
0x2e2: {  	[sflag:s17] =	ssyncset.done $0x0  }
0x2e3: {  	s14 =	rddreg [dreg:$0x11];
	[sflag:s17] =	ssyncadd.s32 $0xFFFF8000  }
0x2e4: {  	[hbm4b:s14+s3] =	stream.linear.scatter [tilespmem:s10], [sflag:$0x2], $0x8000, $0x38;
	[tilespmem:$0x18400] =	vst v63  }
0x2e5: {  	_ =	swait.ge [sflag:s19], $0x8000  }
0x2e6: {  	[sflag:s19] =	ssyncset.done $0x0  }
0x2e7: {  	[sflag:s19] =	ssyncadd.s32 $0xFFFF8000  }
0x2e8: {  	v3 =	vld [tilespmem:$0x1C0];
	_ =	sdelay $0x4  }
0x2e9: {  	v34 =	vshll.u32 v3, $0x3  }
0x2ea: {  	v3 =	vand.u32 $0x7, v3;
	v4 =	vand.u32 $0xFFFFFFC0, v34  }
0x2eb: {  	v3 =	vor.u32 v3, v4  }
0x2ec: {  	v4 =	vperm.xlane v3, v0;
	_ =	sdelay $0x1  }
0x2ed: {  	v4 =	vadd.s32 v1, v4;
	_ =	sdelay $0x4  }
0x2ee: {  	[tilespmem:s11], [sflag:$0x1] =	stream.indirect_vreg.gather [hbm4b:s1+s3], $0x80, v4, vm0, $0xb8;
	[tilespmem:$0x18400] =	vst v63  }
0x2ef: {  	s20 =	simm.s32 $0x10C00;
	v3 =	vperm.xlane v3, v2  }
0x2f0: {  	[tilespmem:s20], [sflag:$0x1] =	stream.indirect_vreg.gather [hbm4b:s4+s3], $0x80, v4, vm0, $0xb8;
	[tilespmem:$0x18400] =	vst v63  }
0x2f1: {  	v3 =	vadd.s32 v1, v3;
	s20 =	simm.s32 $0x11400  }
0x2f2: {  	[tilespmem:s20], [sflag:$0x1] =	stream.indirect_vreg.gather [hbm4b:s5+s3], $0x80, v4, vm0, $0xb8;
	[tilespmem:$0x18400] =	vst v63  }
0x2f3: {  	s20 =	simm.s32 $0x11C00  }
0x2f4: {  	[tilespmem:s20], [sflag:$0x1] =	stream.indirect_vreg.gather [hbm4b:s6+s3], $0x80, v4, vm0, $0xb8;
	[tilespmem:$0x18400] =	vst v63  }
0x2f5: {  	s2 =	simm.s32 $0x12400  }
0x2f6: {  	[tilespmem:s2], [sflag:$0x1] =	stream.indirect_vreg.gather [hbm4b:s1+s3], $0x80, v3, vm0, $0xb8;
	[tilespmem:$0x18400] =	vst v63  }
0x2f7: {  	s8 =	simm.s32 $0x12C00  }
0x2f8: {  	[tilespmem:s8], [sflag:$0x1] =	stream.indirect_vreg.gather [hbm4b:s4+s3], $0x80, v3, vm0, $0xb8;
	[tilespmem:$0x18400] =	vst v63  }
0x2f9: {  	s16 =	simm.s32 $0x13400  }
0x2fa: {  	[tilespmem:s16], [sflag:$0x1] =	stream.indirect_vreg.gather [hbm4b:s5+s3], $0x80, v3, vm0, $0xb8;
	[tilespmem:$0x18400] =	vst v63  }
0x2fb: {  	s16 =	simm.s32 $0x13C00  }
0x2fc: {  	[tilespmem:s16], [sflag:$0x1] =	stream.indirect_vreg.gather [hbm4b:s6+s3], $0x80, v3, vm0, $0xb8;
	[tilespmem:$0x18400] =	vst v63  }
0x2fd: {  	v3 =	vld [tilespmem:$0x1D0];
	_ =	sdelay $0x4  }
0x2fe: {  	v35 =	vshll.u32 v3, $0x3  }
0x2ff: {  	v3 =	vand.u32 $0x7, v3;
	v4 =	vand.u32 $0xFFFFFFC0, v35  }
0x300: {  	v3 =	vor.u32 v3, v4  }
0x301: {  	v4 =	vperm.xlane v3, v0;
	_ =	sdelay $0x1  }
0x302: {  	v4 =	vadd.s32 v1, v4;
	_ =	sdelay $0x3  }
0x303: {  	s20 =	simm.s32 $0x14400  }
0x304: {  	[tilespmem:s20], [sflag:$0x1] =	stream.indirect_vreg.gather [hbm4b:s1+s3], $0x80, v4, vm0, $0xb8;
	[tilespmem:$0x18400] =	vst v63  }
0x305: {  	s16 =	simm.s32 $0x14C00;
	v3 =	vperm.xlane v3, v2  }
0x306: {  	[tilespmem:s16], [sflag:$0x1] =	stream.indirect_vreg.gather [hbm4b:s4+s3], $0x80, v4, vm0, $0xb8;
	[tilespmem:$0x18400] =	vst v63  }
0x307: {  	s18 =	simm.s32 $0x15400;
	v3 =	vadd.s32 v1, v3  }
0x308: {  	[tilespmem:s18], [sflag:$0x1] =	stream.indirect_vreg.gather [hbm4b:s5+s3], $0x80, v4, vm0, $0xb8;
	[tilespmem:$0x18400] =	vst v63  }
0x309: {  	s21 =	simm.s32 $0x15C00  }
0x30a: {  	[tilespmem:s21], [sflag:$0x1] =	stream.indirect_vreg.gather [hbm4b:s6+s3], $0x80, v4, vm0, $0xb8;
	[tilespmem:$0x18400] =	vst v63  }
0x30b: {  	s22 =	simm.s32 $0x16400  }
0x30c: {  	[tilespmem:s22], [sflag:$0x1] =	stream.indirect_vreg.gather [hbm4b:s1+s3], $0x80, v3, vm0, $0xb8;
	[tilespmem:$0x18400] =	vst v63  }
0x30d: {  	s31 =	simm.s32 $0x16C00  }
0x30e: {  	[tilespmem:s31], [sflag:$0x1] =	stream.indirect_vreg.gather [hbm4b:s4+s3], $0x80, v3, vm0, $0xb8;
	[tilespmem:$0x18400] =	vst v63  }
0x30f: {  	s29 =	simm.s32 $0x17400  }
0x310: {  	[tilespmem:s29], [sflag:$0x1] =	stream.indirect_vreg.gather [hbm4b:s5+s3], $0x80, v3, vm0, $0xb8;
	[tilespmem:$0x18400] =	vst v63  }
0x311: {  	s20 =	simm.s32 $0x17C00  }
0x312: {  	[tilespmem:s20], [sflag:$0x1] =	stream.indirect_vreg.gather [hbm4b:s6+s3], $0x80, v3, vm0, $0xb8;
	[tilespmem:$0x18400] =	vst v63  }
0x313: {  	_ =	swait.ge [sflag:s17], $0x8000  }
0x314: {  	[sflag:s17] =	ssyncset.done $0x0  }
0x315: {  	s16 =	rddreg [dreg:$0x12];
	[sflag:s17] =	ssyncadd.s32 $0xFFFF8000  }
0x316: {  	[hbm4b:s16+s3] =	stream.linear.scatter [tilespmem:s7], [sflag:$0x2], $0x8000, $0x38;
	[tilespmem:$0x18400] =	vst v63  }
0x317: {  	_ =	swait.ge [sflag:s19], $0x8000  }
0x318: {  	[sflag:s19] =	ssyncset.done $0x0  }
0x319: {  	[sflag:s19] =	ssyncadd.s32 $0xFFFF8000  }
0x31a: {  	v3 =	vld [tilespmem:$0x1E0];
	_ =	sdelay $0x4  }
0x31b: {  	v36 =	vshll.u32 v3, $0x3  }
0x31c: {  	v3 =	vand.u32 $0x7, v3;
	v4 =	vand.u32 $0xFFFFFFC0, v36  }
0x31d: {  	v3 =	vor.u32 v3, v4  }
0x31e: {  	v4 =	vperm.xlane v3, v0;
	_ =	sdelay $0x1  }
0x31f: {  	v4 =	vadd.s32 v1, v4;
	_ =	sdelay $0x4  }
0x320: {  	[tilespmem:s10], [sflag:$0x1] =	stream.indirect_vreg.gather [hbm4b:s1+s3], $0x80, v4, vm0, $0xb8;
	[tilespmem:$0x18400] =	vst v63  }
0x321: {  	s20 =	simm.s32 $0xC00;
	v3 =	vperm.xlane v3, v2  }
0x322: {  	[tilespmem:s20], [sflag:$0x1] =	stream.indirect_vreg.gather [hbm4b:s4+s3], $0x80, v4, vm0, $0xb8;
	[tilespmem:$0x18400] =	vst v63  }
0x323: {  	s15 =	simm.s32 $0x1400;
	v3 =	vadd.s32 v1, v3  }
0x324: {  	[tilespmem:s15], [sflag:$0x1] =	stream.indirect_vreg.gather [hbm4b:s5+s3], $0x80, v4, vm0, $0xb8;
	[tilespmem:$0x18400] =	vst v63  }
0x325: {  	s15 =	simm.s32 $0x1C00  }
0x326: {  	[tilespmem:s15], [sflag:$0x1] =	stream.indirect_vreg.gather [hbm4b:s6+s3], $0x80, v4, vm0, $0xb8;
	[tilespmem:$0x18400] =	vst v63  }
0x327: {  	s20 =	simm.s32 $0x2400  }
0x328: {  	[tilespmem:s20], [sflag:$0x1] =	stream.indirect_vreg.gather [hbm4b:s1+s3], $0x80, v3, vm0, $0xb8;
	[tilespmem:$0x18400] =	vst v63  }
0x329: {  	s15 =	simm.s32 $0x2C00  }
0x32a: {  	[tilespmem:s15], [sflag:$0x1] =	stream.indirect_vreg.gather [hbm4b:s4+s3], $0x80, v3, vm0, $0xb8;
	[tilespmem:$0x18400] =	vst v63  }
0x32b: {  	s20 =	simm.s32 $0x3400  }
0x32c: {  	[tilespmem:s20], [sflag:$0x1] =	stream.indirect_vreg.gather [hbm4b:s5+s3], $0x80, v3, vm0, $0xb8;
	[tilespmem:$0x18400] =	vst v63  }
0x32d: {  	s15 =	simm.s32 $0x3C00  }
0x32e: {  	[tilespmem:s15], [sflag:$0x1] =	stream.indirect_vreg.gather [hbm4b:s6+s3], $0x80, v3, vm0, $0xb8;
	[tilespmem:$0x18400] =	vst v63  }
0x32f: {  	v3 =	vld [tilespmem:$0x1F0];
	_ =	sdelay $0x4  }
0x330: {  	v37 =	vshll.u32 v3, $0x3  }
0x331: {  	v3 =	vand.u32 $0x7, v3;
	v4 =	vand.u32 $0xFFFFFFC0, v37  }
0x332: {  	v3 =	vor.u32 v3, v4  }
0x333: {  	v4 =	vperm.xlane v3, v0;
	_ =	sdelay $0x1  }
0x334: {  	v4 =	vadd.s32 v1, v4;
	_ =	sdelay $0x3  }
0x335: {  	s20 =	simm.s32 $0x4400  }
0x336: {  	[tilespmem:s20], [sflag:$0x1] =	stream.indirect_vreg.gather [hbm4b:s1+s3], $0x80, v4, vm0, $0xb8;
	[tilespmem:$0x18400] =	vst v63  }
0x337: {  	s15 =	simm.s32 $0x4C00;
	v3 =	vperm.xlane v3, v2  }
0x338: {  	[tilespmem:s15], [sflag:$0x1] =	stream.indirect_vreg.gather [hbm4b:s4+s3], $0x80, v4, vm0, $0xb8;
	[tilespmem:$0x18400] =	vst v63  }
0x339: {  	v3 =	vadd.s32 v1, v3;
	s20 =	simm.s32 $0x5400  }
0x33a: {  	[tilespmem:s20], [sflag:$0x1] =	stream.indirect_vreg.gather [hbm4b:s5+s3], $0x80, v4, vm0, $0xb8;
	[tilespmem:$0x18400] =	vst v63  }
0x33b: {  	s15 =	simm.s32 $0x5C00  }
0x33c: {  	[tilespmem:s15], [sflag:$0x1] =	stream.indirect_vreg.gather [hbm4b:s6+s3], $0x80, v4, vm0, $0xb8;
	[tilespmem:$0x18400] =	vst v63  }
0x33d: {  	s20 =	simm.s32 $0x6400  }
0x33e: {  	[tilespmem:s20], [sflag:$0x1] =	stream.indirect_vreg.gather [hbm4b:s1+s3], $0x80, v3, vm0, $0xb8;
	[tilespmem:$0x18400] =	vst v63  }
0x33f: {  	s15 =	simm.s32 $0x6C00  }
0x340: {  	[tilespmem:s15], [sflag:$0x1] =	stream.indirect_vreg.gather [hbm4b:s4+s3], $0x80, v3, vm0, $0xb8;
	[tilespmem:$0x18400] =	vst v63  }
0x341: {  	s20 =	simm.s32 $0x7400  }
0x342: {  	[tilespmem:s20], [sflag:$0x1] =	stream.indirect_vreg.gather [hbm4b:s5+s3], $0x80, v3, vm0, $0xb8;
	[tilespmem:$0x18400] =	vst v63  }
0x343: {  	_ = 	snop  }
0x344: {  	[tilespmem:s0], [sflag:$0x1] =	stream.indirect_vreg.gather [hbm4b:s6+s3], $0x80, v3, vm0, $0xb8;
	[tilespmem:$0x18400] =	vst v63  }
0x345: {  	_ =	swait.ge [sflag:s17], $0x8000  }
0x346: {  	[sflag:s17] =	ssyncset.done $0x0  }
0x347: {  	s2 =	rddreg [dreg:$0x13];
	[sflag:s17] =	ssyncadd.s32 $0xFFFF8000  }
0x348: {  	[hbm4b:s2+s3] =	stream.linear.scatter [tilespmem:s11], [sflag:$0x2], $0x8000, $0x38;
	[tilespmem:$0x18400] =	vst v63  }
0x349: {  	_ =	swait.ge [sflag:s19], $0x8000  }
0x34a: {  	[sflag:s19] =	ssyncset.done $0x0  }
0x34b: {  	[sflag:s19] =	ssyncadd.s32 $0xFFFF8000  }
0x34c: {  	v3 =	vld [tilespmem:$0x200];
	_ =	sdelay $0x4  }
0x34d: {  	v38 =	vshll.u32 v3, $0x3  }
0x34e: {  	v3 =	vand.u32 $0x7, v3;
	v4 =	vand.u32 $0xFFFFFFC0, v38  }
0x34f: {  	v3 =	vor.u32 v3, v4  }
0x350: {  	v4 =	vperm.xlane v3, v0;
	_ =	sdelay $0x1  }
0x351: {  	v4 =	vadd.s32 v1, v4;
	_ =	sdelay $0x4  }
0x352: {  	[tilespmem:s7], [sflag:$0x1] =	stream.indirect_vreg.gather [hbm4b:s1+s3], $0x80, v4, vm0, $0xb8;
	[tilespmem:$0x18400] =	vst v63  }
0x353: {  	s28 =	simm.s32 $0x8C00;
	v3 =	vperm.xlane v3, v2  }
0x354: {  	[tilespmem:s28], [sflag:$0x1] =	stream.indirect_vreg.gather [hbm4b:s4+s3], $0x80, v4, vm0, $0xb8;
	[tilespmem:$0x18400] =	vst v63  }
0x355: {  	s15 =	simm.s32 $0x9400;
	v3 =	vadd.s32 v1, v3  }
0x356: {  	[tilespmem:s15], [sflag:$0x1] =	stream.indirect_vreg.gather [hbm4b:s5+s3], $0x80, v4, vm0, $0xb8;
	[tilespmem:$0x18400] =	vst v63  }
0x357: {  	s25 =	simm.s32 $0x9C00  }
0x358: {  	[tilespmem:s25], [sflag:$0x1] =	stream.indirect_vreg.gather [hbm4b:s6+s3], $0x80, v4, vm0, $0xb8;
	[tilespmem:$0x18400] =	vst v63  }
0x359: {  	s20 =	simm.s32 $0xA400  }
0x35a: {  	[tilespmem:s20], [sflag:$0x1] =	stream.indirect_vreg.gather [hbm4b:s1+s3], $0x80, v3, vm0, $0xb8;
	[tilespmem:$0x18400] =	vst v63  }
0x35b: {  	s15 =	simm.s32 $0xAC00  }
0x35c: {  	[tilespmem:s15], [sflag:$0x1] =	stream.indirect_vreg.gather [hbm4b:s4+s3], $0x80, v3, vm0, $0xb8;
	[tilespmem:$0x18400] =	vst v63  }
0x35d: {  	s20 =	simm.s32 $0xB400  }
0x35e: {  	[tilespmem:s20], [sflag:$0x1] =	stream.indirect_vreg.gather [hbm4b:s5+s3], $0x80, v3, vm0, $0xb8;
	[tilespmem:$0x18400] =	vst v63  }
0x35f: {  	s23 =	simm.s32 $0xBC00  }
0x360: {  	[tilespmem:s23], [sflag:$0x1] =	stream.indirect_vreg.gather [hbm4b:s6+s3], $0x80, v3, vm0, $0xb8;
	[tilespmem:$0x18400] =	vst v63  }
0x361: {  	v3 =	vld [tilespmem:$0x210];
	_ =	sdelay $0x4  }
0x362: {  	v39 =	vshll.u32 v3, $0x3  }
0x363: {  	v3 =	vand.u32 $0x7, v3;
	v4 =	vand.u32 $0xFFFFFFC0, v39  }
0x364: {  	v3 =	vor.u32 v3, v4  }
0x365: {  	v4 =	vperm.xlane v3, v0;
	_ =	sdelay $0x1  }
0x366: {  	v4 =	vadd.s32 v1, v4;
	_ =	sdelay $0x3  }
0x367: {  	s9 =	simm.s32 $0xC400  }
0x368: {  	[tilespmem:s9], [sflag:$0x1] =	stream.indirect_vreg.gather [hbm4b:s1+s3], $0x80, v4, vm0, $0xb8;
	[tilespmem:$0x18400] =	vst v63  }
0x369: {  	s26 =	simm.s32 $0xCC00;
	v3 =	vperm.xlane v3, v2  }
0x36a: {  	[tilespmem:s26], [sflag:$0x1] =	stream.indirect_vreg.gather [hbm4b:s4+s3], $0x80, v4, vm0, $0xb8;
	[tilespmem:$0x18400] =	vst v63  }
0x36b: {  	s24 =	simm.s32 $0xD400;
	v3 =	vadd.s32 v1, v3  }
0x36c: {  	[tilespmem:s24], [sflag:$0x1] =	stream.indirect_vreg.gather [hbm4b:s5+s3], $0x80, v4, vm0, $0xb8;
	[tilespmem:$0x18400] =	vst v63  }
0x36d: {  	s30 =	simm.s32 $0xDC00  }
0x36e: {  	[tilespmem:s30], [sflag:$0x1] =	stream.indirect_vreg.gather [hbm4b:s6+s3], $0x80, v4, vm0, $0xb8;
	[tilespmem:$0x18400] =	vst v63  }
0x36f: {  	s30 =	simm.s32 $0xE400  }
0x370: {  	[tilespmem:s30], [sflag:$0x1] =	stream.indirect_vreg.gather [hbm4b:s1+s3], $0x80, v3, vm0, $0xb8;
	[tilespmem:$0x18400] =	vst v63  }
0x371: {  	s13 =	simm.s32 $0xEC00  }
0x372: {  	[tilespmem:s13], [sflag:$0x1] =	stream.indirect_vreg.gather [hbm4b:s4+s3], $0x80, v3, vm0, $0xb8;
	[tilespmem:$0x18400] =	vst v63  }
0x373: {  	s20 =	simm.s32 $0xF400  }
0x374: {  	[tilespmem:s20], [sflag:$0x1] =	stream.indirect_vreg.gather [hbm4b:s5+s3], $0x80, v3, vm0, $0xb8;
	[tilespmem:$0x18400] =	vst v63  }
0x375: {  	s12 =	simm.s32 $0xFC00  }
0x376: {  	[tilespmem:s12], [sflag:$0x1] =	stream.indirect_vreg.gather [hbm4b:s6+s3], $0x80, v3, vm0, $0xb8;
	[tilespmem:$0x18400] =	vst v63  }
0x377: {  	_ =	swait.ge [sflag:s17], $0x8000  }
0x378: {  	[sflag:s17] =	ssyncset.done $0x0  }
0x379: {  	s12 =	rddreg [dreg:$0x14];
	[sflag:s17] =	ssyncadd.s32 $0xFFFF8000  }
0x37a: {  	[hbm4b:s12+s3] =	stream.linear.scatter [tilespmem:s10], [sflag:$0x2], $0x8000, $0x38;
	[tilespmem:$0x18400] =	vst v63  }
0x37b: {  	_ =	swait.ge [sflag:s19], $0x8000  }
0x37c: {  	[sflag:s19] =	ssyncset.done $0x0  }
0x37d: {  	[sflag:s19] =	ssyncadd.s32 $0xFFFF8000  }
0x37e: {  	v3 =	vld [tilespmem:$0x220];
	_ =	sdelay $0x4  }
0x37f: {  	v40 =	vshll.u32 v3, $0x3  }
0x380: {  	v3 =	vand.u32 $0x7, v3;
	v4 =	vand.u32 $0xFFFFFFC0, v40  }
0x381: {  	v3 =	vor.u32 v3, v4  }
0x382: {  	v4 =	vperm.xlane v3, v0;
	_ =	sdelay $0x1  }
0x383: {  	v4 =	vadd.s32 v1, v4;
	_ =	sdelay $0x4  }
0x384: {  	[tilespmem:s11], [sflag:$0x1] =	stream.indirect_vreg.gather [hbm4b:s1+s3], $0x80, v4, vm0, $0xb8;
	[tilespmem:$0x18400] =	vst v63  }
0x385: {  	s20 =	simm.s32 $0x10C00;
	v3 =	vperm.xlane v3, v2  }
0x386: {  	[tilespmem:s20], [sflag:$0x1] =	stream.indirect_vreg.gather [hbm4b:s4+s3], $0x80, v4, vm0, $0xb8;
	[tilespmem:$0x18400] =	vst v63  }
0x387: {  	s14 =	simm.s32 $0x11400;
	v3 =	vadd.s32 v1, v3  }
0x388: {  	[tilespmem:s14], [sflag:$0x1] =	stream.indirect_vreg.gather [hbm4b:s5+s3], $0x80, v4, vm0, $0xb8;
	[tilespmem:$0x18400] =	vst v63  }
0x389: {  	s20 =	simm.s32 $0x11C00  }
0x38a: {  	[tilespmem:s20], [sflag:$0x1] =	stream.indirect_vreg.gather [hbm4b:s6+s3], $0x80, v4, vm0, $0xb8;
	[tilespmem:$0x18400] =	vst v63  }
0x38b: {  	s20 =	simm.s32 $0x12400  }
0x38c: {  	[tilespmem:s20], [sflag:$0x1] =	stream.indirect_vreg.gather [hbm4b:s1+s3], $0x80, v3, vm0, $0xb8;
	[tilespmem:$0x18400] =	vst v63  }
0x38d: {  	s8 =	simm.s32 $0x12C00  }
0x38e: {  	[tilespmem:s8], [sflag:$0x1] =	stream.indirect_vreg.gather [hbm4b:s4+s3], $0x80, v3, vm0, $0xb8;
	[tilespmem:$0x18400] =	vst v63  }
0x38f: {  	s20 =	simm.s32 $0x13400  }
0x390: {  	[tilespmem:s20], [sflag:$0x1] =	stream.indirect_vreg.gather [hbm4b:s5+s3], $0x80, v3, vm0, $0xb8;
	[tilespmem:$0x18400] =	vst v63  }
0x391: {  	s20 =	simm.s32 $0x13C00  }
0x392: {  	[tilespmem:s20], [sflag:$0x1] =	stream.indirect_vreg.gather [hbm4b:s6+s3], $0x80, v3, vm0, $0xb8;
	[tilespmem:$0x18400] =	vst v63  }
0x393: {  	v3 =	vld [tilespmem:$0x230];
	_ =	sdelay $0x4  }
0x394: {  	v41 =	vshll.u32 v3, $0x3  }
0x395: {  	v3 =	vand.u32 $0x7, v3;
	v4 =	vand.u32 $0xFFFFFFC0, v41  }
0x396: {  	v3 =	vor.u32 v3, v4  }
0x397: {  	v4 =	vperm.xlane v3, v0;
	_ =	sdelay $0x1  }
0x398: {  	v4 =	vadd.s32 v1, v4;
	_ =	sdelay $0x3  }
0x399: {  	s20 =	simm.s32 $0x14400  }
0x39a: {  	[tilespmem:s20], [sflag:$0x1] =	stream.indirect_vreg.gather [hbm4b:s1+s3], $0x80, v4, vm0, $0xb8;
	[tilespmem:$0x18400] =	vst v63  }
0x39b: {  	v3 =	vperm.xlane v3, v2;
	s20 =	simm.s32 $0x14C00  }
0x39c: {  	[tilespmem:s20], [sflag:$0x1] =	stream.indirect_vreg.gather [hbm4b:s4+s3], $0x80, v4, vm0, $0xb8;
	[tilespmem:$0x18400] =	vst v63  }
0x39d: {  	s18 =	simm.s32 $0x15400;
	v3 =	vadd.s32 v1, v3  }
0x39e: {  	[tilespmem:s18], [sflag:$0x1] =	stream.indirect_vreg.gather [hbm4b:s5+s3], $0x80, v4, vm0, $0xb8;
	[tilespmem:$0x18400] =	vst v63  }
0x39f: {  	s21 =	simm.s32 $0x15C00  }
0x3a0: {  	[tilespmem:s21], [sflag:$0x1] =	stream.indirect_vreg.gather [hbm4b:s6+s3], $0x80, v4, vm0, $0xb8;
	[tilespmem:$0x18400] =	vst v63  }
0x3a1: {  	s22 =	simm.s32 $0x16400  }
0x3a2: {  	[tilespmem:s22], [sflag:$0x1] =	stream.indirect_vreg.gather [hbm4b:s1+s3], $0x80, v3, vm0, $0xb8;
	[tilespmem:$0x18400] =	vst v63  }
0x3a3: {  	s31 =	simm.s32 $0x16C00  }
0x3a4: {  	[tilespmem:s31], [sflag:$0x1] =	stream.indirect_vreg.gather [hbm4b:s4+s3], $0x80, v3, vm0, $0xb8;
	[tilespmem:$0x18400] =	vst v63  }
0x3a5: {  	s29 =	simm.s32 $0x17400  }
0x3a6: {  	[tilespmem:s29], [sflag:$0x1] =	stream.indirect_vreg.gather [hbm4b:s5+s3], $0x80, v3, vm0, $0xb8;
	[tilespmem:$0x18400] =	vst v63  }
0x3a7: {  	s29 =	simm.s32 $0x17C00  }
0x3a8: {  	[tilespmem:s29], [sflag:$0x1] =	stream.indirect_vreg.gather [hbm4b:s6+s3], $0x80, v3, vm0, $0xb8;
	[tilespmem:$0x18400] =	vst v63  }
0x3a9: {  	_ =	swait.ge [sflag:s17], $0x8000  }
0x3aa: {  	[sflag:s17] =	ssyncset.done $0x0  }
0x3ab: {  	s29 =	rddreg [dreg:$0x15];
	[sflag:s17] =	ssyncadd.s32 $0xFFFF8000  }
0x3ac: {  	[hbm4b:s29+s3] =	stream.linear.scatter [tilespmem:s7], [sflag:$0x2], $0x8000, $0x38;
	[tilespmem:$0x18400] =	vst v63  }
0x3ad: {  	_ =	swait.ge [sflag:s19], $0x8000  }
0x3ae: {  	[sflag:s19] =	ssyncset.done $0x0  }
0x3af: {  	[sflag:s19] =	ssyncadd.s32 $0xFFFF8000  }
0x3b0: {  	v3 =	vld [tilespmem:$0x240];
	_ =	sdelay $0x4  }
0x3b1: {  	v42 =	vshll.u32 v3, $0x3  }
0x3b2: {  	v3 =	vand.u32 $0x7, v3;
	v4 =	vand.u32 $0xFFFFFFC0, v42  }
0x3b3: {  	v3 =	vor.u32 v3, v4  }
0x3b4: {  	v4 =	vperm.xlane v3, v0;
	_ =	sdelay $0x1  }
0x3b5: {  	v4 =	vadd.s32 v1, v4;
	_ =	sdelay $0x4  }
0x3b6: {  	[tilespmem:s10], [sflag:$0x1] =	stream.indirect_vreg.gather [hbm4b:s1+s3], $0x80, v4, vm0, $0xb8;
	[tilespmem:$0x18400] =	vst v63  }
0x3b7: {  	s29 =	simm.s32 $0xC00;
	v3 =	vperm.xlane v3, v2  }
0x3b8: {  	[tilespmem:s29], [sflag:$0x1] =	stream.indirect_vreg.gather [hbm4b:s4+s3], $0x80, v4, vm0, $0xb8;
	[tilespmem:$0x18400] =	vst v63  }
0x3b9: {  	s16 =	simm.s32 $0x1400;
	v3 =	vadd.s32 v1, v3  }
0x3ba: {  	[tilespmem:s16], [sflag:$0x1] =	stream.indirect_vreg.gather [hbm4b:s5+s3], $0x80, v4, vm0, $0xb8;
	[tilespmem:$0x18400] =	vst v63  }
0x3bb: {  	s29 =	simm.s32 $0x1C00  }
0x3bc: {  	[tilespmem:s29], [sflag:$0x1] =	stream.indirect_vreg.gather [hbm4b:s6+s3], $0x80, v4, vm0, $0xb8;
	[tilespmem:$0x18400] =	vst v63  }
0x3bd: {  	s20 =	simm.s32 $0x2400  }
0x3be: {  	[tilespmem:s20], [sflag:$0x1] =	stream.indirect_vreg.gather [hbm4b:s1+s3], $0x80, v3, vm0, $0xb8;
	[tilespmem:$0x18400] =	vst v63  }
0x3bf: {  	s20 =	simm.s32 $0x2C00  }
0x3c0: {  	[tilespmem:s20], [sflag:$0x1] =	stream.indirect_vreg.gather [hbm4b:s4+s3], $0x80, v3, vm0, $0xb8;
	[tilespmem:$0x18400] =	vst v63  }
0x3c1: {  	s20 =	simm.s32 $0x3400  }
0x3c2: {  	[tilespmem:s20], [sflag:$0x1] =	stream.indirect_vreg.gather [hbm4b:s5+s3], $0x80, v3, vm0, $0xb8;
	[tilespmem:$0x18400] =	vst v63  }
0x3c3: {  	s20 =	simm.s32 $0x3C00  }
0x3c4: {  	[tilespmem:s20], [sflag:$0x1] =	stream.indirect_vreg.gather [hbm4b:s6+s3], $0x80, v3, vm0, $0xb8;
	[tilespmem:$0x18400] =	vst v63  }
0x3c5: {  	v3 =	vld [tilespmem:$0x250];
	_ =	sdelay $0x4  }
0x3c6: {  	v43 =	vshll.u32 v3, $0x3  }
0x3c7: {  	v3 =	vand.u32 $0x7, v3;
	v4 =	vand.u32 $0xFFFFFFC0, v43  }
0x3c8: {  	v3 =	vor.u32 v3, v4  }
0x3c9: {  	v4 =	vperm.xlane v3, v0;
	_ =	sdelay $0x1  }
0x3ca: {  	v4 =	vadd.s32 v1, v4;
	_ =	sdelay $0x3  }
0x3cb: {  	s20 =	simm.s32 $0x4400  }
0x3cc: {  	[tilespmem:s20], [sflag:$0x1] =	stream.indirect_vreg.gather [hbm4b:s1+s3], $0x80, v4, vm0, $0xb8;
	[tilespmem:$0x18400] =	vst v63  }
0x3cd: {  	v3 =	vperm.xlane v3, v2;
	s20 =	simm.s32 $0x4C00  }
0x3ce: {  	[tilespmem:s20], [sflag:$0x1] =	stream.indirect_vreg.gather [hbm4b:s4+s3], $0x80, v4, vm0, $0xb8;
	[tilespmem:$0x18400] =	vst v63  }
0x3cf: {  	v3 =	vadd.s32 v1, v3;
	s20 =	simm.s32 $0x5400  }
0x3d0: {  	[tilespmem:s20], [sflag:$0x1] =	stream.indirect_vreg.gather [hbm4b:s5+s3], $0x80, v4, vm0, $0xb8;
	[tilespmem:$0x18400] =	vst v63  }
0x3d1: {  	s20 =	simm.s32 $0x5C00  }
0x3d2: {  	[tilespmem:s20], [sflag:$0x1] =	stream.indirect_vreg.gather [hbm4b:s6+s3], $0x80, v4, vm0, $0xb8;
	[tilespmem:$0x18400] =	vst v63  }
0x3d3: {  	s20 =	simm.s32 $0x6400  }
0x3d4: {  	[tilespmem:s20], [sflag:$0x1] =	stream.indirect_vreg.gather [hbm4b:s1+s3], $0x80, v3, vm0, $0xb8;
	[tilespmem:$0x18400] =	vst v63  }
0x3d5: {  	s20 =	simm.s32 $0x6C00  }
0x3d6: {  	[tilespmem:s20], [sflag:$0x1] =	stream.indirect_vreg.gather [hbm4b:s4+s3], $0x80, v3, vm0, $0xb8;
	[tilespmem:$0x18400] =	vst v63  }
0x3d7: {  	s20 =	simm.s32 $0x7400  }
0x3d8: {  	[tilespmem:s20], [sflag:$0x1] =	stream.indirect_vreg.gather [hbm4b:s5+s3], $0x80, v3, vm0, $0xb8;
	[tilespmem:$0x18400] =	vst v63  }
0x3d9: {  	s0 =	simm.s32 $0x7C00  }
0x3da: {  	[tilespmem:s0], [sflag:$0x1] =	stream.indirect_vreg.gather [hbm4b:s6+s3], $0x80, v3, vm0, $0xb8;
	[tilespmem:$0x18400] =	vst v63  }
0x3db: {  	_ =	swait.ge [sflag:s17], $0x8000  }
0x3dc: {  	[sflag:s17] =	ssyncset.done $0x0  }
0x3dd: {  	s20 =	rddreg [dreg:$0x16];
	[sflag:s17] =	ssyncadd.s32 $0xFFFF8000  }
0x3de: {  	[hbm4b:s20+s3] =	stream.linear.scatter [tilespmem:s11], [sflag:$0x2], $0x8000, $0x38;
	[tilespmem:$0x18400] =	vst v63  }
0x3df: {  	_ =	swait.ge [sflag:s19], $0x8000  }
0x3e0: {  	[sflag:s19] =	ssyncset.done $0x0  }
0x3e1: {  	[sflag:s19] =	ssyncadd.s32 $0xFFFF8000  }
0x3e2: {  	v3 =	vld [tilespmem:$0x260];
	_ =	sdelay $0x4  }
0x3e3: {  	v44 =	vshll.u32 v3, $0x3  }
0x3e4: {  	v3 =	vand.u32 $0x7, v3;
	v4 =	vand.u32 $0xFFFFFFC0, v44  }
0x3e5: {  	v3 =	vor.u32 v3, v4  }
0x3e6: {  	v4 =	vperm.xlane v3, v0;
	_ =	sdelay $0x1  }
0x3e7: {  	v4 =	vadd.s32 v1, v4;
	_ =	sdelay $0x4  }
0x3e8: {  	[tilespmem:s7], [sflag:$0x1] =	stream.indirect_vreg.gather [hbm4b:s1+s3], $0x80, v4, vm0, $0xb8;
	[tilespmem:$0x18400] =	vst v63  }
0x3e9: {  	s28 =	simm.s32 $0x8C00;
	v3 =	vperm.xlane v3, v2  }
0x3ea: {  	[tilespmem:s28], [sflag:$0x1] =	stream.indirect_vreg.gather [hbm4b:s4+s3], $0x80, v4, vm0, $0xb8;
	[tilespmem:$0x18400] =	vst v63  }
0x3eb: {  	s20 =	simm.s32 $0x9400;
	v3 =	vadd.s32 v1, v3  }
0x3ec: {  	[tilespmem:s20], [sflag:$0x1] =	stream.indirect_vreg.gather [hbm4b:s5+s3], $0x80, v4, vm0, $0xb8;
	[tilespmem:$0x18400] =	vst v63  }
0x3ed: {  	s25 =	simm.s32 $0x9C00  }
0x3ee: {  	[tilespmem:s25], [sflag:$0x1] =	stream.indirect_vreg.gather [hbm4b:s6+s3], $0x80, v4, vm0, $0xb8;
	[tilespmem:$0x18400] =	vst v63  }
0x3ef: {  	s20 =	simm.s32 $0xA400  }
0x3f0: {  	[tilespmem:s20], [sflag:$0x1] =	stream.indirect_vreg.gather [hbm4b:s1+s3], $0x80, v3, vm0, $0xb8;
	[tilespmem:$0x18400] =	vst v63  }
0x3f1: {  	s20 =	simm.s32 $0xAC00  }
0x3f2: {  	[tilespmem:s20], [sflag:$0x1] =	stream.indirect_vreg.gather [hbm4b:s4+s3], $0x80, v3, vm0, $0xb8;
	[tilespmem:$0x18400] =	vst v63  }
0x3f3: {  	s20 =	simm.s32 $0xB400  }
0x3f4: {  	[tilespmem:s20], [sflag:$0x1] =	stream.indirect_vreg.gather [hbm4b:s5+s3], $0x80, v3, vm0, $0xb8;
	[tilespmem:$0x18400] =	vst v63  }
0x3f5: {  	s15 =	simm.s32 $0xBC00  }
0x3f6: {  	[tilespmem:s15], [sflag:$0x1] =	stream.indirect_vreg.gather [hbm4b:s6+s3], $0x80, v3, vm0, $0xb8;
	[tilespmem:$0x18400] =	vst v63  }
0x3f7: {  	v3 =	vld [tilespmem:$0x270];
	_ =	sdelay $0x4  }
0x3f8: {  	v45 =	vshll.u32 v3, $0x3  }
0x3f9: {  	v3 =	vand.u32 $0x7, v3;
	v4 =	vand.u32 $0xFFFFFFC0, v45  }
0x3fa: {  	v3 =	vor.u32 v3, v4  }
0x3fb: {  	v4 =	vperm.xlane v3, v0;
	_ =	sdelay $0x1  }
0x3fc: {  	v4 =	vadd.s32 v1, v4;
	_ =	sdelay $0x3  }
0x3fd: {  	s2 =	simm.s32 $0xC400  }
0x3fe: {  	[tilespmem:s2], [sflag:$0x1] =	stream.indirect_vreg.gather [hbm4b:s1+s3], $0x80, v4, vm0, $0xb8;
	[tilespmem:$0x18400] =	vst v63  }
0x3ff: {  	s23 =	simm.s32 $0xCC00;
	v3 =	vperm.xlane v3, v2  }
0x400: {  	[tilespmem:s23], [sflag:$0x1] =	stream.indirect_vreg.gather [hbm4b:s4+s3], $0x80, v4, vm0, $0xb8;
	[tilespmem:$0x18400] =	vst v63  }
0x401: {  	s24 =	simm.s32 $0xD400;
	v3 =	vadd.s32 v1, v3  }
0x402: {  	[tilespmem:s24], [sflag:$0x1] =	stream.indirect_vreg.gather [hbm4b:s5+s3], $0x80, v4, vm0, $0xb8;
	[tilespmem:$0x18400] =	vst v63  }
0x403: {  	s26 =	simm.s32 $0xDC00  }
0x404: {  	[tilespmem:s26], [sflag:$0x1] =	stream.indirect_vreg.gather [hbm4b:s6+s3], $0x80, v4, vm0, $0xb8;
	[tilespmem:$0x18400] =	vst v63  }
0x405: {  	s30 =	simm.s32 $0xE400  }
0x406: {  	[tilespmem:s30], [sflag:$0x1] =	stream.indirect_vreg.gather [hbm4b:s1+s3], $0x80, v3, vm0, $0xb8;
	[tilespmem:$0x18400] =	vst v63  }
0x407: {  	s13 =	simm.s32 $0xEC00  }
0x408: {  	[tilespmem:s13], [sflag:$0x1] =	stream.indirect_vreg.gather [hbm4b:s4+s3], $0x80, v3, vm0, $0xb8;
	[tilespmem:$0x18400] =	vst v63  }
0x409: {  	s20 =	simm.s32 $0xF400  }
0x40a: {  	[tilespmem:s20], [sflag:$0x1] =	stream.indirect_vreg.gather [hbm4b:s5+s3], $0x80, v3, vm0, $0xb8;
	[tilespmem:$0x18400] =	vst v63  }
0x40b: {  	s9 =	simm.s32 $0xFC00  }
0x40c: {  	[tilespmem:s9], [sflag:$0x1] =	stream.indirect_vreg.gather [hbm4b:s6+s3], $0x80, v3, vm0, $0xb8;
	[tilespmem:$0x18400] =	vst v63  }
0x40d: {  	_ =	swait.ge [sflag:s17], $0x8000  }
0x40e: {  	[sflag:s17] =	ssyncset.done $0x0  }
0x40f: {  	s20 =	rddreg [dreg:$0x17];
	[sflag:s17] =	ssyncadd.s32 $0xFFFF8000  }
0x410: {  	[hbm4b:s20+s3] =	stream.linear.scatter [tilespmem:s10], [sflag:$0x2], $0x8000, $0x38;
	[tilespmem:$0x18400] =	vst v63  }
0x411: {  	_ =	swait.ge [sflag:s19], $0x8000  }
0x412: {  	[sflag:s19] =	ssyncset.done $0x0  }
0x413: {  	[sflag:s19] =	ssyncadd.s32 $0xFFFF8000  }
0x414: {  	v3 =	vld [tilespmem:$0x280];
	_ =	sdelay $0x4  }
0x415: {  	v46 =	vshll.u32 v3, $0x3  }
0x416: {  	v3 =	vand.u32 $0x7, v3;
	v4 =	vand.u32 $0xFFFFFFC0, v46  }
0x417: {  	v3 =	vor.u32 v3, v4  }
0x418: {  	v4 =	vperm.xlane v3, v0;
	_ =	sdelay $0x1  }
0x419: {  	v4 =	vadd.s32 v1, v4;
	_ =	sdelay $0x4  }
0x41a: {  	[tilespmem:s11], [sflag:$0x1] =	stream.indirect_vreg.gather [hbm4b:s1+s3], $0x80, v4, vm0, $0xb8;
	[tilespmem:$0x18400] =	vst v63  }
0x41b: {  	s20 =	simm.s32 $0x10C00;
	v3 =	vperm.xlane v3, v2  }
0x41c: {  	[tilespmem:s20], [sflag:$0x1] =	stream.indirect_vreg.gather [hbm4b:s4+s3], $0x80, v4, vm0, $0xb8;
	[tilespmem:$0x18400] =	vst v63  }
0x41d: {  	s14 =	simm.s32 $0x11400;
	v3 =	vadd.s32 v1, v3  }
0x41e: {  	[tilespmem:s14], [sflag:$0x1] =	stream.indirect_vreg.gather [hbm4b:s5+s3], $0x80, v4, vm0, $0xb8;
	[tilespmem:$0x18400] =	vst v63  }
0x41f: {  	s20 =	simm.s32 $0x11C00  }
0x420: {  	[tilespmem:s20], [sflag:$0x1] =	stream.indirect_vreg.gather [hbm4b:s6+s3], $0x80, v4, vm0, $0xb8;
	[tilespmem:$0x18400] =	vst v63  }
0x421: {  	s12 =	simm.s32 $0x12400  }
0x422: {  	[tilespmem:s12], [sflag:$0x1] =	stream.indirect_vreg.gather [hbm4b:s1+s3], $0x80, v3, vm0, $0xb8;
	[tilespmem:$0x18400] =	vst v63  }
0x423: {  	s8 =	simm.s32 $0x12C00  }
0x424: {  	[tilespmem:s8], [sflag:$0x1] =	stream.indirect_vreg.gather [hbm4b:s4+s3], $0x80, v3, vm0, $0xb8;
	[tilespmem:$0x18400] =	vst v63  }
0x425: {  	s20 =	simm.s32 $0x13400  }
0x426: {  	[tilespmem:s20], [sflag:$0x1] =	stream.indirect_vreg.gather [hbm4b:s5+s3], $0x80, v3, vm0, $0xb8;
	[tilespmem:$0x18400] =	vst v63  }
0x427: {  	s20 =	simm.s32 $0x13C00  }
0x428: {  	[tilespmem:s20], [sflag:$0x1] =	stream.indirect_vreg.gather [hbm4b:s6+s3], $0x80, v3, vm0, $0xb8;
	[tilespmem:$0x18400] =	vst v63  }
0x429: {  	v3 =	vld [tilespmem:$0x290];
	_ =	sdelay $0x4  }
0x42a: {  	v47 =	vshll.u32 v3, $0x3  }
0x42b: {  	v3 =	vand.u32 $0x7, v3;
	v4 =	vand.u32 $0xFFFFFFC0, v47  }
0x42c: {  	v3 =	vor.u32 v3, v4  }
0x42d: {  	v4 =	vperm.xlane v3, v0;
	_ =	sdelay $0x1  }
0x42e: {  	v4 =	vadd.s32 v1, v4;
	_ =	sdelay $0x3  }
0x42f: {  	s20 =	simm.s32 $0x14400  }
0x430: {  	[tilespmem:s20], [sflag:$0x1] =	stream.indirect_vreg.gather [hbm4b:s1+s3], $0x80, v4, vm0, $0xb8;
	[tilespmem:$0x18400] =	vst v63  }
0x431: {  	v3 =	vperm.xlane v3, v2;
	s20 =	simm.s32 $0x14C00  }
0x432: {  	[tilespmem:s20], [sflag:$0x1] =	stream.indirect_vreg.gather [hbm4b:s4+s3], $0x80, v4, vm0, $0xb8;
	[tilespmem:$0x18400] =	vst v63  }
0x433: {  	s18 =	simm.s32 $0x15400;
	v3 =	vadd.s32 v1, v3  }
0x434: {  	[tilespmem:s18], [sflag:$0x1] =	stream.indirect_vreg.gather [hbm4b:s5+s3], $0x80, v4, vm0, $0xb8;
	[tilespmem:$0x18400] =	vst v63  }
0x435: {  	s21 =	simm.s32 $0x15C00  }
0x436: {  	[tilespmem:s21], [sflag:$0x1] =	stream.indirect_vreg.gather [hbm4b:s6+s3], $0x80, v4, vm0, $0xb8;
	[tilespmem:$0x18400] =	vst v63  }
0x437: {  	s22 =	simm.s32 $0x16400  }
0x438: {  	[tilespmem:s22], [sflag:$0x1] =	stream.indirect_vreg.gather [hbm4b:s1+s3], $0x80, v3, vm0, $0xb8;
	[tilespmem:$0x18400] =	vst v63  }
0x439: {  	s22 =	simm.s32 $0x16C00  }
0x43a: {  	[tilespmem:s22], [sflag:$0x1] =	stream.indirect_vreg.gather [hbm4b:s4+s3], $0x80, v3, vm0, $0xb8;
	[tilespmem:$0x18400] =	vst v63  }
0x43b: {  	s31 =	simm.s32 $0x17400  }
0x43c: {  	[tilespmem:s31], [sflag:$0x1] =	stream.indirect_vreg.gather [hbm4b:s5+s3], $0x80, v3, vm0, $0xb8;
	[tilespmem:$0x18400] =	vst v63  }
0x43d: {  	s31 =	simm.s32 $0x17C00  }
0x43e: {  	[tilespmem:s31], [sflag:$0x1] =	stream.indirect_vreg.gather [hbm4b:s6+s3], $0x80, v3, vm0, $0xb8;
	[tilespmem:$0x18400] =	vst v63  }
0x43f: {  	_ =	swait.ge [sflag:s17], $0x8000  }
0x440: {  	[sflag:s17] =	ssyncset.done $0x0  }
0x441: {  	s8 =	rddreg [dreg:$0x18];
	[sflag:s17] =	ssyncadd.s32 $0xFFFF8000  }
0x442: {  	[hbm4b:s8+s3] =	stream.linear.scatter [tilespmem:s7], [sflag:$0x2], $0x8000, $0x38;
	[tilespmem:$0x18400] =	vst v63  }
0x443: {  	_ =	swait.ge [sflag:s19], $0x8000  }
0x444: {  	[sflag:s19] =	ssyncset.done $0x0  }
0x445: {  	[sflag:s19] =	ssyncadd.s32 $0xFFFF8000  }
0x446: {  	v3 =	vld [tilespmem:$0x2A0];
	_ =	sdelay $0x4  }
0x447: {  	v48 =	vshll.u32 v3, $0x3  }
0x448: {  	v3 =	vand.u32 $0x7, v3;
	v4 =	vand.u32 $0xFFFFFFC0, v48  }
0x449: {  	v3 =	vor.u32 v3, v4  }
0x44a: {  	v4 =	vperm.xlane v3, v0;
	_ =	sdelay $0x1  }
0x44b: {  	v4 =	vadd.s32 v1, v4;
	_ =	sdelay $0x4  }
0x44c: {  	[tilespmem:s10], [sflag:$0x1] =	stream.indirect_vreg.gather [hbm4b:s1+s3], $0x80, v4, vm0, $0xb8;
	[tilespmem:$0x18400] =	vst v63  }
0x44d: {  	s18 =	simm.s32 $0xC00;
	v3 =	vperm.xlane v3, v2  }
0x44e: {  	[tilespmem:s18], [sflag:$0x1] =	stream.indirect_vreg.gather [hbm4b:s4+s3], $0x80, v4, vm0, $0xb8;
	[tilespmem:$0x18400] =	vst v63  }
0x44f: {  	s16 =	simm.s32 $0x1400;
	v3 =	vadd.s32 v1, v3  }
0x450: {  	[tilespmem:s16], [sflag:$0x1] =	stream.indirect_vreg.gather [hbm4b:s5+s3], $0x80, v4, vm0, $0xb8;
	[tilespmem:$0x18400] =	vst v63  }
0x451: {  	s29 =	simm.s32 $0x1C00  }
0x452: {  	[tilespmem:s29], [sflag:$0x1] =	stream.indirect_vreg.gather [hbm4b:s6+s3], $0x80, v4, vm0, $0xb8;
	[tilespmem:$0x18400] =	vst v63  }
0x453: {  	s20 =	simm.s32 $0x2400  }
0x454: {  	[tilespmem:s20], [sflag:$0x1] =	stream.indirect_vreg.gather [hbm4b:s1+s3], $0x80, v3, vm0, $0xb8;
	[tilespmem:$0x18400] =	vst v63  }
0x455: {  	s21 =	simm.s32 $0x2C00  }
0x456: {  	[tilespmem:s21], [sflag:$0x1] =	stream.indirect_vreg.gather [hbm4b:s4+s3], $0x80, v3, vm0, $0xb8;
	[tilespmem:$0x18400] =	vst v63  }
0x457: {  	s22 =	simm.s32 $0x3400  }
0x458: {  	[tilespmem:s22], [sflag:$0x1] =	stream.indirect_vreg.gather [hbm4b:s5+s3], $0x80, v3, vm0, $0xb8;
	[tilespmem:$0x18400] =	vst v63  }
0x459: {  	s29 =	simm.s32 $0x3C00  }
0x45a: {  	[tilespmem:s29], [sflag:$0x1] =	stream.indirect_vreg.gather [hbm4b:s6+s3], $0x80, v3, vm0, $0xb8;
	[tilespmem:$0x18400] =	vst v63  }
0x45b: {  	v3 =	vld [tilespmem:$0x2B0];
	_ =	sdelay $0x4  }
0x45c: {  	v49 =	vshll.u32 v3, $0x3  }
0x45d: {  	v3 =	vand.u32 $0x7, v3;
	v4 =	vand.u32 $0xFFFFFFC0, v49  }
0x45e: {  	v3 =	vor.u32 v3, v4  }
0x45f: {  	v4 =	vperm.xlane v3, v0;
	_ =	sdelay $0x1  }
0x460: {  	v4 =	vadd.s32 v1, v4;
	_ =	sdelay $0x3  }
0x461: {  	s31 =	simm.s32 $0x4400  }
0x462: {  	[tilespmem:s31], [sflag:$0x1] =	stream.indirect_vreg.gather [hbm4b:s1+s3], $0x80, v4, vm0, $0xb8;
	[tilespmem:$0x18400] =	vst v63  }
0x463: {  	s18 =	simm.s32 $0x4C00;
	v3 =	vperm.xlane v3, v2  }
0x464: {  	[tilespmem:s18], [sflag:$0x1] =	stream.indirect_vreg.gather [hbm4b:s4+s3], $0x80, v4, vm0, $0xb8;
	[tilespmem:$0x18400] =	vst v63  }
0x465: {  	s20 =	simm.s32 $0x5400;
	v3 =	vadd.s32 v1, v3  }
0x466: {  	[tilespmem:s20], [sflag:$0x1] =	stream.indirect_vreg.gather [hbm4b:s5+s3], $0x80, v4, vm0, $0xb8;
	[tilespmem:$0x18400] =	vst v63  }
0x467: {  	s21 =	simm.s32 $0x5C00  }
0x468: {  	[tilespmem:s21], [sflag:$0x1] =	stream.indirect_vreg.gather [hbm4b:s6+s3], $0x80, v4, vm0, $0xb8;
	[tilespmem:$0x18400] =	vst v63  }
0x469: {  	s22 =	simm.s32 $0x6400  }
0x46a: {  	[tilespmem:s22], [sflag:$0x1] =	stream.indirect_vreg.gather [hbm4b:s1+s3], $0x80, v3, vm0, $0xb8;
	[tilespmem:$0x18400] =	vst v63  }
0x46b: {  	s29 =	simm.s32 $0x6C00  }
0x46c: {  	[tilespmem:s29], [sflag:$0x1] =	stream.indirect_vreg.gather [hbm4b:s4+s3], $0x80, v3, vm0, $0xb8;
	[tilespmem:$0x18400] =	vst v63  }
0x46d: {  	s31 =	simm.s32 $0x7400  }
0x46e: {  	[tilespmem:s31], [sflag:$0x1] =	stream.indirect_vreg.gather [hbm4b:s5+s3], $0x80, v3, vm0, $0xb8;
	[tilespmem:$0x18400] =	vst v63  }
0x46f: {  	s0 =	simm.s32 $0x7C00  }
0x470: {  	[tilespmem:s0], [sflag:$0x1] =	stream.indirect_vreg.gather [hbm4b:s6+s3], $0x80, v3, vm0, $0xb8;
	[tilespmem:$0x18400] =	vst v63  }
0x471: {  	_ =	swait.ge [sflag:s17], $0x8000  }
0x472: {  	[sflag:s17] =	ssyncset.done $0x0  }
0x473: {  	s18 =	rddreg [dreg:$0x19];
	[sflag:s17] =	ssyncadd.s32 $0xFFFF8000  }
0x474: {  	[hbm4b:s18+s3] =	stream.linear.scatter [tilespmem:s11], [sflag:$0x2], $0x8000, $0x38;
	[tilespmem:$0x18400] =	vst v63  }
0x475: {  	_ =	swait.ge [sflag:s19], $0x8000  }
0x476: {  	[sflag:s19] =	ssyncset.done $0x0  }
0x477: {  	[sflag:s19] =	ssyncadd.s32 $0xFFFF8000  }
0x478: {  	v3 =	vld [tilespmem:$0x2C0];
	_ =	sdelay $0x4  }
0x479: {  	v50 =	vshll.u32 v3, $0x3  }
0x47a: {  	v3 =	vand.u32 $0x7, v3;
	v4 =	vand.u32 $0xFFFFFFC0, v50  }
0x47b: {  	v3 =	vor.u32 v3, v4  }
0x47c: {  	v4 =	vperm.xlane v3, v0;
	_ =	sdelay $0x1  }
0x47d: {  	v4 =	vadd.s32 v1, v4;
	_ =	sdelay $0x4  }
0x47e: {  	[tilespmem:s7], [sflag:$0x1] =	stream.indirect_vreg.gather [hbm4b:s1+s3], $0x80, v4, vm0, $0xb8;
	[tilespmem:$0x18400] =	vst v63  }
0x47f: {  	s28 =	simm.s32 $0x8C00;
	v3 =	vperm.xlane v3, v2  }
0x480: {  	[tilespmem:s28], [sflag:$0x1] =	stream.indirect_vreg.gather [hbm4b:s4+s3], $0x80, v4, vm0, $0xb8;
	[tilespmem:$0x18400] =	vst v63  }
0x481: {  	s20 =	simm.s32 $0x9400;
	v3 =	vadd.s32 v1, v3  }
0x482: {  	[tilespmem:s20], [sflag:$0x1] =	stream.indirect_vreg.gather [hbm4b:s5+s3], $0x80, v4, vm0, $0xb8;
	[tilespmem:$0x18400] =	vst v63  }
0x483: {  	s25 =	simm.s32 $0x9C00  }
0x484: {  	[tilespmem:s25], [sflag:$0x1] =	stream.indirect_vreg.gather [hbm4b:s6+s3], $0x80, v4, vm0, $0xb8;
	[tilespmem:$0x18400] =	vst v63  }
0x485: {  	s21 =	simm.s32 $0xA400  }
0x486: {  	[tilespmem:s21], [sflag:$0x1] =	stream.indirect_vreg.gather [hbm4b:s1+s3], $0x80, v3, vm0, $0xb8;
	[tilespmem:$0x18400] =	vst v63  }
0x487: {  	s22 =	simm.s32 $0xAC00  }
0x488: {  	[tilespmem:s22], [sflag:$0x1] =	stream.indirect_vreg.gather [hbm4b:s4+s3], $0x80, v3, vm0, $0xb8;
	[tilespmem:$0x18400] =	vst v63  }
0x489: {  	s25 =	simm.s32 $0xB400  }
0x48a: {  	[tilespmem:s25], [sflag:$0x1] =	stream.indirect_vreg.gather [hbm4b:s5+s3], $0x80, v3, vm0, $0xb8;
	[tilespmem:$0x18400] =	vst v63  }
0x48b: {  	s15 =	simm.s32 $0xBC00  }
0x48c: {  	[tilespmem:s15], [sflag:$0x1] =	stream.indirect_vreg.gather [hbm4b:s6+s3], $0x80, v3, vm0, $0xb8;
	[tilespmem:$0x18400] =	vst v63  }
0x48d: {  	v3 =	vld [tilespmem:$0x2D0];
	_ =	sdelay $0x4  }
0x48e: {  	v51 =	vshll.u32 v3, $0x3  }
0x48f: {  	v3 =	vand.u32 $0x7, v3;
	v4 =	vand.u32 $0xFFFFFFC0, v51  }
0x490: {  	v3 =	vor.u32 v3, v4  }
0x491: {  	v4 =	vperm.xlane v3, v0;
	_ =	sdelay $0x1  }
0x492: {  	v4 =	vadd.s32 v1, v4;
	_ =	sdelay $0x3  }
0x493: {  	s2 =	simm.s32 $0xC400  }
0x494: {  	[tilespmem:s2], [sflag:$0x1] =	stream.indirect_vreg.gather [hbm4b:s1+s3], $0x80, v4, vm0, $0xb8;
	[tilespmem:$0x18400] =	vst v63  }
0x495: {  	s23 =	simm.s32 $0xCC00;
	v3 =	vperm.xlane v3, v2  }
0x496: {  	[tilespmem:s23], [sflag:$0x1] =	stream.indirect_vreg.gather [hbm4b:s4+s3], $0x80, v4, vm0, $0xb8;
	[tilespmem:$0x18400] =	vst v63  }
0x497: {  	s24 =	simm.s32 $0xD400;
	v3 =	vadd.s32 v1, v3  }
0x498: {  	[tilespmem:s24], [sflag:$0x1] =	stream.indirect_vreg.gather [hbm4b:s5+s3], $0x80, v4, vm0, $0xb8;
	[tilespmem:$0x18400] =	vst v63  }
0x499: {  	s26 =	simm.s32 $0xDC00  }
0x49a: {  	[tilespmem:s26], [sflag:$0x1] =	stream.indirect_vreg.gather [hbm4b:s6+s3], $0x80, v4, vm0, $0xb8;
	[tilespmem:$0x18400] =	vst v63  }
0x49b: {  	s30 =	simm.s32 $0xE400  }
0x49c: {  	[tilespmem:s30], [sflag:$0x1] =	stream.indirect_vreg.gather [hbm4b:s1+s3], $0x80, v3, vm0, $0xb8;
	[tilespmem:$0x18400] =	vst v63  }
0x49d: {  	s13 =	simm.s32 $0xEC00  }
0x49e: {  	[tilespmem:s13], [sflag:$0x1] =	stream.indirect_vreg.gather [hbm4b:s4+s3], $0x80, v3, vm0, $0xb8;
	[tilespmem:$0x18400] =	vst v63  }
0x49f: {  	s30 =	simm.s32 $0xF400  }
0x4a0: {  	[tilespmem:s30], [sflag:$0x1] =	stream.indirect_vreg.gather [hbm4b:s5+s3], $0x80, v3, vm0, $0xb8;
	[tilespmem:$0x18400] =	vst v63  }
0x4a1: {  	s9 =	simm.s32 $0xFC00  }
0x4a2: {  	[tilespmem:s9], [sflag:$0x1] =	stream.indirect_vreg.gather [hbm4b:s6+s3], $0x80, v3, vm0, $0xb8;
	[tilespmem:$0x18400] =	vst v63  }
0x4a3: {  	_ =	swait.ge [sflag:s17], $0x8000  }
0x4a4: {  	[sflag:s17] =	ssyncset.done $0x0  }
0x4a5: {  	s9 =	rddreg [dreg:$0x1a];
	[sflag:s17] =	ssyncadd.s32 $0xFFFF8000  }
0x4a6: {  	[hbm4b:s9+s3] =	stream.linear.scatter [tilespmem:s10], [sflag:$0x2], $0x8000, $0x38;
	[tilespmem:$0x18400] =	vst v63  }
0x4a7: {  	_ =	swait.ge [sflag:s19], $0x8000  }
0x4a8: {  	[sflag:s19] =	ssyncset.done $0x0  }
0x4a9: {  	[sflag:s19] =	ssyncadd.s32 $0xFFFF8000  }
0x4aa: {  	v3 =	vld [tilespmem:$0x2E0];
	_ =	sdelay $0x4  }
0x4ab: {  	v52 =	vshll.u32 v3, $0x3  }
0x4ac: {  	v3 =	vand.u32 $0x7, v3;
	v4 =	vand.u32 $0xFFFFFFC0, v52  }
0x4ad: {  	v3 =	vor.u32 v3, v4  }
0x4ae: {  	v4 =	vperm.xlane v3, v0;
	_ =	sdelay $0x1  }
0x4af: {  	v4 =	vadd.s32 v1, v4;
	_ =	sdelay $0x4  }
0x4b0: {  	[tilespmem:s11], [sflag:$0x1] =	stream.indirect_vreg.gather [hbm4b:s1+s3], $0x80, v4, vm0, $0xb8;
	[tilespmem:$0x18400] =	vst v63  }
0x4b1: {  	s13 =	simm.s32 $0x10C00;
	v3 =	vperm.xlane v3, v2  }
0x4b2: {  	[tilespmem:s13], [sflag:$0x1] =	stream.indirect_vreg.gather [hbm4b:s4+s3], $0x80, v4, vm0, $0xb8;
	[tilespmem:$0x18400] =	vst v63  }
0x4b3: {  	s14 =	simm.s32 $0x11400;
	v3 =	vadd.s32 v1, v3  }
0x4b4: {  	[tilespmem:s14], [sflag:$0x1] =	stream.indirect_vreg.gather [hbm4b:s5+s3], $0x80, v4, vm0, $0xb8;
	[tilespmem:$0x18400] =	vst v63  }
0x4b5: {  	s18 =	simm.s32 $0x11C00  }
0x4b6: {  	[tilespmem:s18], [sflag:$0x1] =	stream.indirect_vreg.gather [hbm4b:s6+s3], $0x80, v4, vm0, $0xb8;
	[tilespmem:$0x18400] =	vst v63  }
0x4b7: {  	s12 =	simm.s32 $0x12400  }
0x4b8: {  	[tilespmem:s12], [sflag:$0x1] =	stream.indirect_vreg.gather [hbm4b:s1+s3], $0x80, v3, vm0, $0xb8;
	[tilespmem:$0x18400] =	vst v63  }
0x4b9: {  	s20 =	simm.s32 $0x12C00  }
0x4ba: {  	[tilespmem:s20], [sflag:$0x1] =	stream.indirect_vreg.gather [hbm4b:s4+s3], $0x80, v3, vm0, $0xb8;
	[tilespmem:$0x18400] =	vst v63  }
0x4bb: {  	s21 =	simm.s32 $0x13400  }
0x4bc: {  	[tilespmem:s21], [sflag:$0x1] =	stream.indirect_vreg.gather [hbm4b:s5+s3], $0x80, v3, vm0, $0xb8;
	[tilespmem:$0x18400] =	vst v63  }
0x4bd: {  	s22 =	simm.s32 $0x13C00  }
0x4be: {  	[tilespmem:s22], [sflag:$0x1] =	stream.indirect_vreg.gather [hbm4b:s6+s3], $0x80, v3, vm0, $0xb8;
	[tilespmem:$0x18400] =	vst v63  }
0x4bf: {  	v3 =	vld [tilespmem:$0x2F0];
	_ =	sdelay $0x4  }
0x4c0: {  	v53 =	vshll.u32 v3, $0x3  }
0x4c1: {  	v3 =	vand.u32 $0x7, v3;
	v4 =	vand.u32 $0xFFFFFFC0, v53  }
0x4c2: {  	v3 =	vor.u32 v3, v4  }
0x4c3: {  	v4 =	vperm.xlane v3, v0;
	_ =	sdelay $0x1  }
0x4c4: {  	v4 =	vadd.s32 v1, v4;
	_ =	sdelay $0x3  }
0x4c5: {  	s23 =	simm.s32 $0x14400  }
0x4c6: {  	[tilespmem:s23], [sflag:$0x1] =	stream.indirect_vreg.gather [hbm4b:s1+s3], $0x80, v4, vm0, $0xb8;
	[tilespmem:$0x18400] =	vst v63  }
0x4c7: {  	s24 =	simm.s32 $0x14C00;
	v3 =	vperm.xlane v3, v2  }
0x4c8: {  	[tilespmem:s24], [sflag:$0x1] =	stream.indirect_vreg.gather [hbm4b:s4+s3], $0x80, v4, vm0, $0xb8;
	[tilespmem:$0x18400] =	vst v63  }
0x4c9: {  	s26 =	simm.s32 $0x15400;
	v3 =	vadd.s32 v1, v3  }
0x4ca: {  	[tilespmem:s26], [sflag:$0x1] =	stream.indirect_vreg.gather [hbm4b:s5+s3], $0x80, v4, vm0, $0xb8;
	[tilespmem:$0x18400] =	vst v63  }
0x4cb: {  	s30 =	simm.s32 $0x15C00  }
0x4cc: {  	[tilespmem:s30], [sflag:$0x1] =	stream.indirect_vreg.gather [hbm4b:s6+s3], $0x80, v4, vm0, $0xb8;
	[tilespmem:$0x18400] =	vst v63  }
0x4cd: {  	s14 =	simm.s32 $0x16400  }
0x4ce: {  	[tilespmem:s14], [sflag:$0x1] =	stream.indirect_vreg.gather [hbm4b:s1+s3], $0x80, v3, vm0, $0xb8;
	[tilespmem:$0x18400] =	vst v63  }
0x4cf: {  	s20 =	simm.s32 $0x16C00  }
0x4d0: {  	[tilespmem:s20], [sflag:$0x1] =	stream.indirect_vreg.gather [hbm4b:s4+s3], $0x80, v3, vm0, $0xb8;
	[tilespmem:$0x18400] =	vst v63  }
0x4d1: {  	s24 =	simm.s32 $0x17400  }
0x4d2: {  	[tilespmem:s24], [sflag:$0x1] =	stream.indirect_vreg.gather [hbm4b:s5+s3], $0x80, v3, vm0, $0xb8;
	[tilespmem:$0x18400] =	vst v63  }
0x4d3: {  	s26 =	simm.s32 $0x17C00  }
0x4d4: {  	[tilespmem:s26], [sflag:$0x1] =	stream.indirect_vreg.gather [hbm4b:s6+s3], $0x80, v3, vm0, $0xb8;
	[tilespmem:$0x18400] =	vst v63  }
0x4d5: {  	_ =	swait.ge [sflag:s17], $0x8000  }
0x4d6: {  	[sflag:s17] =	ssyncset.done $0x0  }
0x4d7: {  	s14 =	rddreg [dreg:$0x1b];
	[sflag:s17] =	ssyncadd.s32 $0xFFFF8000  }
0x4d8: {  	[hbm4b:s14+s3] =	stream.linear.scatter [tilespmem:s7], [sflag:$0x2], $0x8000, $0x38;
	[tilespmem:$0x18400] =	vst v63  }
0x4d9: {  	_ =	swait.ge [sflag:s19], $0x8000  }
0x4da: {  	[sflag:s19] =	ssyncset.done $0x0  }
0x4db: {  	[sflag:s19] =	ssyncadd.s32 $0xFFFF8000  }
0x4dc: {  	v3 =	vld [tilespmem:$0x300];
	_ =	sdelay $0x4  }
0x4dd: {  	v54 =	vshll.u32 v3, $0x3  }
0x4de: {  	v3 =	vand.u32 $0x7, v3;
	v4 =	vand.u32 $0xFFFFFFC0, v54  }
0x4df: {  	v3 =	vor.u32 v3, v4  }
0x4e0: {  	v4 =	vperm.xlane v3, v0;
	_ =	sdelay $0x1  }
0x4e1: {  	v4 =	vadd.s32 v1, v4;
	_ =	sdelay $0x4  }
0x4e2: {  	[tilespmem:s10], [sflag:$0x1] =	stream.indirect_vreg.gather [hbm4b:s1+s3], $0x80, v4, vm0, $0xb8;
	[tilespmem:$0x18400] =	vst v63  }
0x4e3: {  	s24 =	simm.s32 $0xC00;
	v3 =	vperm.xlane v3, v2  }
0x4e4: {  	[tilespmem:s24], [sflag:$0x1] =	stream.indirect_vreg.gather [hbm4b:s4+s3], $0x80, v4, vm0, $0xb8;
	[tilespmem:$0x18400] =	vst v63  }
0x4e5: {  	s16 =	simm.s32 $0x1400;
	v3 =	vadd.s32 v1, v3  }
0x4e6: {  	[tilespmem:s16], [sflag:$0x1] =	stream.indirect_vreg.gather [hbm4b:s5+s3], $0x80, v4, vm0, $0xb8;
	[tilespmem:$0x18400] =	vst v63  }
0x4e7: {  	s26 =	simm.s32 $0x1C00  }
0x4e8: {  	[tilespmem:s26], [sflag:$0x1] =	stream.indirect_vreg.gather [hbm4b:s6+s3], $0x80, v4, vm0, $0xb8;
	[tilespmem:$0x18400] =	vst v63  }
0x4e9: {  	s14 =	simm.s32 $0x2400  }
0x4ea: {  	[tilespmem:s14], [sflag:$0x1] =	stream.indirect_vreg.gather [hbm4b:s1+s3], $0x80, v3, vm0, $0xb8;
	[tilespmem:$0x18400] =	vst v63  }
0x4eb: {  	s20 =	simm.s32 $0x2C00  }
0x4ec: {  	[tilespmem:s20], [sflag:$0x1] =	stream.indirect_vreg.gather [hbm4b:s4+s3], $0x80, v3, vm0, $0xb8;
	[tilespmem:$0x18400] =	vst v63  }
0x4ed: {  	s24 =	simm.s32 $0x3400  }
0x4ee: {  	[tilespmem:s24], [sflag:$0x1] =	stream.indirect_vreg.gather [hbm4b:s5+s3], $0x80, v3, vm0, $0xb8;
	[tilespmem:$0x18400] =	vst v63  }
0x4ef: {  	s26 =	simm.s32 $0x3C00  }
0x4f0: {  	[tilespmem:s26], [sflag:$0x1] =	stream.indirect_vreg.gather [hbm4b:s6+s3], $0x80, v3, vm0, $0xb8;
	[tilespmem:$0x18400] =	vst v63  }
0x4f1: {  	v3 =	vld [tilespmem:$0x310];
	_ =	sdelay $0x4  }
0x4f2: {  	v55 =	vshll.u32 v3, $0x3  }
0x4f3: {  	v3 =	vand.u32 $0x7, v3;
	v4 =	vand.u32 $0xFFFFFFC0, v55  }
0x4f4: {  	v3 =	vor.u32 v3, v4  }
0x4f5: {  	v4 =	vperm.xlane v3, v0;
	_ =	sdelay $0x1  }
0x4f6: {  	v4 =	vadd.s32 v1, v4;
	_ =	sdelay $0x3  }
0x4f7: {  	s14 =	simm.s32 $0x4400  }
0x4f8: {  	[tilespmem:s14], [sflag:$0x1] =	stream.indirect_vreg.gather [hbm4b:s1+s3], $0x80, v4, vm0, $0xb8;
	[tilespmem:$0x18400] =	vst v63  }
0x4f9: {  	s20 =	simm.s32 $0x4C00;
	v3 =	vperm.xlane v3, v2  }
0x4fa: {  	[tilespmem:s20], [sflag:$0x1] =	stream.indirect_vreg.gather [hbm4b:s4+s3], $0x80, v4, vm0, $0xb8;
	[tilespmem:$0x18400] =	vst v63  }
0x4fb: {  	s24 =	simm.s32 $0x5400;
	v3 =	vadd.s32 v1, v3  }
0x4fc: {  	[tilespmem:s24], [sflag:$0x1] =	stream.indirect_vreg.gather [hbm4b:s5+s3], $0x80, v4, vm0, $0xb8;
	[tilespmem:$0x18400] =	vst v63  }
0x4fd: {  	s26 =	simm.s32 $0x5C00  }
0x4fe: {  	[tilespmem:s26], [sflag:$0x1] =	stream.indirect_vreg.gather [hbm4b:s6+s3], $0x80, v4, vm0, $0xb8;
	[tilespmem:$0x18400] =	vst v63  }
0x4ff: {  	s14 =	simm.s32 $0x6400  }
0x500: {  	[tilespmem:s14], [sflag:$0x1] =	stream.indirect_vreg.gather [hbm4b:s1+s3], $0x80, v3, vm0, $0xb8;
	[tilespmem:$0x18400] =	vst v63  }
0x501: {  	s20 =	simm.s32 $0x6C00  }
0x502: {  	[tilespmem:s20], [sflag:$0x1] =	stream.indirect_vreg.gather [hbm4b:s4+s3], $0x80, v3, vm0, $0xb8;
	[tilespmem:$0x18400] =	vst v63  }
0x503: {  	s24 =	simm.s32 $0x7400  }
0x504: {  	[tilespmem:s24], [sflag:$0x1] =	stream.indirect_vreg.gather [hbm4b:s5+s3], $0x80, v3, vm0, $0xb8;
	[tilespmem:$0x18400] =	vst v63  }
0x505: {  	s0 =	simm.s32 $0x7C00  }
0x506: {  	[tilespmem:s0], [sflag:$0x1] =	stream.indirect_vreg.gather [hbm4b:s6+s3], $0x80, v3, vm0, $0xb8;
	[tilespmem:$0x18400] =	vst v63  }
0x507: {  	_ =	swait.ge [sflag:s17], $0x8000  }
0x508: {  	[sflag:s17] =	ssyncset.done $0x0  }
0x509: {  	s26 =	rddreg [dreg:$0x1c];
	[sflag:s17] =	ssyncadd.s32 $0xFFFF8000  }
0x50a: {  	[hbm4b:s26+s3] =	stream.linear.scatter [tilespmem:s11], [sflag:$0x2], $0x8000, $0x38;
	[tilespmem:$0x18400] =	vst v63  }
0x50b: {  	_ =	swait.ge [sflag:s19], $0x8000  }
0x50c: {  	[sflag:s19] =	ssyncset.done $0x0  }
0x50d: {  	[sflag:s19] =	ssyncadd.s32 $0xFFFF8000  }
0x50e: {  	v3 =	vld [tilespmem:$0x320];
	_ =	sdelay $0x4  }
0x50f: {  	v56 =	vshll.u32 v3, $0x3  }
0x510: {  	v3 =	vand.u32 $0x7, v3;
	v4 =	vand.u32 $0xFFFFFFC0, v56  }
0x511: {  	v3 =	vor.u32 v3, v4  }
0x512: {  	v4 =	vperm.xlane v3, v0;
	_ =	sdelay $0x1  }
0x513: {  	v4 =	vadd.s32 v1, v4;
	_ =	sdelay $0x4  }
0x514: {  	[tilespmem:s7], [sflag:$0x1] =	stream.indirect_vreg.gather [hbm4b:s1+s3], $0x80, v4, vm0, $0xb8;
	[tilespmem:$0x18400] =	vst v63  }
0x515: {  	s29 =	simm.s32 $0x8C00;
	v3 =	vperm.xlane v3, v2  }
0x516: {  	[tilespmem:s29], [sflag:$0x1] =	stream.indirect_vreg.gather [hbm4b:s4+s3], $0x80, v4, vm0, $0xb8;
	[tilespmem:$0x18400] =	vst v63  }
0x517: {  	s28 =	simm.s32 $0x9400;
	v3 =	vadd.s32 v1, v3  }
0x518: {  	[tilespmem:s28], [sflag:$0x1] =	stream.indirect_vreg.gather [hbm4b:s5+s3], $0x80, v4, vm0, $0xb8;
	[tilespmem:$0x18400] =	vst v63  }
0x519: {  	s28 =	simm.s32 $0x9C00  }
0x51a: {  	[tilespmem:s28], [sflag:$0x1] =	stream.indirect_vreg.gather [hbm4b:s6+s3], $0x80, v4, vm0, $0xb8;
	[tilespmem:$0x18400] =	vst v63  }
0x51b: {  	s29 =	simm.s32 $0xA400  }
0x51c: {  	[tilespmem:s29], [sflag:$0x1] =	stream.indirect_vreg.gather [hbm4b:s1+s3], $0x80, v3, vm0, $0xb8;
	[tilespmem:$0x18400] =	vst v63  }
0x51d: {  	s20 =	simm.s32 $0xAC00  }
0x51e: {  	[tilespmem:s20], [sflag:$0x1] =	stream.indirect_vreg.gather [hbm4b:s4+s3], $0x80, v3, vm0, $0xb8;
	[tilespmem:$0x18400] =	vst v63  }
0x51f: {  	s24 =	simm.s32 $0xB400  }
0x520: {  	[tilespmem:s24], [sflag:$0x1] =	stream.indirect_vreg.gather [hbm4b:s5+s3], $0x80, v3, vm0, $0xb8;
	[tilespmem:$0x18400] =	vst v63  }
0x521: {  	s25 =	simm.s32 $0xBC00  }
0x522: {  	[tilespmem:s25], [sflag:$0x1] =	stream.indirect_vreg.gather [hbm4b:s6+s3], $0x80, v3, vm0, $0xb8;
	[tilespmem:$0x18400] =	vst v63  }
0x523: {  	v3 =	vld [tilespmem:$0x330];
	_ =	sdelay $0x4  }
0x524: {  	v57 =	vshll.u32 v3, $0x3  }
0x525: {  	v3 =	vand.u32 $0x7, v3;
	v4 =	vand.u32 $0xFFFFFFC0, v57  }
0x526: {  	v3 =	vor.u32 v3, v4  }
0x527: {  	v4 =	vperm.xlane v3, v0;
	_ =	sdelay $0x1  }
0x528: {  	v4 =	vadd.s32 v1, v4;
	_ =	sdelay $0x3  }
0x529: {  	s8 =	simm.s32 $0xC400  }
0x52a: {  	[tilespmem:s8], [sflag:$0x1] =	stream.indirect_vreg.gather [hbm4b:s1+s3], $0x80, v4, vm0, $0xb8;
	[tilespmem:$0x18400] =	vst v63  }
0x52b: {  	s31 =	simm.s32 $0xCC00;
	v3 =	vperm.xlane v3, v2  }
0x52c: {  	[tilespmem:s31], [sflag:$0x1] =	stream.indirect_vreg.gather [hbm4b:s4+s3], $0x80, v4, vm0, $0xb8;
	[tilespmem:$0x18400] =	vst v63  }
0x52d: {  	v3 =	vadd.s32 v1, v3;
	s31 =	simm.s32 $0xD400  }
0x52e: {  	[tilespmem:s31], [sflag:$0x1] =	stream.indirect_vreg.gather [hbm4b:s5+s3], $0x80, v4, vm0, $0xb8;
	[tilespmem:$0x18400] =	vst v63  }
0x52f: {  	s20 =	simm.s32 $0xDC00  }
0x530: {  	[tilespmem:s20], [sflag:$0x1] =	stream.indirect_vreg.gather [hbm4b:s6+s3], $0x80, v4, vm0, $0xb8;
	[tilespmem:$0x18400] =	vst v63  }
0x531: {  	s20 =	simm.s32 $0xE400  }
0x532: {  	[tilespmem:s20], [sflag:$0x1] =	stream.indirect_vreg.gather [hbm4b:s1+s3], $0x80, v3, vm0, $0xb8;
	[tilespmem:$0x18400] =	vst v63  }
0x533: {  	s20 =	simm.s32 $0xEC00  }
0x534: {  	[tilespmem:s20], [sflag:$0x1] =	stream.indirect_vreg.gather [hbm4b:s4+s3], $0x80, v3, vm0, $0xb8;
	[tilespmem:$0x18400] =	vst v63  }
0x535: {  	s20 =	simm.s32 $0xF400  }
0x536: {  	[tilespmem:s20], [sflag:$0x1] =	stream.indirect_vreg.gather [hbm4b:s5+s3], $0x80, v3, vm0, $0xb8;
	[tilespmem:$0x18400] =	vst v63  }
0x537: {  	s15 =	simm.s32 $0xFC00  }
0x538: {  	[tilespmem:s15], [sflag:$0x1] =	stream.indirect_vreg.gather [hbm4b:s6+s3], $0x80, v3, vm0, $0xb8;
	[tilespmem:$0x18400] =	vst v63  }
0x539: {  	_ =	swait.ge [sflag:s17], $0x8000  }
0x53a: {  	[sflag:s17] =	ssyncset.done $0x0  }
0x53b: {  	s15 =	rddreg [dreg:$0x1d];
	[sflag:s17] =	ssyncadd.s32 $0xFFFF8000  }
0x53c: {  	[hbm4b:s15+s3] =	stream.linear.scatter [tilespmem:s10], [sflag:$0x2], $0x8000, $0x38;
	[tilespmem:$0x18400] =	vst v63  }
0x53d: {  	_ =	swait.ge [sflag:s19], $0x8000  }
0x53e: {  	[sflag:s19] =	ssyncset.done $0x0  }
0x53f: {  	[sflag:s19] =	ssyncadd.s32 $0xFFFF8000  }
0x540: {  	v3 =	vld [tilespmem:$0x340];
	_ =	sdelay $0x4  }
0x541: {  	v58 =	vshll.u32 v3, $0x3  }
0x542: {  	v3 =	vand.u32 $0x7, v3;
	v4 =	vand.u32 $0xFFFFFFC0, v58  }
0x543: {  	v3 =	vor.u32 v3, v4  }
0x544: {  	v4 =	vperm.xlane v3, v0;
	_ =	sdelay $0x1  }
0x545: {  	v4 =	vadd.s32 v1, v4;
	_ =	sdelay $0x4  }
0x546: {  	[tilespmem:s11], [sflag:$0x1] =	stream.indirect_vreg.gather [hbm4b:s1+s3], $0x80, v4, vm0, $0xb8;
	[tilespmem:$0x18400] =	vst v63  }
0x547: {  	s20 =	simm.s32 $0x10C00;
	v3 =	vperm.xlane v3, v2  }
0x548: {  	[tilespmem:s20], [sflag:$0x1] =	stream.indirect_vreg.gather [hbm4b:s4+s3], $0x80, v4, vm0, $0xb8;
	[tilespmem:$0x18400] =	vst v63  }
0x549: {  	s2 =	simm.s32 $0x11400;
	v3 =	vadd.s32 v1, v3  }
0x54a: {  	[tilespmem:s2], [sflag:$0x1] =	stream.indirect_vreg.gather [hbm4b:s5+s3], $0x80, v4, vm0, $0xb8;
	[tilespmem:$0x18400] =	vst v63  }
0x54b: {  	s20 =	simm.s32 $0x11C00  }
0x54c: {  	[tilespmem:s20], [sflag:$0x1] =	stream.indirect_vreg.gather [hbm4b:s6+s3], $0x80, v4, vm0, $0xb8;
	[tilespmem:$0x18400] =	vst v63  }
0x54d: {  	s9 =	simm.s32 $0x12400  }
0x54e: {  	[tilespmem:s9], [sflag:$0x1] =	stream.indirect_vreg.gather [hbm4b:s1+s3], $0x80, v3, vm0, $0xb8;
	[tilespmem:$0x18400] =	vst v63  }
0x54f: {  	s13 =	simm.s32 $0x12C00  }
0x550: {  	[tilespmem:s13], [sflag:$0x1] =	stream.indirect_vreg.gather [hbm4b:s4+s3], $0x80, v3, vm0, $0xb8;
	[tilespmem:$0x18400] =	vst v63  }
0x551: {  	s18 =	simm.s32 $0x13400  }
0x552: {  	[tilespmem:s18], [sflag:$0x1] =	stream.indirect_vreg.gather [hbm4b:s5+s3], $0x80, v3, vm0, $0xb8;
	[tilespmem:$0x18400] =	vst v63  }
0x553: {  	s15 =	simm.s32 $0x13C00  }
0x554: {  	[tilespmem:s15], [sflag:$0x1] =	stream.indirect_vreg.gather [hbm4b:s6+s3], $0x80, v3, vm0, $0xb8;
	[tilespmem:$0x18400] =	vst v63  }
0x555: {  	v3 =	vld [tilespmem:$0x350];
	_ =	sdelay $0x4  }
0x556: {  	v59 =	vshll.u32 v3, $0x3  }
0x557: {  	v3 =	vand.u32 $0x7, v3;
	v4 =	vand.u32 $0xFFFFFFC0, v59  }
0x558: {  	v3 =	vor.u32 v3, v4  }
0x559: {  	v4 =	vperm.xlane v3, v0;
	_ =	sdelay $0x1  }
0x55a: {  	v4 =	vadd.s32 v1, v4;
	_ =	sdelay $0x3  }
0x55b: {  	s18 =	simm.s32 $0x14400  }
0x55c: {  	[tilespmem:s18], [sflag:$0x1] =	stream.indirect_vreg.gather [hbm4b:s1+s3], $0x80, v4, vm0, $0xb8;
	[tilespmem:$0x18400] =	vst v63  }
0x55d: {  	s20 =	simm.s32 $0x14C00;
	v3 =	vperm.xlane v3, v2  }
0x55e: {  	[tilespmem:s20], [sflag:$0x1] =	stream.indirect_vreg.gather [hbm4b:s4+s3], $0x80, v4, vm0, $0xb8;
	[tilespmem:$0x18400] =	vst v63  }
0x55f: {  	s21 =	simm.s32 $0x15400;
	v3 =	vadd.s32 v1, v3  }
0x560: {  	[tilespmem:s21], [sflag:$0x1] =	stream.indirect_vreg.gather [hbm4b:s5+s3], $0x80, v4, vm0, $0xb8;
	[tilespmem:$0x18400] =	vst v63  }
0x561: {  	s22 =	simm.s32 $0x15C00  }
0x562: {  	[tilespmem:s22], [sflag:$0x1] =	stream.indirect_vreg.gather [hbm4b:s6+s3], $0x80, v4, vm0, $0xb8;
	[tilespmem:$0x18400] =	vst v63  }
0x563: {  	s23 =	simm.s32 $0x16400  }
0x564: {  	[tilespmem:s23], [sflag:$0x1] =	stream.indirect_vreg.gather [hbm4b:s1+s3], $0x80, v3, vm0, $0xb8;
	[tilespmem:$0x18400] =	vst v63  }
0x565: {  	s23 =	simm.s32 $0x16C00  }
0x566: {  	[tilespmem:s23], [sflag:$0x1] =	stream.indirect_vreg.gather [hbm4b:s4+s3], $0x80, v3, vm0, $0xb8;
	[tilespmem:$0x18400] =	vst v63  }
0x567: {  	s30 =	simm.s32 $0x17400  }
0x568: {  	[tilespmem:s30], [sflag:$0x1] =	stream.indirect_vreg.gather [hbm4b:s5+s3], $0x80, v3, vm0, $0xb8;
	[tilespmem:$0x18400] =	vst v63  }
0x569: {  	s30 =	simm.s32 $0x17C00  }
0x56a: {  	[tilespmem:s30], [sflag:$0x1] =	stream.indirect_vreg.gather [hbm4b:s6+s3], $0x80, v3, vm0, $0xb8;
	[tilespmem:$0x18400] =	vst v63  }
0x56b: {  	_ =	swait.ge [sflag:s17], $0x8000  }
0x56c: {  	[sflag:s17] =	ssyncset.done $0x0  }
0x56d: {  	s9 =	rddreg [dreg:$0x1e];
	[sflag:s17] =	ssyncadd.s32 $0xFFFF8000  }
0x56e: {  	[hbm4b:s9+s3] =	stream.linear.scatter [tilespmem:s7], [sflag:$0x2], $0x8000, $0x38;
	[tilespmem:$0x18400] =	vst v63  }
0x56f: {  	_ =	swait.ge [sflag:s19], $0x8000  }
0x570: {  	[sflag:s19] =	ssyncset.done $0x0  }
0x571: {  	[sflag:s19] =	ssyncadd.s32 $0xFFFF8000  }
0x572: {  	v3 =	vld [tilespmem:$0x360];
	_ =	sdelay $0x4  }
0x573: {  	v60 =	vshll.u32 v3, $0x3  }
0x574: {  	v3 =	vand.u32 $0x7, v3;
	v4 =	vand.u32 $0xFFFFFFC0, v60  }
0x575: {  	v3 =	vor.u32 v3, v4  }
0x576: {  	v4 =	vperm.xlane v3, v0;
	_ =	sdelay $0x1  }
0x577: {  	v4 =	vadd.s32 v1, v4;
	_ =	sdelay $0x4  }
0x578: {  	[tilespmem:s10], [sflag:$0x1] =	stream.indirect_vreg.gather [hbm4b:s1+s3], $0x80, v4, vm0, $0xb8;
	[tilespmem:$0x18400] =	vst v63  }
0x579: {  	s13 =	simm.s32 $0xC00;
	v3 =	vperm.xlane v3, v2  }
0x57a: {  	[tilespmem:s13], [sflag:$0x1] =	stream.indirect_vreg.gather [hbm4b:s4+s3], $0x80, v4, vm0, $0xb8;
	[tilespmem:$0x18400] =	vst v63  }
0x57b: {  	s16 =	simm.s32 $0x1400;
	v3 =	vadd.s32 v1, v3  }
0x57c: {  	[tilespmem:s16], [sflag:$0x1] =	stream.indirect_vreg.gather [hbm4b:s5+s3], $0x80, v4, vm0, $0xb8;
	[tilespmem:$0x18400] =	vst v63  }
0x57d: {  	s15 =	simm.s32 $0x1C00  }
0x57e: {  	[tilespmem:s15], [sflag:$0x1] =	stream.indirect_vreg.gather [hbm4b:s6+s3], $0x80, v4, vm0, $0xb8;
	[tilespmem:$0x18400] =	vst v63  }
0x57f: {  	s16 =	simm.s32 $0x2400  }
0x580: {  	[tilespmem:s16], [sflag:$0x1] =	stream.indirect_vreg.gather [hbm4b:s1+s3], $0x80, v3, vm0, $0xb8;
	[tilespmem:$0x18400] =	vst v63  }
0x581: {  	s18 =	simm.s32 $0x2C00  }
0x582: {  	[tilespmem:s18], [sflag:$0x1] =	stream.indirect_vreg.gather [hbm4b:s4+s3], $0x80, v3, vm0, $0xb8;
	[tilespmem:$0x18400] =	vst v63  }
0x583: {  	s20 =	simm.s32 $0x3400  }
0x584: {  	[tilespmem:s20], [sflag:$0x1] =	stream.indirect_vreg.gather [hbm4b:s5+s3], $0x80, v3, vm0, $0xb8;
	[tilespmem:$0x18400] =	vst v63  }
0x585: {  	s21 =	simm.s32 $0x3C00  }
0x586: {  	[tilespmem:s21], [sflag:$0x1] =	stream.indirect_vreg.gather [hbm4b:s6+s3], $0x80, v3, vm0, $0xb8;
	[tilespmem:$0x18400] =	vst v63  }
0x587: {  	v3 =	vld [tilespmem:$0x370];
	_ =	sdelay $0x4  }
0x588: {  	v61 =	vshll.u32 v3, $0x3  }
0x589: {  	v3 =	vand.u32 $0x7, v3;
	v4 =	vand.u32 $0xFFFFFFC0, v61  }
0x58a: {  	v3 =	vor.u32 v3, v4  }
0x58b: {  	v4 =	vperm.xlane v3, v0;
	_ =	sdelay $0x1  }
0x58c: {  	v4 =	vadd.s32 v1, v4;
	_ =	sdelay $0x3  }
0x58d: {  	s22 =	simm.s32 $0x4400  }
0x58e: {  	[tilespmem:s22], [sflag:$0x1] =	stream.indirect_vreg.gather [hbm4b:s1+s3], $0x80, v4, vm0, $0xb8;
	[tilespmem:$0x18400] =	vst v63  }
0x58f: {  	s23 =	simm.s32 $0x4C00;
	v3 =	vperm.xlane v3, v2  }
0x590: {  	[tilespmem:s23], [sflag:$0x1] =	stream.indirect_vreg.gather [hbm4b:s4+s3], $0x80, v4, vm0, $0xb8;
	[tilespmem:$0x18400] =	vst v63  }
0x591: {  	s30 =	simm.s32 $0x5400;
	v3 =	vadd.s32 v1, v3  }
0x592: {  	[tilespmem:s30], [sflag:$0x1] =	stream.indirect_vreg.gather [hbm4b:s5+s3], $0x80, v4, vm0, $0xb8;
	[tilespmem:$0x18400] =	vst v63  }
0x593: {  	s9 =	simm.s32 $0x5C00  }
0x594: {  	[tilespmem:s9], [sflag:$0x1] =	stream.indirect_vreg.gather [hbm4b:s6+s3], $0x80, v4, vm0, $0xb8;
	[tilespmem:$0x18400] =	vst v63  }
0x595: {  	s13 =	simm.s32 $0x6400  }
0x596: {  	[tilespmem:s13], [sflag:$0x1] =	stream.indirect_vreg.gather [hbm4b:s1+s3], $0x80, v3, vm0, $0xb8;
	[tilespmem:$0x18400] =	vst v63  }
0x597: {  	s15 =	simm.s32 $0x6C00  }
0x598: {  	[tilespmem:s15], [sflag:$0x1] =	stream.indirect_vreg.gather [hbm4b:s4+s3], $0x80, v3, vm0, $0xb8;
	[tilespmem:$0x18400] =	vst v63  }
0x599: {  	s16 =	simm.s32 $0x7400  }
0x59a: {  	[tilespmem:s16], [sflag:$0x1] =	stream.indirect_vreg.gather [hbm4b:s5+s3], $0x80, v3, vm0, $0xb8;
	[tilespmem:$0x18400] =	vst v63  }
0x59b: {  	s12 =	simm.s32 $0x7C00  }
0x59c: {  	[tilespmem:s12], [sflag:$0x1] =	stream.indirect_vreg.gather [hbm4b:s6+s3], $0x80, v3, vm0, $0xb8;
	[tilespmem:$0x18400] =	vst v63  }
0x59d: {  	_ =	swait.ge [sflag:s17], $0x8000  }
0x59e: {  	[sflag:s17] =	ssyncset.done $0x0  }
0x59f: {  	s18 =	rddreg [dreg:$0x1f];
	[sflag:s17] =	ssyncadd.s32 $0xFFFF8000  }
0x5a0: {  	[hbm4b:s18+s3] =	stream.linear.scatter [tilespmem:s11], [sflag:$0x2], $0x8000, $0x38;
	[tilespmem:$0x18400] =	vst v63  }
0x5a1: {  	_ =	swait.ge [sflag:s19], $0x8000  }
0x5a2: {  	[sflag:s19] =	ssyncset.done $0x0  }
0x5a3: {  	[sflag:s19] =	ssyncadd.s32 $0xFFFF8000  }
0x5a4: {  	v3 =	vld [tilespmem:$0x380];
	_ =	sdelay $0x4  }
0x5a5: {  	v62 =	vshll.u32 v3, $0x3  }
0x5a6: {  	v3 =	vand.u32 $0x7, v3;
	v4 =	vand.u32 $0xFFFFFFC0, v62  }
0x5a7: {  	v3 =	vor.u32 v3, v4  }
0x5a8: {  	v4 =	vperm.xlane v3, v0;
	_ =	sdelay $0x1  }
0x5a9: {  	v4 =	vadd.s32 v1, v4;
	_ =	sdelay $0x4  }
0x5aa: {  	[tilespmem:s7], [sflag:$0x1] =	stream.indirect_vreg.gather [hbm4b:s1+s3], $0x80, v4, vm0, $0xb8;
	[tilespmem:$0x18400] =	vst v63  }
0x5ab: {  	s26 =	simm.s32 $0x8C00;
	v3 =	vperm.xlane v3, v2  }
0x5ac: {  	[tilespmem:s26], [sflag:$0x1] =	stream.indirect_vreg.gather [hbm4b:s4+s3], $0x80, v4, vm0, $0xb8;
	[tilespmem:$0x18400] =	vst v63  }
0x5ad: {  	s0 =	simm.s32 $0x9400;
	v3 =	vadd.s32 v1, v3  }
0x5ae: {  	[tilespmem:s0], [sflag:$0x1] =	stream.indirect_vreg.gather [hbm4b:s5+s3], $0x80, v4, vm0, $0xb8;
	[tilespmem:$0x18400] =	vst v63  }
0x5af: {  	s28 =	simm.s32 $0x9C00  }
0x5b0: {  	[tilespmem:s28], [sflag:$0x1] =	stream.indirect_vreg.gather [hbm4b:s6+s3], $0x80, v4, vm0, $0xb8;
	[tilespmem:$0x18400] =	vst v63  }
0x5b1: {  	s29 =	simm.s32 $0xA400  }
0x5b2: {  	[tilespmem:s29], [sflag:$0x1] =	stream.indirect_vreg.gather [hbm4b:s1+s3], $0x80, v3, vm0, $0xb8;
	[tilespmem:$0x18400] =	vst v63  }
0x5b3: {  	s22 =	simm.s32 $0xAC00  }
0x5b4: {  	[tilespmem:s22], [sflag:$0x1] =	stream.indirect_vreg.gather [hbm4b:s4+s3], $0x80, v3, vm0, $0xb8;
	[tilespmem:$0x18400] =	vst v63  }
0x5b5: {  	s23 =	simm.s32 $0xB400  }
0x5b6: {  	[tilespmem:s23], [sflag:$0x1] =	stream.indirect_vreg.gather [hbm4b:s5+s3], $0x80, v3, vm0, $0xb8;
	[tilespmem:$0x18400] =	vst v63  }
0x5b7: {  	s24 =	simm.s32 $0xBC00  }
0x5b8: {  	[tilespmem:s24], [sflag:$0x1] =	stream.indirect_vreg.gather [hbm4b:s6+s3], $0x80, v3, vm0, $0xb8;
	[tilespmem:$0x18400] =	vst v63  }
0x5b9: {  	v3 =	vld [tilespmem:$0x390];
	_ =	sdelay $0x4  }
0x5ba: {  	v63 =	vshll.u32 v3, $0x3  }
0x5bb: {  	v3 =	vand.u32 $0x7, v3;
	v4 =	vand.u32 $0xFFFFFFC0, v63  }
0x5bc: {  	v3 =	vor.u32 v3, v4  }
0x5bd: {  	v4 =	vperm.xlane v3, v0;
	_ =	sdelay $0x1  }
0x5be: {  	v4 =	vadd.s32 v1, v4;
	_ =	sdelay $0x3  }
0x5bf: {  	s14 =	simm.s32 $0xC400  }
0x5c0: {  	[tilespmem:s14], [sflag:$0x1] =	stream.indirect_vreg.gather [hbm4b:s1+s3], $0x80, v4, vm0, $0xb8;
	[tilespmem:$0x18400] =	vst v63  }
0x5c1: {  	s25 =	simm.s32 $0xCC00;
	v3 =	vperm.xlane v3, v2  }
0x5c2: {  	[tilespmem:s25], [sflag:$0x1] =	stream.indirect_vreg.gather [hbm4b:s4+s3], $0x80, v4, vm0, $0xb8;
	[tilespmem:$0x18400] =	vst v63  }
0x5c3: {  	s31 =	simm.s32 $0xD400;
	v3 =	vadd.s32 v1, v3  }
0x5c4: {  	[tilespmem:s31], [sflag:$0x1] =	stream.indirect_vreg.gather [hbm4b:s5+s3], $0x80, v4, vm0, $0xb8;
	[tilespmem:$0x18400] =	vst v63  }
0x5c5: {  	s25 =	simm.s32 $0xDC00  }
0x5c6: {  	[tilespmem:s25], [sflag:$0x1] =	stream.indirect_vreg.gather [hbm4b:s6+s3], $0x80, v4, vm0, $0xb8;
	[tilespmem:$0x18400] =	vst v63  }
0x5c7: {  	s26 =	simm.s32 $0xE400  }
0x5c8: {  	[tilespmem:s26], [sflag:$0x1] =	stream.indirect_vreg.gather [hbm4b:s1+s3], $0x80, v3, vm0, $0xb8;
	[tilespmem:$0x18400] =	vst v63  }
0x5c9: {  	s28 =	simm.s32 $0xEC00  }
0x5ca: {  	[tilespmem:s28], [sflag:$0x1] =	stream.indirect_vreg.gather [hbm4b:s4+s3], $0x80, v3, vm0, $0xb8;
	[tilespmem:$0x18400] =	vst v63  }
0x5cb: {  	s29 =	simm.s32 $0xF400  }
0x5cc: {  	[tilespmem:s29], [sflag:$0x1] =	stream.indirect_vreg.gather [hbm4b:s5+s3], $0x80, v3, vm0, $0xb8;
	[tilespmem:$0x18400] =	vst v63  }
0x5cd: {  	s8 =	simm.s32 $0xFC00  }
0x5ce: {  	[tilespmem:s8], [sflag:$0x1] =	stream.indirect_vreg.gather [hbm4b:s6+s3], $0x80, v3, vm0, $0xb8;
	[tilespmem:$0x18400] =	vst v63  }
0x5cf: {  	s21 =	sld [smem:$0x7FB];
	_ =	swait.ge [sflag:s17], $0x8000  }
0x5d0: {  	s30 =	sld [smem:$0x7FC]  }
0x5d1: {  	[sflag:s17] =	ssyncset.done $0x0  }
0x5d2: {  	[sflag:s17] =	ssyncadd.s32 $0xFFFF8000  }
0x5d3: {  	[hbm4b:s30+s3] =	stream.linear.scatter [tilespmem:s10], [sflag:$0x2], $0x8000, $0x38;
	[tilespmem:$0x18400] =	vst v63  }
0x5d4: {  	_ =	swait.ge [sflag:s17], $0x8000  }
0x5d5: {  	s31 =	sld [smem:$0x7FD]  }
0x5d6: {  	[sflag:s17] =	ssyncset.done $0x0  }
0x5d7: {  	[sflag:s17] =	ssyncadd.s32 $0xFFFF8000  }
0x5d8: {  	[hbm4b:s31+s3] =	stream.linear.scatter [tilespmem:s7], [sflag:$0x2], $0x8000, $0x38;
	[tilespmem:$0x18400] =	vst v63  }
0x5d9: {  	_ =	swait.ge [sflag:s19], $0x8000  }
0x5da: {  	[sflag:s19] =	ssyncset.done $0x0  }
0x5db: {  	[sflag:s19] =	ssyncadd.s32 $0xFFFF8000  }
0x5dc: {  	p0 =	sne.s32 s21, $0x1;
	_ =	swait.ge [sflag:s19], $0x8000  }
.Ltmp0:
0x5dd: {  	[sflag:s19] =	ssyncset.done $0x0;
	(pc) =	sbr.rel @p0 .LBB2_1-.Ltmp0, $4  }
0x5de: {  	[sflag:s19] =	ssyncadd.s32 $0xFFFF8000  }
0x5df: {  	_ =	swait.ge [sflag:s19], $0x8000  }
0x5e0: {  	[sflag:s19] =	ssyncset.done $0x0  }
0x5e1: {  	s0 =	sadd.s32 $0xFFFFFFFF, s21;
	[sflag:s19] =	ssyncadd.s32 $0xFFFF8000  }
0x5e2: {  	_ =	sfence.sel $0x180000  }
0x5e3: {  	[bflag:$0x0] =	sbarrier.arrive $0xFFFF  }
0x5e4: {  	_ =	strace $0x90000047  }
0x5e5: {  	s0 =	stileid.u32;
	[bflag:$0x2] =	sbarrier.arrive $0xFFFF  }
0x5e6: {  	p0 =	sne.s32 s0, $0x0;
	s0 =	rddreg [dreg:$0x3]  }
0x5e7: {  	s0 =	sadd.s32 @!p0 $0x100000, s0  }
0x5e8: {  	[sflag:s0] =	ssyncadd.tile.s32 @!p0 $0x1;
	_ =	shalt  }
.Lfunc_end2:
_tile_overlayer_lowered:
.L_overlay_start_2:
0x5e9: {  	(tag) =	ssettag $0x2  }
0x5ea: {  	s0 =	rddreg [dreg:$0x0];
	s2 =	stileid.u32  }
0x5eb: {  	s1 =	rddreg [dreg:$0x1];
	p0 =	sne.s32 s2, $0x0  }
0x5ec: {  	s3 =	rddreg [dreg:$0x2];
	[bflag:$0x3] =	sbarrier.arrive $0xFFFF;
	s2 =	simm.s32 @!p0 $0x1C03  }
0x5ed: {  	[timem:s3], [sflag:s2] =	dma.local @!p0 [hbm:s0], s1  }
0x5ee: {  	s0 =	simm.s32 @!p0 $0x3  }
0x5ef: {  	_ =	swait.ge @!p0 [sflag:s0], s1  }
0x5f0: {  	s1 =	ssub.s32 @!p0 $0x0, s1;
	[sflag:s0] =	ssyncset.done @!p0 $0x0  }
0x5f1: {  	[sflag:s0] =	ssyncadd.s32 @!p0 s1  }
0x5f2: {  	[bflag:$0x3] =	sbarrier.arrive $0xFFFF  }
0x5f3: {  	_ =	shalt  }

</sc_bundles>
